<compile_context>
chip_gen: v7x
topology: tpu7x:2x2x1
jax: 0.10.2.dev20260603
libtpu: 0.0.44.dev20260713+nightly
codegen_flags: <defaults>
</compile_context>

<pallas_src>
import functools

import jax
import jax.numpy as jnp
from jax import lax
from jax.experimental import pallas as pl
from jax.experimental.pallas import tpu as pltpu
from jax.experimental.pallas import tpu_sc as plsc

N = 10000
E = 160000
D_IN = 128
D_EDGE = 16
D = 32
EH = 32
STEPS = 6

N_PAD = 10240
E_PAD = E + 128
NB = 320
CE = 128
EBLK = 2000
BIG = 2 ** 30


def _tc_linear_relu(x, w, b, block_rows):
    rows, k = x.shape
    dout = w.shape[1]

    def body(x_ref, w_ref, b_ref, o_ref):
        o_ref[...] = jax.nn.relu(
            jnp.dot(x_ref[...], w_ref[...], preferred_element_type=jnp.float32)
            + b_ref[...])

    return pl.pallas_call(
        body,
        grid=(rows // block_rows,),
        in_specs=[
            pl.BlockSpec((block_rows, k), lambda i: (i, 0)),
            pl.BlockSpec((k, dout), lambda i: (0, 0)),
            pl.BlockSpec((1, dout), lambda i: (0, 0)),
        ],
        out_specs=pl.BlockSpec((block_rows, dout), lambda i: (i, 0)),
        out_shape=jax.ShapeDtypeStruct((rows, dout), jnp.float32),
    )(x, w, b.reshape(1, dout))


def _tc_we(edge_feats, e1_w, e1_b, e2_w, e2_b):
    def body(ef_ref, w1_ref, b1_ref, w2_ref, b2_ref, o_ref):
        a = jax.nn.relu(
            jnp.dot(ef_ref[...], w1_ref[...],
                    preferred_element_type=jnp.float32) + b1_ref[...])
        we = jnp.dot(a, w2_ref[...],
                     preferred_element_type=jnp.float32) + b2_ref[...]
        o_ref[...] = we.astype(jnp.bfloat16)

    return pl.pallas_call(
        body,
        grid=(E // EBLK,),
        in_specs=[
            pl.BlockSpec((EBLK, D_EDGE), lambda i: (i, 0)),
            pl.BlockSpec((D_EDGE, EH), lambda i: (0, 0)),
            pl.BlockSpec((1, EH), lambda i: (0, 0)),
            pl.BlockSpec((EH, D * D), lambda i: (0, 0)),
            pl.BlockSpec((1, D * D), lambda i: (0, 0)),
        ],
        out_specs=pl.BlockSpec((EBLK, D * D), lambda i: (i, 0)),
        out_shape=jax.ShapeDtypeStruct((E, D * D), jnp.bfloat16),
    )(edge_feats, e1_w, e1_b.reshape(1, EH), e2_w, e2_b.reshape(1, D * D))


def _tc_einsum(u, we):
    def body(u_ref, we_ref, sel_ref, red_ref, o_ref):
        ub = u_ref[...].astype(jnp.bfloat16)
        urep = jnp.dot(ub, sel_ref[...], preferred_element_type=jnp.float32)
        p = urep * we_ref[...].astype(jnp.float32)
        o_ref[...] = jnp.dot(p, red_ref[...],
                             preferred_element_type=jnp.float32,
                             precision=lax.Precision.HIGHEST)

    io = jnp.arange(D * D, dtype=jnp.int32)
    sel = (io[None, :] // D == jnp.arange(D, dtype=jnp.int32)[:, None]
           ).astype(jnp.bfloat16)
    red = (io[:, None] % D == jnp.arange(D, dtype=jnp.int32)[None, :]
           ).astype(jnp.float32)

    return pl.pallas_call(
        body,
        grid=(E // EBLK,),
        in_specs=[
            pl.BlockSpec((EBLK, D), lambda i: (i, 0)),
            pl.BlockSpec((EBLK, D * D), lambda i: (i, 0)),
            pl.BlockSpec((D, D * D), lambda i: (0, 0)),
            pl.BlockSpec((D * D, D), lambda i: (0, 0)),
        ],
        out_specs=pl.BlockSpec((EBLK, D), lambda i: (i, 0)),
        out_shape=jax.ShapeDtypeStruct((E, D), jnp.float32),
    )(u, we, sel, red)


def _tc_gru(agg_flat, hidden, conv_b, w_ih, b_ih, w_hh, b_hh):
    block_rows = 1280
    agg2 = agg_flat.reshape(N_PAD, D)

    def body(g_ref, h_ref, cb_ref, wih_ref, bih_ref, whh_ref, bhh_ref, o_ref):
        x = jax.nn.relu(g_ref[...] + cb_ref[...])
        h = h_ref[...]
        gi = jnp.dot(x, wih_ref[...],
                     preferred_element_type=jnp.float32) + bih_ref[...]
        gh = jnp.dot(h, whh_ref[...],
                     preferred_element_type=jnp.float32) + bhh_ref[...]
        r = jax.nn.sigmoid(gi[:, 0:D] + gh[:, 0:D])
        z = jax.nn.sigmoid(gi[:, D:2 * D] + gh[:, D:2 * D])
        n = jnp.tanh(gi[:, 2 * D:3 * D] + r * gh[:, 2 * D:3 * D])
        o_ref[...] = (1.0 - z) * n + z * h

    return pl.pallas_call(
        body,
        grid=(N_PAD // block_rows,),
        in_specs=[
            pl.BlockSpec((block_rows, D), lambda i: (i, 0)),
            pl.BlockSpec((block_rows, D), lambda i: (i, 0)),
            pl.BlockSpec((1, D), lambda i: (0, 0)),
            pl.BlockSpec((D, 3 * D), lambda i: (0, 0)),
            pl.BlockSpec((1, 3 * D), lambda i: (0, 0)),
            pl.BlockSpec((D, 3 * D), lambda i: (0, 0)),
            pl.BlockSpec((1, 3 * D), lambda i: (0, 0)),
        ],
        out_specs=pl.BlockSpec((block_rows, D), lambda i: (i, 0)),
        out_shape=jax.ShapeDtypeStruct((N_PAD, D), jnp.float32),
    )(agg2, hidden, conv_b.reshape(1, D), w_ih, b_ih.reshape(1, 3 * D),
      w_hh, b_hh.reshape(1, 3 * D))


def _make_sc_gather():
    info = plsc.get_sparse_core_info()
    nc = info.num_cores
    mesh = plsc.VectorSubcoreMesh(core_axis_name="c", subcore_axis_name="s")
    per_w = E // 32
    nfull = per_w // CE
    tail = per_w - nfull * CE

    @functools.partial(
        pl.kernel,
        out_type=jax.ShapeDtypeStruct((E, D), jnp.float32),
        mesh=mesh,
        compiler_params=pltpu.CompilerParams(use_tc_tiling_on_sc=False),
        scratch_types=[
            pltpu.VMEM((CE,), jnp.int32),
            pltpu.VMEM((CE, D), jnp.float32),
            pltpu.SemaphoreType.DMA,
        ],
    )
    def sc_gather(h_hbm, src_hbm, u_hbm, idx_v, u_v, sem):
        wid = lax.axis_index("s") * nc + lax.axis_index("c")
        base = wid * per_w

        def chunk(j, _):
            c = base + j * CE
            pltpu.sync_copy(src_hbm.at[pl.ds(c, CE)], idx_v)
            pltpu.async_copy(h_hbm.at[idx_v], u_v, sem).wait()
            pltpu.sync_copy(u_v, u_hbm.at[pl.ds(c, CE)])
            return 0
        lax.fori_loop(0, nfull, chunk, 0)
        if tail:
            c = base + nfull * CE
            pltpu.sync_copy(src_hbm.at[pl.ds(c, tail)],
                            idx_v.at[pl.ds(0, tail)])
            pltpu.async_copy(h_hbm.at[idx_v.at[pl.ds(0, tail)]],
                             u_v.at[pl.ds(0, tail)], sem).wait()
            pltpu.sync_copy(u_v.at[pl.ds(0, tail)],
                            u_hbm.at[pl.ds(c, tail)])

    return sc_gather


def _make_sc_scatter():
    info = plsc.get_sparse_core_info()
    nc = info.num_cores
    mesh = plsc.VectorSubcoreMesh(core_axis_name="c", subcore_axis_name="s")

    @functools.partial(
        pl.kernel,
        out_type=jax.ShapeDtypeStruct((N_PAD * D,), jnp.float32),
        mesh=mesh,
        compiler_params=pltpu.CompilerParams(use_tc_tiling_on_sc=False),
        scratch_types=[
            pltpu.VMEM((NB * D,), jnp.float32),
            pltpu.VMEM((CE, D), jnp.float32),
            pltpu.VMEM((CE,), jnp.int32),
            pltpu.VMEM((NB + 16,), jnp.int32),
            pltpu.VMEM((CE + 16,), jnp.int32),
            pltpu.SemaphoreType.DMA,
        ],
    )
    def sc_scatter(m_hbm, ord_hbm, dst_hbm, nb_hbm, agg_hbm,
                   acc, m_v, ord_idx, nb_v, dst_v, sem):
        wid = lax.axis_index("s") * nc + lax.axis_index("c")
        zeros16 = jnp.zeros((16,), jnp.float32)
        node0 = wid * NB
        pltpu.sync_copy(nb_hbm.at[pl.ds(node0, NB + 16)], nb_v)
        e_start = nb_v[pl.ds(0, 16)][0]
        e_end = nb_v[pl.ds(NB, 16)][0]

        def zero_body(i, _):
            acc[pl.ds(i * 16, 16)] = zeros16
            return 0
        lax.fori_loop(0, NB * D // 16, zero_body, 0)

        c0 = (e_start // 8) * 8
        nchunks = (e_end - c0 + CE - 1) // CE

        def chunk_body(j, _):
            c = c0 + j * CE
            pltpu.sync_copy(ord_hbm.at[pl.ds(c, CE)], ord_idx)
            pltpu.sync_copy(dst_hbm.at[pl.ds(c, CE)], dst_v.at[pl.ds(0, CE)])
            pltpu.async_copy(m_hbm.at[ord_idx], m_v, sem).wait()
            lo = lax.max(c, e_start)
            hi = lax.min(c + CE, e_end)

            def edge_body(e, _):
                le = e - c
                dl = dst_v[pl.ds(le, 16)][0] - node0
                ro = dl * D
                plsc.addupdate(acc.at[pl.ds(ro, 16)], m_v[le, pl.ds(0, 16)])
                plsc.addupdate(acc.at[pl.ds(ro + 16, 16)],
                               m_v[le, pl.ds(16, 16)])
                return 0
            lax.fori_loop(lo, hi, edge_body, 0)
            return 0
        lax.fori_loop(0, nchunks, chunk_body, 0)

        pltpu.sync_copy(acc, agg_hbm.at[pl.ds(wid * NB * D, NB * D)])

    return sc_scatter


@functools.lru_cache(maxsize=1)
def _sc_gather_cached():
    return _make_sc_gather()


@functools.lru_cache(maxsize=1)
def _sc_scatter_cached():
    return _make_sc_scatter()


def kernel(node_feats, edge_feats, edge_index, proj_w, proj_b, e1_w, e1_b,
           e2_w, e2_b, conv_b, gru_w_ih, gru_b_ih, gru_w_hh, gru_b_hh):
    src = edge_index[0].astype(jnp.int32)
    dst = edge_index[1].astype(jnp.int32)

    dst_p = jnp.concatenate([dst, jnp.full((E_PAD - E,), BIG, jnp.int32)])
    ids = jnp.arange(E_PAD, dtype=jnp.int32)
    dst_s, ord_s = jax.lax.sort((dst_p, ids), num_keys=1)
    ord_s = jnp.where(ord_s >= E, 0, ord_s)
    nb = jnp.searchsorted(dst_s, jnp.arange(N_PAD + 1),
                          side="left").astype(jnp.int32)
    nb = jnp.concatenate([nb, jnp.full((15,), E, jnp.int32)])

    nf_pad = jnp.pad(node_feats, ((0, N_PAD - N), (0, 0)))
    h = _tc_linear_relu(nf_pad, proj_w, proj_b, 1280)
    we = _tc_we(edge_feats, e1_w, e1_b, e2_w, e2_b)

    sc_gather = _sc_gather_cached()
    sc_scatter = _sc_scatter_cached()
    for _ in range(STEPS):
        u = sc_gather(h, src)
        m = _tc_einsum(u, we)
        agg_flat = sc_scatter(m, ord_s, dst_s, nb)
        h = _tc_gru(agg_flat, h, conv_b, gru_w_ih, gru_b_ih,
                    gru_w_hh, gru_b_hh)

    return h[:N]

# --- scband reference (transcript-rebuilt; emitter-appended) ---
"""Pipeline reference for scband-mpnnconv-24799141167273 (READ-ONLY COPY).

The authoritative reference and input builder live on the scoring server;
editing this copy changes nothing except your own understanding.
"""

import jax, jax.numpy as jnp
import numpy as np

N = 10000
E = 160000
D_IN = 128
D_EDGE = 16
D = 32
EH = 32
STEPS = 6


def setup_inputs(seed: int = 0) -> dict:
    key = jax.random.key(seed)
    ks = jax.random.split(key, 16)

    def w(k, shape, fan_in):
        return jax.random.normal(k, shape, jnp.float32) * (1.0 / np.sqrt(fan_in))

    inp = {}
    inp['node_feats'] = jax.random.normal(ks[0], (N, D_IN), jnp.float32)
    inp['edge_feats'] = jax.random.normal(ks[1], (E, D_EDGE), jnp.float32)
    inp['edge_index'] = jax.random.randint(ks[2], (2, E), 0, N)
    # project_node_feats: Linear(D_IN, D)
    inp['proj_w'] = w(ks[3], (D_IN, D), D_IN)
    inp['proj_b'] = jnp.zeros((D,), jnp.float32)
    # edge network: Linear(D_EDGE, EH) -> ReLU -> Linear(EH, D*D)
    inp['e1_w'] = w(ks[4], (D_EDGE, EH), D_EDGE)
    inp['e1_b'] = jnp.zeros((EH,), jnp.float32)
    inp['e2_w'] = w(ks[5], (EH, D * D), EH)
    inp['e2_b'] = jnp.zeros((D * D,), jnp.float32)
    # NNConv bias
    inp['conv_b'] = jnp.zeros((D,), jnp.float32)
    # GRU (single layer, input D, hidden D); gate order r, z, n (PyTorch)
    inp['gru_w_ih'] = w(ks[6], (D, 3 * D), D)
    inp['gru_b_ih'] = jnp.zeros((3 * D,), jnp.float32)
    inp['gru_w_hh'] = w(ks[7], (D, 3 * D), D)
    inp['gru_b_hh'] = jnp.zeros((3 * D,), jnp.float32)
    return inp


def reference(node_feats, edge_feats, edge_index, proj_w, proj_b, e1_w, e1_b,
              e2_w, e2_b, conv_b, gru_w_ih, gru_b_ih, gru_w_hh, gru_b_hh):
    src = edge_index[0]
    dst = edge_index[1]
    # project_node_feats + ReLU
    h = jax.nn.relu(jnp.dot(node_feats, proj_w) + proj_b)
    hidden = h
    # edge_func(edge_feats): computed identically every MP step in the torch
    # module (edge_feats is constant), so hoist it once.
    we = jnp.dot(jax.nn.relu(jnp.dot(edge_feats, e1_w) + e1_b), e2_w) + e2_b
    we = we.reshape(E, D, D)  # (E, in_feats, out_feats)
    for _ in range(STEPS):
        # NNConv with sum aggregator: m_e = h_src[e] @ W_e
        m = jnp.einsum('ei,eio->eo', h[src], we)
        agg = jax.ops.segment_sum(m, dst, num_segments=N) + conv_b
        x = jax.nn.relu(agg)
        # GRU cell step (seq_len=1)
        gi = jnp.dot(x, gru_w_ih) + gru_b_ih
        gh = jnp.dot(hidden, gru_w_hh) + gru_b_hh
        i_r, i_z, i_n = jnp.split(gi, 3, axis=-1)
        h_r, h_z, h_n = jnp.split(gh, 3, axis=-1)
        r = jax.nn.sigmoid(i_r + h_r)
        z = jax.nn.sigmoid(i_z + h_z)
        n = jnp.tanh(i_n + r * h_n)
        hidden = (1.0 - z) * n + z * hidden
        h = hidden
    return h

if __name__ == "__main__":
    import jax
    _d = setup_inputs()
    print(jax.jit(kernel)(*tuple(_d.values())))

</pallas_src>

<mosaic_0001>
#map = affine_map<(d0, d1) -> (0, 0)>
#map1 = affine_map<(d0, d1) -> (0)>
module attributes {stable_mosaic.version = 14 : i64} {
  func.func @sc_scatter(%arg0: i32, %arg1: i32, %arg2: memref<160000x32xf32, #tpu.memory_space<hbm>>, %arg3: memref<160128xi32, #tpu.memory_space<hbm>>, %arg4: memref<160128xi32, #tpu.memory_space<hbm>>, %arg5: memref<10256xi32, #tpu.memory_space<hbm>>, %arg6: memref<327680xf32, #tpu.memory_space<hbm>>, %arg7: memref<10240xf32, #tpu.memory_space<vmem>>, %arg8: memref<128x32xf32, #tpu.memory_space<vmem>>, %arg9: memref<128xi32, #tpu.memory_space<vmem>>, %arg10: memref<336xi32, #tpu.memory_space<vmem>>, %arg11: memref<144xi32, #tpu.memory_space<vmem>>, %arg12: memref<!tpu.dma_semaphore, #tpu.memory_space<semaphore_mem>>) attributes {dimension_semantics = [#tpu.dimension_semantics<core_parallel>, #tpu.dimension_semantics<subcore_parallel>], iteration_bounds = array<i64: 2, 16>, scalar_prefetch = 0 : i64, scratch_operands = 6 : i64, tpu.core_type = #tpu.core_type<sc_vector_subcore>, window_params = [{transform_indices = #map}, {transform_indices = #map1}, {transform_indices = #map1}, {transform_indices = #map1}, {transform_indices = #map1}]} {
    %mul3A = arith.constant 2 : i32
    %mul3A_0 = arith.muli %arg1, %mul3A : i32
    %add3A = arith.addi %mul3A_0, %arg0 : i32
    %broadcast_in_dim3A = arith.constant 0.000000e+00 : f32
    %broadcast_in_dim3A_1 = vector.broadcast %broadcast_in_dim3A : f32 to vector<16xf32>
    %mul3A_2 = arith.constant 320 : i32
    %mul3A_3 = arith.muli %add3A, %mul3A_2 : i32
    "tpu.region"() ({
      %run_scoped3A = tpu.sem_alloc : memref<!tpu.dma_semaphore, #tpu.memory_space<semaphore_mem>>
      %dma_start3A = tpu.memref_slice %arg5[%mul3A_3] : memref<10256xi32, #tpu.memory_space<hbm>> -> memref<336xi32, #tpu.memory_space<hbm>>
      %dma_start3A_79 = tpu.memref_slice %arg5[%mul3A_3] : memref<10256xi32, #tpu.memory_space<hbm>> -> memref<336xi32, #tpu.memory_space<hbm>>
      tpu.enqueue_dma source(%dma_start3A_79 : memref<336xi32, #tpu.memory_space<hbm>>) target(%arg10 : memref<336xi32, #tpu.memory_space<vmem>>) target_semaphore(%run_scoped3A : memref<!tpu.dma_semaphore, #tpu.memory_space<semaphore_mem>>)
      %dma_wait3A = tpu.memref_slice %arg5[%mul3A_3] : memref<10256xi32, #tpu.memory_space<hbm>> -> memref<336xi32, #tpu.memory_space<hbm>>
      %dma_wait3A_80 = tpu.memref_slice %arg5[%mul3A_3] : memref<10256xi32, #tpu.memory_space<hbm>> -> memref<336xi32, #tpu.memory_space<hbm>>
      tpu.wait_dma2 semaphore(%run_scoped3A : memref<!tpu.dma_semaphore, #tpu.memory_space<semaphore_mem>>) src(%dma_wait3A_80 : memref<336xi32, #tpu.memory_space<hbm>>) dst(%arg10 : memref<336xi32, #tpu.memory_space<vmem>>)
      tpu.yield
    }) : () -> ()
    %get3A = arith.constant 0 : index
    %get3A_4 = tpu.vector_load %arg10[%get3A] {strides = array<i32>} : memref<336xi32, #tpu.memory_space<vmem>>, vector<16xi32>,
    %get3A_5 = vector.shape_cast %get3A_4 : vector<16xi32> to vector<16xi32>
    %slice3A = vector.extract_strided_slice %get3A_5 {offsets = [0], sizes = [1], strides = [1]} : vector<16xi32> to vector<1xi32>
    %squeeze3A = vector.extract %slice3A[0] : i32 from vector<1xi32>
    %get3A_6 = arith.constant 320 : index
    %get3A_7 = tpu.vector_load %arg10[%get3A_6] {strides = array<i32>} : memref<336xi32, #tpu.memory_space<vmem>>, vector<16xi32>,
    %get3A_8 = vector.shape_cast %get3A_7 : vector<16xi32> to vector<16xi32>
    %slice3A_9 = vector.extract_strided_slice %get3A_8 {offsets = [0], sizes = [1], strides = [1]} : vector<16xi32> to vector<1xi32>
    %squeeze3A_10 = vector.extract %slice3A_9[0] : i32 from vector<1xi32>
    %scan3A = arith.constant 0 : i32
    %scan3A_11 = arith.constant 0 : i32
    %scan3A_12 = arith.constant 640 : i32
    %scan3A_13 = arith.addi %scan3A_11, %scan3A_12 : i32
    %scan3A_14 = arith.constant 1 : i32
    %scan3A_15 = scf.for %scan3A_79 = %scan3A_11 to %scan3A_13 step %scan3A_14 iter_args(%scan3A_80 = %scan3A) -> (i32)  : i32 {
      %mul3A_81 = arith.constant 16 : i32
      %mul3A_82 = arith.muli %scan3A_79, %mul3A_81 : i32
      %swap3A = arith.index_cast %mul3A_82 : i32 to index
      %swap3A_83 = tpu.vector_load %arg7[%swap3A] {strides = array<i32>} : memref<10240xf32, #tpu.memory_space<vmem>>, vector<16xf32>,
      %swap3A_84 = vector.shape_cast %swap3A_83 : vector<16xf32> to vector<16xf32>
      %swap3A_85 = vector.shape_cast %broadcast_in_dim3A_1 : vector<16xf32> to vector<16xf32>
      tpu.vector_store %arg7[%swap3A], %swap3A_85 {strides = array<i32>} : memref<10240xf32, #tpu.memory_space<vmem>>, vector<16xf32>,
      %scan3A_86 = arith.constant 0 : i32
      scf.yield %scan3A_86 : i32
    }
    %scan3A_16 = arith.constant 640 : i32
    %jit3A = arith.constant 8 : i32
    %div3A = arith.divsi %squeeze3A, %jit3A : i32
    %sign3A = arith.constant 0 : i32
    %sign3A_17 = arith.cmpi sgt, %squeeze3A, %sign3A : i32
    %sign3A_18 = arith.extui %sign3A_17 : i1 to i32
    %sign3A_19 = arith.constant 0 : i32
    %sign3A_20 = arith.cmpi slt, %squeeze3A, %sign3A_19 : i32
    %sign3A_21 = arith.extui %sign3A_20 : i1 to i32
    %sign3A_22 = arith.subi %sign3A_18, %sign3A_21 : i32
    %sign3A_23 = arith.constant 0 : i32
    %sign3A_24 = arith.cmpi sgt, %jit3A, %sign3A_23 : i32
    %sign3A_25 = arith.extui %sign3A_24 : i1 to i32
    %sign3A_26 = arith.constant 0 : i32
    %sign3A_27 = arith.cmpi slt, %jit3A, %sign3A_26 : i32
    %sign3A_28 = arith.extui %sign3A_27 : i1 to i32
    %sign3A_29 = arith.subi %sign3A_25, %sign3A_28 : i32
    %ne3A = arith.cmpi ne, %sign3A_22, %sign3A_29 : i32
    %rem3A = arith.remsi %squeeze3A, %jit3A : i32
    %ne3A_30 = arith.constant 0 : i32
    %ne3A_31 = arith.cmpi ne, %rem3A, %ne3A_30 : i32
    %and3A = arith.andi %ne3A, %ne3A_31 : i1
    %sub3A = arith.constant 1 : i32
    %sub3A_32 = arith.subi %div3A, %sub3A : i32
    %select_n3A = arith.select %and3A, %sub3A_32, %div3A : i32
    %mul3A_33 = arith.constant 8 : i32
    %mul3A_34 = arith.muli %select_n3A, %mul3A_33 : i32
    %sub3A_35 = arith.subi %squeeze3A_10, %mul3A_34 : i32
    %add3A_36 = arith.constant 128 : i32
    %add3A_37 = arith.addi %sub3A_35, %add3A_36 : i32
    %sub3A_38 = arith.constant 1 : i32
    %sub3A_39 = arith.subi %add3A_37, %sub3A_38 : i32
    %jit3A_40 = arith.constant 128 : i32
    %div3A_41 = arith.divsi %sub3A_39, %jit3A_40 : i32
    %sign3A_42 = arith.constant 0 : i32
    %sign3A_43 = arith.cmpi sgt, %sub3A_39, %sign3A_42 : i32
    %sign3A_44 = arith.extui %sign3A_43 : i1 to i32
    %sign3A_45 = arith.constant 0 : i32
    %sign3A_46 = arith.cmpi slt, %sub3A_39, %sign3A_45 : i32
    %sign3A_47 = arith.extui %sign3A_46 : i1 to i32
    %sign3A_48 = arith.subi %sign3A_44, %sign3A_47 : i32
    %sign3A_49 = arith.constant 0 : i32
    %sign3A_50 = arith.cmpi sgt, %jit3A_40, %sign3A_49 : i32
    %sign3A_51 = arith.extui %sign3A_50 : i1 to i32
    %sign3A_52 = arith.constant 0 : i32
    %sign3A_53 = arith.cmpi slt, %jit3A_40, %sign3A_52 : i32
    %sign3A_54 = arith.extui %sign3A_53 : i1 to i32
    %sign3A_55 = arith.subi %sign3A_51, %sign3A_54 : i32
    %ne3A_56 = arith.cmpi ne, %sign3A_48, %sign3A_55 : i32
    %rem3A_57 = arith.remsi %sub3A_39, %jit3A_40 : i32
    %ne3A_58 = arith.constant 0 : i32
    %ne3A_59 = arith.cmpi ne, %rem3A_57, %ne3A_58 : i32
    %and3A_60 = arith.andi %ne3A_56, %ne3A_59 : i1
    %sub3A_61 = arith.constant 1 : i32
    %sub3A_62 = arith.subi %div3A_41, %sub3A_61 : i32
    %select_n3A_63 = arith.select %and3A_60, %sub3A_62, %div3A_41 : i32
    %while3A = arith.constant 0 : i32
    %while3A_64 = arith.constant 0 : i32
    %while3A_65 = arith.subi %select_n3A_63, %while3A : i32
    %while3A_66 = arith.addi %while3A, %while3A_65 : i32
    %while3A_67 = arith.constant 1 : i32
    %while3A_68 = arith.divsi %while3A_65, %while3A_67 : i32
    %while3A_69 = arith.muli %while3A_68, %while3A_67 : i32
    %while3A_70 = arith.addi %while3A, %while3A_69 : i32
    %while3A_71 = arith.constant 1 : i32
    %while3A_72 = scf.for %while3A_79 = %while3A to %while3A_70 step %while3A_71 iter_args(%while3A_80 = %while3A_64) -> (i32)  : i32 {
      %mul3A_81 = arith.constant 128 : i32
      %mul3A_82 = arith.muli %while3A_79, %mul3A_81 : i32
      %add3A_83 = arith.addi %mul3A_34, %mul3A_82 : i32
      "tpu.region"() ({
        %run_scoped3A = tpu.sem_alloc : memref<!tpu.dma_semaphore, #tpu.memory_space<semaphore_mem>>
        %dma_start3A_102 = tpu.memref_slice %arg3[%add3A_83] : memref<160128xi32, #tpu.memory_space<hbm>> -> memref<128xi32, #tpu.memory_space<hbm>>
        %dma_start3A_103 = tpu.memref_slice %arg3[%add3A_83] : memref<160128xi32, #tpu.memory_space<hbm>> -> memref<128xi32, #tpu.memory_space<hbm>>
        tpu.enqueue_dma source(%dma_start3A_103 : memref<128xi32, #tpu.memory_space<hbm>>) target(%arg9 : memref<128xi32, #tpu.memory_space<vmem>>) target_semaphore(%run_scoped3A : memref<!tpu.dma_semaphore, #tpu.memory_space<semaphore_mem>>)
        %dma_wait3A_104 = tpu.memref_slice %arg3[%add3A_83] : memref<160128xi32, #tpu.memory_space<hbm>> -> memref<128xi32, #tpu.memory_space<hbm>>
        %dma_wait3A_105 = tpu.memref_slice %arg3[%add3A_83] : memref<160128xi32, #tpu.memory_space<hbm>> -> memref<128xi32, #tpu.memory_space<hbm>>
        tpu.wait_dma2 semaphore(%run_scoped3A : memref<!tpu.dma_semaphore, #tpu.memory_space<semaphore_mem>>) src(%dma_wait3A_105 : memref<128xi32, #tpu.memory_space<hbm>>) dst(%arg9 : memref<128xi32, #tpu.memory_space<vmem>>)
        tpu.yield
      }) : () -> ()
      "tpu.region"() ({
        %run_scoped3A = tpu.sem_alloc : memref<!tpu.dma_semaphore, #tpu.memory_space<semaphore_mem>>
        %dma_start3A_102 = arith.constant 0 : i32
        %dma_start3A_103 = tpu.memref_slice %arg11[%dma_start3A_102] : memref<144xi32, #tpu.memory_space<vmem>> -> memref<128xi32, #tpu.memory_space<vmem>>
        %dma_start3A_104 = tpu.memref_slice %arg4[%add3A_83] : memref<160128xi32, #tpu.memory_space<hbm>> -> memref<128xi32, #tpu.memory_space<hbm>>
        %dma_start3A_105 = arith.constant 0 : i32
        %dma_start3A_106 = tpu.memref_slice %arg11[%dma_start3A_105] : memref<144xi32, #tpu.memory_space<vmem>> -> memref<128xi32, #tpu.memory_space<vmem>>
        %dma_start3A_107 = tpu.memref_slice %arg4[%add3A_83] : memref<160128xi32, #tpu.memory_space<hbm>> -> memref<128xi32, #tpu.memory_space<hbm>>
        tpu.enqueue_dma source(%dma_start3A_107 : memref<128xi32, #tpu.memory_space<hbm>>) target(%dma_start3A_106 : memref<128xi32, #tpu.memory_space<vmem>>) target_semaphore(%run_scoped3A : memref<!tpu.dma_semaphore, #tpu.memory_space<semaphore_mem>>)
        %dma_wait3A_108 = arith.constant 0 : i32
        %dma_wait3A_109 = tpu.memref_slice %arg11[%dma_wait3A_108] : memref<144xi32, #tpu.memory_space<vmem>> -> memref<128xi32, #tpu.memory_space<vmem>>
        %dma_wait3A_110 = tpu.memref_slice %arg4[%add3A_83] : memref<160128xi32, #tpu.memory_space<hbm>> -> memref<128xi32, #tpu.memory_space<hbm>>
        %dma_wait3A_111 = arith.constant 0 : i32
        %dma_wait3A_112 = tpu.memref_slice %arg11[%dma_wait3A_111] : memref<144xi32, #tpu.memory_space<vmem>> -> memref<128xi32, #tpu.memory_space<vmem>>
        %dma_wait3A_113 = tpu.memref_slice %arg4[%add3A_83] : memref<160128xi32, #tpu.memory_space<hbm>> -> memref<128xi32, #tpu.memory_space<hbm>>
        tpu.wait_dma2 semaphore(%run_scoped3A : memref<!tpu.dma_semaphore, #tpu.memory_space<semaphore_mem>>) src(%dma_wait3A_113 : memref<128xi32, #tpu.memory_space<hbm>>) dst(%dma_wait3A_112 : memref<128xi32, #tpu.memory_space<vmem>>)
        tpu.yield
      }) : () -> ()
      %dma_start3A = arith.constant 0 : i32
      %dma_start3A_84 = arith.constant 0 : i32
      %dma_start3A_85 = tpu.memref_slice %arg2[%dma_start3A, %dma_start3A_84] : memref<160000x32xf32, #tpu.memory_space<hbm>> -> memref<160000x32xf32, #tpu.memory_space<hbm>>
      tpu.enqueue_indirect_dma source(%dma_start3A_85 : memref<160000x32xf32, #tpu.memory_space<hbm>>) target(%arg8 : memref<128x32xf32, #tpu.memory_space<vmem>>) offsets(%arg9 : memref<128xi32, #tpu.memory_space<vmem>>) semaphore(%arg12 : memref<!tpu.dma_semaphore, #tpu.memory_space<semaphore_mem>>)
      %dma_wait3A = arith.constant 0 : i32
      %dma_wait3A_86 = arith.constant 0 : i32
      %dma_wait3A_87 = tpu.memref_slice %arg2[%dma_wait3A, %dma_wait3A_86] : memref<160000x32xf32, #tpu.memory_space<hbm>> -> memref<160000x32xf32, #tpu.memory_space<hbm>>
      tpu.wait_indirect_dma semaphore(%arg12 : memref<!tpu.dma_semaphore, #tpu.memory_space<semaphore_mem>>) src(%dma_wait3A_87 : memref<160000x32xf32, #tpu.memory_space<hbm>>) dst(%arg8 : memref<128x32xf32, #tpu.memory_space<vmem>>)
      %max3A = arith.maxsi %add3A_83, %squeeze3A : i32
      %add3A_88 = arith.constant 128 : i32
      %add3A_89 = arith.addi %add3A_83, %add3A_88 : i32
      %min3A = arith.minsi %add3A_89, %squeeze3A_10 : i32
      %while3A_90 = arith.constant 0 : i32
      %while3A_91 = arith.subi %min3A, %max3A : i32
      %while3A_92 = arith.addi %max3A, %while3A_91 : i32
      %while3A_93 = arith.constant 1 : i32
      %while3A_94 = arith.divsi %while3A_91, %while3A_93 : i32
      %while3A_95 = arith.muli %while3A_94, %while3A_93 : i32
      %while3A_96 = arith.addi %max3A, %while3A_95 : i32
      %while3A_97 = arith.constant 1 : i32
      %while3A_98 = scf.for %while3A_102 = %max3A to %while3A_96 step %while3A_97 iter_args(%while3A_103 = %while3A_90) -> (i32)  : i32 {
        %sub3A_104 = arith.subi %while3A_102, %add3A_83 : i32
        %get3A_105 = arith.index_cast %sub3A_104 : i32 to index
        %get3A_106 = tpu.vector_load %arg11[%get3A_105] {strides = array<i32>} : memref<144xi32, #tpu.memory_space<vmem>>, vector<16xi32>,
        %get3A_107 = vector.shape_cast %get3A_106 : vector<16xi32> to vector<16xi32>
        %slice3A_108 = vector.extract_strided_slice %get3A_107 {offsets = [0], sizes = [1], strides = [1]} : vector<16xi32> to vector<1xi32>
        %squeeze3A_109 = vector.extract %slice3A_108[0] : i32 from vector<1xi32>
        %sub3A_110 = arith.subi %squeeze3A_109, %mul3A_3 : i32
        %mul3A_111 = arith.constant 32 : i32
        %mul3A_112 = arith.muli %sub3A_110, %mul3A_111 : i32
        %get3A_113 = arith.index_cast %sub3A_104 : i32 to index
        %get3A_114 = arith.constant 0 : index
        %get3A_115 = tpu.vector_load %arg8[%get3A_113, %get3A_114] {strides = array<i32>} : memref<128x32xf32, #tpu.memory_space<vmem>>, vector<1x16xf32>,
        %get3A_116 = vector.shape_cast %get3A_115 : vector<1x16xf32> to vector<16xf32>
        %swap3A = arith.index_cast %mul3A_112 : i32 to index
        %swap3A_117 = tpu.vector_load %arg7[%swap3A] {strides = array<i32>} : memref<10240xf32, #tpu.memory_space<vmem>>, vector<16xf32>,
        %swap3A_118 = vector.shape_cast %swap3A_117 : vector<16xf32> to vector<16xf32>
        %swap3A_119 = vector.shape_cast %get3A_116 : vector<16xf32> to vector<16xf32>
        tpu.vector_store %arg7[%swap3A], %swap3A_119 {add = true, strides = array<i32>} : memref<10240xf32, #tpu.memory_space<vmem>>, vector<16xf32>,
        %add3A_120 = arith.constant 16 : i32
        %add3A_121 = arith.addi %mul3A_112, %add3A_120 : i32
        %get3A_122 = arith.index_cast %sub3A_104 : i32 to index
        %get3A_123 = arith.constant 16 : index
        %get3A_124 = tpu.vector_load %arg8[%get3A_122, %get3A_123] {strides = array<i32>} : memref<128x32xf32, #tpu.memory_space<vmem>>, vector<1x16xf32>,
        %get3A_125 = vector.shape_cast %get3A_124 : vector<1x16xf32> to vector<16xf32>
        %swap3A_126 = arith.index_cast %add3A_121 : i32 to index
        %swap3A_127 = tpu.vector_load %arg7[%swap3A_126] {strides = array<i32>} : memref<10240xf32, #tpu.memory_space<vmem>>, vector<16xf32>,
        %swap3A_128 = vector.shape_cast %swap3A_127 : vector<16xf32> to vector<16xf32>
        %swap3A_129 = vector.shape_cast %get3A_125 : vector<16xf32> to vector<16xf32>
        tpu.vector_store %arg7[%swap3A_126], %swap3A_129 {add = true, strides = array<i32>} : memref<10240xf32, #tpu.memory_space<vmem>>, vector<16xf32>,
        %while3A_130 = arith.constant 0 : i32
        scf.yield %while3A_130 : i32
      }
      %while3A_99 = arith.constant 1 : i32
      %while3A_100 = scf.for %while3A_102 = %while3A_96 to %while3A_92 step %while3A_99 iter_args(%while3A_103 = %while3A_98) -> (i32)  : i32 {
        %sub3A_104 = arith.subi %while3A_102, %add3A_83 : i32
        %get3A_105 = arith.index_cast %sub3A_104 : i32 to index
        %get3A_106 = tpu.vector_load %arg11[%get3A_105] {strides = array<i32>} : memref<144xi32, #tpu.memory_space<vmem>>, vector<16xi32>,
        %get3A_107 = vector.shape_cast %get3A_106 : vector<16xi32> to vector<16xi32>
        %slice3A_108 = vector.extract_strided_slice %get3A_107 {offsets = [0], sizes = [1], strides = [1]} : vector<16xi32> to vector<1xi32>
        %squeeze3A_109 = vector.extract %slice3A_108[0] : i32 from vector<1xi32>
        %sub3A_110 = arith.subi %squeeze3A_109, %mul3A_3 : i32
        %mul3A_111 = arith.constant 32 : i32
        %mul3A_112 = arith.muli %sub3A_110, %mul3A_111 : i32
        %get3A_113 = arith.index_cast %sub3A_104 : i32 to index
        %get3A_114 = arith.constant 0 : index
        %get3A_115 = tpu.vector_load %arg8[%get3A_113, %get3A_114] {strides = array<i32>} : memref<128x32xf32, #tpu.memory_space<vmem>>, vector<1x16xf32>,
        %get3A_116 = vector.shape_cast %get3A_115 : vector<1x16xf32> to vector<16xf32>
        %swap3A = arith.index_cast %mul3A_112 : i32 to index
        %swap3A_117 = tpu.vector_load %arg7[%swap3A] {strides = array<i32>} : memref<10240xf32, #tpu.memory_space<vmem>>, vector<16xf32>,
        %swap3A_118 = vector.shape_cast %swap3A_117 : vector<16xf32> to vector<16xf32>
        %swap3A_119 = vector.shape_cast %get3A_116 : vector<16xf32> to vector<16xf32>
        tpu.vector_store %arg7[%swap3A], %swap3A_119 {add = true, strides = array<i32>} : memref<10240xf32, #tpu.memory_space<vmem>>, vector<16xf32>,
        %add3A_120 = arith.constant 16 : i32
        %add3A_121 = arith.addi %mul3A_112, %add3A_120 : i32
        %get3A_122 = arith.index_cast %sub3A_104 : i32 to index
        %get3A_123 = arith.constant 16 : index
        %get3A_124 = tpu.vector_load %arg8[%get3A_122, %get3A_123] {strides = array<i32>} : memref<128x32xf32, #tpu.memory_space<vmem>>, vector<1x16xf32>,
        %get3A_125 = vector.shape_cast %get3A_124 : vector<1x16xf32> to vector<16xf32>
        %swap3A_126 = arith.index_cast %add3A_121 : i32 to index
        %swap3A_127 = tpu.vector_load %arg7[%swap3A_126] {strides = array<i32>} : memref<10240xf32, #tpu.memory_space<vmem>>, vector<16xf32>,
        %swap3A_128 = vector.shape_cast %swap3A_127 : vector<16xf32> to vector<16xf32>
        %swap3A_129 = vector.shape_cast %get3A_125 : vector<16xf32> to vector<16xf32>
        tpu.vector_store %arg7[%swap3A_126], %swap3A_129 {add = true, strides = array<i32>} : memref<10240xf32, #tpu.memory_space<vmem>>, vector<16xf32>,
        %while3A_130 = arith.constant 0 : i32
        scf.yield %while3A_130 : i32
      }
      %while3A_101 = arith.constant 0 : i32
      scf.yield %while3A_101 : i32
    }
    %while3A_73 = arith.constant 1 : i32
    %while3A_74 = scf.for %while3A_79 = %while3A_70 to %while3A_66 step %while3A_73 iter_args(%while3A_80 = %while3A_72) -> (i32)  : i32 {
      %mul3A_81 = arith.constant 128 : i32
      %mul3A_82 = arith.muli %while3A_79, %mul3A_81 : i32
      %add3A_83 = arith.addi %mul3A_34, %mul3A_82 : i32
      "tpu.region"() ({
        %run_scoped3A = tpu.sem_alloc : memref<!tpu.dma_semaphore, #tpu.memory_space<semaphore_mem>>
        %dma_start3A_102 = tpu.memref_slice %arg3[%add3A_83] : memref<160128xi32, #tpu.memory_space<hbm>> -> memref<128xi32, #tpu.memory_space<hbm>>
        %dma_start3A_103 = tpu.memref_slice %arg3[%add3A_83] : memref<160128xi32, #tpu.memory_space<hbm>> -> memref<128xi32, #tpu.memory_space<hbm>>
        tpu.enqueue_dma source(%dma_start3A_103 : memref<128xi32, #tpu.memory_space<hbm>>) target(%arg9 : memref<128xi32, #tpu.memory_space<vmem>>) target_semaphore(%run_scoped3A : memref<!tpu.dma_semaphore, #tpu.memory_space<semaphore_mem>>)
        %dma_wait3A_104 = tpu.memref_slice %arg3[%add3A_83] : memref<160128xi32, #tpu.memory_space<hbm>> -> memref<128xi32, #tpu.memory_space<hbm>>
        %dma_wait3A_105 = tpu.memref_slice %arg3[%add3A_83] : memref<160128xi32, #tpu.memory_space<hbm>> -> memref<128xi32, #tpu.memory_space<hbm>>
        tpu.wait_dma2 semaphore(%run_scoped3A : memref<!tpu.dma_semaphore, #tpu.memory_space<semaphore_mem>>) src(%dma_wait3A_105 : memref<128xi32, #tpu.memory_space<hbm>>) dst(%arg9 : memref<128xi32, #tpu.memory_space<vmem>>)
        tpu.yield
      }) : () -> ()
      "tpu.region"() ({
        %run_scoped3A = tpu.sem_alloc : memref<!tpu.dma_semaphore, #tpu.memory_space<semaphore_mem>>
        %dma_start3A_102 = arith.constant 0 : i32
        %dma_start3A_103 = tpu.memref_slice %arg11[%dma_start3A_102] : memref<144xi32, #tpu.memory_space<vmem>> -> memref<128xi32, #tpu.memory_space<vmem>>
        %dma_start3A_104 = tpu.memref_slice %arg4[%add3A_83] : memref<160128xi32, #tpu.memory_space<hbm>> -> memref<128xi32, #tpu.memory_space<hbm>>
        %dma_start3A_105 = arith.constant 0 : i32
        %dma_start3A_106 = tpu.memref_slice %arg11[%dma_start3A_105] : memref<144xi32, #tpu.memory_space<vmem>> -> memref<128xi32, #tpu.memory_space<vmem>>
        %dma_start3A_107 = tpu.memref_slice %arg4[%add3A_83] : memref<160128xi32, #tpu.memory_space<hbm>> -> memref<128xi32, #tpu.memory_space<hbm>>
        tpu.enqueue_dma source(%dma_start3A_107 : memref<128xi32, #tpu.memory_space<hbm>>) target(%dma_start3A_106 : memref<128xi32, #tpu.memory_space<vmem>>) target_semaphore(%run_scoped3A : memref<!tpu.dma_semaphore, #tpu.memory_space<semaphore_mem>>)
        %dma_wait3A_108 = arith.constant 0 : i32
        %dma_wait3A_109 = tpu.memref_slice %arg11[%dma_wait3A_108] : memref<144xi32, #tpu.memory_space<vmem>> -> memref<128xi32, #tpu.memory_space<vmem>>
        %dma_wait3A_110 = tpu.memref_slice %arg4[%add3A_83] : memref<160128xi32, #tpu.memory_space<hbm>> -> memref<128xi32, #tpu.memory_space<hbm>>
        %dma_wait3A_111 = arith.constant 0 : i32
        %dma_wait3A_112 = tpu.memref_slice %arg11[%dma_wait3A_111] : memref<144xi32, #tpu.memory_space<vmem>> -> memref<128xi32, #tpu.memory_space<vmem>>
        %dma_wait3A_113 = tpu.memref_slice %arg4[%add3A_83] : memref<160128xi32, #tpu.memory_space<hbm>> -> memref<128xi32, #tpu.memory_space<hbm>>
        tpu.wait_dma2 semaphore(%run_scoped3A : memref<!tpu.dma_semaphore, #tpu.memory_space<semaphore_mem>>) src(%dma_wait3A_113 : memref<128xi32, #tpu.memory_space<hbm>>) dst(%dma_wait3A_112 : memref<128xi32, #tpu.memory_space<vmem>>)
        tpu.yield
      }) : () -> ()
      %dma_start3A = arith.constant 0 : i32
      %dma_start3A_84 = arith.constant 0 : i32
      %dma_start3A_85 = tpu.memref_slice %arg2[%dma_start3A, %dma_start3A_84] : memref<160000x32xf32, #tpu.memory_space<hbm>> -> memref<160000x32xf32, #tpu.memory_space<hbm>>
      tpu.enqueue_indirect_dma source(%dma_start3A_85 : memref<160000x32xf32, #tpu.memory_space<hbm>>) target(%arg8 : memref<128x32xf32, #tpu.memory_space<vmem>>) offsets(%arg9 : memref<128xi32, #tpu.memory_space<vmem>>) semaphore(%arg12 : memref<!tpu.dma_semaphore, #tpu.memory_space<semaphore_mem>>)
      %dma_wait3A = arith.constant 0 : i32
      %dma_wait3A_86 = arith.constant 0 : i32
      %dma_wait3A_87 = tpu.memref_slice %arg2[%dma_wait3A, %dma_wait3A_86] : memref<160000x32xf32, #tpu.memory_space<hbm>> -> memref<160000x32xf32, #tpu.memory_space<hbm>>
      tpu.wait_indirect_dma semaphore(%arg12 : memref<!tpu.dma_semaphore, #tpu.memory_space<semaphore_mem>>) src(%dma_wait3A_87 : memref<160000x32xf32, #tpu.memory_space<hbm>>) dst(%arg8 : memref<128x32xf32, #tpu.memory_space<vmem>>)
      %max3A = arith.maxsi %add3A_83, %squeeze3A : i32
      %add3A_88 = arith.constant 128 : i32
      %add3A_89 = arith.addi %add3A_83, %add3A_88 : i32
      %min3A = arith.minsi %add3A_89, %squeeze3A_10 : i32
      %while3A_90 = arith.constant 0 : i32
      %while3A_91 = arith.subi %min3A, %max3A : i32
      %while3A_92 = arith.addi %max3A, %while3A_91 : i32
      %while3A_93 = arith.constant 1 : i32
      %while3A_94 = arith.divsi %while3A_91, %while3A_93 : i32
      %while3A_95 = arith.muli %while3A_94, %while3A_93 : i32
      %while3A_96 = arith.addi %max3A, %while3A_95 : i32
      %while3A_97 = arith.constant 1 : i32
      %while3A_98 = scf.for %while3A_102 = %max3A to %while3A_96 step %while3A_97 iter_args(%while3A_103 = %while3A_90) -> (i32)  : i32 {
        %sub3A_104 = arith.subi %while3A_102, %add3A_83 : i32
        %get3A_105 = arith.index_cast %sub3A_104 : i32 to index
        %get3A_106 = tpu.vector_load %arg11[%get3A_105] {strides = array<i32>} : memref<144xi32, #tpu.memory_space<vmem>>, vector<16xi32>,
        %get3A_107 = vector.shape_cast %get3A_106 : vector<16xi32> to vector<16xi32>
        %slice3A_108 = vector.extract_strided_slice %get3A_107 {offsets = [0], sizes = [1], strides = [1]} : vector<16xi32> to vector<1xi32>
        %squeeze3A_109 = vector.extract %slice3A_108[0] : i32 from vector<1xi32>
        %sub3A_110 = arith.subi %squeeze3A_109, %mul3A_3 : i32
        %mul3A_111 = arith.constant 32 : i32
        %mul3A_112 = arith.muli %sub3A_110, %mul3A_111 : i32
        %get3A_113 = arith.index_cast %sub3A_104 : i32 to index
        %get3A_114 = arith.constant 0 : index
        %get3A_115 = tpu.vector_load %arg8[%get3A_113, %get3A_114] {strides = array<i32>} : memref<128x32xf32, #tpu.memory_space<vmem>>, vector<1x16xf32>,
        %get3A_116 = vector.shape_cast %get3A_115 : vector<1x16xf32> to vector<16xf32>
        %swap3A = arith.index_cast %mul3A_112 : i32 to index
        %swap3A_117 = tpu.vector_load %arg7[%swap3A] {strides = array<i32>} : memref<10240xf32, #tpu.memory_space<vmem>>, vector<16xf32>,
        %swap3A_118 = vector.shape_cast %swap3A_117 : vector<16xf32> to vector<16xf32>
        %swap3A_119 = vector.shape_cast %get3A_116 : vector<16xf32> to vector<16xf32>
        tpu.vector_store %arg7[%swap3A], %swap3A_119 {add = true, strides = array<i32>} : memref<10240xf32, #tpu.memory_space<vmem>>, vector<16xf32>,
        %add3A_120 = arith.constant 16 : i32
        %add3A_121 = arith.addi %mul3A_112, %add3A_120 : i32
        %get3A_122 = arith.index_cast %sub3A_104 : i32 to index
        %get3A_123 = arith.constant 16 : index
        %get3A_124 = tpu.vector_load %arg8[%get3A_122, %get3A_123] {strides = array<i32>} : memref<128x32xf32, #tpu.memory_space<vmem>>, vector<1x16xf32>,
        %get3A_125 = vector.shape_cast %get3A_124 : vector<1x16xf32> to vector<16xf32>
        %swap3A_126 = arith.index_cast %add3A_121 : i32 to index
        %swap3A_127 = tpu.vector_load %arg7[%swap3A_126] {strides = array<i32>} : memref<10240xf32, #tpu.memory_space<vmem>>, vector<16xf32>,
        %swap3A_128 = vector.shape_cast %swap3A_127 : vector<16xf32> to vector<16xf32>
        %swap3A_129 = vector.shape_cast %get3A_125 : vector<16xf32> to vector<16xf32>
        tpu.vector_store %arg7[%swap3A_126], %swap3A_129 {add = true, strides = array<i32>} : memref<10240xf32, #tpu.memory_space<vmem>>, vector<16xf32>,
        %while3A_130 = arith.constant 0 : i32
        scf.yield %while3A_130 : i32
      }
      %while3A_99 = arith.constant 1 : i32
      %while3A_100 = scf.for %while3A_102 = %while3A_96 to %while3A_92 step %while3A_99 iter_args(%while3A_103 = %while3A_98) -> (i32)  : i32 {
        %sub3A_104 = arith.subi %while3A_102, %add3A_83 : i32
        %get3A_105 = arith.index_cast %sub3A_104 : i32 to index
        %get3A_106 = tpu.vector_load %arg11[%get3A_105] {strides = array<i32>} : memref<144xi32, #tpu.memory_space<vmem>>, vector<16xi32>,
        %get3A_107 = vector.shape_cast %get3A_106 : vector<16xi32> to vector<16xi32>
        %slice3A_108 = vector.extract_strided_slice %get3A_107 {offsets = [0], sizes = [1], strides = [1]} : vector<16xi32> to vector<1xi32>
        %squeeze3A_109 = vector.extract %slice3A_108[0] : i32 from vector<1xi32>
        %sub3A_110 = arith.subi %squeeze3A_109, %mul3A_3 : i32
        %mul3A_111 = arith.constant 32 : i32
        %mul3A_112 = arith.muli %sub3A_110, %mul3A_111 : i32
        %get3A_113 = arith.index_cast %sub3A_104 : i32 to index
        %get3A_114 = arith.constant 0 : index
        %get3A_115 = tpu.vector_load %arg8[%get3A_113, %get3A_114] {strides = array<i32>} : memref<128x32xf32, #tpu.memory_space<vmem>>, vector<1x16xf32>,
        %get3A_116 = vector.shape_cast %get3A_115 : vector<1x16xf32> to vector<16xf32>
        %swap3A = arith.index_cast %mul3A_112 : i32 to index
        %swap3A_117 = tpu.vector_load %arg7[%swap3A] {strides = array<i32>} : memref<10240xf32, #tpu.memory_space<vmem>>, vector<16xf32>,
        %swap3A_118 = vector.shape_cast %swap3A_117 : vector<16xf32> to vector<16xf32>
        %swap3A_119 = vector.shape_cast %get3A_116 : vector<16xf32> to vector<16xf32>
        tpu.vector_store %arg7[%swap3A], %swap3A_119 {add = true, strides = array<i32>} : memref<10240xf32, #tpu.memory_space<vmem>>, vector<16xf32>,
        %add3A_120 = arith.constant 16 : i32
        %add3A_121 = arith.addi %mul3A_112, %add3A_120 : i32
        %get3A_122 = arith.index_cast %sub3A_104 : i32 to index
        %get3A_123 = arith.constant 16 : index
        %get3A_124 = tpu.vector_load %arg8[%get3A_122, %get3A_123] {strides = array<i32>} : memref<128x32xf32, #tpu.memory_space<vmem>>, vector<1x16xf32>,
        %get3A_125 = vector.shape_cast %get3A_124 : vector<1x16xf32> to vector<16xf32>
        %swap3A_126 = arith.index_cast %add3A_121 : i32 to index
        %swap3A_127 = tpu.vector_load %arg7[%swap3A_126] {strides = array<i32>} : memref<10240xf32, #tpu.memory_space<vmem>>, vector<16xf32>,
        %swap3A_128 = vector.shape_cast %swap3A_127 : vector<16xf32> to vector<16xf32>
        %swap3A_129 = vector.shape_cast %get3A_125 : vector<16xf32> to vector<16xf32>
        tpu.vector_store %arg7[%swap3A_126], %swap3A_129 {add = true, strides = array<i32>} : memref<10240xf32, #tpu.memory_space<vmem>>, vector<16xf32>,
        %while3A_130 = arith.constant 0 : i32
        scf.yield %while3A_130 : i32
      }
      %while3A_101 = arith.constant 0 : i32
      scf.yield %while3A_101 : i32
    }
    %mul3A_75 = arith.constant 320 : i32
    %mul3A_76 = arith.muli %add3A, %mul3A_75 : i32
    %mul3A_77 = arith.constant 32 : i32
    %mul3A_78 = arith.muli %mul3A_76, %mul3A_77 : i32
    "tpu.region"() ({
      %run_scoped3A = tpu.sem_alloc : memref<!tpu.dma_semaphore, #tpu.memory_space<semaphore_mem>>
      %dma_start3A = tpu.memref_slice %arg6[%mul3A_78] : memref<327680xf32, #tpu.memory_space<hbm>> -> memref<10240xf32, #tpu.memory_space<hbm>>
      %dma_start3A_79 = tpu.memref_slice %arg6[%mul3A_78] : memref<327680xf32, #tpu.memory_space<hbm>> -> memref<10240xf32, #tpu.memory_space<hbm>>
      tpu.enqueue_dma source(%arg7 : memref<10240xf32, #tpu.memory_space<vmem>>) target(%dma_start3A_79 : memref<10240xf32, #tpu.memory_space<hbm>>) target_semaphore(%run_scoped3A : memref<!tpu.dma_semaphore, #tpu.memory_space<semaphore_mem>>)
      %dma_wait3A = tpu.memref_slice %arg6[%mul3A_78] : memref<327680xf32, #tpu.memory_space<hbm>> -> memref<10240xf32, #tpu.memory_space<hbm>>
      %dma_wait3A_80 = tpu.memref_slice %arg6[%mul3A_78] : memref<327680xf32, #tpu.memory_space<hbm>> -> memref<10240xf32, #tpu.memory_space<hbm>>
      tpu.wait_dma2 semaphore(%run_scoped3A : memref<!tpu.dma_semaphore, #tpu.memory_space<semaphore_mem>>) src(%arg7 : memref<10240xf32, #tpu.memory_space<vmem>>) dst(%dma_wait3A_80 : memref<10240xf32, #tpu.memory_space<hbm>>)
      tpu.yield
    }) : () -> ()
    return
  }
}

#map = affine_map<(d0, d1) -> (0, 0)>
#map1 = affine_map<(d0, d1) -> (0)>
module attributes {stable_mosaic.version = 14 : i64} {
  func.func @sc_gather(%arg0: i32, %arg1: i32, %arg2: memref<10240x32xf32, #tpu.memory_space<hbm>>, %arg3: memref<160000xi32, #tpu.memory_space<hbm>>, %arg4: memref<160000x32xf32, #tpu.memory_space<hbm>>, %arg5: memref<128xi32, #tpu.memory_space<vmem>>, %arg6: memref<128x32xf32, #tpu.memory_space<vmem>>, %arg7: memref<!tpu.dma_semaphore, #tpu.memory_space<semaphore_mem>>) attributes {dimension_semantics = [#tpu.dimension_semantics<core_parallel>, #tpu.dimension_semantics<subcore_parallel>], iteration_bounds = array<i64: 2, 16>, scalar_prefetch = 0 : i64, scratch_operands = 3 : i64, tpu.core_type = #tpu.core_type<sc_vector_subcore>, window_params = [{transform_indices = #map}, {transform_indices = #map1}, {transform_indices = #map}]} {
    %mul3A = arith.constant 2 : i32
    %mul3A_0 = arith.muli %arg1, %mul3A : i32
    %add3A = arith.addi %mul3A_0, %arg0 : i32
    %mul3A_1 = arith.constant 5000 : i32
    %mul3A_2 = arith.muli %add3A, %mul3A_1 : i32
    %scan3A = arith.constant 0 : i32
    %scan3A_3 = arith.constant 0 : i32
    %scan3A_4 = arith.constant 39 : i32
    %scan3A_5 = arith.addi %scan3A_3, %scan3A_4 : i32
    %scan3A_6 = arith.constant 1 : i32
    %scan3A_7 = scf.for %scan3A_25 = %scan3A_3 to %scan3A_5 step %scan3A_6 iter_args(%scan3A_26 = %scan3A) -> (i32)  : i32 {
      %mul3A_27 = arith.constant 128 : i32
      %mul3A_28 = arith.muli %scan3A_25, %mul3A_27 : i32
      %add3A_29 = arith.addi %mul3A_2, %mul3A_28 : i32
      "tpu.region"() ({
        %run_scoped3A = tpu.sem_alloc : memref<!tpu.dma_semaphore, #tpu.memory_space<semaphore_mem>>
        %dma_start3A_37 = tpu.memref_slice %arg3[%add3A_29] : memref<160000xi32, #tpu.memory_space<hbm>> -> memref<128xi32, #tpu.memory_space<hbm>>
        %dma_start3A_38 = tpu.memref_slice %arg3[%add3A_29] : memref<160000xi32, #tpu.memory_space<hbm>> -> memref<128xi32, #tpu.memory_space<hbm>>
        tpu.enqueue_dma source(%dma_start3A_38 : memref<128xi32, #tpu.memory_space<hbm>>) target(%arg5 : memref<128xi32, #tpu.memory_space<vmem>>) target_semaphore(%run_scoped3A : memref<!tpu.dma_semaphore, #tpu.memory_space<semaphore_mem>>)
        %dma_wait3A_39 = tpu.memref_slice %arg3[%add3A_29] : memref<160000xi32, #tpu.memory_space<hbm>> -> memref<128xi32, #tpu.memory_space<hbm>>
        %dma_wait3A_40 = tpu.memref_slice %arg3[%add3A_29] : memref<160000xi32, #tpu.memory_space<hbm>> -> memref<128xi32, #tpu.memory_space<hbm>>
        tpu.wait_dma2 semaphore(%run_scoped3A : memref<!tpu.dma_semaphore, #tpu.memory_space<semaphore_mem>>) src(%dma_wait3A_40 : memref<128xi32, #tpu.memory_space<hbm>>) dst(%arg5 : memref<128xi32, #tpu.memory_space<vmem>>)
        tpu.yield
      }) : () -> ()
      %dma_start3A_30 = arith.constant 0 : i32
      %dma_start3A_31 = arith.constant 0 : i32
      %dma_start3A_32 = tpu.memref_slice %arg2[%dma_start3A_30, %dma_start3A_31] : memref<10240x32xf32, #tpu.memory_space<hbm>> -> memref<10240x32xf32, #tpu.memory_space<hbm>>
      tpu.enqueue_indirect_dma source(%dma_start3A_32 : memref<10240x32xf32, #tpu.memory_space<hbm>>) target(%arg6 : memref<128x32xf32, #tpu.memory_space<vmem>>) offsets(%arg5 : memref<128xi32, #tpu.memory_space<vmem>>) semaphore(%arg7 : memref<!tpu.dma_semaphore, #tpu.memory_space<semaphore_mem>>)
      %dma_wait3A_33 = arith.constant 0 : i32
      %dma_wait3A_34 = arith.constant 0 : i32
      %dma_wait3A_35 = tpu.memref_slice %arg2[%dma_wait3A_33, %dma_wait3A_34] : memref<10240x32xf32, #tpu.memory_space<hbm>> -> memref<10240x32xf32, #tpu.memory_space<hbm>>
      tpu.wait_indirect_dma semaphore(%arg7 : memref<!tpu.dma_semaphore, #tpu.memory_space<semaphore_mem>>) src(%dma_wait3A_35 : memref<10240x32xf32, #tpu.memory_space<hbm>>) dst(%arg6 : memref<128x32xf32, #tpu.memory_space<vmem>>)
      "tpu.region"() ({
        %run_scoped3A = tpu.sem_alloc : memref<!tpu.dma_semaphore, #tpu.memory_space<semaphore_mem>>
        %dma_start3A_37 = arith.constant 0 : i32
        %dma_start3A_38 = tpu.memref_slice %arg4[%add3A_29, %dma_start3A_37] : memref<160000x32xf32, #tpu.memory_space<hbm>> -> memref<128x32xf32, #tpu.memory_space<hbm>>
        %dma_start3A_39 = arith.constant 0 : i32
        %dma_start3A_40 = tpu.memref_slice %arg4[%add3A_29, %dma_start3A_39] : memref<160000x32xf32, #tpu.memory_space<hbm>> -> memref<128x32xf32, #tpu.memory_space<hbm>>
        tpu.enqueue_dma source(%arg6 : memref<128x32xf32, #tpu.memory_space<vmem>>) target(%dma_start3A_40 : memref<128x32xf32, #tpu.memory_space<hbm>>) target_semaphore(%run_scoped3A : memref<!tpu.dma_semaphore, #tpu.memory_space<semaphore_mem>>)
        %dma_wait3A_41 = arith.constant 0 : i32
        %dma_wait3A_42 = tpu.memref_slice %arg4[%add3A_29, %dma_wait3A_41] : memref<160000x32xf32, #tpu.memory_space<hbm>> -> memref<128x32xf32, #tpu.memory_space<hbm>>
        %dma_wait3A_43 = arith.constant 0 : i32
        %dma_wait3A_44 = tpu.memref_slice %arg4[%add3A_29, %dma_wait3A_43] : memref<160000x32xf32, #tpu.memory_space<hbm>> -> memref<128x32xf32, #tpu.memory_space<hbm>>
        tpu.wait_dma2 semaphore(%run_scoped3A : memref<!tpu.dma_semaphore, #tpu.memory_space<semaphore_mem>>) src(%arg6 : memref<128x32xf32, #tpu.memory_space<vmem>>) dst(%dma_wait3A_44 : memref<128x32xf32, #tpu.memory_space<hbm>>)
        tpu.yield
      }) : () -> ()
      %scan3A_36 = arith.constant 0 : i32
      scf.yield %scan3A_36 : i32
    }
    %scan3A_8 = arith.constant 39 : i32
    %add3A_9 = arith.constant 4992 : i32
    %add3A_10 = arith.addi %mul3A_2, %add3A_9 : i32
    "tpu.region"() ({
      %run_scoped3A = tpu.sem_alloc : memref<!tpu.dma_semaphore, #tpu.memory_space<semaphore_mem>>
      %dma_start3A_25 = arith.constant 0 : i32
      %dma_start3A_26 = tpu.memref_slice %arg5[%dma_start3A_25] : memref<128xi32, #tpu.memory_space<vmem>> -> memref<8xi32, #tpu.memory_space<vmem>>
      %dma_start3A_27 = tpu.memref_slice %arg3[%add3A_10] : memref<160000xi32, #tpu.memory_space<hbm>> -> memref<8xi32, #tpu.memory_space<hbm>>
      %dma_start3A_28 = arith.constant 0 : i32
      %dma_start3A_29 = tpu.memref_slice %arg5[%dma_start3A_28] : memref<128xi32, #tpu.memory_space<vmem>> -> memref<8xi32, #tpu.memory_space<vmem>>
      %dma_start3A_30 = tpu.memref_slice %arg3[%add3A_10] : memref<160000xi32, #tpu.memory_space<hbm>> -> memref<8xi32, #tpu.memory_space<hbm>>
      tpu.enqueue_dma source(%dma_start3A_30 : memref<8xi32, #tpu.memory_space<hbm>>) target(%dma_start3A_29 : memref<8xi32, #tpu.memory_space<vmem>>) target_semaphore(%run_scoped3A : memref<!tpu.dma_semaphore, #tpu.memory_space<semaphore_mem>>)
      %dma_wait3A_31 = arith.constant 0 : i32
      %dma_wait3A_32 = tpu.memref_slice %arg5[%dma_wait3A_31] : memref<128xi32, #tpu.memory_space<vmem>> -> memref<8xi32, #tpu.memory_space<vmem>>
      %dma_wait3A_33 = tpu.memref_slice %arg3[%add3A_10] : memref<160000xi32, #tpu.memory_space<hbm>> -> memref<8xi32, #tpu.memory_space<hbm>>
      %dma_wait3A_34 = arith.constant 0 : i32
      %dma_wait3A_35 = tpu.memref_slice %arg5[%dma_wait3A_34] : memref<128xi32, #tpu.memory_space<vmem>> -> memref<8xi32, #tpu.memory_space<vmem>>
      %dma_wait3A_36 = tpu.memref_slice %arg3[%add3A_10] : memref<160000xi32, #tpu.memory_space<hbm>> -> memref<8xi32, #tpu.memory_space<hbm>>
      tpu.wait_dma2 semaphore(%run_scoped3A : memref<!tpu.dma_semaphore, #tpu.memory_space<semaphore_mem>>) src(%dma_wait3A_36 : memref<8xi32, #tpu.memory_space<hbm>>) dst(%dma_wait3A_35 : memref<8xi32, #tpu.memory_space<vmem>>)
      tpu.yield
    }) : () -> ()
    %dma_start3A = arith.constant 0 : i32
    %dma_start3A_11 = arith.constant 0 : i32
    %dma_start3A_12 = tpu.memref_slice %arg6[%dma_start3A, %dma_start3A_11] : memref<128x32xf32, #tpu.memory_space<vmem>> -> memref<8x32xf32, #tpu.memory_space<vmem>>
    %dma_start3A_13 = arith.constant 0 : i32
    %dma_start3A_14 = tpu.memref_slice %arg5[%dma_start3A_13] : memref<128xi32, #tpu.memory_space<vmem>> -> memref<8xi32, #tpu.memory_space<vmem>>
    %dma_start3A_15 = arith.constant 0 : i32
    %dma_start3A_16 = arith.constant 0 : i32
    %dma_start3A_17 = tpu.memref_slice %arg2[%dma_start3A_15, %dma_start3A_16] : memref<10240x32xf32, #tpu.memory_space<hbm>> -> memref<10240x32xf32, #tpu.memory_space<hbm>>
    tpu.enqueue_indirect_dma source(%dma_start3A_17 : memref<10240x32xf32, #tpu.memory_space<hbm>>) target(%dma_start3A_12 : memref<8x32xf32, #tpu.memory_space<vmem>>) offsets(%dma_start3A_14 : memref<8xi32, #tpu.memory_space<vmem>>) semaphore(%arg7 : memref<!tpu.dma_semaphore, #tpu.memory_space<semaphore_mem>>)
    %dma_wait3A = arith.constant 0 : i32
    %dma_wait3A_18 = arith.constant 0 : i32
    %dma_wait3A_19 = tpu.memref_slice %arg6[%dma_wait3A, %dma_wait3A_18] : memref<128x32xf32, #tpu.memory_space<vmem>> -> memref<8x32xf32, #tpu.memory_space<vmem>>
    %dma_wait3A_20 = arith.constant 0 : i32
    %dma_wait3A_21 = tpu.memref_slice %arg5[%dma_wait3A_20] : memref<128xi32, #tpu.memory_space<vmem>> -> memref<8xi32, #tpu.memory_space<vmem>>
    %dma_wait3A_22 = arith.constant 0 : i32
    %dma_wait3A_23 = arith.constant 0 : i32
    %dma_wait3A_24 = tpu.memref_slice %arg2[%dma_wait3A_22, %dma_wait3A_23] : memref<10240x32xf32, #tpu.memory_space<hbm>> -> memref<10240x32xf32, #tpu.memory_space<hbm>>
    tpu.wait_indirect_dma semaphore(%arg7 : memref<!tpu.dma_semaphore, #tpu.memory_space<semaphore_mem>>) src(%dma_wait3A_24 : memref<10240x32xf32, #tpu.memory_space<hbm>>) dst(%dma_wait3A_19 : memref<8x32xf32, #tpu.memory_space<vmem>>)
    "tpu.region"() ({
      %run_scoped3A = tpu.sem_alloc : memref<!tpu.dma_semaphore, #tpu.memory_space<semaphore_mem>>
      %dma_start3A_25 = arith.constant 0 : i32
      %dma_start3A_26 = arith.constant 0 : i32
      %dma_start3A_27 = tpu.memref_slice %arg6[%dma_start3A_25, %dma_start3A_26] : memref<128x32xf32, #tpu.memory_space<vmem>> -> memref<8x32xf32, #tpu.memory_space<vmem>>
      %dma_start3A_28 = arith.constant 0 : i32
      %dma_start3A_29 = tpu.memref_slice %arg4[%add3A_10, %dma_start3A_28] : memref<160000x32xf32, #tpu.memory_space<hbm>> -> memref<8x32xf32, #tpu.memory_space<hbm>>
      %dma_start3A_30 = arith.constant 0 : i32
      %dma_start3A_31 = tpu.memref_slice %arg4[%add3A_10, %dma_start3A_30] : memref<160000x32xf32, #tpu.memory_space<hbm>> -> memref<8x32xf32, #tpu.memory_space<hbm>>
      %dma_start3A_32 = arith.constant 0 : i32
      %dma_start3A_33 = arith.constant 0 : i32
      %dma_start3A_34 = tpu.memref_slice %arg6[%dma_start3A_32, %dma_start3A_33] : memref<128x32xf32, #tpu.memory_space<vmem>> -> memref<8x32xf32, #tpu.memory_space<vmem>>
      tpu.enqueue_dma source(%dma_start3A_34 : memref<8x32xf32, #tpu.memory_space<vmem>>) target(%dma_start3A_31 : memref<8x32xf32, #tpu.memory_space<hbm>>) target_semaphore(%run_scoped3A : memref<!tpu.dma_semaphore, #tpu.memory_space<semaphore_mem>>)
      %dma_wait3A_35 = arith.constant 0 : i32
      %dma_wait3A_36 = arith.constant 0 : i32
      %dma_wait3A_37 = tpu.memref_slice %arg6[%dma_wait3A_35, %dma_wait3A_36] : memref<128x32xf32, #tpu.memory_space<vmem>> -> memref<8x32xf32, #tpu.memory_space<vmem>>
      %dma_wait3A_38 = arith.constant 0 : i32
      %dma_wait3A_39 = tpu.memref_slice %arg4[%add3A_10, %dma_wait3A_38] : memref<160000x32xf32, #tpu.memory_space<hbm>> -> memref<8x32xf32, #tpu.memory_space<hbm>>
      %dma_wait3A_40 = arith.constant 0 : i32
      %dma_wait3A_41 = tpu.memref_slice %arg4[%add3A_10, %dma_wait3A_40] : memref<160000x32xf32, #tpu.memory_space<hbm>> -> memref<8x32xf32, #tpu.memory_space<hbm>>
      %dma_wait3A_42 = arith.constant 0 : i32
      %dma_wait3A_43 = arith.constant 0 : i32
      %dma_wait3A_44 = tpu.memref_slice %arg6[%dma_wait3A_42, %dma_wait3A_43] : memref<128x32xf32, #tpu.memory_space<vmem>> -> memref<8x32xf32, #tpu.memory_space<vmem>>
      tpu.wait_dma2 semaphore(%run_scoped3A : memref<!tpu.dma_semaphore, #tpu.memory_space<semaphore_mem>>) src(%dma_wait3A_44 : memref<8x32xf32, #tpu.memory_space<vmem>>) dst(%dma_wait3A_41 : memref<8x32xf32, #tpu.memory_space<hbm>>)
      tpu.yield
    }) : () -> ()
    return
  }
}

#map = affine_map<(d0, d1) -> (0, 0)>
#map1 = affine_map<(d0, d1) -> (0)>
module attributes {stable_mosaic.version = 14 : i64} {
  func.func @sc_gather(%arg0: i32, %arg1: i32, %arg2: memref<10240x32xf32, #tpu.memory_space<hbm>>, %arg3: memref<160000xi32, #tpu.memory_space<hbm>>, %arg4: memref<160000x32xf32, #tpu.memory_space<hbm>>, %arg5: memref<128xi32, #tpu.memory_space<vmem>>, %arg6: memref<128x32xf32, #tpu.memory_space<vmem>>, %arg7: memref<!tpu.dma_semaphore, #tpu.memory_space<semaphore_mem>>) attributes {dimension_semantics = [#tpu.dimension_semantics<core_parallel>, #tpu.dimension_semantics<subcore_parallel>], iteration_bounds = array<i64: 2, 16>, scalar_prefetch = 0 : i64, scratch_operands = 3 : i64, tpu.core_type = #tpu.core_type<sc_vector_subcore>, window_params = [{transform_indices = #map}, {transform_indices = #map1}, {transform_indices = #map}]} {
    %mul3A = arith.constant 2 : i32
    %mul3A_0 = arith.muli %arg1, %mul3A : i32
    %add3A = arith.addi %mul3A_0, %arg0 : i32
    %mul3A_1 = arith.constant 5000 : i32
    %mul3A_2 = arith.muli %add3A, %mul3A_1 : i32
    %scan3A = arith.constant 0 : i32
    %scan3A_3 = arith.constant 0 : i32
    %scan3A_4 = arith.constant 39 : i32
    %scan3A_5 = arith.addi %scan3A_3, %scan3A_4 : i32
    %scan3A_6 = arith.constant 1 : i32
    %scan3A_7 = scf.for %scan3A_25 = %scan3A_3 to %scan3A_5 step %scan3A_6 iter_args(%scan3A_26 = %scan3A) -> (i32)  : i32 {
      %mul3A_27 = arith.constant 128 : i32
      %mul3A_28 = arith.muli %scan3A_25, %mul3A_27 : i32
      %add3A_29 = arith.addi %mul3A_2, %mul3A_28 : i32
      "tpu.region"() ({
        %run_scoped3A = tpu.sem_alloc : memref<!tpu.dma_semaphore, #tpu.memory_space<semaphore_mem>>
        %dma_start3A_37 = tpu.memref_slice %arg3[%add3A_29] : memref<160000xi32, #tpu.memory_space<hbm>> -> memref<128xi32, #tpu.memory_space<hbm>>
        %dma_start3A_38 = tpu.memref_slice %arg3[%add3A_29] : memref<160000xi32, #tpu.memory_space<hbm>> -> memref<128xi32, #tpu.memory_space<hbm>>
        tpu.enqueue_dma source(%dma_start3A_38 : memref<128xi32, #tpu.memory_space<hbm>>) target(%arg5 : memref<128xi32, #tpu.memory_space<vmem>>) target_semaphore(%run_scoped3A : memref<!tpu.dma_semaphore, #tpu.memory_space<semaphore_mem>>)
        %dma_wait3A_39 = tpu.memref_slice %arg3[%add3A_29] : memref<160000xi32, #tpu.memory_space<hbm>> -> memref<128xi32, #tpu.memory_space<hbm>>
        %dma_wait3A_40 = tpu.memref_slice %arg3[%add3A_29] : memref<160000xi32, #tpu.memory_space<hbm>> -> memref<128xi32, #tpu.memory_space<hbm>>
        tpu.wait_dma2 semaphore(%run_scoped3A : memref<!tpu.dma_semaphore, #tpu.memory_space<semaphore_mem>>) src(%dma_wait3A_40 : memref<128xi32, #tpu.memory_space<hbm>>) dst(%arg5 : memref<128xi32, #tpu.memory_space<vmem>>)
        tpu.yield
      }) : () -> ()
      %dma_start3A_30 = arith.constant 0 : i32
      %dma_start3A_31 = arith.constant 0 : i32
      %dma_start3A_32 = tpu.memref_slice %arg2[%dma_start3A_30, %dma_start3A_31] : memref<10240x32xf32, #tpu.memory_space<hbm>> -> memref<10240x32xf32, #tpu.memory_space<hbm>>
      tpu.enqueue_indirect_dma source(%dma_start3A_32 : memref<10240x32xf32, #tpu.memory_space<hbm>>) target(%arg6 : memref<128x32xf32, #tpu.memory_space<vmem>>) offsets(%arg5 : memref<128xi32, #tpu.memory_space<vmem>>) semaphore(%arg7 : memref<!tpu.dma_semaphore, #tpu.memory_space<semaphore_mem>>)
      %dma_wait3A_33 = arith.constant 0 : i32
      %dma_wait3A_34 = arith.constant 0 : i32
      %dma_wait3A_35 = tpu.memref_slice %arg2[%dma_wait3A_33, %dma_wait3A_34] : memref<10240x32xf32, #tpu.memory_space<hbm>> -> memref<10240x32xf32, #tpu.memory_space<hbm>>
      tpu.wait_indirect_dma semaphore(%arg7 : memref<!tpu.dma_semaphore, #tpu.memory_space<semaphore_mem>>) src(%dma_wait3A_35 : memref<10240x32xf32, #tpu.memory_space<hbm>>) dst(%arg6 : memref<128x32xf32, #tpu.memory_space<vmem>>)
      "tpu.region"() ({
        %run_scoped3A = tpu.sem_alloc : memref<!tpu.dma_semaphore, #tpu.memory_space<semaphore_mem>>
        %dma_start3A_37 = arith.constant 0 : i32
        %dma_start3A_38 = tpu.memref_slice %arg4[%add3A_29, %dma_start3A_37] : memref<160000x32xf32, #tpu.memory_space<hbm>> -> memref<128x32xf32, #tpu.memory_space<hbm>>
        %dma_start3A_39 = arith.constant 0 : i32
        %dma_start3A_40 = tpu.memref_slice %arg4[%add3A_29, %dma_start3A_39] : memref<160000x32xf32, #tpu.memory_space<hbm>> -> memref<128x32xf32, #tpu.memory_space<hbm>>
        tpu.enqueue_dma source(%arg6 : memref<128x32xf32, #tpu.memory_space<vmem>>) target(%dma_start3A_40 : memref<128x32xf32, #tpu.memory_space<hbm>>) target_semaphore(%run_scoped3A : memref<!tpu.dma_semaphore, #tpu.memory_space<semaphore_mem>>)
        %dma_wait3A_41 = arith.constant 0 : i32
        %dma_wait3A_42 = tpu.memref_slice %arg4[%add3A_29, %dma_wait3A_41] : memref<160000x32xf32, #tpu.memory_space<hbm>> -> memref<128x32xf32, #tpu.memory_space<hbm>>
        %dma_wait3A_43 = arith.constant 0 : i32
        %dma_wait3A_44 = tpu.memref_slice %arg4[%add3A_29, %dma_wait3A_43] : memref<160000x32xf32, #tpu.memory_space<hbm>> -> memref<128x32xf32, #tpu.memory_space<hbm>>
        tpu.wait_dma2 semaphore(%run_scoped3A : memref<!tpu.dma_semaphore, #tpu.memory_space<semaphore_mem>>) src(%arg6 : memref<128x32xf32, #tpu.memory_space<vmem>>) dst(%dma_wait3A_44 : memref<128x32xf32, #tpu.memory_space<hbm>>)
        tpu.yield
      }) : () -> ()
      %scan3A_36 = arith.constant 0 : i32
      scf.yield %scan3A_36 : i32
    }
    %scan3A_8 = arith.constant 39 : i32
    %add3A_9 = arith.constant 4992 : i32
    %add3A_10 = arith.addi %mul3A_2, %add3A_9 : i32
    "tpu.region"() ({
      %run_scoped3A = tpu.sem_alloc : memref<!tpu.dma_semaphore, #tpu.memory_space<semaphore_mem>>
      %dma_start3A_25 = arith.constant 0 : i32
      %dma_start3A_26 = tpu.memref_slice %arg5[%dma_start3A_25] : memref<128xi32, #tpu.memory_space<vmem>> -> memref<8xi32, #tpu.memory_space<vmem>>
      %dma_start3A_27 = tpu.memref_slice %arg3[%add3A_10] : memref<160000xi32, #tpu.memory_space<hbm>> -> memref<8xi32, #tpu.memory_space<hbm>>
      %dma_start3A_28 = arith.constant 0 : i32
      %dma_start3A_29 = tpu.memref_slice %arg5[%dma_start3A_28] : memref<128xi32, #tpu.memory_space<vmem>> -> memref<8xi32, #tpu.memory_space<vmem>>
      %dma_start3A_30 = tpu.memref_slice %arg3[%add3A_10] : memref<160000xi32, #tpu.memory_space<hbm>> -> memref<8xi32, #tpu.memory_space<hbm>>
      tpu.enqueue_dma source(%dma_start3A_30 : memref<8xi32, #tpu.memory_space<hbm>>) target(%dma_start3A_29 : memref<8xi32, #tpu.memory_space<vmem>>) target_semaphore(%run_scoped3A : memref<!tpu.dma_semaphore, #tpu.memory_space<semaphore_mem>>)
      %dma_wait3A_31 = arith.constant 0 : i32
      %dma_wait3A_32 = tpu.memref_slice %arg5[%dma_wait3A_31] : memref<128xi32, #tpu.memory_space<vmem>> -> memref<8xi32, #tpu.memory_space<vmem>>
      %dma_wait3A_33 = tpu.memref_slice %arg3[%add3A_10] : memref<160000xi32, #tpu.memory_space<hbm>> -> memref<8xi32, #tpu.memory_space<hbm>>
      %dma_wait3A_34 = arith.constant 0 : i32
      %dma_wait3A_35 = tpu.memref_slice %arg5[%dma_wait3A_34] : memref<128xi32, #tpu.memory_space<vmem>> -> memref<8xi32, #tpu.memory_space<vmem>>
      %dma_wait3A_36 = tpu.memref_slice %arg3[%add3A_10] : memref<160000xi32, #tpu.memory_space<hbm>> -> memref<8xi32, #tpu.memory_space<hbm>>
      tpu.wait_dma2 semaphore(%run_scoped3A : memref<!tpu.dma_semaphore, #tpu.memory_space<semaphore_mem>>) src(%dma_wait3A_36 : memref<8xi32, #tpu.memory_space<hbm>>) dst(%dma_wait3A_35 : memref<8xi32, #tpu.memory_space<vmem>>)
      tpu.yield
    }) : () -> ()
    %dma_start3A = arith.constant 0 : i32
    %dma_start3A_11 = arith.constant 0 : i32
    %dma_start3A_12 = tpu.memref_slice %arg6[%dma_start3A, %dma_start3A_11] : memref<128x32xf32, #tpu.memory_space<vmem>> -> memref<8x32xf32, #tpu.memory_space<vmem>>
    %dma_start3A_13 = arith.constant 0 : i32
    %dma_start3A_14 = tpu.memref_slice %arg5[%dma_start3A_13] : memref<128xi32, #tpu.memory_space<vmem>> -> memref<8xi32, #tpu.memory_space<vmem>>
    %dma_start3A_15 = arith.constant 0 : i32
    %dma_start3A_16 = arith.constant 0 : i32
    %dma_start3A_17 = tpu.memref_slice %arg2[%dma_start3A_15, %dma_start3A_16] : memref<10240x32xf32, #tpu.memory_space<hbm>> -> memref<10240x32xf32, #tpu.memory_space<hbm>>
    tpu.enqueue_indirect_dma source(%dma_start3A_17 : memref<10240x32xf32, #tpu.memory_space<hbm>>) target(%dma_start3A_12 : memref<8x32xf32, #tpu.memory_space<vmem>>) offsets(%dma_start3A_14 : memref<8xi32, #tpu.memory_space<vmem>>) semaphore(%arg7 : memref<!tpu.dma_semaphore, #tpu.memory_space<semaphore_mem>>)
    %dma_wait3A = arith.constant 0 : i32
    %dma_wait3A_18 = arith.constant 0 : i32
    %dma_wait3A_19 = tpu.memref_slice %arg6[%dma_wait3A, %dma_wait3A_18] : memref<128x32xf32, #tpu.memory_space<vmem>> -> memref<8x32xf32, #tpu.memory_space<vmem>>
    %dma_wait3A_20 = arith.constant 0 : i32
    %dma_wait3A_21 = tpu.memref_slice %arg5[%dma_wait3A_20] : memref<128xi32, #tpu.memory_space<vmem>> -> memref<8xi32, #tpu.memory_space<vmem>>
    %dma_wait3A_22 = arith.constant 0 : i32
    %dma_wait3A_23 = arith.constant 0 : i32
    %dma_wait3A_24 = tpu.memref_slice %arg2[%dma_wait3A_22, %dma_wait3A_23] : memref<10240x32xf32, #tpu.memory_space<hbm>> -> memref<10240x32xf32, #tpu.memory_space<hbm>>
    tpu.wait_indirect_dma semaphore(%arg7 : memref<!tpu.dma_semaphore, #tpu.memory_space<semaphore_mem>>) src(%dma_wait3A_24 : memref<10240x32xf32, #tpu.memory_space<hbm>>) dst(%dma_wait3A_19 : memref<8x32xf32, #tpu.memory_space<vmem>>)
    "tpu.region"() ({
      %run_scoped3A = tpu.sem_alloc : memref<!tpu.dma_semaphore, #tpu.memory_space<semaphore_mem>>
      %dma_start3A_25 = arith.constant 0 : i32
      %dma_start3A_26 = arith.constant 0 : i32
      %dma_start3A_27 = tpu.memref_slice %arg6[%dma_start3A_25, %dma_start3A_26] : memref<128x32xf32, #tpu.memory_space<vmem>> -> memref<8x32xf32, #tpu.memory_space<vmem>>
      %dma_start3A_28 = arith.constant 0 : i32
      %dma_start3A_29 = tpu.memref_slice %arg4[%add3A_10, %dma_start3A_28] : memref<160000x32xf32, #tpu.memory_space<hbm>> -> memref<8x32xf32, #tpu.memory_space<hbm>>
      %dma_start3A_30 = arith.constant 0 : i32
      %dma_start3A_31 = tpu.memref_slice %arg4[%add3A_10, %dma_start3A_30] : memref<160000x32xf32, #tpu.memory_space<hbm>> -> memref<8x32xf32, #tpu.memory_space<hbm>>
      %dma_start3A_32 = arith.constant 0 : i32
      %dma_start3A_33 = arith.constant 0 : i32
      %dma_start3A_34 = tpu.memref_slice %arg6[%dma_start3A_32, %dma_start3A_33] : memref<128x32xf32, #tpu.memory_space<vmem>> -> memref<8x32xf32, #tpu.memory_space<vmem>>
      tpu.enqueue_dma source(%dma_start3A_34 : memref<8x32xf32, #tpu.memory_space<vmem>>) target(%dma_start3A_31 : memref<8x32xf32, #tpu.memory_space<hbm>>) target_semaphore(%run_scoped3A : memref<!tpu.dma_semaphore, #tpu.memory_space<semaphore_mem>>)
      %dma_wait3A_35 = arith.constant 0 : i32
      %dma_wait3A_36 = arith.constant 0 : i32
      %dma_wait3A_37 = tpu.memref_slice %arg6[%dma_wait3A_35, %dma_wait3A_36] : memref<128x32xf32, #tpu.memory_space<vmem>> -> memref<8x32xf32, #tpu.memory_space<vmem>>
      %dma_wait3A_38 = arith.constant 0 : i32
      %dma_wait3A_39 = tpu.memref_slice %arg4[%add3A_10, %dma_wait3A_38] : memref<160000x32xf32, #tpu.memory_space<hbm>> -> memref<8x32xf32, #tpu.memory_space<hbm>>
      %dma_wait3A_40 = arith.constant 0 : i32
      %dma_wait3A_41 = tpu.memref_slice %arg4[%add3A_10, %dma_wait3A_40] : memref<160000x32xf32, #tpu.memory_space<hbm>> -> memref<8x32xf32, #tpu.memory_space<hbm>>
      %dma_wait3A_42 = arith.constant 0 : i32
      %dma_wait3A_43 = arith.constant 0 : i32
      %dma_wait3A_44 = tpu.memref_slice %arg6[%dma_wait3A_42, %dma_wait3A_43] : memref<128x32xf32, #tpu.memory_space<vmem>> -> memref<8x32xf32, #tpu.memory_space<vmem>>
      tpu.wait_dma2 semaphore(%run_scoped3A : memref<!tpu.dma_semaphore, #tpu.memory_space<semaphore_mem>>) src(%dma_wait3A_44 : memref<8x32xf32, #tpu.memory_space<vmem>>) dst(%dma_wait3A_41 : memref<8x32xf32, #tpu.memory_space<hbm>>)
      tpu.yield
    }) : () -> ()
    return
  }
}

#map = affine_map<(d0, d1) -> (0, 0)>
#map1 = affine_map<(d0, d1) -> (0)>
module attributes {stable_mosaic.version = 14 : i64} {
  func.func @sc_scatter(%arg0: i32, %arg1: i32, %arg2: memref<160000x32xf32, #tpu.memory_space<hbm>>, %arg3: memref<160128xi32, #tpu.memory_space<hbm>>, %arg4: memref<160128xi32, #tpu.memory_space<hbm>>, %arg5: memref<10256xi32, #tpu.memory_space<hbm>>, %arg6: memref<327680xf32, #tpu.memory_space<hbm>>, %arg7: memref<10240xf32, #tpu.memory_space<vmem>>, %arg8: memref<128x32xf32, #tpu.memory_space<vmem>>, %arg9: memref<128xi32, #tpu.memory_space<vmem>>, %arg10: memref<336xi32, #tpu.memory_space<vmem>>, %arg11: memref<144xi32, #tpu.memory_space<vmem>>, %arg12: memref<!tpu.dma_semaphore, #tpu.memory_space<semaphore_mem>>) attributes {dimension_semantics = [#tpu.dimension_semantics<core_parallel>, #tpu.dimension_semantics<subcore_parallel>], iteration_bounds = array<i64: 2, 16>, scalar_prefetch = 0 : i64, scratch_operands = 6 : i64, tpu.core_type = #tpu.core_type<sc_vector_subcore>, window_params = [{transform_indices = #map}, {transform_indices = #map1}, {transform_indices = #map1}, {transform_indices = #map1}, {transform_indices = #map1}]} {
    %mul3A = arith.constant 2 : i32
    %mul3A_0 = arith.muli %arg1, %mul3A : i32
    %add3A = arith.addi %mul3A_0, %arg0 : i32
    %broadcast_in_dim3A = arith.constant 0.000000e+00 : f32
    %broadcast_in_dim3A_1 = vector.broadcast %broadcast_in_dim3A : f32 to vector<16xf32>
    %mul3A_2 = arith.constant 320 : i32
    %mul3A_3 = arith.muli %add3A, %mul3A_2 : i32
    "tpu.region"() ({
      %run_scoped3A = tpu.sem_alloc : memref<!tpu.dma_semaphore, #tpu.memory_space<semaphore_mem>>
      %dma_start3A = tpu.memref_slice %arg5[%mul3A_3] : memref<10256xi32, #tpu.memory_space<hbm>> -> memref<336xi32, #tpu.memory_space<hbm>>
      %dma_start3A_79 = tpu.memref_slice %arg5[%mul3A_3] : memref<10256xi32, #tpu.memory_space<hbm>> -> memref<336xi32, #tpu.memory_space<hbm>>
      tpu.enqueue_dma source(%dma_start3A_79 : memref<336xi32, #tpu.memory_space<hbm>>) target(%arg10 : memref<336xi32, #tpu.memory_space<vmem>>) target_semaphore(%run_scoped3A : memref<!tpu.dma_semaphore, #tpu.memory_space<semaphore_mem>>)
      %dma_wait3A = tpu.memref_slice %arg5[%mul3A_3] : memref<10256xi32, #tpu.memory_space<hbm>> -> memref<336xi32, #tpu.memory_space<hbm>>
      %dma_wait3A_80 = tpu.memref_slice %arg5[%mul3A_3] : memref<10256xi32, #tpu.memory_space<hbm>> -> memref<336xi32, #tpu.memory_space<hbm>>
      tpu.wait_dma2 semaphore(%run_scoped3A : memref<!tpu.dma_semaphore, #tpu.memory_space<semaphore_mem>>) src(%dma_wait3A_80 : memref<336xi32, #tpu.memory_space<hbm>>) dst(%arg10 : memref<336xi32, #tpu.memory_space<vmem>>)
      tpu.yield
    }) : () -> ()
    %get3A = arith.constant 0 : index
    %get3A_4 = tpu.vector_load %arg10[%get3A] {strides = array<i32>} : memref<336xi32, #tpu.memory_space<vmem>>, vector<16xi32>,
    %get3A_5 = vector.shape_cast %get3A_4 : vector<16xi32> to vector<16xi32>
    %slice3A = vector.extract_strided_slice %get3A_5 {offsets = [0], sizes = [1], strides = [1]} : vector<16xi32> to vector<1xi32>
    %squeeze3A = vector.extract %slice3A[0] : i32 from vector<1xi32>
    %get3A_6 = arith.constant 320 : index
    %get3A_7 = tpu.vector_load %arg10[%get3A_6] {strides = array<i32>} : memref<336xi32, #tpu.memory_space<vmem>>, vector<16xi32>,
    %get3A_8 = vector.shape_cast %get3A_7 : vector<16xi32> to vector<16xi32>
    %slice3A_9 = vector.extract_strided_slice %get3A_8 {offsets = [0], sizes = [1], strides = [1]} : vector<16xi32> to vector<1xi32>
    %squeeze3A_10 = vector.extract %slice3A_9[0] : i32 from vector<1xi32>
    %scan3A = arith.constant 0 : i32
    %scan3A_11 = arith.constant 0 : i32
    %scan3A_12 = arith.constant 640 : i32
    %scan3A_13 = arith.addi %scan3A_11, %scan3A_12 : i32
    %scan3A_14 = arith.constant 1 : i32
    %scan3A_15 = scf.for %scan3A_79 = %scan3A_11 to %scan3A_13 step %scan3A_14 iter_args(%scan3A_80 = %scan3A) -> (i32)  : i32 {
      %mul3A_81 = arith.constant 16 : i32
      %mul3A_82 = arith.muli %scan3A_79, %mul3A_81 : i32
      %swap3A = arith.index_cast %mul3A_82 : i32 to index
      %swap3A_83 = tpu.vector_load %arg7[%swap3A] {strides = array<i32>} : memref<10240xf32, #tpu.memory_space<vmem>>, vector<16xf32>,
      %swap3A_84 = vector.shape_cast %swap3A_83 : vector<16xf32> to vector<16xf32>
      %swap3A_85 = vector.shape_cast %broadcast_in_dim3A_1 : vector<16xf32> to vector<16xf32>
      tpu.vector_store %arg7[%swap3A], %swap3A_85 {strides = array<i32>} : memref<10240xf32, #tpu.memory_space<vmem>>, vector<16xf32>,
      %scan3A_86 = arith.constant 0 : i32
      scf.yield %scan3A_86 : i32
    }
    %scan3A_16 = arith.constant 640 : i32
    %jit3A = arith.constant 8 : i32
    %div3A = arith.divsi %squeeze3A, %jit3A : i32
    %sign3A = arith.constant 0 : i32
    %sign3A_17 = arith.cmpi sgt, %squeeze3A, %sign3A : i32
    %sign3A_18 = arith.extui %sign3A_17 : i1 to i32
    %sign3A_19 = arith.constant 0 : i32
    %sign3A_20 = arith.cmpi slt, %squeeze3A, %sign3A_19 : i32
    %sign3A_21 = arith.extui %sign3A_20 : i1 to i32
    %sign3A_22 = arith.subi %sign3A_18, %sign3A_21 : i32
    %sign3A_23 = arith.constant 0 : i32
    %sign3A_24 = arith.cmpi sgt, %jit3A, %sign3A_23 : i32
    %sign3A_25 = arith.extui %sign3A_24 : i1 to i32
    %sign3A_26 = arith.constant 0 : i32
    %sign3A_27 = arith.cmpi slt, %jit3A, %sign3A_26 : i32
    %sign3A_28 = arith.extui %sign3A_27 : i1 to i32
    %sign3A_29 = arith.subi %sign3A_25, %sign3A_28 : i32
    %ne3A = arith.cmpi ne, %sign3A_22, %sign3A_29 : i32
    %rem3A = arith.remsi %squeeze3A, %jit3A : i32
    %ne3A_30 = arith.constant 0 : i32
    %ne3A_31 = arith.cmpi ne, %rem3A, %ne3A_30 : i32
    %and3A = arith.andi %ne3A, %ne3A_31 : i1
    %sub3A = arith.constant 1 : i32
    %sub3A_32 = arith.subi %div3A, %sub3A : i32
    %select_n3A = arith.select %and3A, %sub3A_32, %div3A : i32
    %mul3A_33 = arith.constant 8 : i32
    %mul3A_34 = arith.muli %select_n3A, %mul3A_33 : i32
    %sub3A_35 = arith.subi %squeeze3A_10, %mul3A_34 : i32
    %add3A_36 = arith.constant 128 : i32
    %add3A_37 = arith.addi %sub3A_35, %add3A_36 : i32
    %sub3A_38 = arith.constant 1 : i32
    %sub3A_39 = arith.subi %add3A_37, %sub3A_38 : i32
    %jit3A_40 = arith.constant 128 : i32
    %div3A_41 = arith.divsi %sub3A_39, %jit3A_40 : i32
    %sign3A_42 = arith.constant 0 : i32
    %sign3A_43 = arith.cmpi sgt, %sub3A_39, %sign3A_42 : i32
    %sign3A_44 = arith.extui %sign3A_43 : i1 to i32
    %sign3A_45 = arith.constant 0 : i32
    %sign3A_46 = arith.cmpi slt, %sub3A_39, %sign3A_45 : i32
    %sign3A_47 = arith.extui %sign3A_46 : i1 to i32
    %sign3A_48 = arith.subi %sign3A_44, %sign3A_47 : i32
    %sign3A_49 = arith.constant 0 : i32
    %sign3A_50 = arith.cmpi sgt, %jit3A_40, %sign3A_49 : i32
    %sign3A_51 = arith.extui %sign3A_50 : i1 to i32
    %sign3A_52 = arith.constant 0 : i32
    %sign3A_53 = arith.cmpi slt, %jit3A_40, %sign3A_52 : i32
    %sign3A_54 = arith.extui %sign3A_53 : i1 to i32
    %sign3A_55 = arith.subi %sign3A_51, %sign3A_54 : i32
    %ne3A_56 = arith.cmpi ne, %sign3A_48, %sign3A_55 : i32
    %rem3A_57 = arith.remsi %sub3A_39, %jit3A_40 : i32
    %ne3A_58 = arith.constant 0 : i32
    %ne3A_59 = arith.cmpi ne, %rem3A_57, %ne3A_58 : i32
    %and3A_60 = arith.andi %ne3A_56, %ne3A_59 : i1
    %sub3A_61 = arith.constant 1 : i32
    %sub3A_62 = arith.subi %div3A_41, %sub3A_61 : i32
    %select_n3A_63 = arith.select %and3A_60, %sub3A_62, %div3A_41 : i32
    %while3A = arith.constant 0 : i32
    %while3A_64 = arith.constant 0 : i32
    %while3A_65 = arith.subi %select_n3A_63, %while3A : i32
    %while3A_66 = arith.addi %while3A, %while3A_65 : i32
    %while3A_67 = arith.constant 1 : i32
    %while3A_68 = arith.divsi %while3A_65, %while3A_67 : i32
    %while3A_69 = arith.muli %while3A_68, %while3A_67 : i32
    %while3A_70 = arith.addi %while3A, %while3A_69 : i32
    %while3A_71 = arith.constant 1 : i32
    %while3A_72 = scf.for %while3A_79 = %while3A to %while3A_70 step %while3A_71 iter_args(%while3A_80 = %while3A_64) -> (i32)  : i32 {
      %mul3A_81 = arith.constant 128 : i32
      %mul3A_82 = arith.muli %while3A_79, %mul3A_81 : i32
      %add3A_83 = arith.addi %mul3A_34, %mul3A_82 : i32
      "tpu.region"() ({
        %run_scoped3A = tpu.sem_alloc : memref<!tpu.dma_semaphore, #tpu.memory_space<semaphore_mem>>
        %dma_start3A_102 = tpu.memref_slice %arg3[%add3A_83] : memref<160128xi32, #tpu.memory_space<hbm>> -> memref<128xi32, #tpu.memory_space<hbm>>
        %dma_start3A_103 = tpu.memref_slice %arg3[%add3A_83] : memref<160128xi32, #tpu.memory_space<hbm>> -> memref<128xi32, #tpu.memory_space<hbm>>
        tpu.enqueue_dma source(%dma_start3A_103 : memref<128xi32, #tpu.memory_space<hbm>>) target(%arg9 : memref<128xi32, #tpu.memory_space<vmem>>) target_semaphore(%run_scoped3A : memref<!tpu.dma_semaphore, #tpu.memory_space<semaphore_mem>>)
        %dma_wait3A_104 = tpu.memref_slice %arg3[%add3A_83] : memref<160128xi32, #tpu.memory_space<hbm>> -> memref<128xi32, #tpu.memory_space<hbm>>
        %dma_wait3A_105 = tpu.memref_slice %arg3[%add3A_83] : memref<160128xi32, #tpu.memory_space<hbm>> -> memref<128xi32, #tpu.memory_space<hbm>>
        tpu.wait_dma2 semaphore(%run_scoped3A : memref<!tpu.dma_semaphore, #tpu.memory_space<semaphore_mem>>) src(%dma_wait3A_105 : memref<128xi32, #tpu.memory_space<hbm>>) dst(%arg9 : memref<128xi32, #tpu.memory_space<vmem>>)
        tpu.yield
      }) : () -> ()
      "tpu.region"() ({
        %run_scoped3A = tpu.sem_alloc : memref<!tpu.dma_semaphore, #tpu.memory_space<semaphore_mem>>
        %dma_start3A_102 = arith.constant 0 : i32
        %dma_start3A_103 = tpu.memref_slice %arg11[%dma_start3A_102] : memref<144xi32, #tpu.memory_space<vmem>> -> memref<128xi32, #tpu.memory_space<vmem>>
        %dma_start3A_104 = tpu.memref_slice %arg4[%add3A_83] : memref<160128xi32, #tpu.memory_space<hbm>> -> memref<128xi32, #tpu.memory_space<hbm>>
        %dma_start3A_105 = arith.constant 0 : i32
        %dma_start3A_106 = tpu.memref_slice %arg11[%dma_start3A_105] : memref<144xi32, #tpu.memory_space<vmem>> -> memref<128xi32, #tpu.memory_space<vmem>>
        %dma_start3A_107 = tpu.memref_slice %arg4[%add3A_83] : memref<160128xi32, #tpu.memory_space<hbm>> -> memref<128xi32, #tpu.memory_space<hbm>>
        tpu.enqueue_dma source(%dma_start3A_107 : memref<128xi32, #tpu.memory_space<hbm>>) target(%dma_start3A_106 : memref<128xi32, #tpu.memory_space<vmem>>) target_semaphore(%run_scoped3A : memref<!tpu.dma_semaphore, #tpu.memory_space<semaphore_mem>>)
        %dma_wait3A_108 = arith.constant 0 : i32
        %dma_wait3A_109 = tpu.memref_slice %arg11[%dma_wait3A_108] : memref<144xi32, #tpu.memory_space<vmem>> -> memref<128xi32, #tpu.memory_space<vmem>>
        %dma_wait3A_110 = tpu.memref_slice %arg4[%add3A_83] : memref<160128xi32, #tpu.memory_space<hbm>> -> memref<128xi32, #tpu.memory_space<hbm>>
        %dma_wait3A_111 = arith.constant 0 : i32
        %dma_wait3A_112 = tpu.memref_slice %arg11[%dma_wait3A_111] : memref<144xi32, #tpu.memory_space<vmem>> -> memref<128xi32, #tpu.memory_space<vmem>>
        %dma_wait3A_113 = tpu.memref_slice %arg4[%add3A_83] : memref<160128xi32, #tpu.memory_space<hbm>> -> memref<128xi32, #tpu.memory_space<hbm>>
        tpu.wait_dma2 semaphore(%run_scoped3A : memref<!tpu.dma_semaphore, #tpu.memory_space<semaphore_mem>>) src(%dma_wait3A_113 : memref<128xi32, #tpu.memory_space<hbm>>) dst(%dma_wait3A_112 : memref<128xi32, #tpu.memory_space<vmem>>)
        tpu.yield
      }) : () -> ()
      %dma_start3A = arith.constant 0 : i32
      %dma_start3A_84 = arith.constant 0 : i32
      %dma_start3A_85 = tpu.memref_slice %arg2[%dma_start3A, %dma_start3A_84] : memref<160000x32xf32, #tpu.memory_space<hbm>> -> memref<160000x32xf32, #tpu.memory_space<hbm>>
      tpu.enqueue_indirect_dma source(%dma_start3A_85 : memref<160000x32xf32, #tpu.memory_space<hbm>>) target(%arg8 : memref<128x32xf32, #tpu.memory_space<vmem>>) offsets(%arg9 : memref<128xi32, #tpu.memory_space<vmem>>) semaphore(%arg12 : memref<!tpu.dma_semaphore, #tpu.memory_space<semaphore_mem>>)
      %dma_wait3A = arith.constant 0 : i32
      %dma_wait3A_86 = arith.constant 0 : i32
      %dma_wait3A_87 = tpu.memref_slice %arg2[%dma_wait3A, %dma_wait3A_86] : memref<160000x32xf32, #tpu.memory_space<hbm>> -> memref<160000x32xf32, #tpu.memory_space<hbm>>
      tpu.wait_indirect_dma semaphore(%arg12 : memref<!tpu.dma_semaphore, #tpu.memory_space<semaphore_mem>>) src(%dma_wait3A_87 : memref<160000x32xf32, #tpu.memory_space<hbm>>) dst(%arg8 : memref<128x32xf32, #tpu.memory_space<vmem>>)
      %max3A = arith.maxsi %add3A_83, %squeeze3A : i32
      %add3A_88 = arith.constant 128 : i32
      %add3A_89 = arith.addi %add3A_83, %add3A_88 : i32
      %min3A = arith.minsi %add3A_89, %squeeze3A_10 : i32
      %while3A_90 = arith.constant 0 : i32
      %while3A_91 = arith.subi %min3A, %max3A : i32
      %while3A_92 = arith.addi %max3A, %while3A_91 : i32
      %while3A_93 = arith.constant 1 : i32
      %while3A_94 = arith.divsi %while3A_91, %while3A_93 : i32
      %while3A_95 = arith.muli %while3A_94, %while3A_93 : i32
      %while3A_96 = arith.addi %max3A, %while3A_95 : i32
      %while3A_97 = arith.constant 1 : i32
      %while3A_98 = scf.for %while3A_102 = %max3A to %while3A_96 step %while3A_97 iter_args(%while3A_103 = %while3A_90) -> (i32)  : i32 {
        %sub3A_104 = arith.subi %while3A_102, %add3A_83 : i32
        %get3A_105 = arith.index_cast %sub3A_104 : i32 to index
        %get3A_106 = tpu.vector_load %arg11[%get3A_105] {strides = array<i32>} : memref<144xi32, #tpu.memory_space<vmem>>, vector<16xi32>,
        %get3A_107 = vector.shape_cast %get3A_106 : vector<16xi32> to vector<16xi32>
        %slice3A_108 = vector.extract_strided_slice %get3A_107 {offsets = [0], sizes = [1], strides = [1]} : vector<16xi32> to vector<1xi32>
        %squeeze3A_109 = vector.extract %slice3A_108[0] : i32 from vector<1xi32>
        %sub3A_110 = arith.subi %squeeze3A_109, %mul3A_3 : i32
        %mul3A_111 = arith.constant 32 : i32
        %mul3A_112 = arith.muli %sub3A_110, %mul3A_111 : i32
        %get3A_113 = arith.index_cast %sub3A_104 : i32 to index
        %get3A_114 = arith.constant 0 : index
        %get3A_115 = tpu.vector_load %arg8[%get3A_113, %get3A_114] {strides = array<i32>} : memref<128x32xf32, #tpu.memory_space<vmem>>, vector<1x16xf32>,
        %get3A_116 = vector.shape_cast %get3A_115 : vector<1x16xf32> to vector<16xf32>
        %swap3A = arith.index_cast %mul3A_112 : i32 to index
        %swap3A_117 = tpu.vector_load %arg7[%swap3A] {strides = array<i32>} : memref<10240xf32, #tpu.memory_space<vmem>>, vector<16xf32>,
        %swap3A_118 = vector.shape_cast %swap3A_117 : vector<16xf32> to vector<16xf32>
        %swap3A_119 = vector.shape_cast %get3A_116 : vector<16xf32> to vector<16xf32>
        tpu.vector_store %arg7[%swap3A], %swap3A_119 {add = true, strides = array<i32>} : memref<10240xf32, #tpu.memory_space<vmem>>, vector<16xf32>,
        %add3A_120 = arith.constant 16 : i32
        %add3A_121 = arith.addi %mul3A_112, %add3A_120 : i32
        %get3A_122 = arith.index_cast %sub3A_104 : i32 to index
        %get3A_123 = arith.constant 16 : index
        %get3A_124 = tpu.vector_load %arg8[%get3A_122, %get3A_123] {strides = array<i32>} : memref<128x32xf32, #tpu.memory_space<vmem>>, vector<1x16xf32>,
        %get3A_125 = vector.shape_cast %get3A_124 : vector<1x16xf32> to vector<16xf32>
        %swap3A_126 = arith.index_cast %add3A_121 : i32 to index
        %swap3A_127 = tpu.vector_load %arg7[%swap3A_126] {strides = array<i32>} : memref<10240xf32, #tpu.memory_space<vmem>>, vector<16xf32>,
        %swap3A_128 = vector.shape_cast %swap3A_127 : vector<16xf32> to vector<16xf32>
        %swap3A_129 = vector.shape_cast %get3A_125 : vector<16xf32> to vector<16xf32>
        tpu.vector_store %arg7[%swap3A_126], %swap3A_129 {add = true, strides = array<i32>} : memref<10240xf32, #tpu.memory_space<vmem>>, vector<16xf32>,
        %while3A_130 = arith.constant 0 : i32
        scf.yield %while3A_130 : i32
      }
      %while3A_99 = arith.constant 1 : i32
      %while3A_100 = scf.for %while3A_102 = %while3A_96 to %while3A_92 step %while3A_99 iter_args(%while3A_103 = %while3A_98) -> (i32)  : i32 {
        %sub3A_104 = arith.subi %while3A_102, %add3A_83 : i32
        %get3A_105 = arith.index_cast %sub3A_104 : i32 to index
        %get3A_106 = tpu.vector_load %arg11[%get3A_105] {strides = array<i32>} : memref<144xi32, #tpu.memory_space<vmem>>, vector<16xi32>,
        %get3A_107 = vector.shape_cast %get3A_106 : vector<16xi32> to vector<16xi32>
        %slice3A_108 = vector.extract_strided_slice %get3A_107 {offsets = [0], sizes = [1], strides = [1]} : vector<16xi32> to vector<1xi32>
        %squeeze3A_109 = vector.extract %slice3A_108[0] : i32 from vector<1xi32>
        %sub3A_110 = arith.subi %squeeze3A_109, %mul3A_3 : i32
        %mul3A_111 = arith.constant 32 : i32
        %mul3A_112 = arith.muli %sub3A_110, %mul3A_111 : i32
        %get3A_113 = arith.index_cast %sub3A_104 : i32 to index
        %get3A_114 = arith.constant 0 : index
        %get3A_115 = tpu.vector_load %arg8[%get3A_113, %get3A_114] {strides = array<i32>} : memref<128x32xf32, #tpu.memory_space<vmem>>, vector<1x16xf32>,
        %get3A_116 = vector.shape_cast %get3A_115 : vector<1x16xf32> to vector<16xf32>
        %swap3A = arith.index_cast %mul3A_112 : i32 to index
        %swap3A_117 = tpu.vector_load %arg7[%swap3A] {strides = array<i32>} : memref<10240xf32, #tpu.memory_space<vmem>>, vector<16xf32>,
        %swap3A_118 = vector.shape_cast %swap3A_117 : vector<16xf32> to vector<16xf32>
        %swap3A_119 = vector.shape_cast %get3A_116 : vector<16xf32> to vector<16xf32>
        tpu.vector_store %arg7[%swap3A], %swap3A_119 {add = true, strides = array<i32>} : memref<10240xf32, #tpu.memory_space<vmem>>, vector<16xf32>,
        %add3A_120 = arith.constant 16 : i32
        %add3A_121 = arith.addi %mul3A_112, %add3A_120 : i32
        %get3A_122 = arith.index_cast %sub3A_104 : i32 to index
        %get3A_123 = arith.constant 16 : index
        %get3A_124 = tpu.vector_load %arg8[%get3A_122, %get3A_123] {strides = array<i32>} : memref<128x32xf32, #tpu.memory_space<vmem>>, vector<1x16xf32>,
        %get3A_125 = vector.shape_cast %get3A_124 : vector<1x16xf32> to vector<16xf32>
        %swap3A_126 = arith.index_cast %add3A_121 : i32 to index
        %swap3A_127 = tpu.vector_load %arg7[%swap3A_126] {strides = array<i32>} : memref<10240xf32, #tpu.memory_space<vmem>>, vector<16xf32>,
        %swap3A_128 = vector.shape_cast %swap3A_127 : vector<16xf32> to vector<16xf32>
        %swap3A_129 = vector.shape_cast %get3A_125 : vector<16xf32> to vector<16xf32>
        tpu.vector_store %arg7[%swap3A_126], %swap3A_129 {add = true, strides = array<i32>} : memref<10240xf32, #tpu.memory_space<vmem>>, vector<16xf32>,
        %while3A_130 = arith.constant 0 : i32
        scf.yield %while3A_130 : i32
      }
      %while3A_101 = arith.constant 0 : i32
      scf.yield %while3A_101 : i32
    }
    %while3A_73 = arith.constant 1 : i32
    %while3A_74 = scf.for %while3A_79 = %while3A_70 to %while3A_66 step %while3A_73 iter_args(%while3A_80 = %while3A_72) -> (i32)  : i32 {
      %mul3A_81 = arith.constant 128 : i32
      %mul3A_82 = arith.muli %while3A_79, %mul3A_81 : i32
      %add3A_83 = arith.addi %mul3A_34, %mul3A_82 : i32
      "tpu.region"() ({
        %run_scoped3A = tpu.sem_alloc : memref<!tpu.dma_semaphore, #tpu.memory_space<semaphore_mem>>
        %dma_start3A_102 = tpu.memref_slice %arg3[%add3A_83] : memref<160128xi32, #tpu.memory_space<hbm>> -> memref<128xi32, #tpu.memory_space<hbm>>
        %dma_start3A_103 = tpu.memref_slice %arg3[%add3A_83] : memref<160128xi32, #tpu.memory_space<hbm>> -> memref<128xi32, #tpu.memory_space<hbm>>
        tpu.enqueue_dma source(%dma_start3A_103 : memref<128xi32, #tpu.memory_space<hbm>>) target(%arg9 : memref<128xi32, #tpu.memory_space<vmem>>) target_semaphore(%run_scoped3A : memref<!tpu.dma_semaphore, #tpu.memory_space<semaphore_mem>>)
        %dma_wait3A_104 = tpu.memref_slice %arg3[%add3A_83] : memref<160128xi32, #tpu.memory_space<hbm>> -> memref<128xi32, #tpu.memory_space<hbm>>
        %dma_wait3A_105 = tpu.memref_slice %arg3[%add3A_83] : memref<160128xi32, #tpu.memory_space<hbm>> -> memref<128xi32, #tpu.memory_space<hbm>>
        tpu.wait_dma2 semaphore(%run_scoped3A : memref<!tpu.dma_semaphore, #tpu.memory_space<semaphore_mem>>) src(%dma_wait3A_105 : memref<128xi32, #tpu.memory_space<hbm>>) dst(%arg9 : memref<128xi32, #tpu.memory_space<vmem>>)
        tpu.yield
      }) : () -> ()
      "tpu.region"() ({
        %run_scoped3A = tpu.sem_alloc : memref<!tpu.dma_semaphore, #tpu.memory_space<semaphore_mem>>
        %dma_start3A_102 = arith.constant 0 : i32
        %dma_start3A_103 = tpu.memref_slice %arg11[%dma_start3A_102] : memref<144xi32, #tpu.memory_space<vmem>> -> memref<128xi32, #tpu.memory_space<vmem>>
        %dma_start3A_104 = tpu.memref_slice %arg4[%add3A_83] : memref<160128xi32, #tpu.memory_space<hbm>> -> memref<128xi32, #tpu.memory_space<hbm>>
        %dma_start3A_105 = arith.constant 0 : i32
        %dma_start3A_106 = tpu.memref_slice %arg11[%dma_start3A_105] : memref<144xi32, #tpu.memory_space<vmem>> -> memref<128xi32, #tpu.memory_space<vmem>>
        %dma_start3A_107 = tpu.memref_slice %arg4[%add3A_83] : memref<160128xi32, #tpu.memory_space<hbm>> -> memref<128xi32, #tpu.memory_space<hbm>>
        tpu.enqueue_dma source(%dma_start3A_107 : memref<128xi32, #tpu.memory_space<hbm>>) target(%dma_start3A_106 : memref<128xi32, #tpu.memory_space<vmem>>) target_semaphore(%run_scoped3A : memref<!tpu.dma_semaphore, #tpu.memory_space<semaphore_mem>>)
        %dma_wait3A_108 = arith.constant 0 : i32
        %dma_wait3A_109 = tpu.memref_slice %arg11[%dma_wait3A_108] : memref<144xi32, #tpu.memory_space<vmem>> -> memref<128xi32, #tpu.memory_space<vmem>>
        %dma_wait3A_110 = tpu.memref_slice %arg4[%add3A_83] : memref<160128xi32, #tpu.memory_space<hbm>> -> memref<128xi32, #tpu.memory_space<hbm>>
        %dma_wait3A_111 = arith.constant 0 : i32
        %dma_wait3A_112 = tpu.memref_slice %arg11[%dma_wait3A_111] : memref<144xi32, #tpu.memory_space<vmem>> -> memref<128xi32, #tpu.memory_space<vmem>>
        %dma_wait3A_113 = tpu.memref_slice %arg4[%add3A_83] : memref<160128xi32, #tpu.memory_space<hbm>> -> memref<128xi32, #tpu.memory_space<hbm>>
        tpu.wait_dma2 semaphore(%run_scoped3A : memref<!tpu.dma_semaphore, #tpu.memory_space<semaphore_mem>>) src(%dma_wait3A_113 : memref<128xi32, #tpu.memory_space<hbm>>) dst(%dma_wait3A_112 : memref<128xi32, #tpu.memory_space<vmem>>)
        tpu.yield
      }) : () -> ()
      %dma_start3A = arith.constant 0 : i32
      %dma_start3A_84 = arith.constant 0 : i32
      %dma_start3A_85 = tpu.memref_slice %arg2[%dma_start3A, %dma_start3A_84] : memref<160000x32xf32, #tpu.memory_space<hbm>> -> memref<160000x32xf32, #tpu.memory_space<hbm>>
      tpu.enqueue_indirect_dma source(%dma_start3A_85 : memref<160000x32xf32, #tpu.memory_space<hbm>>) target(%arg8 : memref<128x32xf32, #tpu.memory_space<vmem>>) offsets(%arg9 : memref<128xi32, #tpu.memory_space<vmem>>) semaphore(%arg12 : memref<!tpu.dma_semaphore, #tpu.memory_space<semaphore_mem>>)
      %dma_wait3A = arith.constant 0 : i32
      %dma_wait3A_86 = arith.constant 0 : i32
      %dma_wait3A_87 = tpu.memref_slice %arg2[%dma_wait3A, %dma_wait3A_86] : memref<160000x32xf32, #tpu.memory_space<hbm>> -> memref<160000x32xf32, #tpu.memory_space<hbm>>
      tpu.wait_indirect_dma semaphore(%arg12 : memref<!tpu.dma_semaphore, #tpu.memory_space<semaphore_mem>>) src(%dma_wait3A_87 : memref<160000x32xf32, #tpu.memory_space<hbm>>) dst(%arg8 : memref<128x32xf32, #tpu.memory_space<vmem>>)
      %max3A = arith.maxsi %add3A_83, %squeeze3A : i32
      %add3A_88 = arith.constant 128 : i32
      %add3A_89 = arith.addi %add3A_83, %add3A_88 : i32
      %min3A = arith.minsi %add3A_89, %squeeze3A_10 : i32
      %while3A_90 = arith.constant 0 : i32
      %while3A_91 = arith.subi %min3A, %max3A : i32
      %while3A_92 = arith.addi %max3A, %while3A_91 : i32
      %while3A_93 = arith.constant 1 : i32
      %while3A_94 = arith.divsi %while3A_91, %while3A_93 : i32
      %while3A_95 = arith.muli %while3A_94, %while3A_93 : i32
      %while3A_96 = arith.addi %max3A, %while3A_95 : i32
      %while3A_97 = arith.constant 1 : i32
      %while3A_98 = scf.for %while3A_102 = %max3A to %while3A_96 step %while3A_97 iter_args(%while3A_103 = %while3A_90) -> (i32)  : i32 {
        %sub3A_104 = arith.subi %while3A_102, %add3A_83 : i32
        %get3A_105 = arith.index_cast %sub3A_104 : i32 to index
        %get3A_106 = tpu.vector_load %arg11[%get3A_105] {strides = array<i32>} : memref<144xi32, #tpu.memory_space<vmem>>, vector<16xi32>,
        %get3A_107 = vector.shape_cast %get3A_106 : vector<16xi32> to vector<16xi32>
        %slice3A_108 = vector.extract_strided_slice %get3A_107 {offsets = [0], sizes = [1], strides = [1]} : vector<16xi32> to vector<1xi32>
        %squeeze3A_109 = vector.extract %slice3A_108[0] : i32 from vector<1xi32>
        %sub3A_110 = arith.subi %squeeze3A_109, %mul3A_3 : i32
        %mul3A_111 = arith.constant 32 : i32
        %mul3A_112 = arith.muli %sub3A_110, %mul3A_111 : i32
        %get3A_113 = arith.index_cast %sub3A_104 : i32 to index
        %get3A_114 = arith.constant 0 : index
        %get3A_115 = tpu.vector_load %arg8[%get3A_113, %get3A_114] {strides = array<i32>} : memref<128x32xf32, #tpu.memory_space<vmem>>, vector<1x16xf32>,
        %get3A_116 = vector.shape_cast %get3A_115 : vector<1x16xf32> to vector<16xf32>
        %swap3A = arith.index_cast %mul3A_112 : i32 to index
        %swap3A_117 = tpu.vector_load %arg7[%swap3A] {strides = array<i32>} : memref<10240xf32, #tpu.memory_space<vmem>>, vector<16xf32>,
        %swap3A_118 = vector.shape_cast %swap3A_117 : vector<16xf32> to vector<16xf32>
        %swap3A_119 = vector.shape_cast %get3A_116 : vector<16xf32> to vector<16xf32>
        tpu.vector_store %arg7[%swap3A], %swap3A_119 {add = true, strides = array<i32>} : memref<10240xf32, #tpu.memory_space<vmem>>, vector<16xf32>,
        %add3A_120 = arith.constant 16 : i32
        %add3A_121 = arith.addi %mul3A_112, %add3A_120 : i32
        %get3A_122 = arith.index_cast %sub3A_104 : i32 to index
        %get3A_123 = arith.constant 16 : index
        %get3A_124 = tpu.vector_load %arg8[%get3A_122, %get3A_123] {strides = array<i32>} : memref<128x32xf32, #tpu.memory_space<vmem>>, vector<1x16xf32>,
        %get3A_125 = vector.shape_cast %get3A_124 : vector<1x16xf32> to vector<16xf32>
        %swap3A_126 = arith.index_cast %add3A_121 : i32 to index
        %swap3A_127 = tpu.vector_load %arg7[%swap3A_126] {strides = array<i32>} : memref<10240xf32, #tpu.memory_space<vmem>>, vector<16xf32>,
        %swap3A_128 = vector.shape_cast %swap3A_127 : vector<16xf32> to vector<16xf32>
        %swap3A_129 = vector.shape_cast %get3A_125 : vector<16xf32> to vector<16xf32>
        tpu.vector_store %arg7[%swap3A_126], %swap3A_129 {add = true, strides = array<i32>} : memref<10240xf32, #tpu.memory_space<vmem>>, vector<16xf32>,
        %while3A_130 = arith.constant 0 : i32
        scf.yield %while3A_130 : i32
      }
      %while3A_99 = arith.constant 1 : i32
      %while3A_100 = scf.for %while3A_102 = %while3A_96 to %while3A_92 step %while3A_99 iter_args(%while3A_103 = %while3A_98) -> (i32)  : i32 {
        %sub3A_104 = arith.subi %while3A_102, %add3A_83 : i32
        %get3A_105 = arith.index_cast %sub3A_104 : i32 to index
        %get3A_106 = tpu.vector_load %arg11[%get3A_105] {strides = array<i32>} : memref<144xi32, #tpu.memory_space<vmem>>, vector<16xi32>,
        %get3A_107 = vector.shape_cast %get3A_106 : vector<16xi32> to vector<16xi32>
        %slice3A_108 = vector.extract_strided_slice %get3A_107 {offsets = [0], sizes = [1], strides = [1]} : vector<16xi32> to vector<1xi32>
        %squeeze3A_109 = vector.extract %slice3A_108[0] : i32 from vector<1xi32>
        %sub3A_110 = arith.subi %squeeze3A_109, %mul3A_3 : i32
        %mul3A_111 = arith.constant 32 : i32
        %mul3A_112 = arith.muli %sub3A_110, %mul3A_111 : i32
        %get3A_113 = arith.index_cast %sub3A_104 : i32 to index
        %get3A_114 = arith.constant 0 : index
        %get3A_115 = tpu.vector_load %arg8[%get3A_113, %get3A_114] {strides = array<i32>} : memref<128x32xf32, #tpu.memory_space<vmem>>, vector<1x16xf32>,
        %get3A_116 = vector.shape_cast %get3A_115 : vector<1x16xf32> to vector<16xf32>
        %swap3A = arith.index_cast %mul3A_112 : i32 to index
        %swap3A_117 = tpu.vector_load %arg7[%swap3A] {strides = array<i32>} : memref<10240xf32, #tpu.memory_space<vmem>>, vector<16xf32>,
        %swap3A_118 = vector.shape_cast %swap3A_117 : vector<16xf32> to vector<16xf32>
        %swap3A_119 = vector.shape_cast %get3A_116 : vector<16xf32> to vector<16xf32>
        tpu.vector_store %arg7[%swap3A], %swap3A_119 {add = true, strides = array<i32>} : memref<10240xf32, #tpu.memory_space<vmem>>, vector<16xf32>,
        %add3A_120 = arith.constant 16 : i32
        %add3A_121 = arith.addi %mul3A_112, %add3A_120 : i32
        %get3A_122 = arith.index_cast %sub3A_104 : i32 to index
        %get3A_123 = arith.constant 16 : index
        %get3A_124 = tpu.vector_load %arg8[%get3A_122, %get3A_123] {strides = array<i32>} : memref<128x32xf32, #tpu.memory_space<vmem>>, vector<1x16xf32>,
        %get3A_125 = vector.shape_cast %get3A_124 : vector<1x16xf32> to vector<16xf32>
        %swap3A_126 = arith.index_cast %add3A_121 : i32 to index
        %swap3A_127 = tpu.vector_load %arg7[%swap3A_126] {strides = array<i32>} : memref<10240xf32, #tpu.memory_space<vmem>>, vector<16xf32>,
        %swap3A_128 = vector.shape_cast %swap3A_127 : vector<16xf32> to vector<16xf32>
        %swap3A_129 = vector.shape_cast %get3A_125 : vector<16xf32> to vector<16xf32>
        tpu.vector_store %arg7[%swap3A_126], %swap3A_129 {add = true, strides = array<i32>} : memref<10240xf32, #tpu.memory_space<vmem>>, vector<16xf32>,
        %while3A_130 = arith.constant 0 : i32
        scf.yield %while3A_130 : i32
      }
      %while3A_101 = arith.constant 0 : i32
      scf.yield %while3A_101 : i32
    }
    %mul3A_75 = arith.constant 320 : i32
    %mul3A_76 = arith.muli %add3A, %mul3A_75 : i32
    %mul3A_77 = arith.constant 32 : i32
    %mul3A_78 = arith.muli %mul3A_76, %mul3A_77 : i32
    "tpu.region"() ({
      %run_scoped3A = tpu.sem_alloc : memref<!tpu.dma_semaphore, #tpu.memory_space<semaphore_mem>>
      %dma_start3A = tpu.memref_slice %arg6[%mul3A_78] : memref<327680xf32, #tpu.memory_space<hbm>> -> memref<10240xf32, #tpu.memory_space<hbm>>
      %dma_start3A_79 = tpu.memref_slice %arg6[%mul3A_78] : memref<327680xf32, #tpu.memory_space<hbm>> -> memref<10240xf32, #tpu.memory_space<hbm>>
      tpu.enqueue_dma source(%arg7 : memref<10240xf32, #tpu.memory_space<vmem>>) target(%dma_start3A_79 : memref<10240xf32, #tpu.memory_space<hbm>>) target_semaphore(%run_scoped3A : memref<!tpu.dma_semaphore, #tpu.memory_space<semaphore_mem>>)
      %dma_wait3A = tpu.memref_slice %arg6[%mul3A_78] : memref<327680xf32, #tpu.memory_space<hbm>> -> memref<10240xf32, #tpu.memory_space<hbm>>
      %dma_wait3A_80 = tpu.memref_slice %arg6[%mul3A_78] : memref<327680xf32, #tpu.memory_space<hbm>> -> memref<10240xf32, #tpu.memory_space<hbm>>
      tpu.wait_dma2 semaphore(%run_scoped3A : memref<!tpu.dma_semaphore, #tpu.memory_space<semaphore_mem>>) src(%arg7 : memref<10240xf32, #tpu.memory_space<vmem>>) dst(%dma_wait3A_80 : memref<10240xf32, #tpu.memory_space<hbm>>)
      tpu.yield
    }) : () -> ()
    return
  }
}

#map = affine_map<(d0, d1) -> (0, 0)>
#map1 = affine_map<(d0, d1) -> (0)>
module attributes {stable_mosaic.version = 14 : i64} {
  func.func @sc_gather(%arg0: i32, %arg1: i32, %arg2: memref<10240x32xf32, #tpu.memory_space<hbm>>, %arg3: memref<160000xi32, #tpu.memory_space<hbm>>, %arg4: memref<160000x32xf32, #tpu.memory_space<hbm>>, %arg5: memref<128xi32, #tpu.memory_space<vmem>>, %arg6: memref<128x32xf32, #tpu.memory_space<vmem>>, %arg7: memref<!tpu.dma_semaphore, #tpu.memory_space<semaphore_mem>>) attributes {dimension_semantics = [#tpu.dimension_semantics<core_parallel>, #tpu.dimension_semantics<subcore_parallel>], iteration_bounds = array<i64: 2, 16>, scalar_prefetch = 0 : i64, scratch_operands = 3 : i64, tpu.core_type = #tpu.core_type<sc_vector_subcore>, window_params = [{transform_indices = #map}, {transform_indices = #map1}, {transform_indices = #map}]} {
    %mul3A = arith.constant 2 : i32
    %mul3A_0 = arith.muli %arg1, %mul3A : i32
    %add3A = arith.addi %mul3A_0, %arg0 : i32
    %mul3A_1 = arith.constant 5000 : i32
    %mul3A_2 = arith.muli %add3A, %mul3A_1 : i32
    %scan3A = arith.constant 0 : i32
    %scan3A_3 = arith.constant 0 : i32
    %scan3A_4 = arith.constant 39 : i32
    %scan3A_5 = arith.addi %scan3A_3, %scan3A_4 : i32
    %scan3A_6 = arith.constant 1 : i32
    %scan3A_7 = scf.for %scan3A_25 = %scan3A_3 to %scan3A_5 step %scan3A_6 iter_args(%scan3A_26 = %scan3A) -> (i32)  : i32 {
      %mul3A_27 = arith.constant 128 : i32
      %mul3A_28 = arith.muli %scan3A_25, %mul3A_27 : i32
      %add3A_29 = arith.addi %mul3A_2, %mul3A_28 : i32
      "tpu.region"() ({
        %run_scoped3A = tpu.sem_alloc : memref<!tpu.dma_semaphore, #tpu.memory_space<semaphore_mem>>
        %dma_start3A_37 = tpu.memref_slice %arg3[%add3A_29] : memref<160000xi32, #tpu.memory_space<hbm>> -> memref<128xi32, #tpu.memory_space<hbm>>
        %dma_start3A_38 = tpu.memref_slice %arg3[%add3A_29] : memref<160000xi32, #tpu.memory_space<hbm>> -> memref<128xi32, #tpu.memory_space<hbm>>
        tpu.enqueue_dma source(%dma_start3A_38 : memref<128xi32, #tpu.memory_space<hbm>>) target(%arg5 : memref<128xi32, #tpu.memory_space<vmem>>) target_semaphore(%run_scoped3A : memref<!tpu.dma_semaphore, #tpu.memory_space<semaphore_mem>>)
        %dma_wait3A_39 = tpu.memref_slice %arg3[%add3A_29] : memref<160000xi32, #tpu.memory_space<hbm>> -> memref<128xi32, #tpu.memory_space<hbm>>
        %dma_wait3A_40 = tpu.memref_slice %arg3[%add3A_29] : memref<160000xi32, #tpu.memory_space<hbm>> -> memref<128xi32, #tpu.memory_space<hbm>>
        tpu.wait_dma2 semaphore(%run_scoped3A : memref<!tpu.dma_semaphore, #tpu.memory_space<semaphore_mem>>) src(%dma_wait3A_40 : memref<128xi32, #tpu.memory_space<hbm>>) dst(%arg5 : memref<128xi32, #tpu.memory_space<vmem>>)
        tpu.yield
      }) : () -> ()
      %dma_start3A_30 = arith.constant 0 : i32
      %dma_start3A_31 = arith.constant 0 : i32
      %dma_start3A_32 = tpu.memref_slice %arg2[%dma_start3A_30, %dma_start3A_31] : memref<10240x32xf32, #tpu.memory_space<hbm>> -> memref<10240x32xf32, #tpu.memory_space<hbm>>
      tpu.enqueue_indirect_dma source(%dma_start3A_32 : memref<10240x32xf32, #tpu.memory_space<hbm>>) target(%arg6 : memref<128x32xf32, #tpu.memory_space<vmem>>) offsets(%arg5 : memref<128xi32, #tpu.memory_space<vmem>>) semaphore(%arg7 : memref<!tpu.dma_semaphore, #tpu.memory_space<semaphore_mem>>)
      %dma_wait3A_33 = arith.constant 0 : i32
      %dma_wait3A_34 = arith.constant 0 : i32
      %dma_wait3A_35 = tpu.memref_slice %arg2[%dma_wait3A_33, %dma_wait3A_34] : memref<10240x32xf32, #tpu.memory_space<hbm>> -> memref<10240x32xf32, #tpu.memory_space<hbm>>
      tpu.wait_indirect_dma semaphore(%arg7 : memref<!tpu.dma_semaphore, #tpu.memory_space<semaphore_mem>>) src(%dma_wait3A_35 : memref<10240x32xf32, #tpu.memory_space<hbm>>) dst(%arg6 : memref<128x32xf32, #tpu.memory_space<vmem>>)
      "tpu.region"() ({
        %run_scoped3A = tpu.sem_alloc : memref<!tpu.dma_semaphore, #tpu.memory_space<semaphore_mem>>
        %dma_start3A_37 = arith.constant 0 : i32
        %dma_start3A_38 = tpu.memref_slice %arg4[%add3A_29, %dma_start3A_37] : memref<160000x32xf32, #tpu.memory_space<hbm>> -> memref<128x32xf32, #tpu.memory_space<hbm>>
        %dma_start3A_39 = arith.constant 0 : i32
        %dma_start3A_40 = tpu.memref_slice %arg4[%add3A_29, %dma_start3A_39] : memref<160000x32xf32, #tpu.memory_space<hbm>> -> memref<128x32xf32, #tpu.memory_space<hbm>>
        tpu.enqueue_dma source(%arg6 : memref<128x32xf32, #tpu.memory_space<vmem>>) target(%dma_start3A_40 : memref<128x32xf32, #tpu.memory_space<hbm>>) target_semaphore(%run_scoped3A : memref<!tpu.dma_semaphore, #tpu.memory_space<semaphore_mem>>)
        %dma_wait3A_41 = arith.constant 0 : i32
        %dma_wait3A_42 = tpu.memref_slice %arg4[%add3A_29, %dma_wait3A_41] : memref<160000x32xf32, #tpu.memory_space<hbm>> -> memref<128x32xf32, #tpu.memory_space<hbm>>
        %dma_wait3A_43 = arith.constant 0 : i32
        %dma_wait3A_44 = tpu.memref_slice %arg4[%add3A_29, %dma_wait3A_43] : memref<160000x32xf32, #tpu.memory_space<hbm>> -> memref<128x32xf32, #tpu.memory_space<hbm>>
        tpu.wait_dma2 semaphore(%run_scoped3A : memref<!tpu.dma_semaphore, #tpu.memory_space<semaphore_mem>>) src(%arg6 : memref<128x32xf32, #tpu.memory_space<vmem>>) dst(%dma_wait3A_44 : memref<128x32xf32, #tpu.memory_space<hbm>>)
        tpu.yield
      }) : () -> ()
      %scan3A_36 = arith.constant 0 : i32
      scf.yield %scan3A_36 : i32
    }
    %scan3A_8 = arith.constant 39 : i32
    %add3A_9 = arith.constant 4992 : i32
    %add3A_10 = arith.addi %mul3A_2, %add3A_9 : i32
    "tpu.region"() ({
      %run_scoped3A = tpu.sem_alloc : memref<!tpu.dma_semaphore, #tpu.memory_space<semaphore_mem>>
      %dma_start3A_25 = arith.constant 0 : i32
      %dma_start3A_26 = tpu.memref_slice %arg5[%dma_start3A_25] : memref<128xi32, #tpu.memory_space<vmem>> -> memref<8xi32, #tpu.memory_space<vmem>>
      %dma_start3A_27 = tpu.memref_slice %arg3[%add3A_10] : memref<160000xi32, #tpu.memory_space<hbm>> -> memref<8xi32, #tpu.memory_space<hbm>>
      %dma_start3A_28 = arith.constant 0 : i32
      %dma_start3A_29 = tpu.memref_slice %arg5[%dma_start3A_28] : memref<128xi32, #tpu.memory_space<vmem>> -> memref<8xi32, #tpu.memory_space<vmem>>
      %dma_start3A_30 = tpu.memref_slice %arg3[%add3A_10] : memref<160000xi32, #tpu.memory_space<hbm>> -> memref<8xi32, #tpu.memory_space<hbm>>
      tpu.enqueue_dma source(%dma_start3A_30 : memref<8xi32, #tpu.memory_space<hbm>>) target(%dma_start3A_29 : memref<8xi32, #tpu.memory_space<vmem>>) target_semaphore(%run_scoped3A : memref<!tpu.dma_semaphore, #tpu.memory_space<semaphore_mem>>)
      %dma_wait3A_31 = arith.constant 0 : i32
      %dma_wait3A_32 = tpu.memref_slice %arg5[%dma_wait3A_31] : memref<128xi32, #tpu.memory_space<vmem>> -> memref<8xi32, #tpu.memory_space<vmem>>
      %dma_wait3A_33 = tpu.memref_slice %arg3[%add3A_10] : memref<160000xi32, #tpu.memory_space<hbm>> -> memref<8xi32, #tpu.memory_space<hbm>>
      %dma_wait3A_34 = arith.constant 0 : i32
      %dma_wait3A_35 = tpu.memref_slice %arg5[%dma_wait3A_34] : memref<128xi32, #tpu.memory_space<vmem>> -> memref<8xi32, #tpu.memory_space<vmem>>
      %dma_wait3A_36 = tpu.memref_slice %arg3[%add3A_10] : memref<160000xi32, #tpu.memory_space<hbm>> -> memref<8xi32, #tpu.memory_space<hbm>>
      tpu.wait_dma2 semaphore(%run_scoped3A : memref<!tpu.dma_semaphore, #tpu.memory_space<semaphore_mem>>) src(%dma_wait3A_36 : memref<8xi32, #tpu.memory_space<hbm>>) dst(%dma_wait3A_35 : memref<8xi32, #tpu.memory_space<vmem>>)
      tpu.yield
    }) : () -> ()
    %dma_start3A = arith.constant 0 : i32
    %dma_start3A_11 = arith.constant 0 : i32
    %dma_start3A_12 = tpu.memref_slice %arg6[%dma_start3A, %dma_start3A_11] : memref<128x32xf32, #tpu.memory_space<vmem>> -> memref<8x32xf32, #tpu.memory_space<vmem>>
    %dma_start3A_13 = arith.constant 0 : i32
    %dma_start3A_14 = tpu.memref_slice %arg5[%dma_start3A_13] : memref<128xi32, #tpu.memory_space<vmem>> -> memref<8xi32, #tpu.memory_space<vmem>>
    %dma_start3A_15 = arith.constant 0 : i32
    %dma_start3A_16 = arith.constant 0 : i32
    %dma_start3A_17 = tpu.memref_slice %arg2[%dma_start3A_15, %dma_start3A_16] : memref<10240x32xf32, #tpu.memory_space<hbm>> -> memref<10240x32xf32, #tpu.memory_space<hbm>>
    tpu.enqueue_indirect_dma source(%dma_start3A_17 : memref<10240x32xf32, #tpu.memory_space<hbm>>) target(%dma_start3A_12 : memref<8x32xf32, #tpu.memory_space<vmem>>) offsets(%dma_start3A_14 : memref<8xi32, #tpu.memory_space<vmem>>) semaphore(%arg7 : memref<!tpu.dma_semaphore, #tpu.memory_space<semaphore_mem>>)
    %dma_wait3A = arith.constant 0 : i32
    %dma_wait3A_18 = arith.constant 0 : i32
    %dma_wait3A_19 = tpu.memref_slice %arg6[%dma_wait3A, %dma_wait3A_18] : memref<128x32xf32, #tpu.memory_space<vmem>> -> memref<8x32xf32, #tpu.memory_space<vmem>>
    %dma_wait3A_20 = arith.constant 0 : i32
    %dma_wait3A_21 = tpu.memref_slice %arg5[%dma_wait3A_20] : memref<128xi32, #tpu.memory_space<vmem>> -> memref<8xi32, #tpu.memory_space<vmem>>
    %dma_wait3A_22 = arith.constant 0 : i32
    %dma_wait3A_23 = arith.constant 0 : i32
    %dma_wait3A_24 = tpu.memref_slice %arg2[%dma_wait3A_22, %dma_wait3A_23] : memref<10240x32xf32, #tpu.memory_space<hbm>> -> memref<10240x32xf32, #tpu.memory_space<hbm>>
    tpu.wait_indirect_dma semaphore(%arg7 : memref<!tpu.dma_semaphore, #tpu.memory_space<semaphore_mem>>) src(%dma_wait3A_24 : memref<10240x32xf32, #tpu.memory_space<hbm>>) dst(%dma_wait3A_19 : memref<8x32xf32, #tpu.memory_space<vmem>>)
    "tpu.region"() ({
      %run_scoped3A = tpu.sem_alloc : memref<!tpu.dma_semaphore, #tpu.memory_space<semaphore_mem>>
      %dma_start3A_25 = arith.constant 0 : i32
      %dma_start3A_26 = arith.constant 0 : i32
      %dma_start3A_27 = tpu.memref_slice %arg6[%dma_start3A_25, %dma_start3A_26] : memref<128x32xf32, #tpu.memory_space<vmem>> -> memref<8x32xf32, #tpu.memory_space<vmem>>
      %dma_start3A_28 = arith.constant 0 : i32
      %dma_start3A_29 = tpu.memref_slice %arg4[%add3A_10, %dma_start3A_28] : memref<160000x32xf32, #tpu.memory_space<hbm>> -> memref<8x32xf32, #tpu.memory_space<hbm>>
      %dma_start3A_30 = arith.constant 0 : i32
      %dma_start3A_31 = tpu.memref_slice %arg4[%add3A_10, %dma_start3A_30] : memref<160000x32xf32, #tpu.memory_space<hbm>> -> memref<8x32xf32, #tpu.memory_space<hbm>>
      %dma_start3A_32 = arith.constant 0 : i32
      %dma_start3A_33 = arith.constant 0 : i32
      %dma_start3A_34 = tpu.memref_slice %arg6[%dma_start3A_32, %dma_start3A_33] : memref<128x32xf32, #tpu.memory_space<vmem>> -> memref<8x32xf32, #tpu.memory_space<vmem>>
      tpu.enqueue_dma source(%dma_start3A_34 : memref<8x32xf32, #tpu.memory_space<vmem>>) target(%dma_start3A_31 : memref<8x32xf32, #tpu.memory_space<hbm>>) target_semaphore(%run_scoped3A : memref<!tpu.dma_semaphore, #tpu.memory_space<semaphore_mem>>)
      %dma_wait3A_35 = arith.constant 0 : i32
      %dma_wait3A_36 = arith.constant 0 : i32
      %dma_wait3A_37 = tpu.memref_slice %arg6[%dma_wait3A_35, %dma_wait3A_36] : memref<128x32xf32, #tpu.memory_space<vmem>> -> memref<8x32xf32, #tpu.memory_space<vmem>>
      %dma_wait3A_38 = arith.constant 0 : i32
      %dma_wait3A_39 = tpu.memref_slice %arg4[%add3A_10, %dma_wait3A_38] : memref<160000x32xf32, #tpu.memory_space<hbm>> -> memref<8x32xf32, #tpu.memory_space<hbm>>
      %dma_wait3A_40 = arith.constant 0 : i32
      %dma_wait3A_41 = tpu.memref_slice %arg4[%add3A_10, %dma_wait3A_40] : memref<160000x32xf32, #tpu.memory_space<hbm>> -> memref<8x32xf32, #tpu.memory_space<hbm>>
      %dma_wait3A_42 = arith.constant 0 : i32
      %dma_wait3A_43 = arith.constant 0 : i32
      %dma_wait3A_44 = tpu.memref_slice %arg6[%dma_wait3A_42, %dma_wait3A_43] : memref<128x32xf32, #tpu.memory_space<vmem>> -> memref<8x32xf32, #tpu.memory_space<vmem>>
      tpu.wait_dma2 semaphore(%run_scoped3A : memref<!tpu.dma_semaphore, #tpu.memory_space<semaphore_mem>>) src(%dma_wait3A_44 : memref<8x32xf32, #tpu.memory_space<vmem>>) dst(%dma_wait3A_41 : memref<8x32xf32, #tpu.memory_space<hbm>>)
      tpu.yield
    }) : () -> ()
    return
  }
}

#map = affine_map<(d0, d1) -> (0, 0)>
#map1 = affine_map<(d0, d1) -> (0)>
module attributes {stable_mosaic.version = 14 : i64} {
  func.func @sc_scatter(%arg0: i32, %arg1: i32, %arg2: memref<160000x32xf32, #tpu.memory_space<hbm>>, %arg3: memref<160128xi32, #tpu.memory_space<hbm>>, %arg4: memref<160128xi32, #tpu.memory_space<hbm>>, %arg5: memref<10256xi32, #tpu.memory_space<hbm>>, %arg6: memref<327680xf32, #tpu.memory_space<hbm>>, %arg7: memref<10240xf32, #tpu.memory_space<vmem>>, %arg8: memref<128x32xf32, #tpu.memory_space<vmem>>, %arg9: memref<128xi32, #tpu.memory_space<vmem>>, %arg10: memref<336xi32, #tpu.memory_space<vmem>>, %arg11: memref<144xi32, #tpu.memory_space<vmem>>, %arg12: memref<!tpu.dma_semaphore, #tpu.memory_space<semaphore_mem>>) attributes {dimension_semantics = [#tpu.dimension_semantics<core_parallel>, #tpu.dimension_semantics<subcore_parallel>], iteration_bounds = array<i64: 2, 16>, scalar_prefetch = 0 : i64, scratch_operands = 6 : i64, tpu.core_type = #tpu.core_type<sc_vector_subcore>, window_params = [{transform_indices = #map}, {transform_indices = #map1}, {transform_indices = #map1}, {transform_indices = #map1}, {transform_indices = #map1}]} {
    %mul3A = arith.constant 2 : i32
    %mul3A_0 = arith.muli %arg1, %mul3A : i32
    %add3A = arith.addi %mul3A_0, %arg0 : i32
    %broadcast_in_dim3A = arith.constant 0.000000e+00 : f32
    %broadcast_in_dim3A_1 = vector.broadcast %broadcast_in_dim3A : f32 to vector<16xf32>
    %mul3A_2 = arith.constant 320 : i32
    %mul3A_3 = arith.muli %add3A, %mul3A_2 : i32
    "tpu.region"() ({
      %run_scoped3A = tpu.sem_alloc : memref<!tpu.dma_semaphore, #tpu.memory_space<semaphore_mem>>
      %dma_start3A = tpu.memref_slice %arg5[%mul3A_3] : memref<10256xi32, #tpu.memory_space<hbm>> -> memref<336xi32, #tpu.memory_space<hbm>>
      %dma_start3A_79 = tpu.memref_slice %arg5[%mul3A_3] : memref<10256xi32, #tpu.memory_space<hbm>> -> memref<336xi32, #tpu.memory_space<hbm>>
      tpu.enqueue_dma source(%dma_start3A_79 : memref<336xi32, #tpu.memory_space<hbm>>) target(%arg10 : memref<336xi32, #tpu.memory_space<vmem>>) target_semaphore(%run_scoped3A : memref<!tpu.dma_semaphore, #tpu.memory_space<semaphore_mem>>)
      %dma_wait3A = tpu.memref_slice %arg5[%mul3A_3] : memref<10256xi32, #tpu.memory_space<hbm>> -> memref<336xi32, #tpu.memory_space<hbm>>
      %dma_wait3A_80 = tpu.memref_slice %arg5[%mul3A_3] : memref<10256xi32, #tpu.memory_space<hbm>> -> memref<336xi32, #tpu.memory_space<hbm>>
      tpu.wait_dma2 semaphore(%run_scoped3A : memref<!tpu.dma_semaphore, #tpu.memory_space<semaphore_mem>>) src(%dma_wait3A_80 : memref<336xi32, #tpu.memory_space<hbm>>) dst(%arg10 : memref<336xi32, #tpu.memory_space<vmem>>)
      tpu.yield
    }) : () -> ()
    %get3A = arith.constant 0 : index
    %get3A_4 = tpu.vector_load %arg10[%get3A] {strides = array<i32>} : memref<336xi32, #tpu.memory_space<vmem>>, vector<16xi32>,
    %get3A_5 = vector.shape_cast %get3A_4 : vector<16xi32> to vector<16xi32>
    %slice3A = vector.extract_strided_slice %get3A_5 {offsets = [0], sizes = [1], strides = [1]} : vector<16xi32> to vector<1xi32>
    %squeeze3A = vector.extract %slice3A[0] : i32 from vector<1xi32>
    %get3A_6 = arith.constant 320 : index
    %get3A_7 = tpu.vector_load %arg10[%get3A_6] {strides = array<i32>} : memref<336xi32, #tpu.memory_space<vmem>>, vector<16xi32>,
    %get3A_8 = vector.shape_cast %get3A_7 : vector<16xi32> to vector<16xi32>
    %slice3A_9 = vector.extract_strided_slice %get3A_8 {offsets = [0], sizes = [1], strides = [1]} : vector<16xi32> to vector<1xi32>
    %squeeze3A_10 = vector.extract %slice3A_9[0] : i32 from vector<1xi32>
    %scan3A = arith.constant 0 : i32
    %scan3A_11 = arith.constant 0 : i32
    %scan3A_12 = arith.constant 640 : i32
    %scan3A_13 = arith.addi %scan3A_11, %scan3A_12 : i32
    %scan3A_14 = arith.constant 1 : i32
    %scan3A_15 = scf.for %scan3A_79 = %scan3A_11 to %scan3A_13 step %scan3A_14 iter_args(%scan3A_80 = %scan3A) -> (i32)  : i32 {
      %mul3A_81 = arith.constant 16 : i32
      %mul3A_82 = arith.muli %scan3A_79, %mul3A_81 : i32
      %swap3A = arith.index_cast %mul3A_82 : i32 to index
      %swap3A_83 = tpu.vector_load %arg7[%swap3A] {strides = array<i32>} : memref<10240xf32, #tpu.memory_space<vmem>>, vector<16xf32>,
      %swap3A_84 = vector.shape_cast %swap3A_83 : vector<16xf32> to vector<16xf32>
      %swap3A_85 = vector.shape_cast %broadcast_in_dim3A_1 : vector<16xf32> to vector<16xf32>
      tpu.vector_store %arg7[%swap3A], %swap3A_85 {strides = array<i32>} : memref<10240xf32, #tpu.memory_space<vmem>>, vector<16xf32>,
      %scan3A_86 = arith.constant 0 : i32
      scf.yield %scan3A_86 : i32
    }
    %scan3A_16 = arith.constant 640 : i32
    %jit3A = arith.constant 8 : i32
    %div3A = arith.divsi %squeeze3A, %jit3A : i32
    %sign3A = arith.constant 0 : i32
    %sign3A_17 = arith.cmpi sgt, %squeeze3A, %sign3A : i32
    %sign3A_18 = arith.extui %sign3A_17 : i1 to i32
    %sign3A_19 = arith.constant 0 : i32
    %sign3A_20 = arith.cmpi slt, %squeeze3A, %sign3A_19 : i32
    %sign3A_21 = arith.extui %sign3A_20 : i1 to i32
    %sign3A_22 = arith.subi %sign3A_18, %sign3A_21 : i32
    %sign3A_23 = arith.constant 0 : i32
    %sign3A_24 = arith.cmpi sgt, %jit3A, %sign3A_23 : i32
    %sign3A_25 = arith.extui %sign3A_24 : i1 to i32
    %sign3A_26 = arith.constant 0 : i32
    %sign3A_27 = arith.cmpi slt, %jit3A, %sign3A_26 : i32
    %sign3A_28 = arith.extui %sign3A_27 : i1 to i32
    %sign3A_29 = arith.subi %sign3A_25, %sign3A_28 : i32
    %ne3A = arith.cmpi ne, %sign3A_22, %sign3A_29 : i32
    %rem3A = arith.remsi %squeeze3A, %jit3A : i32
    %ne3A_30 = arith.constant 0 : i32
    %ne3A_31 = arith.cmpi ne, %rem3A, %ne3A_30 : i32
    %and3A = arith.andi %ne3A, %ne3A_31 : i1
    %sub3A = arith.constant 1 : i32
    %sub3A_32 = arith.subi %div3A, %sub3A : i32
    %select_n3A = arith.select %and3A, %sub3A_32, %div3A : i32
    %mul3A_33 = arith.constant 8 : i32
    %mul3A_34 = arith.muli %select_n3A, %mul3A_33 : i32
    %sub3A_35 = arith.subi %squeeze3A_10, %mul3A_34 : i32
    %add3A_36 = arith.constant 128 : i32
    %add3A_37 = arith.addi %sub3A_35, %add3A_36 : i32
    %sub3A_38 = arith.constant 1 : i32
    %sub3A_39 = arith.subi %add3A_37, %sub3A_38 : i32
    %jit3A_40 = arith.constant 128 : i32
    %div3A_41 = arith.divsi %sub3A_39, %jit3A_40 : i32
    %sign3A_42 = arith.constant 0 : i32
    %sign3A_43 = arith.cmpi sgt, %sub3A_39, %sign3A_42 : i32
    %sign3A_44 = arith.extui %sign3A_43 : i1 to i32
    %sign3A_45 = arith.constant 0 : i32
    %sign3A_46 = arith.cmpi slt, %sub3A_39, %sign3A_45 : i32
    %sign3A_47 = arith.extui %sign3A_46 : i1 to i32
    %sign3A_48 = arith.subi %sign3A_44, %sign3A_47 : i32
    %sign3A_49 = arith.constant 0 : i32
    %sign3A_50 = arith.cmpi sgt, %jit3A_40, %sign3A_49 : i32
    %sign3A_51 = arith.extui %sign3A_50 : i1 to i32
    %sign3A_52 = arith.constant 0 : i32
    %sign3A_53 = arith.cmpi slt, %jit3A_40, %sign3A_52 : i32
    %sign3A_54 = arith.extui %sign3A_53 : i1 to i32
    %sign3A_55 = arith.subi %sign3A_51, %sign3A_54 : i32
    %ne3A_56 = arith.cmpi ne, %sign3A_48, %sign3A_55 : i32
    %rem3A_57 = arith.remsi %sub3A_39, %jit3A_40 : i32
    %ne3A_58 = arith.constant 0 : i32
    %ne3A_59 = arith.cmpi ne, %rem3A_57, %ne3A_58 : i32
    %and3A_60 = arith.andi %ne3A_56, %ne3A_59 : i1
    %sub3A_61 = arith.constant 1 : i32
    %sub3A_62 = arith.subi %div3A_41, %sub3A_61 : i32
    %select_n3A_63 = arith.select %and3A_60, %sub3A_62, %div3A_41 : i32
    %while3A = arith.constant 0 : i32
    %while3A_64 = arith.constant 0 : i32
    %while3A_65 = arith.subi %select_n3A_63, %while3A : i32
    %while3A_66 = arith.addi %while3A, %while3A_65 : i32
    %while3A_67 = arith.constant 1 : i32
    %while3A_68 = arith.divsi %while3A_65, %while3A_67 : i32
    %while3A_69 = arith.muli %while3A_68, %while3A_67 : i32
    %while3A_70 = arith.addi %while3A, %while3A_69 : i32
    %while3A_71 = arith.constant 1 : i32
    %while3A_72 = scf.for %while3A_79 = %while3A to %while3A_70 step %while3A_71 iter_args(%while3A_80 = %while3A_64) -> (i32)  : i32 {
      %mul3A_81 = arith.constant 128 : i32
      %mul3A_82 = arith.muli %while3A_79, %mul3A_81 : i32
      %add3A_83 = arith.addi %mul3A_34, %mul3A_82 : i32
      "tpu.region"() ({
        %run_scoped3A = tpu.sem_alloc : memref<!tpu.dma_semaphore, #tpu.memory_space<semaphore_mem>>
        %dma_start3A_102 = tpu.memref_slice %arg3[%add3A_83] : memref<160128xi32, #tpu.memory_space<hbm>> -> memref<128xi32, #tpu.memory_space<hbm>>
        %dma_start3A_103 = tpu.memref_slice %arg3[%add3A_83] : memref<160128xi32, #tpu.memory_space<hbm>> -> memref<128xi32, #tpu.memory_space<hbm>>
        tpu.enqueue_dma source(%dma_start3A_103 : memref<128xi32, #tpu.memory_space<hbm>>) target(%arg9 : memref<128xi32, #tpu.memory_space<vmem>>) target_semaphore(%run_scoped3A : memref<!tpu.dma_semaphore, #tpu.memory_space<semaphore_mem>>)
        %dma_wait3A_104 = tpu.memref_slice %arg3[%add3A_83] : memref<160128xi32, #tpu.memory_space<hbm>> -> memref<128xi32, #tpu.memory_space<hbm>>
        %dma_wait3A_105 = tpu.memref_slice %arg3[%add3A_83] : memref<160128xi32, #tpu.memory_space<hbm>> -> memref<128xi32, #tpu.memory_space<hbm>>
        tpu.wait_dma2 semaphore(%run_scoped3A : memref<!tpu.dma_semaphore, #tpu.memory_space<semaphore_mem>>) src(%dma_wait3A_105 : memref<128xi32, #tpu.memory_space<hbm>>) dst(%arg9 : memref<128xi32, #tpu.memory_space<vmem>>)
        tpu.yield
      }) : () -> ()
      "tpu.region"() ({
        %run_scoped3A = tpu.sem_alloc : memref<!tpu.dma_semaphore, #tpu.memory_space<semaphore_mem>>
        %dma_start3A_102 = arith.constant 0 : i32
        %dma_start3A_103 = tpu.memref_slice %arg11[%dma_start3A_102] : memref<144xi32, #tpu.memory_space<vmem>> -> memref<128xi32, #tpu.memory_space<vmem>>
        %dma_start3A_104 = tpu.memref_slice %arg4[%add3A_83] : memref<160128xi32, #tpu.memory_space<hbm>> -> memref<128xi32, #tpu.memory_space<hbm>>
        %dma_start3A_105 = arith.constant 0 : i32
        %dma_start3A_106 = tpu.memref_slice %arg11[%dma_start3A_105] : memref<144xi32, #tpu.memory_space<vmem>> -> memref<128xi32, #tpu.memory_space<vmem>>
        %dma_start3A_107 = tpu.memref_slice %arg4[%add3A_83] : memref<160128xi32, #tpu.memory_space<hbm>> -> memref<128xi32, #tpu.memory_space<hbm>>
        tpu.enqueue_dma source(%dma_start3A_107 : memref<128xi32, #tpu.memory_space<hbm>>) target(%dma_start3A_106 : memref<128xi32, #tpu.memory_space<vmem>>) target_semaphore(%run_scoped3A : memref<!tpu.dma_semaphore, #tpu.memory_space<semaphore_mem>>)
        %dma_wait3A_108 = arith.constant 0 : i32
        %dma_wait3A_109 = tpu.memref_slice %arg11[%dma_wait3A_108] : memref<144xi32, #tpu.memory_space<vmem>> -> memref<128xi32, #tpu.memory_space<vmem>>
        %dma_wait3A_110 = tpu.memref_slice %arg4[%add3A_83] : memref<160128xi32, #tpu.memory_space<hbm>> -> memref<128xi32, #tpu.memory_space<hbm>>
        %dma_wait3A_111 = arith.constant 0 : i32
        %dma_wait3A_112 = tpu.memref_slice %arg11[%dma_wait3A_111] : memref<144xi32, #tpu.memory_space<vmem>> -> memref<128xi32, #tpu.memory_space<vmem>>
        %dma_wait3A_113 = tpu.memref_slice %arg4[%add3A_83] : memref<160128xi32, #tpu.memory_space<hbm>> -> memref<128xi32, #tpu.memory_space<hbm>>
        tpu.wait_dma2 semaphore(%run_scoped3A : memref<!tpu.dma_semaphore, #tpu.memory_space<semaphore_mem>>) src(%dma_wait3A_113 : memref<128xi32, #tpu.memory_space<hbm>>) dst(%dma_wait3A_112 : memref<128xi32, #tpu.memory_space<vmem>>)
        tpu.yield
      }) : () -> ()
      %dma_start3A = arith.constant 0 : i32
      %dma_start3A_84 = arith.constant 0 : i32
      %dma_start3A_85 = tpu.memref_slice %arg2[%dma_start3A, %dma_start3A_84] : memref<160000x32xf32, #tpu.memory_space<hbm>> -> memref<160000x32xf32, #tpu.memory_space<hbm>>
      tpu.enqueue_indirect_dma source(%dma_start3A_85 : memref<160000x32xf32, #tpu.memory_space<hbm>>) target(%arg8 : memref<128x32xf32, #tpu.memory_space<vmem>>) offsets(%arg9 : memref<128xi32, #tpu.memory_space<vmem>>) semaphore(%arg12 : memref<!tpu.dma_semaphore, #tpu.memory_space<semaphore_mem>>)
      %dma_wait3A = arith.constant 0 : i32
      %dma_wait3A_86 = arith.constant 0 : i32
      %dma_wait3A_87 = tpu.memref_slice %arg2[%dma_wait3A, %dma_wait3A_86] : memref<160000x32xf32, #tpu.memory_space<hbm>> -> memref<160000x32xf32, #tpu.memory_space<hbm>>
      tpu.wait_indirect_dma semaphore(%arg12 : memref<!tpu.dma_semaphore, #tpu.memory_space<semaphore_mem>>) src(%dma_wait3A_87 : memref<160000x32xf32, #tpu.memory_space<hbm>>) dst(%arg8 : memref<128x32xf32, #tpu.memory_space<vmem>>)
      %max3A = arith.maxsi %add3A_83, %squeeze3A : i32
      %add3A_88 = arith.constant 128 : i32
      %add3A_89 = arith.addi %add3A_83, %add3A_88 : i32
      %min3A = arith.minsi %add3A_89, %squeeze3A_10 : i32
      %while3A_90 = arith.constant 0 : i32
      %while3A_91 = arith.subi %min3A, %max3A : i32
      %while3A_92 = arith.addi %max3A, %while3A_91 : i32
      %while3A_93 = arith.constant 1 : i32
      %while3A_94 = arith.divsi %while3A_91, %while3A_93 : i32
      %while3A_95 = arith.muli %while3A_94, %while3A_93 : i32
      %while3A_96 = arith.addi %max3A, %while3A_95 : i32
      %while3A_97 = arith.constant 1 : i32
      %while3A_98 = scf.for %while3A_102 = %max3A to %while3A_96 step %while3A_97 iter_args(%while3A_103 = %while3A_90) -> (i32)  : i32 {
        %sub3A_104 = arith.subi %while3A_102, %add3A_83 : i32
        %get3A_105 = arith.index_cast %sub3A_104 : i32 to index
        %get3A_106 = tpu.vector_load %arg11[%get3A_105] {strides = array<i32>} : memref<144xi32, #tpu.memory_space<vmem>>, vector<16xi32>,
        %get3A_107 = vector.shape_cast %get3A_106 : vector<16xi32> to vector<16xi32>
        %slice3A_108 = vector.extract_strided_slice %get3A_107 {offsets = [0], sizes = [1], strides = [1]} : vector<16xi32> to vector<1xi32>
        %squeeze3A_109 = vector.extract %slice3A_108[0] : i32 from vector<1xi32>
        %sub3A_110 = arith.subi %squeeze3A_109, %mul3A_3 : i32
        %mul3A_111 = arith.constant 32 : i32
        %mul3A_112 = arith.muli %sub3A_110, %mul3A_111 : i32
        %get3A_113 = arith.index_cast %sub3A_104 : i32 to index
        %get3A_114 = arith.constant 0 : index
        %get3A_115 = tpu.vector_load %arg8[%get3A_113, %get3A_114] {strides = array<i32>} : memref<128x32xf32, #tpu.memory_space<vmem>>, vector<1x16xf32>,
        %get3A_116 = vector.shape_cast %get3A_115 : vector<1x16xf32> to vector<16xf32>
        %swap3A = arith.index_cast %mul3A_112 : i32 to index
        %swap3A_117 = tpu.vector_load %arg7[%swap3A] {strides = array<i32>} : memref<10240xf32, #tpu.memory_space<vmem>>, vector<16xf32>,
        %swap3A_118 = vector.shape_cast %swap3A_117 : vector<16xf32> to vector<16xf32>
        %swap3A_119 = vector.shape_cast %get3A_116 : vector<16xf32> to vector<16xf32>
        tpu.vector_store %arg7[%swap3A], %swap3A_119 {add = true, strides = array<i32>} : memref<10240xf32, #tpu.memory_space<vmem>>, vector<16xf32>,
        %add3A_120 = arith.constant 16 : i32
        %add3A_121 = arith.addi %mul3A_112, %add3A_120 : i32
        %get3A_122 = arith.index_cast %sub3A_104 : i32 to index
        %get3A_123 = arith.constant 16 : index
        %get3A_124 = tpu.vector_load %arg8[%get3A_122, %get3A_123] {strides = array<i32>} : memref<128x32xf32, #tpu.memory_space<vmem>>, vector<1x16xf32>,
        %get3A_125 = vector.shape_cast %get3A_124 : vector<1x16xf32> to vector<16xf32>
        %swap3A_126 = arith.index_cast %add3A_121 : i32 to index
        %swap3A_127 = tpu.vector_load %arg7[%swap3A_126] {strides = array<i32>} : memref<10240xf32, #tpu.memory_space<vmem>>, vector<16xf32>,
        %swap3A_128 = vector.shape_cast %swap3A_127 : vector<16xf32> to vector<16xf32>
        %swap3A_129 = vector.shape_cast %get3A_125 : vector<16xf32> to vector<16xf32>
        tpu.vector_store %arg7[%swap3A_126], %swap3A_129 {add = true, strides = array<i32>} : memref<10240xf32, #tpu.memory_space<vmem>>, vector<16xf32>,
        %while3A_130 = arith.constant 0 : i32
        scf.yield %while3A_130 : i32
      }
      %while3A_99 = arith.constant 1 : i32
      %while3A_100 = scf.for %while3A_102 = %while3A_96 to %while3A_92 step %while3A_99 iter_args(%while3A_103 = %while3A_98) -> (i32)  : i32 {
        %sub3A_104 = arith.subi %while3A_102, %add3A_83 : i32
        %get3A_105 = arith.index_cast %sub3A_104 : i32 to index
        %get3A_106 = tpu.vector_load %arg11[%get3A_105] {strides = array<i32>} : memref<144xi32, #tpu.memory_space<vmem>>, vector<16xi32>,
        %get3A_107 = vector.shape_cast %get3A_106 : vector<16xi32> to vector<16xi32>
        %slice3A_108 = vector.extract_strided_slice %get3A_107 {offsets = [0], sizes = [1], strides = [1]} : vector<16xi32> to vector<1xi32>
        %squeeze3A_109 = vector.extract %slice3A_108[0] : i32 from vector<1xi32>
        %sub3A_110 = arith.subi %squeeze3A_109, %mul3A_3 : i32
        %mul3A_111 = arith.constant 32 : i32
        %mul3A_112 = arith.muli %sub3A_110, %mul3A_111 : i32
        %get3A_113 = arith.index_cast %sub3A_104 : i32 to index
        %get3A_114 = arith.constant 0 : index
        %get3A_115 = tpu.vector_load %arg8[%get3A_113, %get3A_114] {strides = array<i32>} : memref<128x32xf32, #tpu.memory_space<vmem>>, vector<1x16xf32>,
        %get3A_116 = vector.shape_cast %get3A_115 : vector<1x16xf32> to vector<16xf32>
        %swap3A = arith.index_cast %mul3A_112 : i32 to index
        %swap3A_117 = tpu.vector_load %arg7[%swap3A] {strides = array<i32>} : memref<10240xf32, #tpu.memory_space<vmem>>, vector<16xf32>,
        %swap3A_118 = vector.shape_cast %swap3A_117 : vector<16xf32> to vector<16xf32>
        %swap3A_119 = vector.shape_cast %get3A_116 : vector<16xf32> to vector<16xf32>
        tpu.vector_store %arg7[%swap3A], %swap3A_119 {add = true, strides = array<i32>} : memref<10240xf32, #tpu.memory_space<vmem>>, vector<16xf32>,
        %add3A_120 = arith.constant 16 : i32
        %add3A_121 = arith.addi %mul3A_112, %add3A_120 : i32
        %get3A_122 = arith.index_cast %sub3A_104 : i32 to index
        %get3A_123 = arith.constant 16 : index
        %get3A_124 = tpu.vector_load %arg8[%get3A_122, %get3A_123] {strides = array<i32>} : memref<128x32xf32, #tpu.memory_space<vmem>>, vector<1x16xf32>,
        %get3A_125 = vector.shape_cast %get3A_124 : vector<1x16xf32> to vector<16xf32>
        %swap3A_126 = arith.index_cast %add3A_121 : i32 to index
        %swap3A_127 = tpu.vector_load %arg7[%swap3A_126] {strides = array<i32>} : memref<10240xf32, #tpu.memory_space<vmem>>, vector<16xf32>,
        %swap3A_128 = vector.shape_cast %swap3A_127 : vector<16xf32> to vector<16xf32>
        %swap3A_129 = vector.shape_cast %get3A_125 : vector<16xf32> to vector<16xf32>
        tpu.vector_store %arg7[%swap3A_126], %swap3A_129 {add = true, strides = array<i32>} : memref<10240xf32, #tpu.memory_space<vmem>>, vector<16xf32>,
        %while3A_130 = arith.constant 0 : i32
        scf.yield %while3A_130 : i32
      }
      %while3A_101 = arith.constant 0 : i32
      scf.yield %while3A_101 : i32
    }
    %while3A_73 = arith.constant 1 : i32
    %while3A_74 = scf.for %while3A_79 = %while3A_70 to %while3A_66 step %while3A_73 iter_args(%while3A_80 = %while3A_72) -> (i32)  : i32 {
      %mul3A_81 = arith.constant 128 : i32
      %mul3A_82 = arith.muli %while3A_79, %mul3A_81 : i32
      %add3A_83 = arith.addi %mul3A_34, %mul3A_82 : i32
      "tpu.region"() ({
        %run_scoped3A = tpu.sem_alloc : memref<!tpu.dma_semaphore, #tpu.memory_space<semaphore_mem>>
        %dma_start3A_102 = tpu.memref_slice %arg3[%add3A_83] : memref<160128xi32, #tpu.memory_space<hbm>> -> memref<128xi32, #tpu.memory_space<hbm>>
        %dma_start3A_103 = tpu.memref_slice %arg3[%add3A_83] : memref<160128xi32, #tpu.memory_space<hbm>> -> memref<128xi32, #tpu.memory_space<hbm>>
        tpu.enqueue_dma source(%dma_start3A_103 : memref<128xi32, #tpu.memory_space<hbm>>) target(%arg9 : memref<128xi32, #tpu.memory_space<vmem>>) target_semaphore(%run_scoped3A : memref<!tpu.dma_semaphore, #tpu.memory_space<semaphore_mem>>)
        %dma_wait3A_104 = tpu.memref_slice %arg3[%add3A_83] : memref<160128xi32, #tpu.memory_space<hbm>> -> memref<128xi32, #tpu.memory_space<hbm>>
        %dma_wait3A_105 = tpu.memref_slice %arg3[%add3A_83] : memref<160128xi32, #tpu.memory_space<hbm>> -> memref<128xi32, #tpu.memory_space<hbm>>
        tpu.wait_dma2 semaphore(%run_scoped3A : memref<!tpu.dma_semaphore, #tpu.memory_space<semaphore_mem>>) src(%dma_wait3A_105 : memref<128xi32, #tpu.memory_space<hbm>>) dst(%arg9 : memref<128xi32, #tpu.memory_space<vmem>>)
        tpu.yield
      }) : () -> ()
      "tpu.region"() ({
        %run_scoped3A = tpu.sem_alloc : memref<!tpu.dma_semaphore, #tpu.memory_space<semaphore_mem>>
        %dma_start3A_102 = arith.constant 0 : i32
        %dma_start3A_103 = tpu.memref_slice %arg11[%dma_start3A_102] : memref<144xi32, #tpu.memory_space<vmem>> -> memref<128xi32, #tpu.memory_space<vmem>>
        %dma_start3A_104 = tpu.memref_slice %arg4[%add3A_83] : memref<160128xi32, #tpu.memory_space<hbm>> -> memref<128xi32, #tpu.memory_space<hbm>>
        %dma_start3A_105 = arith.constant 0 : i32
        %dma_start3A_106 = tpu.memref_slice %arg11[%dma_start3A_105] : memref<144xi32, #tpu.memory_space<vmem>> -> memref<128xi32, #tpu.memory_space<vmem>>
        %dma_start3A_107 = tpu.memref_slice %arg4[%add3A_83] : memref<160128xi32, #tpu.memory_space<hbm>> -> memref<128xi32, #tpu.memory_space<hbm>>
        tpu.enqueue_dma source(%dma_start3A_107 : memref<128xi32, #tpu.memory_space<hbm>>) target(%dma_start3A_106 : memref<128xi32, #tpu.memory_space<vmem>>) target_semaphore(%run_scoped3A : memref<!tpu.dma_semaphore, #tpu.memory_space<semaphore_mem>>)
        %dma_wait3A_108 = arith.constant 0 : i32
        %dma_wait3A_109 = tpu.memref_slice %arg11[%dma_wait3A_108] : memref<144xi32, #tpu.memory_space<vmem>> -> memref<128xi32, #tpu.memory_space<vmem>>
        %dma_wait3A_110 = tpu.memref_slice %arg4[%add3A_83] : memref<160128xi32, #tpu.memory_space<hbm>> -> memref<128xi32, #tpu.memory_space<hbm>>
        %dma_wait3A_111 = arith.constant 0 : i32
        %dma_wait3A_112 = tpu.memref_slice %arg11[%dma_wait3A_111] : memref<144xi32, #tpu.memory_space<vmem>> -> memref<128xi32, #tpu.memory_space<vmem>>
        %dma_wait3A_113 = tpu.memref_slice %arg4[%add3A_83] : memref<160128xi32, #tpu.memory_space<hbm>> -> memref<128xi32, #tpu.memory_space<hbm>>
        tpu.wait_dma2 semaphore(%run_scoped3A : memref<!tpu.dma_semaphore, #tpu.memory_space<semaphore_mem>>) src(%dma_wait3A_113 : memref<128xi32, #tpu.memory_space<hbm>>) dst(%dma_wait3A_112 : memref<128xi32, #tpu.memory_space<vmem>>)
        tpu.yield
      }) : () -> ()
      %dma_start3A = arith.constant 0 : i32
      %dma_start3A_84 = arith.constant 0 : i32
      %dma_start3A_85 = tpu.memref_slice %arg2[%dma_start3A, %dma_start3A_84] : memref<160000x32xf32, #tpu.memory_space<hbm>> -> memref<160000x32xf32, #tpu.memory_space<hbm>>
      tpu.enqueue_indirect_dma source(%dma_start3A_85 : memref<160000x32xf32, #tpu.memory_space<hbm>>) target(%arg8 : memref<128x32xf32, #tpu.memory_space<vmem>>) offsets(%arg9 : memref<128xi32, #tpu.memory_space<vmem>>) semaphore(%arg12 : memref<!tpu.dma_semaphore, #tpu.memory_space<semaphore_mem>>)
      %dma_wait3A = arith.constant 0 : i32
      %dma_wait3A_86 = arith.constant 0 : i32
      %dma_wait3A_87 = tpu.memref_slice %arg2[%dma_wait3A, %dma_wait3A_86] : memref<160000x32xf32, #tpu.memory_space<hbm>> -> memref<160000x32xf32, #tpu.memory_space<hbm>>
      tpu.wait_indirect_dma semaphore(%arg12 : memref<!tpu.dma_semaphore, #tpu.memory_space<semaphore_mem>>) src(%dma_wait3A_87 : memref<160000x32xf32, #tpu.memory_space<hbm>>) dst(%arg8 : memref<128x32xf32, #tpu.memory_space<vmem>>)
      %max3A = arith.maxsi %add3A_83, %squeeze3A : i32
      %add3A_88 = arith.constant 128 : i32
      %add3A_89 = arith.addi %add3A_83, %add3A_88 : i32
      %min3A = arith.minsi %add3A_89, %squeeze3A_10 : i32
      %while3A_90 = arith.constant 0 : i32
      %while3A_91 = arith.subi %min3A, %max3A : i32
      %while3A_92 = arith.addi %max3A, %while3A_91 : i32
      %while3A_93 = arith.constant 1 : i32
      %while3A_94 = arith.divsi %while3A_91, %while3A_93 : i32
      %while3A_95 = arith.muli %while3A_94, %while3A_93 : i32
      %while3A_96 = arith.addi %max3A, %while3A_95 : i32
      %while3A_97 = arith.constant 1 : i32
      %while3A_98 = scf.for %while3A_102 = %max3A to %while3A_96 step %while3A_97 iter_args(%while3A_103 = %while3A_90) -> (i32)  : i32 {
        %sub3A_104 = arith.subi %while3A_102, %add3A_83 : i32
        %get3A_105 = arith.index_cast %sub3A_104 : i32 to index
        %get3A_106 = tpu.vector_load %arg11[%get3A_105] {strides = array<i32>} : memref<144xi32, #tpu.memory_space<vmem>>, vector<16xi32>,
        %get3A_107 = vector.shape_cast %get3A_106 : vector<16xi32> to vector<16xi32>
        %slice3A_108 = vector.extract_strided_slice %get3A_107 {offsets = [0], sizes = [1], strides = [1]} : vector<16xi32> to vector<1xi32>
        %squeeze3A_109 = vector.extract %slice3A_108[0] : i32 from vector<1xi32>
        %sub3A_110 = arith.subi %squeeze3A_109, %mul3A_3 : i32
        %mul3A_111 = arith.constant 32 : i32
        %mul3A_112 = arith.muli %sub3A_110, %mul3A_111 : i32
        %get3A_113 = arith.index_cast %sub3A_104 : i32 to index
        %get3A_114 = arith.constant 0 : index
        %get3A_115 = tpu.vector_load %arg8[%get3A_113, %get3A_114] {strides = array<i32>} : memref<128x32xf32, #tpu.memory_space<vmem>>, vector<1x16xf32>,
        %get3A_116 = vector.shape_cast %get3A_115 : vector<1x16xf32> to vector<16xf32>
        %swap3A = arith.index_cast %mul3A_112 : i32 to index
        %swap3A_117 = tpu.vector_load %arg7[%swap3A] {strides = array<i32>} : memref<10240xf32, #tpu.memory_space<vmem>>, vector<16xf32>,
        %swap3A_118 = vector.shape_cast %swap3A_117 : vector<16xf32> to vector<16xf32>
        %swap3A_119 = vector.shape_cast %get3A_116 : vector<16xf32> to vector<16xf32>
        tpu.vector_store %arg7[%swap3A], %swap3A_119 {add = true, strides = array<i32>} : memref<10240xf32, #tpu.memory_space<vmem>>, vector<16xf32>,
        %add3A_120 = arith.constant 16 : i32
        %add3A_121 = arith.addi %mul3A_112, %add3A_120 : i32
        %get3A_122 = arith.index_cast %sub3A_104 : i32 to index
        %get3A_123 = arith.constant 16 : index
        %get3A_124 = tpu.vector_load %arg8[%get3A_122, %get3A_123] {strides = array<i32>} : memref<128x32xf32, #tpu.memory_space<vmem>>, vector<1x16xf32>,
        %get3A_125 = vector.shape_cast %get3A_124 : vector<1x16xf32> to vector<16xf32>
        %swap3A_126 = arith.index_cast %add3A_121 : i32 to index
        %swap3A_127 = tpu.vector_load %arg7[%swap3A_126] {strides = array<i32>} : memref<10240xf32, #tpu.memory_space<vmem>>, vector<16xf32>,
        %swap3A_128 = vector.shape_cast %swap3A_127 : vector<16xf32> to vector<16xf32>
        %swap3A_129 = vector.shape_cast %get3A_125 : vector<16xf32> to vector<16xf32>
        tpu.vector_store %arg7[%swap3A_126], %swap3A_129 {add = true, strides = array<i32>} : memref<10240xf32, #tpu.memory_space<vmem>>, vector<16xf32>,
        %while3A_130 = arith.constant 0 : i32
        scf.yield %while3A_130 : i32
      }
      %while3A_99 = arith.constant 1 : i32
      %while3A_100 = scf.for %while3A_102 = %while3A_96 to %while3A_92 step %while3A_99 iter_args(%while3A_103 = %while3A_98) -> (i32)  : i32 {
        %sub3A_104 = arith.subi %while3A_102, %add3A_83 : i32
        %get3A_105 = arith.index_cast %sub3A_104 : i32 to index
        %get3A_106 = tpu.vector_load %arg11[%get3A_105] {strides = array<i32>} : memref<144xi32, #tpu.memory_space<vmem>>, vector<16xi32>,
        %get3A_107 = vector.shape_cast %get3A_106 : vector<16xi32> to vector<16xi32>
        %slice3A_108 = vector.extract_strided_slice %get3A_107 {offsets = [0], sizes = [1], strides = [1]} : vector<16xi32> to vector<1xi32>
        %squeeze3A_109 = vector.extract %slice3A_108[0] : i32 from vector<1xi32>
        %sub3A_110 = arith.subi %squeeze3A_109, %mul3A_3 : i32
        %mul3A_111 = arith.constant 32 : i32
        %mul3A_112 = arith.muli %sub3A_110, %mul3A_111 : i32
        %get3A_113 = arith.index_cast %sub3A_104 : i32 to index
        %get3A_114 = arith.constant 0 : index
        %get3A_115 = tpu.vector_load %arg8[%get3A_113, %get3A_114] {strides = array<i32>} : memref<128x32xf32, #tpu.memory_space<vmem>>, vector<1x16xf32>,
        %get3A_116 = vector.shape_cast %get3A_115 : vector<1x16xf32> to vector<16xf32>
        %swap3A = arith.index_cast %mul3A_112 : i32 to index
        %swap3A_117 = tpu.vector_load %arg7[%swap3A] {strides = array<i32>} : memref<10240xf32, #tpu.memory_space<vmem>>, vector<16xf32>,
        %swap3A_118 = vector.shape_cast %swap3A_117 : vector<16xf32> to vector<16xf32>
        %swap3A_119 = vector.shape_cast %get3A_116 : vector<16xf32> to vector<16xf32>
        tpu.vector_store %arg7[%swap3A], %swap3A_119 {add = true, strides = array<i32>} : memref<10240xf32, #tpu.memory_space<vmem>>, vector<16xf32>,
        %add3A_120 = arith.constant 16 : i32
        %add3A_121 = arith.addi %mul3A_112, %add3A_120 : i32
        %get3A_122 = arith.index_cast %sub3A_104 : i32 to index
        %get3A_123 = arith.constant 16 : index
        %get3A_124 = tpu.vector_load %arg8[%get3A_122, %get3A_123] {strides = array<i32>} : memref<128x32xf32, #tpu.memory_space<vmem>>, vector<1x16xf32>,
        %get3A_125 = vector.shape_cast %get3A_124 : vector<1x16xf32> to vector<16xf32>
        %swap3A_126 = arith.index_cast %add3A_121 : i32 to index
        %swap3A_127 = tpu.vector_load %arg7[%swap3A_126] {strides = array<i32>} : memref<10240xf32, #tpu.memory_space<vmem>>, vector<16xf32>,
        %swap3A_128 = vector.shape_cast %swap3A_127 : vector<16xf32> to vector<16xf32>
        %swap3A_129 = vector.shape_cast %get3A_125 : vector<16xf32> to vector<16xf32>
        tpu.vector_store %arg7[%swap3A_126], %swap3A_129 {add = true, strides = array<i32>} : memref<10240xf32, #tpu.memory_space<vmem>>, vector<16xf32>,
        %while3A_130 = arith.constant 0 : i32
        scf.yield %while3A_130 : i32
      }
      %while3A_101 = arith.constant 0 : i32
      scf.yield %while3A_101 : i32
    }
    %mul3A_75 = arith.constant 320 : i32
    %mul3A_76 = arith.muli %add3A, %mul3A_75 : i32
    %mul3A_77 = arith.constant 32 : i32
    %mul3A_78 = arith.muli %mul3A_76, %mul3A_77 : i32
    "tpu.region"() ({
      %run_scoped3A = tpu.sem_alloc : memref<!tpu.dma_semaphore, #tpu.memory_space<semaphore_mem>>
      %dma_start3A = tpu.memref_slice %arg6[%mul3A_78] : memref<327680xf32, #tpu.memory_space<hbm>> -> memref<10240xf32, #tpu.memory_space<hbm>>
      %dma_start3A_79 = tpu.memref_slice %arg6[%mul3A_78] : memref<327680xf32, #tpu.memory_space<hbm>> -> memref<10240xf32, #tpu.memory_space<hbm>>
      tpu.enqueue_dma source(%arg7 : memref<10240xf32, #tpu.memory_space<vmem>>) target(%dma_start3A_79 : memref<10240xf32, #tpu.memory_space<hbm>>) target_semaphore(%run_scoped3A : memref<!tpu.dma_semaphore, #tpu.memory_space<semaphore_mem>>)
      %dma_wait3A = tpu.memref_slice %arg6[%mul3A_78] : memref<327680xf32, #tpu.memory_space<hbm>> -> memref<10240xf32, #tpu.memory_space<hbm>>
      %dma_wait3A_80 = tpu.memref_slice %arg6[%mul3A_78] : memref<327680xf32, #tpu.memory_space<hbm>> -> memref<10240xf32, #tpu.memory_space<hbm>>
      tpu.wait_dma2 semaphore(%run_scoped3A : memref<!tpu.dma_semaphore, #tpu.memory_space<semaphore_mem>>) src(%arg7 : memref<10240xf32, #tpu.memory_space<vmem>>) dst(%dma_wait3A_80 : memref<10240xf32, #tpu.memory_space<hbm>>)
      tpu.yield
    }) : () -> ()
    return
  }
}

#map = affine_map<(d0, d1) -> (0, 0)>
#map1 = affine_map<(d0, d1) -> (0)>
module attributes {stable_mosaic.version = 14 : i64} {
  func.func @sc_gather(%arg0: i32, %arg1: i32, %arg2: memref<10240x32xf32, #tpu.memory_space<hbm>>, %arg3: memref<160000xi32, #tpu.memory_space<hbm>>, %arg4: memref<160000x32xf32, #tpu.memory_space<hbm>>, %arg5: memref<128xi32, #tpu.memory_space<vmem>>, %arg6: memref<128x32xf32, #tpu.memory_space<vmem>>, %arg7: memref<!tpu.dma_semaphore, #tpu.memory_space<semaphore_mem>>) attributes {dimension_semantics = [#tpu.dimension_semantics<core_parallel>, #tpu.dimension_semantics<subcore_parallel>], iteration_bounds = array<i64: 2, 16>, scalar_prefetch = 0 : i64, scratch_operands = 3 : i64, tpu.core_type = #tpu.core_type<sc_vector_subcore>, window_params = [{transform_indices = #map}, {transform_indices = #map1}, {transform_indices = #map}]} {
    %mul3A = arith.constant 2 : i32
    %mul3A_0 = arith.muli %arg1, %mul3A : i32
    %add3A = arith.addi %mul3A_0, %arg0 : i32
    %mul3A_1 = arith.constant 5000 : i32
    %mul3A_2 = arith.muli %add3A, %mul3A_1 : i32
    %scan3A = arith.constant 0 : i32
    %scan3A_3 = arith.constant 0 : i32
    %scan3A_4 = arith.constant 39 : i32
    %scan3A_5 = arith.addi %scan3A_3, %scan3A_4 : i32
    %scan3A_6 = arith.constant 1 : i32
    %scan3A_7 = scf.for %scan3A_25 = %scan3A_3 to %scan3A_5 step %scan3A_6 iter_args(%scan3A_26 = %scan3A) -> (i32)  : i32 {
      %mul3A_27 = arith.constant 128 : i32
      %mul3A_28 = arith.muli %scan3A_25, %mul3A_27 : i32
      %add3A_29 = arith.addi %mul3A_2, %mul3A_28 : i32
      "tpu.region"() ({
        %run_scoped3A = tpu.sem_alloc : memref<!tpu.dma_semaphore, #tpu.memory_space<semaphore_mem>>
        %dma_start3A_37 = tpu.memref_slice %arg3[%add3A_29] : memref<160000xi32, #tpu.memory_space<hbm>> -> memref<128xi32, #tpu.memory_space<hbm>>
        %dma_start3A_38 = tpu.memref_slice %arg3[%add3A_29] : memref<160000xi32, #tpu.memory_space<hbm>> -> memref<128xi32, #tpu.memory_space<hbm>>
        tpu.enqueue_dma source(%dma_start3A_38 : memref<128xi32, #tpu.memory_space<hbm>>) target(%arg5 : memref<128xi32, #tpu.memory_space<vmem>>) target_semaphore(%run_scoped3A : memref<!tpu.dma_semaphore, #tpu.memory_space<semaphore_mem>>)
        %dma_wait3A_39 = tpu.memref_slice %arg3[%add3A_29] : memref<160000xi32, #tpu.memory_space<hbm>> -> memref<128xi32, #tpu.memory_space<hbm>>
        %dma_wait3A_40 = tpu.memref_slice %arg3[%add3A_29] : memref<160000xi32, #tpu.memory_space<hbm>> -> memref<128xi32, #tpu.memory_space<hbm>>
        tpu.wait_dma2 semaphore(%run_scoped3A : memref<!tpu.dma_semaphore, #tpu.memory_space<semaphore_mem>>) src(%dma_wait3A_40 : memref<128xi32, #tpu.memory_space<hbm>>) dst(%arg5 : memref<128xi32, #tpu.memory_space<vmem>>)
        tpu.yield
      }) : () -> ()
      %dma_start3A_30 = arith.constant 0 : i32
      %dma_start3A_31 = arith.constant 0 : i32
      %dma_start3A_32 = tpu.memref_slice %arg2[%dma_start3A_30, %dma_start3A_31] : memref<10240x32xf32, #tpu.memory_space<hbm>> -> memref<10240x32xf32, #tpu.memory_space<hbm>>
      tpu.enqueue_indirect_dma source(%dma_start3A_32 : memref<10240x32xf32, #tpu.memory_space<hbm>>) target(%arg6 : memref<128x32xf32, #tpu.memory_space<vmem>>) offsets(%arg5 : memref<128xi32, #tpu.memory_space<vmem>>) semaphore(%arg7 : memref<!tpu.dma_semaphore, #tpu.memory_space<semaphore_mem>>)
      %dma_wait3A_33 = arith.constant 0 : i32
      %dma_wait3A_34 = arith.constant 0 : i32
      %dma_wait3A_35 = tpu.memref_slice %arg2[%dma_wait3A_33, %dma_wait3A_34] : memref<10240x32xf32, #tpu.memory_space<hbm>> -> memref<10240x32xf32, #tpu.memory_space<hbm>>
      tpu.wait_indirect_dma semaphore(%arg7 : memref<!tpu.dma_semaphore, #tpu.memory_space<semaphore_mem>>) src(%dma_wait3A_35 : memref<10240x32xf32, #tpu.memory_space<hbm>>) dst(%arg6 : memref<128x32xf32, #tpu.memory_space<vmem>>)
      "tpu.region"() ({
        %run_scoped3A = tpu.sem_alloc : memref<!tpu.dma_semaphore, #tpu.memory_space<semaphore_mem>>
        %dma_start3A_37 = arith.constant 0 : i32
        %dma_start3A_38 = tpu.memref_slice %arg4[%add3A_29, %dma_start3A_37] : memref<160000x32xf32, #tpu.memory_space<hbm>> -> memref<128x32xf32, #tpu.memory_space<hbm>>
        %dma_start3A_39 = arith.constant 0 : i32
        %dma_start3A_40 = tpu.memref_slice %arg4[%add3A_29, %dma_start3A_39] : memref<160000x32xf32, #tpu.memory_space<hbm>> -> memref<128x32xf32, #tpu.memory_space<hbm>>
        tpu.enqueue_dma source(%arg6 : memref<128x32xf32, #tpu.memory_space<vmem>>) target(%dma_start3A_40 : memref<128x32xf32, #tpu.memory_space<hbm>>) target_semaphore(%run_scoped3A : memref<!tpu.dma_semaphore, #tpu.memory_space<semaphore_mem>>)
        %dma_wait3A_41 = arith.constant 0 : i32
        %dma_wait3A_42 = tpu.memref_slice %arg4[%add3A_29, %dma_wait3A_41] : memref<160000x32xf32, #tpu.memory_space<hbm>> -> memref<128x32xf32, #tpu.memory_space<hbm>>
        %dma_wait3A_43 = arith.constant 0 : i32
        %dma_wait3A_44 = tpu.memref_slice %arg4[%add3A_29, %dma_wait3A_43] : memref<160000x32xf32, #tpu.memory_space<hbm>> -> memref<128x32xf32, #tpu.memory_space<hbm>>
        tpu.wait_dma2 semaphore(%run_scoped3A : memref<!tpu.dma_semaphore, #tpu.memory_space<semaphore_mem>>) src(%arg6 : memref<128x32xf32, #tpu.memory_space<vmem>>) dst(%dma_wait3A_44 : memref<128x32xf32, #tpu.memory_space<hbm>>)
        tpu.yield
      }) : () -> ()
      %scan3A_36 = arith.constant 0 : i32
      scf.yield %scan3A_36 : i32
    }
    %scan3A_8 = arith.constant 39 : i32
    %add3A_9 = arith.constant 4992 : i32
    %add3A_10 = arith.addi %mul3A_2, %add3A_9 : i32
    "tpu.region"() ({
      %run_scoped3A = tpu.sem_alloc : memref<!tpu.dma_semaphore, #tpu.memory_space<semaphore_mem>>
      %dma_start3A_25 = arith.constant 0 : i32
      %dma_start3A_26 = tpu.memref_slice %arg5[%dma_start3A_25] : memref<128xi32, #tpu.memory_space<vmem>> -> memref<8xi32, #tpu.memory_space<vmem>>
      %dma_start3A_27 = tpu.memref_slice %arg3[%add3A_10] : memref<160000xi32, #tpu.memory_space<hbm>> -> memref<8xi32, #tpu.memory_space<hbm>>
      %dma_start3A_28 = arith.constant 0 : i32
      %dma_start3A_29 = tpu.memref_slice %arg5[%dma_start3A_28] : memref<128xi32, #tpu.memory_space<vmem>> -> memref<8xi32, #tpu.memory_space<vmem>>
      %dma_start3A_30 = tpu.memref_slice %arg3[%add3A_10] : memref<160000xi32, #tpu.memory_space<hbm>> -> memref<8xi32, #tpu.memory_space<hbm>>
      tpu.enqueue_dma source(%dma_start3A_30 : memref<8xi32, #tpu.memory_space<hbm>>) target(%dma_start3A_29 : memref<8xi32, #tpu.memory_space<vmem>>) target_semaphore(%run_scoped3A : memref<!tpu.dma_semaphore, #tpu.memory_space<semaphore_mem>>)
      %dma_wait3A_31 = arith.constant 0 : i32
      %dma_wait3A_32 = tpu.memref_slice %arg5[%dma_wait3A_31] : memref<128xi32, #tpu.memory_space<vmem>> -> memref<8xi32, #tpu.memory_space<vmem>>
      %dma_wait3A_33 = tpu.memref_slice %arg3[%add3A_10] : memref<160000xi32, #tpu.memory_space<hbm>> -> memref<8xi32, #tpu.memory_space<hbm>>
      %dma_wait3A_34 = arith.constant 0 : i32
      %dma_wait3A_35 = tpu.memref_slice %arg5[%dma_wait3A_34] : memref<128xi32, #tpu.memory_space<vmem>> -> memref<8xi32, #tpu.memory_space<vmem>>
      %dma_wait3A_36 = tpu.memref_slice %arg3[%add3A_10] : memref<160000xi32, #tpu.memory_space<hbm>> -> memref<8xi32, #tpu.memory_space<hbm>>
      tpu.wait_dma2 semaphore(%run_scoped3A : memref<!tpu.dma_semaphore, #tpu.memory_space<semaphore_mem>>) src(%dma_wait3A_36 : memref<8xi32, #tpu.memory_space<hbm>>) dst(%dma_wait3A_35 : memref<8xi32, #tpu.memory_space<vmem>>)
      tpu.yield
    }) : () -> ()
    %dma_start3A = arith.constant 0 : i32
    %dma_start3A_11 = arith.constant 0 : i32
    %dma_start3A_12 = tpu.memref_slice %arg6[%dma_start3A, %dma_start3A_11] : memref<128x32xf32, #tpu.memory_space<vmem>> -> memref<8x32xf32, #tpu.memory_space<vmem>>
    %dma_start3A_13 = arith.constant 0 : i32
    %dma_start3A_14 = tpu.memref_slice %arg5[%dma_start3A_13] : memref<128xi32, #tpu.memory_space<vmem>> -> memref<8xi32, #tpu.memory_space<vmem>>
    %dma_start3A_15 = arith.constant 0 : i32
    %dma_start3A_16 = arith.constant 0 : i32
    %dma_start3A_17 = tpu.memref_slice %arg2[%dma_start3A_15, %dma_start3A_16] : memref<10240x32xf32, #tpu.memory_space<hbm>> -> memref<10240x32xf32, #tpu.memory_space<hbm>>
    tpu.enqueue_indirect_dma source(%dma_start3A_17 : memref<10240x32xf32, #tpu.memory_space<hbm>>) target(%dma_start3A_12 : memref<8x32xf32, #tpu.memory_space<vmem>>) offsets(%dma_start3A_14 : memref<8xi32, #tpu.memory_space<vmem>>) semaphore(%arg7 : memref<!tpu.dma_semaphore, #tpu.memory_space<semaphore_mem>>)
    %dma_wait3A = arith.constant 0 : i32
    %dma_wait3A_18 = arith.constant 0 : i32
    %dma_wait3A_19 = tpu.memref_slice %arg6[%dma_wait3A, %dma_wait3A_18] : memref<128x32xf32, #tpu.memory_space<vmem>> -> memref<8x32xf32, #tpu.memory_space<vmem>>
    %dma_wait3A_20 = arith.constant 0 : i32
    %dma_wait3A_21 = tpu.memref_slice %arg5[%dma_wait3A_20] : memref<128xi32, #tpu.memory_space<vmem>> -> memref<8xi32, #tpu.memory_space<vmem>>
    %dma_wait3A_22 = arith.constant 0 : i32
    %dma_wait3A_23 = arith.constant 0 : i32
    %dma_wait3A_24 = tpu.memref_slice %arg2[%dma_wait3A_22, %dma_wait3A_23] : memref<10240x32xf32, #tpu.memory_space<hbm>> -> memref<10240x32xf32, #tpu.memory_space<hbm>>
    tpu.wait_indirect_dma semaphore(%arg7 : memref<!tpu.dma_semaphore, #tpu.memory_space<semaphore_mem>>) src(%dma_wait3A_24 : memref<10240x32xf32, #tpu.memory_space<hbm>>) dst(%dma_wait3A_19 : memref<8x32xf32, #tpu.memory_space<vmem>>)
    "tpu.region"() ({
      %run_scoped3A = tpu.sem_alloc : memref<!tpu.dma_semaphore, #tpu.memory_space<semaphore_mem>>
      %dma_start3A_25 = arith.constant 0 : i32
      %dma_start3A_26 = arith.constant 0 : i32
      %dma_start3A_27 = tpu.memref_slice %arg6[%dma_start3A_25, %dma_start3A_26] : memref<128x32xf32, #tpu.memory_space<vmem>> -> memref<8x32xf32, #tpu.memory_space<vmem>>
      %dma_start3A_28 = arith.constant 0 : i32
      %dma_start3A_29 = tpu.memref_slice %arg4[%add3A_10, %dma_start3A_28] : memref<160000x32xf32, #tpu.memory_space<hbm>> -> memref<8x32xf32, #tpu.memory_space<hbm>>
      %dma_start3A_30 = arith.constant 0 : i32
      %dma_start3A_31 = tpu.memref_slice %arg4[%add3A_10, %dma_start3A_30] : memref<160000x32xf32, #tpu.memory_space<hbm>> -> memref<8x32xf32, #tpu.memory_space<hbm>>
      %dma_start3A_32 = arith.constant 0 : i32
      %dma_start3A_33 = arith.constant 0 : i32
      %dma_start3A_34 = tpu.memref_slice %arg6[%dma_start3A_32, %dma_start3A_33] : memref<128x32xf32, #tpu.memory_space<vmem>> -> memref<8x32xf32, #tpu.memory_space<vmem>>
      tpu.enqueue_dma source(%dma_start3A_34 : memref<8x32xf32, #tpu.memory_space<vmem>>) target(%dma_start3A_31 : memref<8x32xf32, #tpu.memory_space<hbm>>) target_semaphore(%run_scoped3A : memref<!tpu.dma_semaphore, #tpu.memory_space<semaphore_mem>>)
      %dma_wait3A_35 = arith.constant 0 : i32
      %dma_wait3A_36 = arith.constant 0 : i32
      %dma_wait3A_37 = tpu.memref_slice %arg6[%dma_wait3A_35, %dma_wait3A_36] : memref<128x32xf32, #tpu.memory_space<vmem>> -> memref<8x32xf32, #tpu.memory_space<vmem>>
      %dma_wait3A_38 = arith.constant 0 : i32
      %dma_wait3A_39 = tpu.memref_slice %arg4[%add3A_10, %dma_wait3A_38] : memref<160000x32xf32, #tpu.memory_space<hbm>> -> memref<8x32xf32, #tpu.memory_space<hbm>>
      %dma_wait3A_40 = arith.constant 0 : i32
      %dma_wait3A_41 = tpu.memref_slice %arg4[%add3A_10, %dma_wait3A_40] : memref<160000x32xf32, #tpu.memory_space<hbm>> -> memref<8x32xf32, #tpu.memory_space<hbm>>
      %dma_wait3A_42 = arith.constant 0 : i32
      %dma_wait3A_43 = arith.constant 0 : i32
      %dma_wait3A_44 = tpu.memref_slice %arg6[%dma_wait3A_42, %dma_wait3A_43] : memref<128x32xf32, #tpu.memory_space<vmem>> -> memref<8x32xf32, #tpu.memory_space<vmem>>
      tpu.wait_dma2 semaphore(%run_scoped3A : memref<!tpu.dma_semaphore, #tpu.memory_space<semaphore_mem>>) src(%dma_wait3A_44 : memref<8x32xf32, #tpu.memory_space<vmem>>) dst(%dma_wait3A_41 : memref<8x32xf32, #tpu.memory_space<hbm>>)
      tpu.yield
    }) : () -> ()
    return
  }
}

#map = affine_map<(d0, d1) -> (0, 0)>
#map1 = affine_map<(d0, d1) -> (0)>
module attributes {stable_mosaic.version = 14 : i64} {
  func.func @sc_scatter(%arg0: i32, %arg1: i32, %arg2: memref<160000x32xf32, #tpu.memory_space<hbm>>, %arg3: memref<160128xi32, #tpu.memory_space<hbm>>, %arg4: memref<160128xi32, #tpu.memory_space<hbm>>, %arg5: memref<10256xi32, #tpu.memory_space<hbm>>, %arg6: memref<327680xf32, #tpu.memory_space<hbm>>, %arg7: memref<10240xf32, #tpu.memory_space<vmem>>, %arg8: memref<128x32xf32, #tpu.memory_space<vmem>>, %arg9: memref<128xi32, #tpu.memory_space<vmem>>, %arg10: memref<336xi32, #tpu.memory_space<vmem>>, %arg11: memref<144xi32, #tpu.memory_space<vmem>>, %arg12: memref<!tpu.dma_semaphore, #tpu.memory_space<semaphore_mem>>) attributes {dimension_semantics = [#tpu.dimension_semantics<core_parallel>, #tpu.dimension_semantics<subcore_parallel>], iteration_bounds = array<i64: 2, 16>, scalar_prefetch = 0 : i64, scratch_operands = 6 : i64, tpu.core_type = #tpu.core_type<sc_vector_subcore>, window_params = [{transform_indices = #map}, {transform_indices = #map1}, {transform_indices = #map1}, {transform_indices = #map1}, {transform_indices = #map1}]} {
    %mul3A = arith.constant 2 : i32
    %mul3A_0 = arith.muli %arg1, %mul3A : i32
    %add3A = arith.addi %mul3A_0, %arg0 : i32
    %broadcast_in_dim3A = arith.constant 0.000000e+00 : f32
    %broadcast_in_dim3A_1 = vector.broadcast %broadcast_in_dim3A : f32 to vector<16xf32>
    %mul3A_2 = arith.constant 320 : i32
    %mul3A_3 = arith.muli %add3A, %mul3A_2 : i32
    "tpu.region"() ({
      %run_scoped3A = tpu.sem_alloc : memref<!tpu.dma_semaphore, #tpu.memory_space<semaphore_mem>>
      %dma_start3A = tpu.memref_slice %arg5[%mul3A_3] : memref<10256xi32, #tpu.memory_space<hbm>> -> memref<336xi32, #tpu.memory_space<hbm>>
      %dma_start3A_79 = tpu.memref_slice %arg5[%mul3A_3] : memref<10256xi32, #tpu.memory_space<hbm>> -> memref<336xi32, #tpu.memory_space<hbm>>
      tpu.enqueue_dma source(%dma_start3A_79 : memref<336xi32, #tpu.memory_space<hbm>>) target(%arg10 : memref<336xi32, #tpu.memory_space<vmem>>) target_semaphore(%run_scoped3A : memref<!tpu.dma_semaphore, #tpu.memory_space<semaphore_mem>>)
      %dma_wait3A = tpu.memref_slice %arg5[%mul3A_3] : memref<10256xi32, #tpu.memory_space<hbm>> -> memref<336xi32, #tpu.memory_space<hbm>>
      %dma_wait3A_80 = tpu.memref_slice %arg5[%mul3A_3] : memref<10256xi32, #tpu.memory_space<hbm>> -> memref<336xi32, #tpu.memory_space<hbm>>
      tpu.wait_dma2 semaphore(%run_scoped3A : memref<!tpu.dma_semaphore, #tpu.memory_space<semaphore_mem>>) src(%dma_wait3A_80 : memref<336xi32, #tpu.memory_space<hbm>>) dst(%arg10 : memref<336xi32, #tpu.memory_space<vmem>>)
      tpu.yield
    }) : () -> ()
    %get3A = arith.constant 0 : index
    %get3A_4 = tpu.vector_load %arg10[%get3A] {strides = array<i32>} : memref<336xi32, #tpu.memory_space<vmem>>, vector<16xi32>,
    %get3A_5 = vector.shape_cast %get3A_4 : vector<16xi32> to vector<16xi32>
    %slice3A = vector.extract_strided_slice %get3A_5 {offsets = [0], sizes = [1], strides = [1]} : vector<16xi32> to vector<1xi32>
    %squeeze3A = vector.extract %slice3A[0] : i32 from vector<1xi32>
    %get3A_6 = arith.constant 320 : index
    %get3A_7 = tpu.vector_load %arg10[%get3A_6] {strides = array<i32>} : memref<336xi32, #tpu.memory_space<vmem>>, vector<16xi32>,
    %get3A_8 = vector.shape_cast %get3A_7 : vector<16xi32> to vector<16xi32>
    %slice3A_9 = vector.extract_strided_slice %get3A_8 {offsets = [0], sizes = [1], strides = [1]} : vector<16xi32> to vector<1xi32>
    %squeeze3A_10 = vector.extract %slice3A_9[0] : i32 from vector<1xi32>
    %scan3A = arith.constant 0 : i32
    %scan3A_11 = arith.constant 0 : i32
    %scan3A_12 = arith.constant 640 : i32
    %scan3A_13 = arith.addi %scan3A_11, %scan3A_12 : i32
    %scan3A_14 = arith.constant 1 : i32
    %scan3A_15 = scf.for %scan3A_79 = %scan3A_11 to %scan3A_13 step %scan3A_14 iter_args(%scan3A_80 = %scan3A) -> (i32)  : i32 {
      %mul3A_81 = arith.constant 16 : i32
      %mul3A_82 = arith.muli %scan3A_79, %mul3A_81 : i32
      %swap3A = arith.index_cast %mul3A_82 : i32 to index
      %swap3A_83 = tpu.vector_load %arg7[%swap3A] {strides = array<i32>} : memref<10240xf32, #tpu.memory_space<vmem>>, vector<16xf32>,
      %swap3A_84 = vector.shape_cast %swap3A_83 : vector<16xf32> to vector<16xf32>
      %swap3A_85 = vector.shape_cast %broadcast_in_dim3A_1 : vector<16xf32> to vector<16xf32>
      tpu.vector_store %arg7[%swap3A], %swap3A_85 {strides = array<i32>} : memref<10240xf32, #tpu.memory_space<vmem>>, vector<16xf32>,
      %scan3A_86 = arith.constant 0 : i32
      scf.yield %scan3A_86 : i32
    }
    %scan3A_16 = arith.constant 640 : i32
    %jit3A = arith.constant 8 : i32
    %div3A = arith.divsi %squeeze3A, %jit3A : i32
    %sign3A = arith.constant 0 : i32
    %sign3A_17 = arith.cmpi sgt, %squeeze3A, %sign3A : i32
    %sign3A_18 = arith.extui %sign3A_17 : i1 to i32
    %sign3A_19 = arith.constant 0 : i32
    %sign3A_20 = arith.cmpi slt, %squeeze3A, %sign3A_19 : i32
    %sign3A_21 = arith.extui %sign3A_20 : i1 to i32
    %sign3A_22 = arith.subi %sign3A_18, %sign3A_21 : i32
    %sign3A_23 = arith.constant 0 : i32
    %sign3A_24 = arith.cmpi sgt, %jit3A, %sign3A_23 : i32
    %sign3A_25 = arith.extui %sign3A_24 : i1 to i32
    %sign3A_26 = arith.constant 0 : i32
    %sign3A_27 = arith.cmpi slt, %jit3A, %sign3A_26 : i32
    %sign3A_28 = arith.extui %sign3A_27 : i1 to i32
    %sign3A_29 = arith.subi %sign3A_25, %sign3A_28 : i32
    %ne3A = arith.cmpi ne, %sign3A_22, %sign3A_29 : i32
    %rem3A = arith.remsi %squeeze3A, %jit3A : i32
    %ne3A_30 = arith.constant 0 : i32
    %ne3A_31 = arith.cmpi ne, %rem3A, %ne3A_30 : i32
    %and3A = arith.andi %ne3A, %ne3A_31 : i1
    %sub3A = arith.constant 1 : i32
    %sub3A_32 = arith.subi %div3A, %sub3A : i32
    %select_n3A = arith.select %and3A, %sub3A_32, %div3A : i32
    %mul3A_33 = arith.constant 8 : i32
    %mul3A_34 = arith.muli %select_n3A, %mul3A_33 : i32
    %sub3A_35 = arith.subi %squeeze3A_10, %mul3A_34 : i32
    %add3A_36 = arith.constant 128 : i32
    %add3A_37 = arith.addi %sub3A_35, %add3A_36 : i32
    %sub3A_38 = arith.constant 1 : i32
    %sub3A_39 = arith.subi %add3A_37, %sub3A_38 : i32
    %jit3A_40 = arith.constant 128 : i32
    %div3A_41 = arith.divsi %sub3A_39, %jit3A_40 : i32
    %sign3A_42 = arith.constant 0 : i32
    %sign3A_43 = arith.cmpi sgt, %sub3A_39, %sign3A_42 : i32
    %sign3A_44 = arith.extui %sign3A_43 : i1 to i32
    %sign3A_45 = arith.constant 0 : i32
    %sign3A_46 = arith.cmpi slt, %sub3A_39, %sign3A_45 : i32
    %sign3A_47 = arith.extui %sign3A_46 : i1 to i32
    %sign3A_48 = arith.subi %sign3A_44, %sign3A_47 : i32
    %sign3A_49 = arith.constant 0 : i32
    %sign3A_50 = arith.cmpi sgt, %jit3A_40, %sign3A_49 : i32
    %sign3A_51 = arith.extui %sign3A_50 : i1 to i32
    %sign3A_52 = arith.constant 0 : i32
    %sign3A_53 = arith.cmpi slt, %jit3A_40, %sign3A_52 : i32
    %sign3A_54 = arith.extui %sign3A_53 : i1 to i32
    %sign3A_55 = arith.subi %sign3A_51, %sign3A_54 : i32
    %ne3A_56 = arith.cmpi ne, %sign3A_48, %sign3A_55 : i32
    %rem3A_57 = arith.remsi %sub3A_39, %jit3A_40 : i32
    %ne3A_58 = arith.constant 0 : i32
    %ne3A_59 = arith.cmpi ne, %rem3A_57, %ne3A_58 : i32
    %and3A_60 = arith.andi %ne3A_56, %ne3A_59 : i1
    %sub3A_61 = arith.constant 1 : i32
    %sub3A_62 = arith.subi %div3A_41, %sub3A_61 : i32
    %select_n3A_63 = arith.select %and3A_60, %sub3A_62, %div3A_41 : i32
    %while3A = arith.constant 0 : i32
    %while3A_64 = arith.constant 0 : i32
    %while3A_65 = arith.subi %select_n3A_63, %while3A : i32
    %while3A_66 = arith.addi %while3A, %while3A_65 : i32
    %while3A_67 = arith.constant 1 : i32
    %while3A_68 = arith.divsi %while3A_65, %while3A_67 : i32
    %while3A_69 = arith.muli %while3A_68, %while3A_67 : i32
    %while3A_70 = arith.addi %while3A, %while3A_69 : i32
    %while3A_71 = arith.constant 1 : i32
    %while3A_72 = scf.for %while3A_79 = %while3A to %while3A_70 step %while3A_71 iter_args(%while3A_80 = %while3A_64) -> (i32)  : i32 {
      %mul3A_81 = arith.constant 128 : i32
      %mul3A_82 = arith.muli %while3A_79, %mul3A_81 : i32
      %add3A_83 = arith.addi %mul3A_34, %mul3A_82 : i32
      "tpu.region"() ({
        %run_scoped3A = tpu.sem_alloc : memref<!tpu.dma_semaphore, #tpu.memory_space<semaphore_mem>>
        %dma_start3A_102 = tpu.memref_slice %arg3[%add3A_83] : memref<160128xi32, #tpu.memory_space<hbm>> -> memref<128xi32, #tpu.memory_space<hbm>>
        %dma_start3A_103 = tpu.memref_slice %arg3[%add3A_83] : memref<160128xi32, #tpu.memory_space<hbm>> -> memref<128xi32, #tpu.memory_space<hbm>>
        tpu.enqueue_dma source(%dma_start3A_103 : memref<128xi32, #tpu.memory_space<hbm>>) target(%arg9 : memref<128xi32, #tpu.memory_space<vmem>>) target_semaphore(%run_scoped3A : memref<!tpu.dma_semaphore, #tpu.memory_space<semaphore_mem>>)
        %dma_wait3A_104 = tpu.memref_slice %arg3[%add3A_83] : memref<160128xi32, #tpu.memory_space<hbm>> -> memref<128xi32, #tpu.memory_space<hbm>>
        %dma_wait3A_105 = tpu.memref_slice %arg3[%add3A_83] : memref<160128xi32, #tpu.memory_space<hbm>> -> memref<128xi32, #tpu.memory_space<hbm>>
        tpu.wait_dma2 semaphore(%run_scoped3A : memref<!tpu.dma_semaphore, #tpu.memory_space<semaphore_mem>>) src(%dma_wait3A_105 : memref<128xi32, #tpu.memory_space<hbm>>) dst(%arg9 : memref<128xi32, #tpu.memory_space<vmem>>)
        tpu.yield
      }) : () -> ()
      "tpu.region"() ({
        %run_scoped3A = tpu.sem_alloc : memref<!tpu.dma_semaphore, #tpu.memory_space<semaphore_mem>>
        %dma_start3A_102 = arith.constant 0 : i32
        %dma_start3A_103 = tpu.memref_slice %arg11[%dma_start3A_102] : memref<144xi32, #tpu.memory_space<vmem>> -> memref<128xi32, #tpu.memory_space<vmem>>
        %dma_start3A_104 = tpu.memref_slice %arg4[%add3A_83] : memref<160128xi32, #tpu.memory_space<hbm>> -> memref<128xi32, #tpu.memory_space<hbm>>
        %dma_start3A_105 = arith.constant 0 : i32
        %dma_start3A_106 = tpu.memref_slice %arg11[%dma_start3A_105] : memref<144xi32, #tpu.memory_space<vmem>> -> memref<128xi32, #tpu.memory_space<vmem>>
        %dma_start3A_107 = tpu.memref_slice %arg4[%add3A_83] : memref<160128xi32, #tpu.memory_space<hbm>> -> memref<128xi32, #tpu.memory_space<hbm>>
        tpu.enqueue_dma source(%dma_start3A_107 : memref<128xi32, #tpu.memory_space<hbm>>) target(%dma_start3A_106 : memref<128xi32, #tpu.memory_space<vmem>>) target_semaphore(%run_scoped3A : memref<!tpu.dma_semaphore, #tpu.memory_space<semaphore_mem>>)
        %dma_wait3A_108 = arith.constant 0 : i32
        %dma_wait3A_109 = tpu.memref_slice %arg11[%dma_wait3A_108] : memref<144xi32, #tpu.memory_space<vmem>> -> memref<128xi32, #tpu.memory_space<vmem>>
        %dma_wait3A_110 = tpu.memref_slice %arg4[%add3A_83] : memref<160128xi32, #tpu.memory_space<hbm>> -> memref<128xi32, #tpu.memory_space<hbm>>
        %dma_wait3A_111 = arith.constant 0 : i32
        %dma_wait3A_112 = tpu.memref_slice %arg11[%dma_wait3A_111] : memref<144xi32, #tpu.memory_space<vmem>> -> memref<128xi32, #tpu.memory_space<vmem>>
        %dma_wait3A_113 = tpu.memref_slice %arg4[%add3A_83] : memref<160128xi32, #tpu.memory_space<hbm>> -> memref<128xi32, #tpu.memory_space<hbm>>
        tpu.wait_dma2 semaphore(%run_scoped3A : memref<!tpu.dma_semaphore, #tpu.memory_space<semaphore_mem>>) src(%dma_wait3A_113 : memref<128xi32, #tpu.memory_space<hbm>>) dst(%dma_wait3A_112 : memref<128xi32, #tpu.memory_space<vmem>>)
        tpu.yield
      }) : () -> ()
      %dma_start3A = arith.constant 0 : i32
      %dma_start3A_84 = arith.constant 0 : i32
      %dma_start3A_85 = tpu.memref_slice %arg2[%dma_start3A, %dma_start3A_84] : memref<160000x32xf32, #tpu.memory_space<hbm>> -> memref<160000x32xf32, #tpu.memory_space<hbm>>
      tpu.enqueue_indirect_dma source(%dma_start3A_85 : memref<160000x32xf32, #tpu.memory_space<hbm>>) target(%arg8 : memref<128x32xf32, #tpu.memory_space<vmem>>) offsets(%arg9 : memref<128xi32, #tpu.memory_space<vmem>>) semaphore(%arg12 : memref<!tpu.dma_semaphore, #tpu.memory_space<semaphore_mem>>)
      %dma_wait3A = arith.constant 0 : i32
      %dma_wait3A_86 = arith.constant 0 : i32
      %dma_wait3A_87 = tpu.memref_slice %arg2[%dma_wait3A, %dma_wait3A_86] : memref<160000x32xf32, #tpu.memory_space<hbm>> -> memref<160000x32xf32, #tpu.memory_space<hbm>>
      tpu.wait_indirect_dma semaphore(%arg12 : memref<!tpu.dma_semaphore, #tpu.memory_space<semaphore_mem>>) src(%dma_wait3A_87 : memref<160000x32xf32, #tpu.memory_space<hbm>>) dst(%arg8 : memref<128x32xf32, #tpu.memory_space<vmem>>)
      %max3A = arith.maxsi %add3A_83, %squeeze3A : i32
      %add3A_88 = arith.constant 128 : i32
      %add3A_89 = arith.addi %add3A_83, %add3A_88 : i32
      %min3A = arith.minsi %add3A_89, %squeeze3A_10 : i32
      %while3A_90 = arith.constant 0 : i32
      %while3A_91 = arith.subi %min3A, %max3A : i32
      %while3A_92 = arith.addi %max3A, %while3A_91 : i32
      %while3A_93 = arith.constant 1 : i32
      %while3A_94 = arith.divsi %while3A_91, %while3A_93 : i32
      %while3A_95 = arith.muli %while3A_94, %while3A_93 : i32
      %while3A_96 = arith.addi %max3A, %while3A_95 : i32
      %while3A_97 = arith.constant 1 : i32
      %while3A_98 = scf.for %while3A_102 = %max3A to %while3A_96 step %while3A_97 iter_args(%while3A_103 = %while3A_90) -> (i32)  : i32 {
        %sub3A_104 = arith.subi %while3A_102, %add3A_83 : i32
        %get3A_105 = arith.index_cast %sub3A_104 : i32 to index
        %get3A_106 = tpu.vector_load %arg11[%get3A_105] {strides = array<i32>} : memref<144xi32, #tpu.memory_space<vmem>>, vector<16xi32>,
        %get3A_107 = vector.shape_cast %get3A_106 : vector<16xi32> to vector<16xi32>
        %slice3A_108 = vector.extract_strided_slice %get3A_107 {offsets = [0], sizes = [1], strides = [1]} : vector<16xi32> to vector<1xi32>
        %squeeze3A_109 = vector.extract %slice3A_108[0] : i32 from vector<1xi32>
        %sub3A_110 = arith.subi %squeeze3A_109, %mul3A_3 : i32
        %mul3A_111 = arith.constant 32 : i32
        %mul3A_112 = arith.muli %sub3A_110, %mul3A_111 : i32
        %get3A_113 = arith.index_cast %sub3A_104 : i32 to index
        %get3A_114 = arith.constant 0 : index
        %get3A_115 = tpu.vector_load %arg8[%get3A_113, %get3A_114] {strides = array<i32>} : memref<128x32xf32, #tpu.memory_space<vmem>>, vector<1x16xf32>,
        %get3A_116 = vector.shape_cast %get3A_115 : vector<1x16xf32> to vector<16xf32>
        %swap3A = arith.index_cast %mul3A_112 : i32 to index
        %swap3A_117 = tpu.vector_load %arg7[%swap3A] {strides = array<i32>} : memref<10240xf32, #tpu.memory_space<vmem>>, vector<16xf32>,
        %swap3A_118 = vector.shape_cast %swap3A_117 : vector<16xf32> to vector<16xf32>
        %swap3A_119 = vector.shape_cast %get3A_116 : vector<16xf32> to vector<16xf32>
        tpu.vector_store %arg7[%swap3A], %swap3A_119 {add = true, strides = array<i32>} : memref<10240xf32, #tpu.memory_space<vmem>>, vector<16xf32>,
        %add3A_120 = arith.constant 16 : i32
        %add3A_121 = arith.addi %mul3A_112, %add3A_120 : i32
        %get3A_122 = arith.index_cast %sub3A_104 : i32 to index
        %get3A_123 = arith.constant 16 : index
        %get3A_124 = tpu.vector_load %arg8[%get3A_122, %get3A_123] {strides = array<i32>} : memref<128x32xf32, #tpu.memory_space<vmem>>, vector<1x16xf32>,
        %get3A_125 = vector.shape_cast %get3A_124 : vector<1x16xf32> to vector<16xf32>
        %swap3A_126 = arith.index_cast %add3A_121 : i32 to index
        %swap3A_127 = tpu.vector_load %arg7[%swap3A_126] {strides = array<i32>} : memref<10240xf32, #tpu.memory_space<vmem>>, vector<16xf32>,
        %swap3A_128 = vector.shape_cast %swap3A_127 : vector<16xf32> to vector<16xf32>
        %swap3A_129 = vector.shape_cast %get3A_125 : vector<16xf32> to vector<16xf32>
        tpu.vector_store %arg7[%swap3A_126], %swap3A_129 {add = true, strides = array<i32>} : memref<10240xf32, #tpu.memory_space<vmem>>, vector<16xf32>,
        %while3A_130 = arith.constant 0 : i32
        scf.yield %while3A_130 : i32
      }
      %while3A_99 = arith.constant 1 : i32
      %while3A_100 = scf.for %while3A_102 = %while3A_96 to %while3A_92 step %while3A_99 iter_args(%while3A_103 = %while3A_98) -> (i32)  : i32 {
        %sub3A_104 = arith.subi %while3A_102, %add3A_83 : i32
        %get3A_105 = arith.index_cast %sub3A_104 : i32 to index
        %get3A_106 = tpu.vector_load %arg11[%get3A_105] {strides = array<i32>} : memref<144xi32, #tpu.memory_space<vmem>>, vector<16xi32>,
        %get3A_107 = vector.shape_cast %get3A_106 : vector<16xi32> to vector<16xi32>
        %slice3A_108 = vector.extract_strided_slice %get3A_107 {offsets = [0], sizes = [1], strides = [1]} : vector<16xi32> to vector<1xi32>
        %squeeze3A_109 = vector.extract %slice3A_108[0] : i32 from vector<1xi32>
        %sub3A_110 = arith.subi %squeeze3A_109, %mul3A_3 : i32
        %mul3A_111 = arith.constant 32 : i32
        %mul3A_112 = arith.muli %sub3A_110, %mul3A_111 : i32
        %get3A_113 = arith.index_cast %sub3A_104 : i32 to index
        %get3A_114 = arith.constant 0 : index
        %get3A_115 = tpu.vector_load %arg8[%get3A_113, %get3A_114] {strides = array<i32>} : memref<128x32xf32, #tpu.memory_space<vmem>>, vector<1x16xf32>,
        %get3A_116 = vector.shape_cast %get3A_115 : vector<1x16xf32> to vector<16xf32>
        %swap3A = arith.index_cast %mul3A_112 : i32 to index
        %swap3A_117 = tpu.vector_load %arg7[%swap3A] {strides = array<i32>} : memref<10240xf32, #tpu.memory_space<vmem>>, vector<16xf32>,
        %swap3A_118 = vector.shape_cast %swap3A_117 : vector<16xf32> to vector<16xf32>
        %swap3A_119 = vector.shape_cast %get3A_116 : vector<16xf32> to vector<16xf32>
        tpu.vector_store %arg7[%swap3A], %swap3A_119 {add = true, strides = array<i32>} : memref<10240xf32, #tpu.memory_space<vmem>>, vector<16xf32>,
        %add3A_120 = arith.constant 16 : i32
        %add3A_121 = arith.addi %mul3A_112, %add3A_120 : i32
        %get3A_122 = arith.index_cast %sub3A_104 : i32 to index
        %get3A_123 = arith.constant 16 : index
        %get3A_124 = tpu.vector_load %arg8[%get3A_122, %get3A_123] {strides = array<i32>} : memref<128x32xf32, #tpu.memory_space<vmem>>, vector<1x16xf32>,
        %get3A_125 = vector.shape_cast %get3A_124 : vector<1x16xf32> to vector<16xf32>
        %swap3A_126 = arith.index_cast %add3A_121 : i32 to index
        %swap3A_127 = tpu.vector_load %arg7[%swap3A_126] {strides = array<i32>} : memref<10240xf32, #tpu.memory_space<vmem>>, vector<16xf32>,
        %swap3A_128 = vector.shape_cast %swap3A_127 : vector<16xf32> to vector<16xf32>
        %swap3A_129 = vector.shape_cast %get3A_125 : vector<16xf32> to vector<16xf32>
        tpu.vector_store %arg7[%swap3A_126], %swap3A_129 {add = true, strides = array<i32>} : memref<10240xf32, #tpu.memory_space<vmem>>, vector<16xf32>,
        %while3A_130 = arith.constant 0 : i32
        scf.yield %while3A_130 : i32
      }
      %while3A_101 = arith.constant 0 : i32
      scf.yield %while3A_101 : i32
    }
    %while3A_73 = arith.constant 1 : i32
    %while3A_74 = scf.for %while3A_79 = %while3A_70 to %while3A_66 step %while3A_73 iter_args(%while3A_80 = %while3A_72) -> (i32)  : i32 {
      %mul3A_81 = arith.constant 128 : i32
      %mul3A_82 = arith.muli %while3A_79, %mul3A_81 : i32
      %add3A_83 = arith.addi %mul3A_34, %mul3A_82 : i32
      "tpu.region"() ({
        %run_scoped3A = tpu.sem_alloc : memref<!tpu.dma_semaphore, #tpu.memory_space<semaphore_mem>>
        %dma_start3A_102 = tpu.memref_slice %arg3[%add3A_83] : memref<160128xi32, #tpu.memory_space<hbm>> -> memref<128xi32, #tpu.memory_space<hbm>>
        %dma_start3A_103 = tpu.memref_slice %arg3[%add3A_83] : memref<160128xi32, #tpu.memory_space<hbm>> -> memref<128xi32, #tpu.memory_space<hbm>>
        tpu.enqueue_dma source(%dma_start3A_103 : memref<128xi32, #tpu.memory_space<hbm>>) target(%arg9 : memref<128xi32, #tpu.memory_space<vmem>>) target_semaphore(%run_scoped3A : memref<!tpu.dma_semaphore, #tpu.memory_space<semaphore_mem>>)
        %dma_wait3A_104 = tpu.memref_slice %arg3[%add3A_83] : memref<160128xi32, #tpu.memory_space<hbm>> -> memref<128xi32, #tpu.memory_space<hbm>>
        %dma_wait3A_105 = tpu.memref_slice %arg3[%add3A_83] : memref<160128xi32, #tpu.memory_space<hbm>> -> memref<128xi32, #tpu.memory_space<hbm>>
        tpu.wait_dma2 semaphore(%run_scoped3A : memref<!tpu.dma_semaphore, #tpu.memory_space<semaphore_mem>>) src(%dma_wait3A_105 : memref<128xi32, #tpu.memory_space<hbm>>) dst(%arg9 : memref<128xi32, #tpu.memory_space<vmem>>)
        tpu.yield
      }) : () -> ()
      "tpu.region"() ({
        %run_scoped3A = tpu.sem_alloc : memref<!tpu.dma_semaphore, #tpu.memory_space<semaphore_mem>>
        %dma_start3A_102 = arith.constant 0 : i32
        %dma_start3A_103 = tpu.memref_slice %arg11[%dma_start3A_102] : memref<144xi32, #tpu.memory_space<vmem>> -> memref<128xi32, #tpu.memory_space<vmem>>
        %dma_start3A_104 = tpu.memref_slice %arg4[%add3A_83] : memref<160128xi32, #tpu.memory_space<hbm>> -> memref<128xi32, #tpu.memory_space<hbm>>
        %dma_start3A_105 = arith.constant 0 : i32
        %dma_start3A_106 = tpu.memref_slice %arg11[%dma_start3A_105] : memref<144xi32, #tpu.memory_space<vmem>> -> memref<128xi32, #tpu.memory_space<vmem>>
        %dma_start3A_107 = tpu.memref_slice %arg4[%add3A_83] : memref<160128xi32, #tpu.memory_space<hbm>> -> memref<128xi32, #tpu.memory_space<hbm>>
        tpu.enqueue_dma source(%dma_start3A_107 : memref<128xi32, #tpu.memory_space<hbm>>) target(%dma_start3A_106 : memref<128xi32, #tpu.memory_space<vmem>>) target_semaphore(%run_scoped3A : memref<!tpu.dma_semaphore, #tpu.memory_space<semaphore_mem>>)
        %dma_wait3A_108 = arith.constant 0 : i32
        %dma_wait3A_109 = tpu.memref_slice %arg11[%dma_wait3A_108] : memref<144xi32, #tpu.memory_space<vmem>> -> memref<128xi32, #tpu.memory_space<vmem>>
        %dma_wait3A_110 = tpu.memref_slice %arg4[%add3A_83] : memref<160128xi32, #tpu.memory_space<hbm>> -> memref<128xi32, #tpu.memory_space<hbm>>
        %dma_wait3A_111 = arith.constant 0 : i32
        %dma_wait3A_112 = tpu.memref_slice %arg11[%dma_wait3A_111] : memref<144xi32, #tpu.memory_space<vmem>> -> memref<128xi32, #tpu.memory_space<vmem>>
        %dma_wait3A_113 = tpu.memref_slice %arg4[%add3A_83] : memref<160128xi32, #tpu.memory_space<hbm>> -> memref<128xi32, #tpu.memory_space<hbm>>
        tpu.wait_dma2 semaphore(%run_scoped3A : memref<!tpu.dma_semaphore, #tpu.memory_space<semaphore_mem>>) src(%dma_wait3A_113 : memref<128xi32, #tpu.memory_space<hbm>>) dst(%dma_wait3A_112 : memref<128xi32, #tpu.memory_space<vmem>>)
        tpu.yield
      }) : () -> ()
      %dma_start3A = arith.constant 0 : i32
      %dma_start3A_84 = arith.constant 0 : i32
      %dma_start3A_85 = tpu.memref_slice %arg2[%dma_start3A, %dma_start3A_84] : memref<160000x32xf32, #tpu.memory_space<hbm>> -> memref<160000x32xf32, #tpu.memory_space<hbm>>
      tpu.enqueue_indirect_dma source(%dma_start3A_85 : memref<160000x32xf32, #tpu.memory_space<hbm>>) target(%arg8 : memref<128x32xf32, #tpu.memory_space<vmem>>) offsets(%arg9 : memref<128xi32, #tpu.memory_space<vmem>>) semaphore(%arg12 : memref<!tpu.dma_semaphore, #tpu.memory_space<semaphore_mem>>)
      %dma_wait3A = arith.constant 0 : i32
      %dma_wait3A_86 = arith.constant 0 : i32
      %dma_wait3A_87 = tpu.memref_slice %arg2[%dma_wait3A, %dma_wait3A_86] : memref<160000x32xf32, #tpu.memory_space<hbm>> -> memref<160000x32xf32, #tpu.memory_space<hbm>>
      tpu.wait_indirect_dma semaphore(%arg12 : memref<!tpu.dma_semaphore, #tpu.memory_space<semaphore_mem>>) src(%dma_wait3A_87 : memref<160000x32xf32, #tpu.memory_space<hbm>>) dst(%arg8 : memref<128x32xf32, #tpu.memory_space<vmem>>)
      %max3A = arith.maxsi %add3A_83, %squeeze3A : i32
      %add3A_88 = arith.constant 128 : i32
      %add3A_89 = arith.addi %add3A_83, %add3A_88 : i32
      %min3A = arith.minsi %add3A_89, %squeeze3A_10 : i32
      %while3A_90 = arith.constant 0 : i32
      %while3A_91 = arith.subi %min3A, %max3A : i32
      %while3A_92 = arith.addi %max3A, %while3A_91 : i32
      %while3A_93 = arith.constant 1 : i32
      %while3A_94 = arith.divsi %while3A_91, %while3A_93 : i32
      %while3A_95 = arith.muli %while3A_94, %while3A_93 : i32
      %while3A_96 = arith.addi %max3A, %while3A_95 : i32
      %while3A_97 = arith.constant 1 : i32
      %while3A_98 = scf.for %while3A_102 = %max3A to %while3A_96 step %while3A_97 iter_args(%while3A_103 = %while3A_90) -> (i32)  : i32 {
        %sub3A_104 = arith.subi %while3A_102, %add3A_83 : i32
        %get3A_105 = arith.index_cast %sub3A_104 : i32 to index
        %get3A_106 = tpu.vector_load %arg11[%get3A_105] {strides = array<i32>} : memref<144xi32, #tpu.memory_space<vmem>>, vector<16xi32>,
        %get3A_107 = vector.shape_cast %get3A_106 : vector<16xi32> to vector<16xi32>
        %slice3A_108 = vector.extract_strided_slice %get3A_107 {offsets = [0], sizes = [1], strides = [1]} : vector<16xi32> to vector<1xi32>
        %squeeze3A_109 = vector.extract %slice3A_108[0] : i32 from vector<1xi32>
        %sub3A_110 = arith.subi %squeeze3A_109, %mul3A_3 : i32
        %mul3A_111 = arith.constant 32 : i32
        %mul3A_112 = arith.muli %sub3A_110, %mul3A_111 : i32
        %get3A_113 = arith.index_cast %sub3A_104 : i32 to index
        %get3A_114 = arith.constant 0 : index
        %get3A_115 = tpu.vector_load %arg8[%get3A_113, %get3A_114] {strides = array<i32>} : memref<128x32xf32, #tpu.memory_space<vmem>>, vector<1x16xf32>,
        %get3A_116 = vector.shape_cast %get3A_115 : vector<1x16xf32> to vector<16xf32>
        %swap3A = arith.index_cast %mul3A_112 : i32 to index
        %swap3A_117 = tpu.vector_load %arg7[%swap3A] {strides = array<i32>} : memref<10240xf32, #tpu.memory_space<vmem>>, vector<16xf32>,
        %swap3A_118 = vector.shape_cast %swap3A_117 : vector<16xf32> to vector<16xf32>
        %swap3A_119 = vector.shape_cast %get3A_116 : vector<16xf32> to vector<16xf32>
        tpu.vector_store %arg7[%swap3A], %swap3A_119 {add = true, strides = array<i32>} : memref<10240xf32, #tpu.memory_space<vmem>>, vector<16xf32>,
        %add3A_120 = arith.constant 16 : i32
        %add3A_121 = arith.addi %mul3A_112, %add3A_120 : i32
        %get3A_122 = arith.index_cast %sub3A_104 : i32 to index
        %get3A_123 = arith.constant 16 : index
        %get3A_124 = tpu.vector_load %arg8[%get3A_122, %get3A_123] {strides = array<i32>} : memref<128x32xf32, #tpu.memory_space<vmem>>, vector<1x16xf32>,
        %get3A_125 = vector.shape_cast %get3A_124 : vector<1x16xf32> to vector<16xf32>
        %swap3A_126 = arith.index_cast %add3A_121 : i32 to index
        %swap3A_127 = tpu.vector_load %arg7[%swap3A_126] {strides = array<i32>} : memref<10240xf32, #tpu.memory_space<vmem>>, vector<16xf32>,
        %swap3A_128 = vector.shape_cast %swap3A_127 : vector<16xf32> to vector<16xf32>
        %swap3A_129 = vector.shape_cast %get3A_125 : vector<16xf32> to vector<16xf32>
        tpu.vector_store %arg7[%swap3A_126], %swap3A_129 {add = true, strides = array<i32>} : memref<10240xf32, #tpu.memory_space<vmem>>, vector<16xf32>,
        %while3A_130 = arith.constant 0 : i32
        scf.yield %while3A_130 : i32
      }
      %while3A_99 = arith.constant 1 : i32
      %while3A_100 = scf.for %while3A_102 = %while3A_96 to %while3A_92 step %while3A_99 iter_args(%while3A_103 = %while3A_98) -> (i32)  : i32 {
        %sub3A_104 = arith.subi %while3A_102, %add3A_83 : i32
        %get3A_105 = arith.index_cast %sub3A_104 : i32 to index
        %get3A_106 = tpu.vector_load %arg11[%get3A_105] {strides = array<i32>} : memref<144xi32, #tpu.memory_space<vmem>>, vector<16xi32>,
        %get3A_107 = vector.shape_cast %get3A_106 : vector<16xi32> to vector<16xi32>
        %slice3A_108 = vector.extract_strided_slice %get3A_107 {offsets = [0], sizes = [1], strides = [1]} : vector<16xi32> to vector<1xi32>
        %squeeze3A_109 = vector.extract %slice3A_108[0] : i32 from vector<1xi32>
        %sub3A_110 = arith.subi %squeeze3A_109, %mul3A_3 : i32
        %mul3A_111 = arith.constant 32 : i32
        %mul3A_112 = arith.muli %sub3A_110, %mul3A_111 : i32
        %get3A_113 = arith.index_cast %sub3A_104 : i32 to index
        %get3A_114 = arith.constant 0 : index
        %get3A_115 = tpu.vector_load %arg8[%get3A_113, %get3A_114] {strides = array<i32>} : memref<128x32xf32, #tpu.memory_space<vmem>>, vector<1x16xf32>,
        %get3A_116 = vector.shape_cast %get3A_115 : vector<1x16xf32> to vector<16xf32>
        %swap3A = arith.index_cast %mul3A_112 : i32 to index
        %swap3A_117 = tpu.vector_load %arg7[%swap3A] {strides = array<i32>} : memref<10240xf32, #tpu.memory_space<vmem>>, vector<16xf32>,
        %swap3A_118 = vector.shape_cast %swap3A_117 : vector<16xf32> to vector<16xf32>
        %swap3A_119 = vector.shape_cast %get3A_116 : vector<16xf32> to vector<16xf32>
        tpu.vector_store %arg7[%swap3A], %swap3A_119 {add = true, strides = array<i32>} : memref<10240xf32, #tpu.memory_space<vmem>>, vector<16xf32>,
        %add3A_120 = arith.constant 16 : i32
        %add3A_121 = arith.addi %mul3A_112, %add3A_120 : i32
        %get3A_122 = arith.index_cast %sub3A_104 : i32 to index
        %get3A_123 = arith.constant 16 : index
        %get3A_124 = tpu.vector_load %arg8[%get3A_122, %get3A_123] {strides = array<i32>} : memref<128x32xf32, #tpu.memory_space<vmem>>, vector<1x16xf32>,
        %get3A_125 = vector.shape_cast %get3A_124 : vector<1x16xf32> to vector<16xf32>
        %swap3A_126 = arith.index_cast %add3A_121 : i32 to index
        %swap3A_127 = tpu.vector_load %arg7[%swap3A_126] {strides = array<i32>} : memref<10240xf32, #tpu.memory_space<vmem>>, vector<16xf32>,
        %swap3A_128 = vector.shape_cast %swap3A_127 : vector<16xf32> to vector<16xf32>
        %swap3A_129 = vector.shape_cast %get3A_125 : vector<16xf32> to vector<16xf32>
        tpu.vector_store %arg7[%swap3A_126], %swap3A_129 {add = true, strides = array<i32>} : memref<10240xf32, #tpu.memory_space<vmem>>, vector<16xf32>,
        %while3A_130 = arith.constant 0 : i32
        scf.yield %while3A_130 : i32
      }
      %while3A_101 = arith.constant 0 : i32
      scf.yield %while3A_101 : i32
    }
    %mul3A_75 = arith.constant 320 : i32
    %mul3A_76 = arith.muli %add3A, %mul3A_75 : i32
    %mul3A_77 = arith.constant 32 : i32
    %mul3A_78 = arith.muli %mul3A_76, %mul3A_77 : i32
    "tpu.region"() ({
      %run_scoped3A = tpu.sem_alloc : memref<!tpu.dma_semaphore, #tpu.memory_space<semaphore_mem>>
      %dma_start3A = tpu.memref_slice %arg6[%mul3A_78] : memref<327680xf32, #tpu.memory_space<hbm>> -> memref<10240xf32, #tpu.memory_space<hbm>>
      %dma_start3A_79 = tpu.memref_slice %arg6[%mul3A_78] : memref<327680xf32, #tpu.memory_space<hbm>> -> memref<10240xf32, #tpu.memory_space<hbm>>
      tpu.enqueue_dma source(%arg7 : memref<10240xf32, #tpu.memory_space<vmem>>) target(%dma_start3A_79 : memref<10240xf32, #tpu.memory_space<hbm>>) target_semaphore(%run_scoped3A : memref<!tpu.dma_semaphore, #tpu.memory_space<semaphore_mem>>)
      %dma_wait3A = tpu.memref_slice %arg6[%mul3A_78] : memref<327680xf32, #tpu.memory_space<hbm>> -> memref<10240xf32, #tpu.memory_space<hbm>>
      %dma_wait3A_80 = tpu.memref_slice %arg6[%mul3A_78] : memref<327680xf32, #tpu.memory_space<hbm>> -> memref<10240xf32, #tpu.memory_space<hbm>>
      tpu.wait_dma2 semaphore(%run_scoped3A : memref<!tpu.dma_semaphore, #tpu.memory_space<semaphore_mem>>) src(%arg7 : memref<10240xf32, #tpu.memory_space<vmem>>) dst(%dma_wait3A_80 : memref<10240xf32, #tpu.memory_space<hbm>>)
      tpu.yield
    }) : () -> ()
    return
  }
}

#map = affine_map<(d0, d1) -> (0, 0)>
#map1 = affine_map<(d0, d1) -> (0)>
module attributes {stable_mosaic.version = 14 : i64} {
  func.func @sc_gather(%arg0: i32, %arg1: i32, %arg2: memref<10240x32xf32, #tpu.memory_space<hbm>>, %arg3: memref<160000xi32, #tpu.memory_space<hbm>>, %arg4: memref<160000x32xf32, #tpu.memory_space<hbm>>, %arg5: memref<128xi32, #tpu.memory_space<vmem>>, %arg6: memref<128x32xf32, #tpu.memory_space<vmem>>, %arg7: memref<!tpu.dma_semaphore, #tpu.memory_space<semaphore_mem>>) attributes {dimension_semantics = [#tpu.dimension_semantics<core_parallel>, #tpu.dimension_semantics<subcore_parallel>], iteration_bounds = array<i64: 2, 16>, scalar_prefetch = 0 : i64, scratch_operands = 3 : i64, tpu.core_type = #tpu.core_type<sc_vector_subcore>, window_params = [{transform_indices = #map}, {transform_indices = #map1}, {transform_indices = #map}]} {
    %mul3A = arith.constant 2 : i32
    %mul3A_0 = arith.muli %arg1, %mul3A : i32
    %add3A = arith.addi %mul3A_0, %arg0 : i32
    %mul3A_1 = arith.constant 5000 : i32
    %mul3A_2 = arith.muli %add3A, %mul3A_1 : i32
    %scan3A = arith.constant 0 : i32
    %scan3A_3 = arith.constant 0 : i32
    %scan3A_4 = arith.constant 39 : i32
    %scan3A_5 = arith.addi %scan3A_3, %scan3A_4 : i32
    %scan3A_6 = arith.constant 1 : i32
    %scan3A_7 = scf.for %scan3A_25 = %scan3A_3 to %scan3A_5 step %scan3A_6 iter_args(%scan3A_26 = %scan3A) -> (i32)  : i32 {
      %mul3A_27 = arith.constant 128 : i32
      %mul3A_28 = arith.muli %scan3A_25, %mul3A_27 : i32
      %add3A_29 = arith.addi %mul3A_2, %mul3A_28 : i32
      "tpu.region"() ({
        %run_scoped3A = tpu.sem_alloc : memref<!tpu.dma_semaphore, #tpu.memory_space<semaphore_mem>>
        %dma_start3A_37 = tpu.memref_slice %arg3[%add3A_29] : memref<160000xi32, #tpu.memory_space<hbm>> -> memref<128xi32, #tpu.memory_space<hbm>>
        %dma_start3A_38 = tpu.memref_slice %arg3[%add3A_29] : memref<160000xi32, #tpu.memory_space<hbm>> -> memref<128xi32, #tpu.memory_space<hbm>>
        tpu.enqueue_dma source(%dma_start3A_38 : memref<128xi32, #tpu.memory_space<hbm>>) target(%arg5 : memref<128xi32, #tpu.memory_space<vmem>>) target_semaphore(%run_scoped3A : memref<!tpu.dma_semaphore, #tpu.memory_space<semaphore_mem>>)
        %dma_wait3A_39 = tpu.memref_slice %arg3[%add3A_29] : memref<160000xi32, #tpu.memory_space<hbm>> -> memref<128xi32, #tpu.memory_space<hbm>>
        %dma_wait3A_40 = tpu.memref_slice %arg3[%add3A_29] : memref<160000xi32, #tpu.memory_space<hbm>> -> memref<128xi32, #tpu.memory_space<hbm>>
        tpu.wait_dma2 semaphore(%run_scoped3A : memref<!tpu.dma_semaphore, #tpu.memory_space<semaphore_mem>>) src(%dma_wait3A_40 : memref<128xi32, #tpu.memory_space<hbm>>) dst(%arg5 : memref<128xi32, #tpu.memory_space<vmem>>)
        tpu.yield
      }) : () -> ()
      %dma_start3A_30 = arith.constant 0 : i32
      %dma_start3A_31 = arith.constant 0 : i32
      %dma_start3A_32 = tpu.memref_slice %arg2[%dma_start3A_30, %dma_start3A_31] : memref<10240x32xf32, #tpu.memory_space<hbm>> -> memref<10240x32xf32, #tpu.memory_space<hbm>>
      tpu.enqueue_indirect_dma source(%dma_start3A_32 : memref<10240x32xf32, #tpu.memory_space<hbm>>) target(%arg6 : memref<128x32xf32, #tpu.memory_space<vmem>>) offsets(%arg5 : memref<128xi32, #tpu.memory_space<vmem>>) semaphore(%arg7 : memref<!tpu.dma_semaphore, #tpu.memory_space<semaphore_mem>>)
      %dma_wait3A_33 = arith.constant 0 : i32
      %dma_wait3A_34 = arith.constant 0 : i32
      %dma_wait3A_35 = tpu.memref_slice %arg2[%dma_wait3A_33, %dma_wait3A_34] : memref<10240x32xf32, #tpu.memory_space<hbm>> -> memref<10240x32xf32, #tpu.memory_space<hbm>>
      tpu.wait_indirect_dma semaphore(%arg7 : memref<!tpu.dma_semaphore, #tpu.memory_space<semaphore_mem>>) src(%dma_wait3A_35 : memref<10240x32xf32, #tpu.memory_space<hbm>>) dst(%arg6 : memref<128x32xf32, #tpu.memory_space<vmem>>)
      "tpu.region"() ({
        %run_scoped3A = tpu.sem_alloc : memref<!tpu.dma_semaphore, #tpu.memory_space<semaphore_mem>>
        %dma_start3A_37 = arith.constant 0 : i32
        %dma_start3A_38 = tpu.memref_slice %arg4[%add3A_29, %dma_start3A_37] : memref<160000x32xf32, #tpu.memory_space<hbm>> -> memref<128x32xf32, #tpu.memory_space<hbm>>
        %dma_start3A_39 = arith.constant 0 : i32
        %dma_start3A_40 = tpu.memref_slice %arg4[%add3A_29, %dma_start3A_39] : memref<160000x32xf32, #tpu.memory_space<hbm>> -> memref<128x32xf32, #tpu.memory_space<hbm>>
        tpu.enqueue_dma source(%arg6 : memref<128x32xf32, #tpu.memory_space<vmem>>) target(%dma_start3A_40 : memref<128x32xf32, #tpu.memory_space<hbm>>) target_semaphore(%run_scoped3A : memref<!tpu.dma_semaphore, #tpu.memory_space<semaphore_mem>>)
        %dma_wait3A_41 = arith.constant 0 : i32
        %dma_wait3A_42 = tpu.memref_slice %arg4[%add3A_29, %dma_wait3A_41] : memref<160000x32xf32, #tpu.memory_space<hbm>> -> memref<128x32xf32, #tpu.memory_space<hbm>>
        %dma_wait3A_43 = arith.constant 0 : i32
        %dma_wait3A_44 = tpu.memref_slice %arg4[%add3A_29, %dma_wait3A_43] : memref<160000x32xf32, #tpu.memory_space<hbm>> -> memref<128x32xf32, #tpu.memory_space<hbm>>
        tpu.wait_dma2 semaphore(%run_scoped3A : memref<!tpu.dma_semaphore, #tpu.memory_space<semaphore_mem>>) src(%arg6 : memref<128x32xf32, #tpu.memory_space<vmem>>) dst(%dma_wait3A_44 : memref<128x32xf32, #tpu.memory_space<hbm>>)
        tpu.yield
      }) : () -> ()
      %scan3A_36 = arith.constant 0 : i32
      scf.yield %scan3A_36 : i32
    }
    %scan3A_8 = arith.constant 39 : i32
    %add3A_9 = arith.constant 4992 : i32
    %add3A_10 = arith.addi %mul3A_2, %add3A_9 : i32
    "tpu.region"() ({
      %run_scoped3A = tpu.sem_alloc : memref<!tpu.dma_semaphore, #tpu.memory_space<semaphore_mem>>
      %dma_start3A_25 = arith.constant 0 : i32
      %dma_start3A_26 = tpu.memref_slice %arg5[%dma_start3A_25] : memref<128xi32, #tpu.memory_space<vmem>> -> memref<8xi32, #tpu.memory_space<vmem>>
      %dma_start3A_27 = tpu.memref_slice %arg3[%add3A_10] : memref<160000xi32, #tpu.memory_space<hbm>> -> memref<8xi32, #tpu.memory_space<hbm>>
      %dma_start3A_28 = arith.constant 0 : i32
      %dma_start3A_29 = tpu.memref_slice %arg5[%dma_start3A_28] : memref<128xi32, #tpu.memory_space<vmem>> -> memref<8xi32, #tpu.memory_space<vmem>>
      %dma_start3A_30 = tpu.memref_slice %arg3[%add3A_10] : memref<160000xi32, #tpu.memory_space<hbm>> -> memref<8xi32, #tpu.memory_space<hbm>>
      tpu.enqueue_dma source(%dma_start3A_30 : memref<8xi32, #tpu.memory_space<hbm>>) target(%dma_start3A_29 : memref<8xi32, #tpu.memory_space<vmem>>) target_semaphore(%run_scoped3A : memref<!tpu.dma_semaphore, #tpu.memory_space<semaphore_mem>>)
      %dma_wait3A_31 = arith.constant 0 : i32
      %dma_wait3A_32 = tpu.memref_slice %arg5[%dma_wait3A_31] : memref<128xi32, #tpu.memory_space<vmem>> -> memref<8xi32, #tpu.memory_space<vmem>>
      %dma_wait3A_33 = tpu.memref_slice %arg3[%add3A_10] : memref<160000xi32, #tpu.memory_space<hbm>> -> memref<8xi32, #tpu.memory_space<hbm>>
      %dma_wait3A_34 = arith.constant 0 : i32
      %dma_wait3A_35 = tpu.memref_slice %arg5[%dma_wait3A_34] : memref<128xi32, #tpu.memory_space<vmem>> -> memref<8xi32, #tpu.memory_space<vmem>>
      %dma_wait3A_36 = tpu.memref_slice %arg3[%add3A_10] : memref<160000xi32, #tpu.memory_space<hbm>> -> memref<8xi32, #tpu.memory_space<hbm>>
      tpu.wait_dma2 semaphore(%run_scoped3A : memref<!tpu.dma_semaphore, #tpu.memory_space<semaphore_mem>>) src(%dma_wait3A_36 : memref<8xi32, #tpu.memory_space<hbm>>) dst(%dma_wait3A_35 : memref<8xi32, #tpu.memory_space<vmem>>)
      tpu.yield
    }) : () -> ()
    %dma_start3A = arith.constant 0 : i32
    %dma_start3A_11 = arith.constant 0 : i32
    %dma_start3A_12 = tpu.memref_slice %arg6[%dma_start3A, %dma_start3A_11] : memref<128x32xf32, #tpu.memory_space<vmem>> -> memref<8x32xf32, #tpu.memory_space<vmem>>
    %dma_start3A_13 = arith.constant 0 : i32
    %dma_start3A_14 = tpu.memref_slice %arg5[%dma_start3A_13] : memref<128xi32, #tpu.memory_space<vmem>> -> memref<8xi32, #tpu.memory_space<vmem>>
    %dma_start3A_15 = arith.constant 0 : i32
    %dma_start3A_16 = arith.constant 0 : i32
    %dma_start3A_17 = tpu.memref_slice %arg2[%dma_start3A_15, %dma_start3A_16] : memref<10240x32xf32, #tpu.memory_space<hbm>> -> memref<10240x32xf32, #tpu.memory_space<hbm>>
    tpu.enqueue_indirect_dma source(%dma_start3A_17 : memref<10240x32xf32, #tpu.memory_space<hbm>>) target(%dma_start3A_12 : memref<8x32xf32, #tpu.memory_space<vmem>>) offsets(%dma_start3A_14 : memref<8xi32, #tpu.memory_space<vmem>>) semaphore(%arg7 : memref<!tpu.dma_semaphore, #tpu.memory_space<semaphore_mem>>)
    %dma_wait3A = arith.constant 0 : i32
    %dma_wait3A_18 = arith.constant 0 : i32
    %dma_wait3A_19 = tpu.memref_slice %arg6[%dma_wait3A, %dma_wait3A_18] : memref<128x32xf32, #tpu.memory_space<vmem>> -> memref<8x32xf32, #tpu.memory_space<vmem>>
    %dma_wait3A_20 = arith.constant 0 : i32
    %dma_wait3A_21 = tpu.memref_slice %arg5[%dma_wait3A_20] : memref<128xi32, #tpu.memory_space<vmem>> -> memref<8xi32, #tpu.memory_space<vmem>>
    %dma_wait3A_22 = arith.constant 0 : i32
    %dma_wait3A_23 = arith.constant 0 : i32
    %dma_wait3A_24 = tpu.memref_slice %arg2[%dma_wait3A_22, %dma_wait3A_23] : memref<10240x32xf32, #tpu.memory_space<hbm>> -> memref<10240x32xf32, #tpu.memory_space<hbm>>
    tpu.wait_indirect_dma semaphore(%arg7 : memref<!tpu.dma_semaphore, #tpu.memory_space<semaphore_mem>>) src(%dma_wait3A_24 : memref<10240x32xf32, #tpu.memory_space<hbm>>) dst(%dma_wait3A_19 : memref<8x32xf32, #tpu.memory_space<vmem>>)
    "tpu.region"() ({
      %run_scoped3A = tpu.sem_alloc : memref<!tpu.dma_semaphore, #tpu.memory_space<semaphore_mem>>
      %dma_start3A_25 = arith.constant 0 : i32
      %dma_start3A_26 = arith.constant 0 : i32
      %dma_start3A_27 = tpu.memref_slice %arg6[%dma_start3A_25, %dma_start3A_26] : memref<128x32xf32, #tpu.memory_space<vmem>> -> memref<8x32xf32, #tpu.memory_space<vmem>>
      %dma_start3A_28 = arith.constant 0 : i32
      %dma_start3A_29 = tpu.memref_slice %arg4[%add3A_10, %dma_start3A_28] : memref<160000x32xf32, #tpu.memory_space<hbm>> -> memref<8x32xf32, #tpu.memory_space<hbm>>
      %dma_start3A_30 = arith.constant 0 : i32
      %dma_start3A_31 = tpu.memref_slice %arg4[%add3A_10, %dma_start3A_30] : memref<160000x32xf32, #tpu.memory_space<hbm>> -> memref<8x32xf32, #tpu.memory_space<hbm>>
      %dma_start3A_32 = arith.constant 0 : i32
      %dma_start3A_33 = arith.constant 0 : i32
      %dma_start3A_34 = tpu.memref_slice %arg6[%dma_start3A_32, %dma_start3A_33] : memref<128x32xf32, #tpu.memory_space<vmem>> -> memref<8x32xf32, #tpu.memory_space<vmem>>
      tpu.enqueue_dma source(%dma_start3A_34 : memref<8x32xf32, #tpu.memory_space<vmem>>) target(%dma_start3A_31 : memref<8x32xf32, #tpu.memory_space<hbm>>) target_semaphore(%run_scoped3A : memref<!tpu.dma_semaphore, #tpu.memory_space<semaphore_mem>>)
      %dma_wait3A_35 = arith.constant 0 : i32
      %dma_wait3A_36 = arith.constant 0 : i32
      %dma_wait3A_37 = tpu.memref_slice %arg6[%dma_wait3A_35, %dma_wait3A_36] : memref<128x32xf32, #tpu.memory_space<vmem>> -> memref<8x32xf32, #tpu.memory_space<vmem>>
      %dma_wait3A_38 = arith.constant 0 : i32
      %dma_wait3A_39 = tpu.memref_slice %arg4[%add3A_10, %dma_wait3A_38] : memref<160000x32xf32, #tpu.memory_space<hbm>> -> memref<8x32xf32, #tpu.memory_space<hbm>>
      %dma_wait3A_40 = arith.constant 0 : i32
      %dma_wait3A_41 = tpu.memref_slice %arg4[%add3A_10, %dma_wait3A_40] : memref<160000x32xf32, #tpu.memory_space<hbm>> -> memref<8x32xf32, #tpu.memory_space<hbm>>
      %dma_wait3A_42 = arith.constant 0 : i32
      %dma_wait3A_43 = arith.constant 0 : i32
      %dma_wait3A_44 = tpu.memref_slice %arg6[%dma_wait3A_42, %dma_wait3A_43] : memref<128x32xf32, #tpu.memory_space<vmem>> -> memref<8x32xf32, #tpu.memory_space<vmem>>
      tpu.wait_dma2 semaphore(%run_scoped3A : memref<!tpu.dma_semaphore, #tpu.memory_space<semaphore_mem>>) src(%dma_wait3A_44 : memref<8x32xf32, #tpu.memory_space<vmem>>) dst(%dma_wait3A_41 : memref<8x32xf32, #tpu.memory_space<hbm>>)
      tpu.yield
    }) : () -> ()
    return
  }
}

#map = affine_map<(d0, d1) -> (0, 0)>
#map1 = affine_map<(d0, d1) -> (0)>
module attributes {stable_mosaic.version = 14 : i64} {
  func.func @sc_scatter(%arg0: i32, %arg1: i32, %arg2: memref<160000x32xf32, #tpu.memory_space<hbm>>, %arg3: memref<160128xi32, #tpu.memory_space<hbm>>, %arg4: memref<160128xi32, #tpu.memory_space<hbm>>, %arg5: memref<10256xi32, #tpu.memory_space<hbm>>, %arg6: memref<327680xf32, #tpu.memory_space<hbm>>, %arg7: memref<10240xf32, #tpu.memory_space<vmem>>, %arg8: memref<128x32xf32, #tpu.memory_space<vmem>>, %arg9: memref<128xi32, #tpu.memory_space<vmem>>, %arg10: memref<336xi32, #tpu.memory_space<vmem>>, %arg11: memref<144xi32, #tpu.memory_space<vmem>>, %arg12: memref<!tpu.dma_semaphore, #tpu.memory_space<semaphore_mem>>) attributes {dimension_semantics = [#tpu.dimension_semantics<core_parallel>, #tpu.dimension_semantics<subcore_parallel>], iteration_bounds = array<i64: 2, 16>, scalar_prefetch = 0 : i64, scratch_operands = 6 : i64, tpu.core_type = #tpu.core_type<sc_vector_subcore>, window_params = [{transform_indices = #map}, {transform_indices = #map1}, {transform_indices = #map1}, {transform_indices = #map1}, {transform_indices = #map1}]} {
    %mul3A = arith.constant 2 : i32
    %mul3A_0 = arith.muli %arg1, %mul3A : i32
    %add3A = arith.addi %mul3A_0, %arg0 : i32
    %broadcast_in_dim3A = arith.constant 0.000000e+00 : f32
    %broadcast_in_dim3A_1 = vector.broadcast %broadcast_in_dim3A : f32 to vector<16xf32>
    %mul3A_2 = arith.constant 320 : i32
    %mul3A_3 = arith.muli %add3A, %mul3A_2 : i32
    "tpu.region"() ({
      %run_scoped3A = tpu.sem_alloc : memref<!tpu.dma_semaphore, #tpu.memory_space<semaphore_mem>>
      %dma_start3A = tpu.memref_slice %arg5[%mul3A_3] : memref<10256xi32, #tpu.memory_space<hbm>> -> memref<336xi32, #tpu.memory_space<hbm>>
      %dma_start3A_79 = tpu.memref_slice %arg5[%mul3A_3] : memref<10256xi32, #tpu.memory_space<hbm>> -> memref<336xi32, #tpu.memory_space<hbm>>
      tpu.enqueue_dma source(%dma_start3A_79 : memref<336xi32, #tpu.memory_space<hbm>>) target(%arg10 : memref<336xi32, #tpu.memory_space<vmem>>) target_semaphore(%run_scoped3A : memref<!tpu.dma_semaphore, #tpu.memory_space<semaphore_mem>>)
      %dma_wait3A = tpu.memref_slice %arg5[%mul3A_3] : memref<10256xi32, #tpu.memory_space<hbm>> -> memref<336xi32, #tpu.memory_space<hbm>>
      %dma_wait3A_80 = tpu.memref_slice %arg5[%mul3A_3] : memref<10256xi32, #tpu.memory_space<hbm>> -> memref<336xi32, #tpu.memory_space<hbm>>
      tpu.wait_dma2 semaphore(%run_scoped3A : memref<!tpu.dma_semaphore, #tpu.memory_space<semaphore_mem>>) src(%dma_wait3A_80 : memref<336xi32, #tpu.memory_space<hbm>>) dst(%arg10 : memref<336xi32, #tpu.memory_space<vmem>>)
      tpu.yield
    }) : () -> ()
    %get3A = arith.constant 0 : index
    %get3A_4 = tpu.vector_load %arg10[%get3A] {strides = array<i32>} : memref<336xi32, #tpu.memory_space<vmem>>, vector<16xi32>,
    %get3A_5 = vector.shape_cast %get3A_4 : vector<16xi32> to vector<16xi32>
    %slice3A = vector.extract_strided_slice %get3A_5 {offsets = [0], sizes = [1], strides = [1]} : vector<16xi32> to vector<1xi32>
    %squeeze3A = vector.extract %slice3A[0] : i32 from vector<1xi32>
    %get3A_6 = arith.constant 320 : index
    %get3A_7 = tpu.vector_load %arg10[%get3A_6] {strides = array<i32>} : memref<336xi32, #tpu.memory_space<vmem>>, vector<16xi32>,
    %get3A_8 = vector.shape_cast %get3A_7 : vector<16xi32> to vector<16xi32>
    %slice3A_9 = vector.extract_strided_slice %get3A_8 {offsets = [0], sizes = [1], strides = [1]} : vector<16xi32> to vector<1xi32>
    %squeeze3A_10 = vector.extract %slice3A_9[0] : i32 from vector<1xi32>
    %scan3A = arith.constant 0 : i32
    %scan3A_11 = arith.constant 0 : i32
    %scan3A_12 = arith.constant 640 : i32
    %scan3A_13 = arith.addi %scan3A_11, %scan3A_12 : i32
    %scan3A_14 = arith.constant 1 : i32
    %scan3A_15 = scf.for %scan3A_79 = %scan3A_11 to %scan3A_13 step %scan3A_14 iter_args(%scan3A_80 = %scan3A) -> (i32)  : i32 {
      %mul3A_81 = arith.constant 16 : i32
      %mul3A_82 = arith.muli %scan3A_79, %mul3A_81 : i32
      %swap3A = arith.index_cast %mul3A_82 : i32 to index
      %swap3A_83 = tpu.vector_load %arg7[%swap3A] {strides = array<i32>} : memref<10240xf32, #tpu.memory_space<vmem>>, vector<16xf32>,
      %swap3A_84 = vector.shape_cast %swap3A_83 : vector<16xf32> to vector<16xf32>
      %swap3A_85 = vector.shape_cast %broadcast_in_dim3A_1 : vector<16xf32> to vector<16xf32>
      tpu.vector_store %arg7[%swap3A], %swap3A_85 {strides = array<i32>} : memref<10240xf32, #tpu.memory_space<vmem>>, vector<16xf32>,
      %scan3A_86 = arith.constant 0 : i32
      scf.yield %scan3A_86 : i32
    }
    %scan3A_16 = arith.constant 640 : i32
    %jit3A = arith.constant 8 : i32
    %div3A = arith.divsi %squeeze3A, %jit3A : i32
    %sign3A = arith.constant 0 : i32
    %sign3A_17 = arith.cmpi sgt, %squeeze3A, %sign3A : i32
    %sign3A_18 = arith.extui %sign3A_17 : i1 to i32
    %sign3A_19 = arith.constant 0 : i32
    %sign3A_20 = arith.cmpi slt, %squeeze3A, %sign3A_19 : i32
    %sign3A_21 = arith.extui %sign3A_20 : i1 to i32
    %sign3A_22 = arith.subi %sign3A_18, %sign3A_21 : i32
    %sign3A_23 = arith.constant 0 : i32
    %sign3A_24 = arith.cmpi sgt, %jit3A, %sign3A_23 : i32
    %sign3A_25 = arith.extui %sign3A_24 : i1 to i32
    %sign3A_26 = arith.constant 0 : i32
    %sign3A_27 = arith.cmpi slt, %jit3A, %sign3A_26 : i32
    %sign3A_28 = arith.extui %sign3A_27 : i1 to i32
    %sign3A_29 = arith.subi %sign3A_25, %sign3A_28 : i32
    %ne3A = arith.cmpi ne, %sign3A_22, %sign3A_29 : i32
    %rem3A = arith.remsi %squeeze3A, %jit3A : i32
    %ne3A_30 = arith.constant 0 : i32
    %ne3A_31 = arith.cmpi ne, %rem3A, %ne3A_30 : i32
    %and3A = arith.andi %ne3A, %ne3A_31 : i1
    %sub3A = arith.constant 1 : i32
    %sub3A_32 = arith.subi %div3A, %sub3A : i32
    %select_n3A = arith.select %and3A, %sub3A_32, %div3A : i32
    %mul3A_33 = arith.constant 8 : i32
    %mul3A_34 = arith.muli %select_n3A, %mul3A_33 : i32
    %sub3A_35 = arith.subi %squeeze3A_10, %mul3A_34 : i32
    %add3A_36 = arith.constant 128 : i32
    %add3A_37 = arith.addi %sub3A_35, %add3A_36 : i32
    %sub3A_38 = arith.constant 1 : i32
    %sub3A_39 = arith.subi %add3A_37, %sub3A_38 : i32
    %jit3A_40 = arith.constant 128 : i32
    %div3A_41 = arith.divsi %sub3A_39, %jit3A_40 : i32
    %sign3A_42 = arith.constant 0 : i32
    %sign3A_43 = arith.cmpi sgt, %sub3A_39, %sign3A_42 : i32
    %sign3A_44 = arith.extui %sign3A_43 : i1 to i32
    %sign3A_45 = arith.constant 0 : i32
    %sign3A_46 = arith.cmpi slt, %sub3A_39, %sign3A_45 : i32
    %sign3A_47 = arith.extui %sign3A_46 : i1 to i32
    %sign3A_48 = arith.subi %sign3A_44, %sign3A_47 : i32
    %sign3A_49 = arith.constant 0 : i32
    %sign3A_50 = arith.cmpi sgt, %jit3A_40, %sign3A_49 : i32
    %sign3A_51 = arith.extui %sign3A_50 : i1 to i32
    %sign3A_52 = arith.constant 0 : i32
    %sign3A_53 = arith.cmpi slt, %jit3A_40, %sign3A_52 : i32
    %sign3A_54 = arith.extui %sign3A_53 : i1 to i32
    %sign3A_55 = arith.subi %sign3A_51, %sign3A_54 : i32
    %ne3A_56 = arith.cmpi ne, %sign3A_48, %sign3A_55 : i32
    %rem3A_57 = arith.remsi %sub3A_39, %jit3A_40 : i32
    %ne3A_58 = arith.constant 0 : i32
    %ne3A_59 = arith.cmpi ne, %rem3A_57, %ne3A_58 : i32
    %and3A_60 = arith.andi %ne3A_56, %ne3A_59 : i1
    %sub3A_61 = arith.constant 1 : i32
    %sub3A_62 = arith.subi %div3A_41, %sub3A_61 : i32
    %select_n3A_63 = arith.select %and3A_60, %sub3A_62, %div3A_41 : i32
    %while3A = arith.constant 0 : i32
    %while3A_64 = arith.constant 0 : i32
    %while3A_65 = arith.subi %select_n3A_63, %while3A : i32
    %while3A_66 = arith.addi %while3A, %while3A_65 : i32
    %while3A_67 = arith.constant 1 : i32
    %while3A_68 = arith.divsi %while3A_65, %while3A_67 : i32
    %while3A_69 = arith.muli %while3A_68, %while3A_67 : i32
    %while3A_70 = arith.addi %while3A, %while3A_69 : i32
    %while3A_71 = arith.constant 1 : i32
    %while3A_72 = scf.for %while3A_79 = %while3A to %while3A_70 step %while3A_71 iter_args(%while3A_80 = %while3A_64) -> (i32)  : i32 {
      %mul3A_81 = arith.constant 128 : i32
      %mul3A_82 = arith.muli %while3A_79, %mul3A_81 : i32
      %add3A_83 = arith.addi %mul3A_34, %mul3A_82 : i32
      "tpu.region"() ({
        %run_scoped3A = tpu.sem_alloc : memref<!tpu.dma_semaphore, #tpu.memory_space<semaphore_mem>>
        %dma_start3A_102 = tpu.memref_slice %arg3[%add3A_83] : memref<160128xi32, #tpu.memory_space<hbm>> -> memref<128xi32, #tpu.memory_space<hbm>>
        %dma_start3A_103 = tpu.memref_slice %arg3[%add3A_83] : memref<160128xi32, #tpu.memory_space<hbm>> -> memref<128xi32, #tpu.memory_space<hbm>>
        tpu.enqueue_dma source(%dma_start3A_103 : memref<128xi32, #tpu.memory_space<hbm>>) target(%arg9 : memref<128xi32, #tpu.memory_space<vmem>>) target_semaphore(%run_scoped3A : memref<!tpu.dma_semaphore, #tpu.memory_space<semaphore_mem>>)
        %dma_wait3A_104 = tpu.memref_slice %arg3[%add3A_83] : memref<160128xi32, #tpu.memory_space<hbm>> -> memref<128xi32, #tpu.memory_space<hbm>>
        %dma_wait3A_105 = tpu.memref_slice %arg3[%add3A_83] : memref<160128xi32, #tpu.memory_space<hbm>> -> memref<128xi32, #tpu.memory_space<hbm>>
        tpu.wait_dma2 semaphore(%run_scoped3A : memref<!tpu.dma_semaphore, #tpu.memory_space<semaphore_mem>>) src(%dma_wait3A_105 : memref<128xi32, #tpu.memory_space<hbm>>) dst(%arg9 : memref<128xi32, #tpu.memory_space<vmem>>)
        tpu.yield
      }) : () -> ()
      "tpu.region"() ({
        %run_scoped3A = tpu.sem_alloc : memref<!tpu.dma_semaphore, #tpu.memory_space<semaphore_mem>>
        %dma_start3A_102 = arith.constant 0 : i32
        %dma_start3A_103 = tpu.memref_slice %arg11[%dma_start3A_102] : memref<144xi32, #tpu.memory_space<vmem>> -> memref<128xi32, #tpu.memory_space<vmem>>
        %dma_start3A_104 = tpu.memref_slice %arg4[%add3A_83] : memref<160128xi32, #tpu.memory_space<hbm>> -> memref<128xi32, #tpu.memory_space<hbm>>
        %dma_start3A_105 = arith.constant 0 : i32
        %dma_start3A_106 = tpu.memref_slice %arg11[%dma_start3A_105] : memref<144xi32, #tpu.memory_space<vmem>> -> memref<128xi32, #tpu.memory_space<vmem>>
        %dma_start3A_107 = tpu.memref_slice %arg4[%add3A_83] : memref<160128xi32, #tpu.memory_space<hbm>> -> memref<128xi32, #tpu.memory_space<hbm>>
        tpu.enqueue_dma source(%dma_start3A_107 : memref<128xi32, #tpu.memory_space<hbm>>) target(%dma_start3A_106 : memref<128xi32, #tpu.memory_space<vmem>>) target_semaphore(%run_scoped3A : memref<!tpu.dma_semaphore, #tpu.memory_space<semaphore_mem>>)
        %dma_wait3A_108 = arith.constant 0 : i32
        %dma_wait3A_109 = tpu.memref_slice %arg11[%dma_wait3A_108] : memref<144xi32, #tpu.memory_space<vmem>> -> memref<128xi32, #tpu.memory_space<vmem>>
        %dma_wait3A_110 = tpu.memref_slice %arg4[%add3A_83] : memref<160128xi32, #tpu.memory_space<hbm>> -> memref<128xi32, #tpu.memory_space<hbm>>
        %dma_wait3A_111 = arith.constant 0 : i32
        %dma_wait3A_112 = tpu.memref_slice %arg11[%dma_wait3A_111] : memref<144xi32, #tpu.memory_space<vmem>> -> memref<128xi32, #tpu.memory_space<vmem>>
        %dma_wait3A_113 = tpu.memref_slice %arg4[%add3A_83] : memref<160128xi32, #tpu.memory_space<hbm>> -> memref<128xi32, #tpu.memory_space<hbm>>
        tpu.wait_dma2 semaphore(%run_scoped3A : memref<!tpu.dma_semaphore, #tpu.memory_space<semaphore_mem>>) src(%dma_wait3A_113 : memref<128xi32, #tpu.memory_space<hbm>>) dst(%dma_wait3A_112 : memref<128xi32, #tpu.memory_space<vmem>>)
        tpu.yield
      }) : () -> ()
      %dma_start3A = arith.constant 0 : i32
      %dma_start3A_84 = arith.constant 0 : i32
      %dma_start3A_85 = tpu.memref_slice %arg2[%dma_start3A, %dma_start3A_84] : memref<160000x32xf32, #tpu.memory_space<hbm>> -> memref<160000x32xf32, #tpu.memory_space<hbm>>
      tpu.enqueue_indirect_dma source(%dma_start3A_85 : memref<160000x32xf32, #tpu.memory_space<hbm>>) target(%arg8 : memref<128x32xf32, #tpu.memory_space<vmem>>) offsets(%arg9 : memref<128xi32, #tpu.memory_space<vmem>>) semaphore(%arg12 : memref<!tpu.dma_semaphore, #tpu.memory_space<semaphore_mem>>)
      %dma_wait3A = arith.constant 0 : i32
      %dma_wait3A_86 = arith.constant 0 : i32
      %dma_wait3A_87 = tpu.memref_slice %arg2[%dma_wait3A, %dma_wait3A_86] : memref<160000x32xf32, #tpu.memory_space<hbm>> -> memref<160000x32xf32, #tpu.memory_space<hbm>>
      tpu.wait_indirect_dma semaphore(%arg12 : memref<!tpu.dma_semaphore, #tpu.memory_space<semaphore_mem>>) src(%dma_wait3A_87 : memref<160000x32xf32, #tpu.memory_space<hbm>>) dst(%arg8 : memref<128x32xf32, #tpu.memory_space<vmem>>)
      %max3A = arith.maxsi %add3A_83, %squeeze3A : i32
      %add3A_88 = arith.constant 128 : i32
      %add3A_89 = arith.addi %add3A_83, %add3A_88 : i32
      %min3A = arith.minsi %add3A_89, %squeeze3A_10 : i32
      %while3A_90 = arith.constant 0 : i32
      %while3A_91 = arith.subi %min3A, %max3A : i32
      %while3A_92 = arith.addi %max3A, %while3A_91 : i32
      %while3A_93 = arith.constant 1 : i32
      %while3A_94 = arith.divsi %while3A_91, %while3A_93 : i32
      %while3A_95 = arith.muli %while3A_94, %while3A_93 : i32
      %while3A_96 = arith.addi %max3A, %while3A_95 : i32
      %while3A_97 = arith.constant 1 : i32
      %while3A_98 = scf.for %while3A_102 = %max3A to %while3A_96 step %while3A_97 iter_args(%while3A_103 = %while3A_90) -> (i32)  : i32 {
        %sub3A_104 = arith.subi %while3A_102, %add3A_83 : i32
        %get3A_105 = arith.index_cast %sub3A_104 : i32 to index
        %get3A_106 = tpu.vector_load %arg11[%get3A_105] {strides = array<i32>} : memref<144xi32, #tpu.memory_space<vmem>>, vector<16xi32>,
        %get3A_107 = vector.shape_cast %get3A_106 : vector<16xi32> to vector<16xi32>
        %slice3A_108 = vector.extract_strided_slice %get3A_107 {offsets = [0], sizes = [1], strides = [1]} : vector<16xi32> to vector<1xi32>
        %squeeze3A_109 = vector.extract %slice3A_108[0] : i32 from vector<1xi32>
        %sub3A_110 = arith.subi %squeeze3A_109, %mul3A_3 : i32
        %mul3A_111 = arith.constant 32 : i32
        %mul3A_112 = arith.muli %sub3A_110, %mul3A_111 : i32
        %get3A_113 = arith.index_cast %sub3A_104 : i32 to index
        %get3A_114 = arith.constant 0 : index
        %get3A_115 = tpu.vector_load %arg8[%get3A_113, %get3A_114] {strides = array<i32>} : memref<128x32xf32, #tpu.memory_space<vmem>>, vector<1x16xf32>,
        %get3A_116 = vector.shape_cast %get3A_115 : vector<1x16xf32> to vector<16xf32>
        %swap3A = arith.index_cast %mul3A_112 : i32 to index
        %swap3A_117 = tpu.vector_load %arg7[%swap3A] {strides = array<i32>} : memref<10240xf32, #tpu.memory_space<vmem>>, vector<16xf32>,
        %swap3A_118 = vector.shape_cast %swap3A_117 : vector<16xf32> to vector<16xf32>
        %swap3A_119 = vector.shape_cast %get3A_116 : vector<16xf32> to vector<16xf32>
        tpu.vector_store %arg7[%swap3A], %swap3A_119 {add = true, strides = array<i32>} : memref<10240xf32, #tpu.memory_space<vmem>>, vector<16xf32>,
        %add3A_120 = arith.constant 16 : i32
        %add3A_121 = arith.addi %mul3A_112, %add3A_120 : i32
        %get3A_122 = arith.index_cast %sub3A_104 : i32 to index
        %get3A_123 = arith.constant 16 : index
        %get3A_124 = tpu.vector_load %arg8[%get3A_122, %get3A_123] {strides = array<i32>} : memref<128x32xf32, #tpu.memory_space<vmem>>, vector<1x16xf32>,
        %get3A_125 = vector.shape_cast %get3A_124 : vector<1x16xf32> to vector<16xf32>
        %swap3A_126 = arith.index_cast %add3A_121 : i32 to index
        %swap3A_127 = tpu.vector_load %arg7[%swap3A_126] {strides = array<i32>} : memref<10240xf32, #tpu.memory_space<vmem>>, vector<16xf32>,
        %swap3A_128 = vector.shape_cast %swap3A_127 : vector<16xf32> to vector<16xf32>
        %swap3A_129 = vector.shape_cast %get3A_125 : vector<16xf32> to vector<16xf32>
        tpu.vector_store %arg7[%swap3A_126], %swap3A_129 {add = true, strides = array<i32>} : memref<10240xf32, #tpu.memory_space<vmem>>, vector<16xf32>,
        %while3A_130 = arith.constant 0 : i32
        scf.yield %while3A_130 : i32
      }
      %while3A_99 = arith.constant 1 : i32
      %while3A_100 = scf.for %while3A_102 = %while3A_96 to %while3A_92 step %while3A_99 iter_args(%while3A_103 = %while3A_98) -> (i32)  : i32 {
        %sub3A_104 = arith.subi %while3A_102, %add3A_83 : i32
        %get3A_105 = arith.index_cast %sub3A_104 : i32 to index
        %get3A_106 = tpu.vector_load %arg11[%get3A_105] {strides = array<i32>} : memref<144xi32, #tpu.memory_space<vmem>>, vector<16xi32>,
        %get3A_107 = vector.shape_cast %get3A_106 : vector<16xi32> to vector<16xi32>
        %slice3A_108 = vector.extract_strided_slice %get3A_107 {offsets = [0], sizes = [1], strides = [1]} : vector<16xi32> to vector<1xi32>
        %squeeze3A_109 = vector.extract %slice3A_108[0] : i32 from vector<1xi32>
        %sub3A_110 = arith.subi %squeeze3A_109, %mul3A_3 : i32
        %mul3A_111 = arith.constant 32 : i32
        %mul3A_112 = arith.muli %sub3A_110, %mul3A_111 : i32
        %get3A_113 = arith.index_cast %sub3A_104 : i32 to index
        %get3A_114 = arith.constant 0 : index
        %get3A_115 = tpu.vector_load %arg8[%get3A_113, %get3A_114] {strides = array<i32>} : memref<128x32xf32, #tpu.memory_space<vmem>>, vector<1x16xf32>,
        %get3A_116 = vector.shape_cast %get3A_115 : vector<1x16xf32> to vector<16xf32>
        %swap3A = arith.index_cast %mul3A_112 : i32 to index
        %swap3A_117 = tpu.vector_load %arg7[%swap3A] {strides = array<i32>} : memref<10240xf32, #tpu.memory_space<vmem>>, vector<16xf32>,
        %swap3A_118 = vector.shape_cast %swap3A_117 : vector<16xf32> to vector<16xf32>
        %swap3A_119 = vector.shape_cast %get3A_116 : vector<16xf32> to vector<16xf32>
        tpu.vector_store %arg7[%swap3A], %swap3A_119 {add = true, strides = array<i32>} : memref<10240xf32, #tpu.memory_space<vmem>>, vector<16xf32>,
        %add3A_120 = arith.constant 16 : i32
        %add3A_121 = arith.addi %mul3A_112, %add3A_120 : i32
        %get3A_122 = arith.index_cast %sub3A_104 : i32 to index
        %get3A_123 = arith.constant 16 : index
        %get3A_124 = tpu.vector_load %arg8[%get3A_122, %get3A_123] {strides = array<i32>} : memref<128x32xf32, #tpu.memory_space<vmem>>, vector<1x16xf32>,
        %get3A_125 = vector.shape_cast %get3A_124 : vector<1x16xf32> to vector<16xf32>
        %swap3A_126 = arith.index_cast %add3A_121 : i32 to index
        %swap3A_127 = tpu.vector_load %arg7[%swap3A_126] {strides = array<i32>} : memref<10240xf32, #tpu.memory_space<vmem>>, vector<16xf32>,
        %swap3A_128 = vector.shape_cast %swap3A_127 : vector<16xf32> to vector<16xf32>
        %swap3A_129 = vector.shape_cast %get3A_125 : vector<16xf32> to vector<16xf32>
        tpu.vector_store %arg7[%swap3A_126], %swap3A_129 {add = true, strides = array<i32>} : memref<10240xf32, #tpu.memory_space<vmem>>, vector<16xf32>,
        %while3A_130 = arith.constant 0 : i32
        scf.yield %while3A_130 : i32
      }
      %while3A_101 = arith.constant 0 : i32
      scf.yield %while3A_101 : i32
    }
    %while3A_73 = arith.constant 1 : i32
    %while3A_74 = scf.for %while3A_79 = %while3A_70 to %while3A_66 step %while3A_73 iter_args(%while3A_80 = %while3A_72) -> (i32)  : i32 {
      %mul3A_81 = arith.constant 128 : i32
      %mul3A_82 = arith.muli %while3A_79, %mul3A_81 : i32
      %add3A_83 = arith.addi %mul3A_34, %mul3A_82 : i32
      "tpu.region"() ({
        %run_scoped3A = tpu.sem_alloc : memref<!tpu.dma_semaphore, #tpu.memory_space<semaphore_mem>>
        %dma_start3A_102 = tpu.memref_slice %arg3[%add3A_83] : memref<160128xi32, #tpu.memory_space<hbm>> -> memref<128xi32, #tpu.memory_space<hbm>>
        %dma_start3A_103 = tpu.memref_slice %arg3[%add3A_83] : memref<160128xi32, #tpu.memory_space<hbm>> -> memref<128xi32, #tpu.memory_space<hbm>>
        tpu.enqueue_dma source(%dma_start3A_103 : memref<128xi32, #tpu.memory_space<hbm>>) target(%arg9 : memref<128xi32, #tpu.memory_space<vmem>>) target_semaphore(%run_scoped3A : memref<!tpu.dma_semaphore, #tpu.memory_space<semaphore_mem>>)
        %dma_wait3A_104 = tpu.memref_slice %arg3[%add3A_83] : memref<160128xi32, #tpu.memory_space<hbm>> -> memref<128xi32, #tpu.memory_space<hbm>>
        %dma_wait3A_105 = tpu.memref_slice %arg3[%add3A_83] : memref<160128xi32, #tpu.memory_space<hbm>> -> memref<128xi32, #tpu.memory_space<hbm>>
        tpu.wait_dma2 semaphore(%run_scoped3A : memref<!tpu.dma_semaphore, #tpu.memory_space<semaphore_mem>>) src(%dma_wait3A_105 : memref<128xi32, #tpu.memory_space<hbm>>) dst(%arg9 : memref<128xi32, #tpu.memory_space<vmem>>)
        tpu.yield
      }) : () -> ()
      "tpu.region"() ({
        %run_scoped3A = tpu.sem_alloc : memref<!tpu.dma_semaphore, #tpu.memory_space<semaphore_mem>>
        %dma_start3A_102 = arith.constant 0 : i32
        %dma_start3A_103 = tpu.memref_slice %arg11[%dma_start3A_102] : memref<144xi32, #tpu.memory_space<vmem>> -> memref<128xi32, #tpu.memory_space<vmem>>
        %dma_start3A_104 = tpu.memref_slice %arg4[%add3A_83] : memref<160128xi32, #tpu.memory_space<hbm>> -> memref<128xi32, #tpu.memory_space<hbm>>
        %dma_start3A_105 = arith.constant 0 : i32
        %dma_start3A_106 = tpu.memref_slice %arg11[%dma_start3A_105] : memref<144xi32, #tpu.memory_space<vmem>> -> memref<128xi32, #tpu.memory_space<vmem>>
        %dma_start3A_107 = tpu.memref_slice %arg4[%add3A_83] : memref<160128xi32, #tpu.memory_space<hbm>> -> memref<128xi32, #tpu.memory_space<hbm>>
        tpu.enqueue_dma source(%dma_start3A_107 : memref<128xi32, #tpu.memory_space<hbm>>) target(%dma_start3A_106 : memref<128xi32, #tpu.memory_space<vmem>>) target_semaphore(%run_scoped3A : memref<!tpu.dma_semaphore, #tpu.memory_space<semaphore_mem>>)
        %dma_wait3A_108 = arith.constant 0 : i32
        %dma_wait3A_109 = tpu.memref_slice %arg11[%dma_wait3A_108] : memref<144xi32, #tpu.memory_space<vmem>> -> memref<128xi32, #tpu.memory_space<vmem>>
        %dma_wait3A_110 = tpu.memref_slice %arg4[%add3A_83] : memref<160128xi32, #tpu.memory_space<hbm>> -> memref<128xi32, #tpu.memory_space<hbm>>
        %dma_wait3A_111 = arith.constant 0 : i32
        %dma_wait3A_112 = tpu.memref_slice %arg11[%dma_wait3A_111] : memref<144xi32, #tpu.memory_space<vmem>> -> memref<128xi32, #tpu.memory_space<vmem>>
        %dma_wait3A_113 = tpu.memref_slice %arg4[%add3A_83] : memref<160128xi32, #tpu.memory_space<hbm>> -> memref<128xi32, #tpu.memory_space<hbm>>
        tpu.wait_dma2 semaphore(%run_scoped3A : memref<!tpu.dma_semaphore, #tpu.memory_space<semaphore_mem>>) src(%dma_wait3A_113 : memref<128xi32, #tpu.memory_space<hbm>>) dst(%dma_wait3A_112 : memref<128xi32, #tpu.memory_space<vmem>>)
        tpu.yield
      }) : () -> ()
      %dma_start3A = arith.constant 0 : i32
      %dma_start3A_84 = arith.constant 0 : i32
      %dma_start3A_85 = tpu.memref_slice %arg2[%dma_start3A, %dma_start3A_84] : memref<160000x32xf32, #tpu.memory_space<hbm>> -> memref<160000x32xf32, #tpu.memory_space<hbm>>
      tpu.enqueue_indirect_dma source(%dma_start3A_85 : memref<160000x32xf32, #tpu.memory_space<hbm>>) target(%arg8 : memref<128x32xf32, #tpu.memory_space<vmem>>) offsets(%arg9 : memref<128xi32, #tpu.memory_space<vmem>>) semaphore(%arg12 : memref<!tpu.dma_semaphore, #tpu.memory_space<semaphore_mem>>)
      %dma_wait3A = arith.constant 0 : i32
      %dma_wait3A_86 = arith.constant 0 : i32
      %dma_wait3A_87 = tpu.memref_slice %arg2[%dma_wait3A, %dma_wait3A_86] : memref<160000x32xf32, #tpu.memory_space<hbm>> -> memref<160000x32xf32, #tpu.memory_space<hbm>>
      tpu.wait_indirect_dma semaphore(%arg12 : memref<!tpu.dma_semaphore, #tpu.memory_space<semaphore_mem>>) src(%dma_wait3A_87 : memref<160000x32xf32, #tpu.memory_space<hbm>>) dst(%arg8 : memref<128x32xf32, #tpu.memory_space<vmem>>)
      %max3A = arith.maxsi %add3A_83, %squeeze3A : i32
      %add3A_88 = arith.constant 128 : i32
      %add3A_89 = arith.addi %add3A_83, %add3A_88 : i32
      %min3A = arith.minsi %add3A_89, %squeeze3A_10 : i32
      %while3A_90 = arith.constant 0 : i32
      %while3A_91 = arith.subi %min3A, %max3A : i32
      %while3A_92 = arith.addi %max3A, %while3A_91 : i32
      %while3A_93 = arith.constant 1 : i32
      %while3A_94 = arith.divsi %while3A_91, %while3A_93 : i32
      %while3A_95 = arith.muli %while3A_94, %while3A_93 : i32
      %while3A_96 = arith.addi %max3A, %while3A_95 : i32
      %while3A_97 = arith.constant 1 : i32
      %while3A_98 = scf.for %while3A_102 = %max3A to %while3A_96 step %while3A_97 iter_args(%while3A_103 = %while3A_90) -> (i32)  : i32 {
        %sub3A_104 = arith.subi %while3A_102, %add3A_83 : i32
        %get3A_105 = arith.index_cast %sub3A_104 : i32 to index
        %get3A_106 = tpu.vector_load %arg11[%get3A_105] {strides = array<i32>} : memref<144xi32, #tpu.memory_space<vmem>>, vector<16xi32>,
        %get3A_107 = vector.shape_cast %get3A_106 : vector<16xi32> to vector<16xi32>
        %slice3A_108 = vector.extract_strided_slice %get3A_107 {offsets = [0], sizes = [1], strides = [1]} : vector<16xi32> to vector<1xi32>
        %squeeze3A_109 = vector.extract %slice3A_108[0] : i32 from vector<1xi32>
        %sub3A_110 = arith.subi %squeeze3A_109, %mul3A_3 : i32
        %mul3A_111 = arith.constant 32 : i32
        %mul3A_112 = arith.muli %sub3A_110, %mul3A_111 : i32
        %get3A_113 = arith.index_cast %sub3A_104 : i32 to index
        %get3A_114 = arith.constant 0 : index
        %get3A_115 = tpu.vector_load %arg8[%get3A_113, %get3A_114] {strides = array<i32>} : memref<128x32xf32, #tpu.memory_space<vmem>>, vector<1x16xf32>,
        %get3A_116 = vector.shape_cast %get3A_115 : vector<1x16xf32> to vector<16xf32>
        %swap3A = arith.index_cast %mul3A_112 : i32 to index
        %swap3A_117 = tpu.vector_load %arg7[%swap3A] {strides = array<i32>} : memref<10240xf32, #tpu.memory_space<vmem>>, vector<16xf32>,
        %swap3A_118 = vector.shape_cast %swap3A_117 : vector<16xf32> to vector<16xf32>
        %swap3A_119 = vector.shape_cast %get3A_116 : vector<16xf32> to vector<16xf32>
        tpu.vector_store %arg7[%swap3A], %swap3A_119 {add = true, strides = array<i32>} : memref<10240xf32, #tpu.memory_space<vmem>>, vector<16xf32>,
        %add3A_120 = arith.constant 16 : i32
        %add3A_121 = arith.addi %mul3A_112, %add3A_120 : i32
        %get3A_122 = arith.index_cast %sub3A_104 : i32 to index
        %get3A_123 = arith.constant 16 : index
        %get3A_124 = tpu.vector_load %arg8[%get3A_122, %get3A_123] {strides = array<i32>} : memref<128x32xf32, #tpu.memory_space<vmem>>, vector<1x16xf32>,
        %get3A_125 = vector.shape_cast %get3A_124 : vector<1x16xf32> to vector<16xf32>
        %swap3A_126 = arith.index_cast %add3A_121 : i32 to index
        %swap3A_127 = tpu.vector_load %arg7[%swap3A_126] {strides = array<i32>} : memref<10240xf32, #tpu.memory_space<vmem>>, vector<16xf32>,
        %swap3A_128 = vector.shape_cast %swap3A_127 : vector<16xf32> to vector<16xf32>
        %swap3A_129 = vector.shape_cast %get3A_125 : vector<16xf32> to vector<16xf32>
        tpu.vector_store %arg7[%swap3A_126], %swap3A_129 {add = true, strides = array<i32>} : memref<10240xf32, #tpu.memory_space<vmem>>, vector<16xf32>,
        %while3A_130 = arith.constant 0 : i32
        scf.yield %while3A_130 : i32
      }
      %while3A_99 = arith.constant 1 : i32
      %while3A_100 = scf.for %while3A_102 = %while3A_96 to %while3A_92 step %while3A_99 iter_args(%while3A_103 = %while3A_98) -> (i32)  : i32 {
        %sub3A_104 = arith.subi %while3A_102, %add3A_83 : i32
        %get3A_105 = arith.index_cast %sub3A_104 : i32 to index
        %get3A_106 = tpu.vector_load %arg11[%get3A_105] {strides = array<i32>} : memref<144xi32, #tpu.memory_space<vmem>>, vector<16xi32>,
        %get3A_107 = vector.shape_cast %get3A_106 : vector<16xi32> to vector<16xi32>
        %slice3A_108 = vector.extract_strided_slice %get3A_107 {offsets = [0], sizes = [1], strides = [1]} : vector<16xi32> to vector<1xi32>
        %squeeze3A_109 = vector.extract %slice3A_108[0] : i32 from vector<1xi32>
        %sub3A_110 = arith.subi %squeeze3A_109, %mul3A_3 : i32
        %mul3A_111 = arith.constant 32 : i32
        %mul3A_112 = arith.muli %sub3A_110, %mul3A_111 : i32
        %get3A_113 = arith.index_cast %sub3A_104 : i32 to index
        %get3A_114 = arith.constant 0 : index
        %get3A_115 = tpu.vector_load %arg8[%get3A_113, %get3A_114] {strides = array<i32>} : memref<128x32xf32, #tpu.memory_space<vmem>>, vector<1x16xf32>,
        %get3A_116 = vector.shape_cast %get3A_115 : vector<1x16xf32> to vector<16xf32>
        %swap3A = arith.index_cast %mul3A_112 : i32 to index
        %swap3A_117 = tpu.vector_load %arg7[%swap3A] {strides = array<i32>} : memref<10240xf32, #tpu.memory_space<vmem>>, vector<16xf32>,
        %swap3A_118 = vector.shape_cast %swap3A_117 : vector<16xf32> to vector<16xf32>
        %swap3A_119 = vector.shape_cast %get3A_116 : vector<16xf32> to vector<16xf32>
        tpu.vector_store %arg7[%swap3A], %swap3A_119 {add = true, strides = array<i32>} : memref<10240xf32, #tpu.memory_space<vmem>>, vector<16xf32>,
        %add3A_120 = arith.constant 16 : i32
        %add3A_121 = arith.addi %mul3A_112, %add3A_120 : i32
        %get3A_122 = arith.index_cast %sub3A_104 : i32 to index
        %get3A_123 = arith.constant 16 : index
        %get3A_124 = tpu.vector_load %arg8[%get3A_122, %get3A_123] {strides = array<i32>} : memref<128x32xf32, #tpu.memory_space<vmem>>, vector<1x16xf32>,
        %get3A_125 = vector.shape_cast %get3A_124 : vector<1x16xf32> to vector<16xf32>
        %swap3A_126 = arith.index_cast %add3A_121 : i32 to index
        %swap3A_127 = tpu.vector_load %arg7[%swap3A_126] {strides = array<i32>} : memref<10240xf32, #tpu.memory_space<vmem>>, vector<16xf32>,
        %swap3A_128 = vector.shape_cast %swap3A_127 : vector<16xf32> to vector<16xf32>
        %swap3A_129 = vector.shape_cast %get3A_125 : vector<16xf32> to vector<16xf32>
        tpu.vector_store %arg7[%swap3A_126], %swap3A_129 {add = true, strides = array<i32>} : memref<10240xf32, #tpu.memory_space<vmem>>, vector<16xf32>,
        %while3A_130 = arith.constant 0 : i32
        scf.yield %while3A_130 : i32
      }
      %while3A_101 = arith.constant 0 : i32
      scf.yield %while3A_101 : i32
    }
    %mul3A_75 = arith.constant 320 : i32
    %mul3A_76 = arith.muli %add3A, %mul3A_75 : i32
    %mul3A_77 = arith.constant 32 : i32
    %mul3A_78 = arith.muli %mul3A_76, %mul3A_77 : i32
    "tpu.region"() ({
      %run_scoped3A = tpu.sem_alloc : memref<!tpu.dma_semaphore, #tpu.memory_space<semaphore_mem>>
      %dma_start3A = tpu.memref_slice %arg6[%mul3A_78] : memref<327680xf32, #tpu.memory_space<hbm>> -> memref<10240xf32, #tpu.memory_space<hbm>>
      %dma_start3A_79 = tpu.memref_slice %arg6[%mul3A_78] : memref<327680xf32, #tpu.memory_space<hbm>> -> memref<10240xf32, #tpu.memory_space<hbm>>
      tpu.enqueue_dma source(%arg7 : memref<10240xf32, #tpu.memory_space<vmem>>) target(%dma_start3A_79 : memref<10240xf32, #tpu.memory_space<hbm>>) target_semaphore(%run_scoped3A : memref<!tpu.dma_semaphore, #tpu.memory_space<semaphore_mem>>)
      %dma_wait3A = tpu.memref_slice %arg6[%mul3A_78] : memref<327680xf32, #tpu.memory_space<hbm>> -> memref<10240xf32, #tpu.memory_space<hbm>>
      %dma_wait3A_80 = tpu.memref_slice %arg6[%mul3A_78] : memref<327680xf32, #tpu.memory_space<hbm>> -> memref<10240xf32, #tpu.memory_space<hbm>>
      tpu.wait_dma2 semaphore(%run_scoped3A : memref<!tpu.dma_semaphore, #tpu.memory_space<semaphore_mem>>) src(%arg7 : memref<10240xf32, #tpu.memory_space<vmem>>) dst(%dma_wait3A_80 : memref<10240xf32, #tpu.memory_space<hbm>>)
      tpu.yield
    }) : () -> ()
    return
  }
}

#map = affine_map<(d0, d1) -> (0, 0)>
#map1 = affine_map<(d0, d1) -> (0)>
module attributes {stable_mosaic.version = 14 : i64} {
  func.func @sc_gather(%arg0: i32, %arg1: i32, %arg2: memref<10240x32xf32, #tpu.memory_space<hbm>>, %arg3: memref<160000xi32, #tpu.memory_space<hbm>>, %arg4: memref<160000x32xf32, #tpu.memory_space<hbm>>, %arg5: memref<128xi32, #tpu.memory_space<vmem>>, %arg6: memref<128x32xf32, #tpu.memory_space<vmem>>, %arg7: memref<!tpu.dma_semaphore, #tpu.memory_space<semaphore_mem>>) attributes {dimension_semantics = [#tpu.dimension_semantics<core_parallel>, #tpu.dimension_semantics<subcore_parallel>], iteration_bounds = array<i64: 2, 16>, scalar_prefetch = 0 : i64, scratch_operands = 3 : i64, tpu.core_type = #tpu.core_type<sc_vector_subcore>, window_params = [{transform_indices = #map}, {transform_indices = #map1}, {transform_indices = #map}]} {
    %mul3A = arith.constant 2 : i32
    %mul3A_0 = arith.muli %arg1, %mul3A : i32
    %add3A = arith.addi %mul3A_0, %arg0 : i32
    %mul3A_1 = arith.constant 5000 : i32
    %mul3A_2 = arith.muli %add3A, %mul3A_1 : i32
    %scan3A = arith.constant 0 : i32
    %scan3A_3 = arith.constant 0 : i32
    %scan3A_4 = arith.constant 39 : i32
    %scan3A_5 = arith.addi %scan3A_3, %scan3A_4 : i32
    %scan3A_6 = arith.constant 1 : i32
    %scan3A_7 = scf.for %scan3A_25 = %scan3A_3 to %scan3A_5 step %scan3A_6 iter_args(%scan3A_26 = %scan3A) -> (i32)  : i32 {
      %mul3A_27 = arith.constant 128 : i32
      %mul3A_28 = arith.muli %scan3A_25, %mul3A_27 : i32
      %add3A_29 = arith.addi %mul3A_2, %mul3A_28 : i32
      "tpu.region"() ({
        %run_scoped3A = tpu.sem_alloc : memref<!tpu.dma_semaphore, #tpu.memory_space<semaphore_mem>>
        %dma_start3A_37 = tpu.memref_slice %arg3[%add3A_29] : memref<160000xi32, #tpu.memory_space<hbm>> -> memref<128xi32, #tpu.memory_space<hbm>>
        %dma_start3A_38 = tpu.memref_slice %arg3[%add3A_29] : memref<160000xi32, #tpu.memory_space<hbm>> -> memref<128xi32, #tpu.memory_space<hbm>>
        tpu.enqueue_dma source(%dma_start3A_38 : memref<128xi32, #tpu.memory_space<hbm>>) target(%arg5 : memref<128xi32, #tpu.memory_space<vmem>>) target_semaphore(%run_scoped3A : memref<!tpu.dma_semaphore, #tpu.memory_space<semaphore_mem>>)
        %dma_wait3A_39 = tpu.memref_slice %arg3[%add3A_29] : memref<160000xi32, #tpu.memory_space<hbm>> -> memref<128xi32, #tpu.memory_space<hbm>>
        %dma_wait3A_40 = tpu.memref_slice %arg3[%add3A_29] : memref<160000xi32, #tpu.memory_space<hbm>> -> memref<128xi32, #tpu.memory_space<hbm>>
        tpu.wait_dma2 semaphore(%run_scoped3A : memref<!tpu.dma_semaphore, #tpu.memory_space<semaphore_mem>>) src(%dma_wait3A_40 : memref<128xi32, #tpu.memory_space<hbm>>) dst(%arg5 : memref<128xi32, #tpu.memory_space<vmem>>)
        tpu.yield
      }) : () -> ()
      %dma_start3A_30 = arith.constant 0 : i32
      %dma_start3A_31 = arith.constant 0 : i32
      %dma_start3A_32 = tpu.memref_slice %arg2[%dma_start3A_30, %dma_start3A_31] : memref<10240x32xf32, #tpu.memory_space<hbm>> -> memref<10240x32xf32, #tpu.memory_space<hbm>>
      tpu.enqueue_indirect_dma source(%dma_start3A_32 : memref<10240x32xf32, #tpu.memory_space<hbm>>) target(%arg6 : memref<128x32xf32, #tpu.memory_space<vmem>>) offsets(%arg5 : memref<128xi32, #tpu.memory_space<vmem>>) semaphore(%arg7 : memref<!tpu.dma_semaphore, #tpu.memory_space<semaphore_mem>>)
      %dma_wait3A_33 = arith.constant 0 : i32
      %dma_wait3A_34 = arith.constant 0 : i32
      %dma_wait3A_35 = tpu.memref_slice %arg2[%dma_wait3A_33, %dma_wait3A_34] : memref<10240x32xf32, #tpu.memory_space<hbm>> -> memref<10240x32xf32, #tpu.memory_space<hbm>>
      tpu.wait_indirect_dma semaphore(%arg7 : memref<!tpu.dma_semaphore, #tpu.memory_space<semaphore_mem>>) src(%dma_wait3A_35 : memref<10240x32xf32, #tpu.memory_space<hbm>>) dst(%arg6 : memref<128x32xf32, #tpu.memory_space<vmem>>)
      "tpu.region"() ({
        %run_scoped3A = tpu.sem_alloc : memref<!tpu.dma_semaphore, #tpu.memory_space<semaphore_mem>>
        %dma_start3A_37 = arith.constant 0 : i32
        %dma_start3A_38 = tpu.memref_slice %arg4[%add3A_29, %dma_start3A_37] : memref<160000x32xf32, #tpu.memory_space<hbm>> -> memref<128x32xf32, #tpu.memory_space<hbm>>
        %dma_start3A_39 = arith.constant 0 : i32
        %dma_start3A_40 = tpu.memref_slice %arg4[%add3A_29, %dma_start3A_39] : memref<160000x32xf32, #tpu.memory_space<hbm>> -> memref<128x32xf32, #tpu.memory_space<hbm>>
        tpu.enqueue_dma source(%arg6 : memref<128x32xf32, #tpu.memory_space<vmem>>) target(%dma_start3A_40 : memref<128x32xf32, #tpu.memory_space<hbm>>) target_semaphore(%run_scoped3A : memref<!tpu.dma_semaphore, #tpu.memory_space<semaphore_mem>>)
        %dma_wait3A_41 = arith.constant 0 : i32
        %dma_wait3A_42 = tpu.memref_slice %arg4[%add3A_29, %dma_wait3A_41] : memref<160000x32xf32, #tpu.memory_space<hbm>> -> memref<128x32xf32, #tpu.memory_space<hbm>>
        %dma_wait3A_43 = arith.constant 0 : i32
        %dma_wait3A_44 = tpu.memref_slice %arg4[%add3A_29, %dma_wait3A_43] : memref<160000x32xf32, #tpu.memory_space<hbm>> -> memref<128x32xf32, #tpu.memory_space<hbm>>
        tpu.wait_dma2 semaphore(%run_scoped3A : memref<!tpu.dma_semaphore, #tpu.memory_space<semaphore_mem>>) src(%arg6 : memref<128x32xf32, #tpu.memory_space<vmem>>) dst(%dma_wait3A_44 : memref<128x32xf32, #tpu.memory_space<hbm>>)
        tpu.yield
      }) : () -> ()
      %scan3A_36 = arith.constant 0 : i32
      scf.yield %scan3A_36 : i32
    }
    %scan3A_8 = arith.constant 39 : i32
    %add3A_9 = arith.constant 4992 : i32
    %add3A_10 = arith.addi %mul3A_2, %add3A_9 : i32
    "tpu.region"() ({
      %run_scoped3A = tpu.sem_alloc : memref<!tpu.dma_semaphore, #tpu.memory_space<semaphore_mem>>
      %dma_start3A_25 = arith.constant 0 : i32
      %dma_start3A_26 = tpu.memref_slice %arg5[%dma_start3A_25] : memref<128xi32, #tpu.memory_space<vmem>> -> memref<8xi32, #tpu.memory_space<vmem>>
      %dma_start3A_27 = tpu.memref_slice %arg3[%add3A_10] : memref<160000xi32, #tpu.memory_space<hbm>> -> memref<8xi32, #tpu.memory_space<hbm>>
      %dma_start3A_28 = arith.constant 0 : i32
      %dma_start3A_29 = tpu.memref_slice %arg5[%dma_start3A_28] : memref<128xi32, #tpu.memory_space<vmem>> -> memref<8xi32, #tpu.memory_space<vmem>>
      %dma_start3A_30 = tpu.memref_slice %arg3[%add3A_10] : memref<160000xi32, #tpu.memory_space<hbm>> -> memref<8xi32, #tpu.memory_space<hbm>>
      tpu.enqueue_dma source(%dma_start3A_30 : memref<8xi32, #tpu.memory_space<hbm>>) target(%dma_start3A_29 : memref<8xi32, #tpu.memory_space<vmem>>) target_semaphore(%run_scoped3A : memref<!tpu.dma_semaphore, #tpu.memory_space<semaphore_mem>>)
      %dma_wait3A_31 = arith.constant 0 : i32
      %dma_wait3A_32 = tpu.memref_slice %arg5[%dma_wait3A_31] : memref<128xi32, #tpu.memory_space<vmem>> -> memref<8xi32, #tpu.memory_space<vmem>>
      %dma_wait3A_33 = tpu.memref_slice %arg3[%add3A_10] : memref<160000xi32, #tpu.memory_space<hbm>> -> memref<8xi32, #tpu.memory_space<hbm>>
      %dma_wait3A_34 = arith.constant 0 : i32
      %dma_wait3A_35 = tpu.memref_slice %arg5[%dma_wait3A_34] : memref<128xi32, #tpu.memory_space<vmem>> -> memref<8xi32, #tpu.memory_space<vmem>>
      %dma_wait3A_36 = tpu.memref_slice %arg3[%add3A_10] : memref<160000xi32, #tpu.memory_space<hbm>> -> memref<8xi32, #tpu.memory_space<hbm>>
      tpu.wait_dma2 semaphore(%run_scoped3A : memref<!tpu.dma_semaphore, #tpu.memory_space<semaphore_mem>>) src(%dma_wait3A_36 : memref<8xi32, #tpu.memory_space<hbm>>) dst(%dma_wait3A_35 : memref<8xi32, #tpu.memory_space<vmem>>)
      tpu.yield
    }) : () -> ()
    %dma_start3A = arith.constant 0 : i32
    %dma_start3A_11 = arith.constant 0 : i32
    %dma_start3A_12 = tpu.memref_slice %arg6[%dma_start3A, %dma_start3A_11] : memref<128x32xf32, #tpu.memory_space<vmem>> -> memref<8x32xf32, #tpu.memory_space<vmem>>
    %dma_start3A_13 = arith.constant 0 : i32
    %dma_start3A_14 = tpu.memref_slice %arg5[%dma_start3A_13] : memref<128xi32, #tpu.memory_space<vmem>> -> memref<8xi32, #tpu.memory_space<vmem>>
    %dma_start3A_15 = arith.constant 0 : i32
    %dma_start3A_16 = arith.constant 0 : i32
    %dma_start3A_17 = tpu.memref_slice %arg2[%dma_start3A_15, %dma_start3A_16] : memref<10240x32xf32, #tpu.memory_space<hbm>> -> memref<10240x32xf32, #tpu.memory_space<hbm>>
    tpu.enqueue_indirect_dma source(%dma_start3A_17 : memref<10240x32xf32, #tpu.memory_space<hbm>>) target(%dma_start3A_12 : memref<8x32xf32, #tpu.memory_space<vmem>>) offsets(%dma_start3A_14 : memref<8xi32, #tpu.memory_space<vmem>>) semaphore(%arg7 : memref<!tpu.dma_semaphore, #tpu.memory_space<semaphore_mem>>)
    %dma_wait3A = arith.constant 0 : i32
    %dma_wait3A_18 = arith.constant 0 : i32
    %dma_wait3A_19 = tpu.memref_slice %arg6[%dma_wait3A, %dma_wait3A_18] : memref<128x32xf32, #tpu.memory_space<vmem>> -> memref<8x32xf32, #tpu.memory_space<vmem>>
    %dma_wait3A_20 = arith.constant 0 : i32
    %dma_wait3A_21 = tpu.memref_slice %arg5[%dma_wait3A_20] : memref<128xi32, #tpu.memory_space<vmem>> -> memref<8xi32, #tpu.memory_space<vmem>>
    %dma_wait3A_22 = arith.constant 0 : i32
    %dma_wait3A_23 = arith.constant 0 : i32
    %dma_wait3A_24 = tpu.memref_slice %arg2[%dma_wait3A_22, %dma_wait3A_23] : memref<10240x32xf32, #tpu.memory_space<hbm>> -> memref<10240x32xf32, #tpu.memory_space<hbm>>
    tpu.wait_indirect_dma semaphore(%arg7 : memref<!tpu.dma_semaphore, #tpu.memory_space<semaphore_mem>>) src(%dma_wait3A_24 : memref<10240x32xf32, #tpu.memory_space<hbm>>) dst(%dma_wait3A_19 : memref<8x32xf32, #tpu.memory_space<vmem>>)
    "tpu.region"() ({
      %run_scoped3A = tpu.sem_alloc : memref<!tpu.dma_semaphore, #tpu.memory_space<semaphore_mem>>
      %dma_start3A_25 = arith.constant 0 : i32
      %dma_start3A_26 = arith.constant 0 : i32
      %dma_start3A_27 = tpu.memref_slice %arg6[%dma_start3A_25, %dma_start3A_26] : memref<128x32xf32, #tpu.memory_space<vmem>> -> memref<8x32xf32, #tpu.memory_space<vmem>>
      %dma_start3A_28 = arith.constant 0 : i32
      %dma_start3A_29 = tpu.memref_slice %arg4[%add3A_10, %dma_start3A_28] : memref<160000x32xf32, #tpu.memory_space<hbm>> -> memref<8x32xf32, #tpu.memory_space<hbm>>
      %dma_start3A_30 = arith.constant 0 : i32
      %dma_start3A_31 = tpu.memref_slice %arg4[%add3A_10, %dma_start3A_30] : memref<160000x32xf32, #tpu.memory_space<hbm>> -> memref<8x32xf32, #tpu.memory_space<hbm>>
      %dma_start3A_32 = arith.constant 0 : i32
      %dma_start3A_33 = arith.constant 0 : i32
      %dma_start3A_34 = tpu.memref_slice %arg6[%dma_start3A_32, %dma_start3A_33] : memref<128x32xf32, #tpu.memory_space<vmem>> -> memref<8x32xf32, #tpu.memory_space<vmem>>
      tpu.enqueue_dma source(%dma_start3A_34 : memref<8x32xf32, #tpu.memory_space<vmem>>) target(%dma_start3A_31 : memref<8x32xf32, #tpu.memory_space<hbm>>) target_semaphore(%run_scoped3A : memref<!tpu.dma_semaphore, #tpu.memory_space<semaphore_mem>>)
      %dma_wait3A_35 = arith.constant 0 : i32
      %dma_wait3A_36 = arith.constant 0 : i32
      %dma_wait3A_37 = tpu.memref_slice %arg6[%dma_wait3A_35, %dma_wait3A_36] : memref<128x32xf32, #tpu.memory_space<vmem>> -> memref<8x32xf32, #tpu.memory_space<vmem>>
      %dma_wait3A_38 = arith.constant 0 : i32
      %dma_wait3A_39 = tpu.memref_slice %arg4[%add3A_10, %dma_wait3A_38] : memref<160000x32xf32, #tpu.memory_space<hbm>> -> memref<8x32xf32, #tpu.memory_space<hbm>>
      %dma_wait3A_40 = arith.constant 0 : i32
      %dma_wait3A_41 = tpu.memref_slice %arg4[%add3A_10, %dma_wait3A_40] : memref<160000x32xf32, #tpu.memory_space<hbm>> -> memref<8x32xf32, #tpu.memory_space<hbm>>
      %dma_wait3A_42 = arith.constant 0 : i32
      %dma_wait3A_43 = arith.constant 0 : i32
      %dma_wait3A_44 = tpu.memref_slice %arg6[%dma_wait3A_42, %dma_wait3A_43] : memref<128x32xf32, #tpu.memory_space<vmem>> -> memref<8x32xf32, #tpu.memory_space<vmem>>
      tpu.wait_dma2 semaphore(%run_scoped3A : memref<!tpu.dma_semaphore, #tpu.memory_space<semaphore_mem>>) src(%dma_wait3A_44 : memref<8x32xf32, #tpu.memory_space<vmem>>) dst(%dma_wait3A_41 : memref<8x32xf32, #tpu.memory_space<hbm>>)
      tpu.yield
    }) : () -> ()
    return
  }
}

#map = affine_map<(d0, d1) -> (0, 0)>
#map1 = affine_map<(d0, d1) -> (0)>
module attributes {stable_mosaic.version = 14 : i64} {
  func.func @sc_scatter(%arg0: i32, %arg1: i32, %arg2: memref<160000x32xf32, #tpu.memory_space<hbm>>, %arg3: memref<160128xi32, #tpu.memory_space<hbm>>, %arg4: memref<160128xi32, #tpu.memory_space<hbm>>, %arg5: memref<10256xi32, #tpu.memory_space<hbm>>, %arg6: memref<327680xf32, #tpu.memory_space<hbm>>, %arg7: memref<10240xf32, #tpu.memory_space<vmem>>, %arg8: memref<128x32xf32, #tpu.memory_space<vmem>>, %arg9: memref<128xi32, #tpu.memory_space<vmem>>, %arg10: memref<336xi32, #tpu.memory_space<vmem>>, %arg11: memref<144xi32, #tpu.memory_space<vmem>>, %arg12: memref<!tpu.dma_semaphore, #tpu.memory_space<semaphore_mem>>) attributes {dimension_semantics = [#tpu.dimension_semantics<core_parallel>, #tpu.dimension_semantics<subcore_parallel>], iteration_bounds = array<i64: 2, 16>, scalar_prefetch = 0 : i64, scratch_operands = 6 : i64, tpu.core_type = #tpu.core_type<sc_vector_subcore>, window_params = [{transform_indices = #map}, {transform_indices = #map1}, {transform_indices = #map1}, {transform_indices = #map1}, {transform_indices = #map1}]} {
    %mul3A = arith.constant 2 : i32
    %mul3A_0 = arith.muli %arg1, %mul3A : i32
    %add3A = arith.addi %mul3A_0, %arg0 : i32
    %broadcast_in_dim3A = arith.constant 0.000000e+00 : f32
    %broadcast_in_dim3A_1 = vector.broadcast %broadcast_in_dim3A : f32 to vector<16xf32>
    %mul3A_2 = arith.constant 320 : i32
    %mul3A_3 = arith.muli %add3A, %mul3A_2 : i32
    "tpu.region"() ({
      %run_scoped3A = tpu.sem_alloc : memref<!tpu.dma_semaphore, #tpu.memory_space<semaphore_mem>>
      %dma_start3A = tpu.memref_slice %arg5[%mul3A_3] : memref<10256xi32, #tpu.memory_space<hbm>> -> memref<336xi32, #tpu.memory_space<hbm>>
      %dma_start3A_79 = tpu.memref_slice %arg5[%mul3A_3] : memref<10256xi32, #tpu.memory_space<hbm>> -> memref<336xi32, #tpu.memory_space<hbm>>
      tpu.enqueue_dma source(%dma_start3A_79 : memref<336xi32, #tpu.memory_space<hbm>>) target(%arg10 : memref<336xi32, #tpu.memory_space<vmem>>) target_semaphore(%run_scoped3A : memref<!tpu.dma_semaphore, #tpu.memory_space<semaphore_mem>>)
      %dma_wait3A = tpu.memref_slice %arg5[%mul3A_3] : memref<10256xi32, #tpu.memory_space<hbm>> -> memref<336xi32, #tpu.memory_space<hbm>>
      %dma_wait3A_80 = tpu.memref_slice %arg5[%mul3A_3] : memref<10256xi32, #tpu.memory_space<hbm>> -> memref<336xi32, #tpu.memory_space<hbm>>
      tpu.wait_dma2 semaphore(%run_scoped3A : memref<!tpu.dma_semaphore, #tpu.memory_space<semaphore_mem>>) src(%dma_wait3A_80 : memref<336xi32, #tpu.memory_space<hbm>>) dst(%arg10 : memref<336xi32, #tpu.memory_space<vmem>>)
      tpu.yield
    }) : () -> ()
    %get3A = arith.constant 0 : index
    %get3A_4 = tpu.vector_load %arg10[%get3A] {strides = array<i32>} : memref<336xi32, #tpu.memory_space<vmem>>, vector<16xi32>,
    %get3A_5 = vector.shape_cast %get3A_4 : vector<16xi32> to vector<16xi32>
    %slice3A = vector.extract_strided_slice %get3A_5 {offsets = [0], sizes = [1], strides = [1]} : vector<16xi32> to vector<1xi32>
    %squeeze3A = vector.extract %slice3A[0] : i32 from vector<1xi32>
    %get3A_6 = arith.constant 320 : index
    %get3A_7 = tpu.vector_load %arg10[%get3A_6] {strides = array<i32>} : memref<336xi32, #tpu.memory_space<vmem>>, vector<16xi32>,
    %get3A_8 = vector.shape_cast %get3A_7 : vector<16xi32> to vector<16xi32>
    %slice3A_9 = vector.extract_strided_slice %get3A_8 {offsets = [0], sizes = [1], strides = [1]} : vector<16xi32> to vector<1xi32>
    %squeeze3A_10 = vector.extract %slice3A_9[0] : i32 from vector<1xi32>
    %scan3A = arith.constant 0 : i32
    %scan3A_11 = arith.constant 0 : i32
    %scan3A_12 = arith.constant 640 : i32
    %scan3A_13 = arith.addi %scan3A_11, %scan3A_12 : i32
    %scan3A_14 = arith.constant 1 : i32
    %scan3A_15 = scf.for %scan3A_79 = %scan3A_11 to %scan3A_13 step %scan3A_14 iter_args(%scan3A_80 = %scan3A) -> (i32)  : i32 {
      %mul3A_81 = arith.constant 16 : i32
      %mul3A_82 = arith.muli %scan3A_79, %mul3A_81 : i32
      %swap3A = arith.index_cast %mul3A_82 : i32 to index
      %swap3A_83 = tpu.vector_load %arg7[%swap3A] {strides = array<i32>} : memref<10240xf32, #tpu.memory_space<vmem>>, vector<16xf32>,
      %swap3A_84 = vector.shape_cast %swap3A_83 : vector<16xf32> to vector<16xf32>
      %swap3A_85 = vector.shape_cast %broadcast_in_dim3A_1 : vector<16xf32> to vector<16xf32>
      tpu.vector_store %arg7[%swap3A], %swap3A_85 {strides = array<i32>} : memref<10240xf32, #tpu.memory_space<vmem>>, vector<16xf32>,
      %scan3A_86 = arith.constant 0 : i32
      scf.yield %scan3A_86 : i32
    }
    %scan3A_16 = arith.constant 640 : i32
    %jit3A = arith.constant 8 : i32
    %div3A = arith.divsi %squeeze3A, %jit3A : i32
    %sign3A = arith.constant 0 : i32
    %sign3A_17 = arith.cmpi sgt, %squeeze3A, %sign3A : i32
    %sign3A_18 = arith.extui %sign3A_17 : i1 to i32
    %sign3A_19 = arith.constant 0 : i32
    %sign3A_20 = arith.cmpi slt, %squeeze3A, %sign3A_19 : i32
    %sign3A_21 = arith.extui %sign3A_20 : i1 to i32
    %sign3A_22 = arith.subi %sign3A_18, %sign3A_21 : i32
    %sign3A_23 = arith.constant 0 : i32
    %sign3A_24 = arith.cmpi sgt, %jit3A, %sign3A_23 : i32
    %sign3A_25 = arith.extui %sign3A_24 : i1 to i32
    %sign3A_26 = arith.constant 0 : i32
    %sign3A_27 = arith.cmpi slt, %jit3A, %sign3A_26 : i32
    %sign3A_28 = arith.extui %sign3A_27 : i1 to i32
    %sign3A_29 = arith.subi %sign3A_25, %sign3A_28 : i32
    %ne3A = arith.cmpi ne, %sign3A_22, %sign3A_29 : i32
    %rem3A = arith.remsi %squeeze3A, %jit3A : i32
    %ne3A_30 = arith.constant 0 : i32
    %ne3A_31 = arith.cmpi ne, %rem3A, %ne3A_30 : i32
    %and3A = arith.andi %ne3A, %ne3A_31 : i1
    %sub3A = arith.constant 1 : i32
    %sub3A_32 = arith.subi %div3A, %sub3A : i32
    %select_n3A = arith.select %and3A, %sub3A_32, %div3A : i32
    %mul3A_33 = arith.constant 8 : i32
    %mul3A_34 = arith.muli %select_n3A, %mul3A_33 : i32
    %sub3A_35 = arith.subi %squeeze3A_10, %mul3A_34 : i32
    %add3A_36 = arith.constant 128 : i32
    %add3A_37 = arith.addi %sub3A_35, %add3A_36 : i32
    %sub3A_38 = arith.constant 1 : i32
    %sub3A_39 = arith.subi %add3A_37, %sub3A_38 : i32
    %jit3A_40 = arith.constant 128 : i32
    %div3A_41 = arith.divsi %sub3A_39, %jit3A_40 : i32
    %sign3A_42 = arith.constant 0 : i32
    %sign3A_43 = arith.cmpi sgt, %sub3A_39, %sign3A_42 : i32
    %sign3A_44 = arith.extui %sign3A_43 : i1 to i32
    %sign3A_45 = arith.constant 0 : i32
    %sign3A_46 = arith.cmpi slt, %sub3A_39, %sign3A_45 : i32
    %sign3A_47 = arith.extui %sign3A_46 : i1 to i32
    %sign3A_48 = arith.subi %sign3A_44, %sign3A_47 : i32
    %sign3A_49 = arith.constant 0 : i32
    %sign3A_50 = arith.cmpi sgt, %jit3A_40, %sign3A_49 : i32
    %sign3A_51 = arith.extui %sign3A_50 : i1 to i32
    %sign3A_52 = arith.constant 0 : i32
    %sign3A_53 = arith.cmpi slt, %jit3A_40, %sign3A_52 : i32
    %sign3A_54 = arith.extui %sign3A_53 : i1 to i32
    %sign3A_55 = arith.subi %sign3A_51, %sign3A_54 : i32
    %ne3A_56 = arith.cmpi ne, %sign3A_48, %sign3A_55 : i32
    %rem3A_57 = arith.remsi %sub3A_39, %jit3A_40 : i32
    %ne3A_58 = arith.constant 0 : i32
    %ne3A_59 = arith.cmpi ne, %rem3A_57, %ne3A_58 : i32
    %and3A_60 = arith.andi %ne3A_56, %ne3A_59 : i1
    %sub3A_61 = arith.constant 1 : i32
    %sub3A_62 = arith.subi %div3A_41, %sub3A_61 : i32
    %select_n3A_63 = arith.select %and3A_60, %sub3A_62, %div3A_41 : i32
    %while3A = arith.constant 0 : i32
    %while3A_64 = arith.constant 0 : i32
    %while3A_65 = arith.subi %select_n3A_63, %while3A : i32
    %while3A_66 = arith.addi %while3A, %while3A_65 : i32
    %while3A_67 = arith.constant 1 : i32
    %while3A_68 = arith.divsi %while3A_65, %while3A_67 : i32
    %while3A_69 = arith.muli %while3A_68, %while3A_67 : i32
    %while3A_70 = arith.addi %while3A, %while3A_69 : i32
    %while3A_71 = arith.constant 1 : i32
    %while3A_72 = scf.for %while3A_79 = %while3A to %while3A_70 step %while3A_71 iter_args(%while3A_80 = %while3A_64) -> (i32)  : i32 {
      %mul3A_81 = arith.constant 128 : i32
      %mul3A_82 = arith.muli %while3A_79, %mul3A_81 : i32
      %add3A_83 = arith.addi %mul3A_34, %mul3A_82 : i32
      "tpu.region"() ({
        %run_scoped3A = tpu.sem_alloc : memref<!tpu.dma_semaphore, #tpu.memory_space<semaphore_mem>>
        %dma_start3A_102 = tpu.memref_slice %arg3[%add3A_83] : memref<160128xi32, #tpu.memory_space<hbm>> -> memref<128xi32, #tpu.memory_space<hbm>>
        %dma_start3A_103 = tpu.memref_slice %arg3[%add3A_83] : memref<160128xi32, #tpu.memory_space<hbm>> -> memref<128xi32, #tpu.memory_space<hbm>>
        tpu.enqueue_dma source(%dma_start3A_103 : memref<128xi32, #tpu.memory_space<hbm>>) target(%arg9 : memref<128xi32, #tpu.memory_space<vmem>>) target_semaphore(%run_scoped3A : memref<!tpu.dma_semaphore, #tpu.memory_space<semaphore_mem>>)
        %dma_wait3A_104 = tpu.memref_slice %arg3[%add3A_83] : memref<160128xi32, #tpu.memory_space<hbm>> -> memref<128xi32, #tpu.memory_space<hbm>>
        %dma_wait3A_105 = tpu.memref_slice %arg3[%add3A_83] : memref<160128xi32, #tpu.memory_space<hbm>> -> memref<128xi32, #tpu.memory_space<hbm>>
        tpu.wait_dma2 semaphore(%run_scoped3A : memref<!tpu.dma_semaphore, #tpu.memory_space<semaphore_mem>>) src(%dma_wait3A_105 : memref<128xi32, #tpu.memory_space<hbm>>) dst(%arg9 : memref<128xi32, #tpu.memory_space<vmem>>)
        tpu.yield
      }) : () -> ()
      "tpu.region"() ({
        %run_scoped3A = tpu.sem_alloc : memref<!tpu.dma_semaphore, #tpu.memory_space<semaphore_mem>>
        %dma_start3A_102 = arith.constant 0 : i32
        %dma_start3A_103 = tpu.memref_slice %arg11[%dma_start3A_102] : memref<144xi32, #tpu.memory_space<vmem>> -> memref<128xi32, #tpu.memory_space<vmem>>
        %dma_start3A_104 = tpu.memref_slice %arg4[%add3A_83] : memref<160128xi32, #tpu.memory_space<hbm>> -> memref<128xi32, #tpu.memory_space<hbm>>
        %dma_start3A_105 = arith.constant 0 : i32
        %dma_start3A_106 = tpu.memref_slice %arg11[%dma_start3A_105] : memref<144xi32, #tpu.memory_space<vmem>> -> memref<128xi32, #tpu.memory_space<vmem>>
        %dma_start3A_107 = tpu.memref_slice %arg4[%add3A_83] : memref<160128xi32, #tpu.memory_space<hbm>> -> memref<128xi32, #tpu.memory_space<hbm>>
        tpu.enqueue_dma source(%dma_start3A_107 : memref<128xi32, #tpu.memory_space<hbm>>) target(%dma_start3A_106 : memref<128xi32, #tpu.memory_space<vmem>>) target_semaphore(%run_scoped3A : memref<!tpu.dma_semaphore, #tpu.memory_space<semaphore_mem>>)
        %dma_wait3A_108 = arith.constant 0 : i32
        %dma_wait3A_109 = tpu.memref_slice %arg11[%dma_wait3A_108] : memref<144xi32, #tpu.memory_space<vmem>> -> memref<128xi32, #tpu.memory_space<vmem>>
        %dma_wait3A_110 = tpu.memref_slice %arg4[%add3A_83] : memref<160128xi32, #tpu.memory_space<hbm>> -> memref<128xi32, #tpu.memory_space<hbm>>
        %dma_wait3A_111 = arith.constant 0 : i32
        %dma_wait3A_112 = tpu.memref_slice %arg11[%dma_wait3A_111] : memref<144xi32, #tpu.memory_space<vmem>> -> memref<128xi32, #tpu.memory_space<vmem>>
        %dma_wait3A_113 = tpu.memref_slice %arg4[%add3A_83] : memref<160128xi32, #tpu.memory_space<hbm>> -> memref<128xi32, #tpu.memory_space<hbm>>
        tpu.wait_dma2 semaphore(%run_scoped3A : memref<!tpu.dma_semaphore, #tpu.memory_space<semaphore_mem>>) src(%dma_wait3A_113 : memref<128xi32, #tpu.memory_space<hbm>>) dst(%dma_wait3A_112 : memref<128xi32, #tpu.memory_space<vmem>>)
        tpu.yield
      }) : () -> ()
      %dma_start3A = arith.constant 0 : i32
      %dma_start3A_84 = arith.constant 0 : i32
      %dma_start3A_85 = tpu.memref_slice %arg2[%dma_start3A, %dma_start3A_84] : memref<160000x32xf32, #tpu.memory_space<hbm>> -> memref<160000x32xf32, #tpu.memory_space<hbm>>
      tpu.enqueue_indirect_dma source(%dma_start3A_85 : memref<160000x32xf32, #tpu.memory_space<hbm>>) target(%arg8 : memref<128x32xf32, #tpu.memory_space<vmem>>) offsets(%arg9 : memref<128xi32, #tpu.memory_space<vmem>>) semaphore(%arg12 : memref<!tpu.dma_semaphore, #tpu.memory_space<semaphore_mem>>)
      %dma_wait3A = arith.constant 0 : i32
      %dma_wait3A_86 = arith.constant 0 : i32
      %dma_wait3A_87 = tpu.memref_slice %arg2[%dma_wait3A, %dma_wait3A_86] : memref<160000x32xf32, #tpu.memory_space<hbm>> -> memref<160000x32xf32, #tpu.memory_space<hbm>>
      tpu.wait_indirect_dma semaphore(%arg12 : memref<!tpu.dma_semaphore, #tpu.memory_space<semaphore_mem>>) src(%dma_wait3A_87 : memref<160000x32xf32, #tpu.memory_space<hbm>>) dst(%arg8 : memref<128x32xf32, #tpu.memory_space<vmem>>)
      %max3A = arith.maxsi %add3A_83, %squeeze3A : i32
      %add3A_88 = arith.constant 128 : i32
      %add3A_89 = arith.addi %add3A_83, %add3A_88 : i32
      %min3A = arith.minsi %add3A_89, %squeeze3A_10 : i32
      %while3A_90 = arith.constant 0 : i32
      %while3A_91 = arith.subi %min3A, %max3A : i32
      %while3A_92 = arith.addi %max3A, %while3A_91 : i32
      %while3A_93 = arith.constant 1 : i32
      %while3A_94 = arith.divsi %while3A_91, %while3A_93 : i32
      %while3A_95 = arith.muli %while3A_94, %while3A_93 : i32
      %while3A_96 = arith.addi %max3A, %while3A_95 : i32
      %while3A_97 = arith.constant 1 : i32
      %while3A_98 = scf.for %while3A_102 = %max3A to %while3A_96 step %while3A_97 iter_args(%while3A_103 = %while3A_90) -> (i32)  : i32 {
        %sub3A_104 = arith.subi %while3A_102, %add3A_83 : i32
        %get3A_105 = arith.index_cast %sub3A_104 : i32 to index
        %get3A_106 = tpu.vector_load %arg11[%get3A_105] {strides = array<i32>} : memref<144xi32, #tpu.memory_space<vmem>>, vector<16xi32>,
        %get3A_107 = vector.shape_cast %get3A_106 : vector<16xi32> to vector<16xi32>
        %slice3A_108 = vector.extract_strided_slice %get3A_107 {offsets = [0], sizes = [1], strides = [1]} : vector<16xi32> to vector<1xi32>
        %squeeze3A_109 = vector.extract %slice3A_108[0] : i32 from vector<1xi32>
        %sub3A_110 = arith.subi %squeeze3A_109, %mul3A_3 : i32
        %mul3A_111 = arith.constant 32 : i32
        %mul3A_112 = arith.muli %sub3A_110, %mul3A_111 : i32
        %get3A_113 = arith.index_cast %sub3A_104 : i32 to index
        %get3A_114 = arith.constant 0 : index
        %get3A_115 = tpu.vector_load %arg8[%get3A_113, %get3A_114] {strides = array<i32>} : memref<128x32xf32, #tpu.memory_space<vmem>>, vector<1x16xf32>,
        %get3A_116 = vector.shape_cast %get3A_115 : vector<1x16xf32> to vector<16xf32>
        %swap3A = arith.index_cast %mul3A_112 : i32 to index
        %swap3A_117 = tpu.vector_load %arg7[%swap3A] {strides = array<i32>} : memref<10240xf32, #tpu.memory_space<vmem>>, vector<16xf32>,
        %swap3A_118 = vector.shape_cast %swap3A_117 : vector<16xf32> to vector<16xf32>
        %swap3A_119 = vector.shape_cast %get3A_116 : vector<16xf32> to vector<16xf32>
        tpu.vector_store %arg7[%swap3A], %swap3A_119 {add = true, strides = array<i32>} : memref<10240xf32, #tpu.memory_space<vmem>>, vector<16xf32>,
        %add3A_120 = arith.constant 16 : i32
        %add3A_121 = arith.addi %mul3A_112, %add3A_120 : i32
        %get3A_122 = arith.index_cast %sub3A_104 : i32 to index
        %get3A_123 = arith.constant 16 : index
        %get3A_124 = tpu.vector_load %arg8[%get3A_122, %get3A_123] {strides = array<i32>} : memref<128x32xf32, #tpu.memory_space<vmem>>, vector<1x16xf32>,
        %get3A_125 = vector.shape_cast %get3A_124 : vector<1x16xf32> to vector<16xf32>
        %swap3A_126 = arith.index_cast %add3A_121 : i32 to index
        %swap3A_127 = tpu.vector_load %arg7[%swap3A_126] {strides = array<i32>} : memref<10240xf32, #tpu.memory_space<vmem>>, vector<16xf32>,
        %swap3A_128 = vector.shape_cast %swap3A_127 : vector<16xf32> to vector<16xf32>
        %swap3A_129 = vector.shape_cast %get3A_125 : vector<16xf32> to vector<16xf32>
        tpu.vector_store %arg7[%swap3A_126], %swap3A_129 {add = true, strides = array<i32>} : memref<10240xf32, #tpu.memory_space<vmem>>, vector<16xf32>,
        %while3A_130 = arith.constant 0 : i32
        scf.yield %while3A_130 : i32
      }
      %while3A_99 = arith.constant 1 : i32
      %while3A_100 = scf.for %while3A_102 = %while3A_96 to %while3A_92 step %while3A_99 iter_args(%while3A_103 = %while3A_98) -> (i32)  : i32 {
        %sub3A_104 = arith.subi %while3A_102, %add3A_83 : i32
        %get3A_105 = arith.index_cast %sub3A_104 : i32 to index
        %get3A_106 = tpu.vector_load %arg11[%get3A_105] {strides = array<i32>} : memref<144xi32, #tpu.memory_space<vmem>>, vector<16xi32>,
        %get3A_107 = vector.shape_cast %get3A_106 : vector<16xi32> to vector<16xi32>
        %slice3A_108 = vector.extract_strided_slice %get3A_107 {offsets = [0], sizes = [1], strides = [1]} : vector<16xi32> to vector<1xi32>
        %squeeze3A_109 = vector.extract %slice3A_108[0] : i32 from vector<1xi32>
        %sub3A_110 = arith.subi %squeeze3A_109, %mul3A_3 : i32
        %mul3A_111 = arith.constant 32 : i32
        %mul3A_112 = arith.muli %sub3A_110, %mul3A_111 : i32
        %get3A_113 = arith.index_cast %sub3A_104 : i32 to index
        %get3A_114 = arith.constant 0 : index
        %get3A_115 = tpu.vector_load %arg8[%get3A_113, %get3A_114] {strides = array<i32>} : memref<128x32xf32, #tpu.memory_space<vmem>>, vector<1x16xf32>,
        %get3A_116 = vector.shape_cast %get3A_115 : vector<1x16xf32> to vector<16xf32>
        %swap3A = arith.index_cast %mul3A_112 : i32 to index
        %swap3A_117 = tpu.vector_load %arg7[%swap3A] {strides = array<i32>} : memref<10240xf32, #tpu.memory_space<vmem>>, vector<16xf32>,
        %swap3A_118 = vector.shape_cast %swap3A_117 : vector<16xf32> to vector<16xf32>
        %swap3A_119 = vector.shape_cast %get3A_116 : vector<16xf32> to vector<16xf32>
        tpu.vector_store %arg7[%swap3A], %swap3A_119 {add = true, strides = array<i32>} : memref<10240xf32, #tpu.memory_space<vmem>>, vector<16xf32>,
        %add3A_120 = arith.constant 16 : i32
        %add3A_121 = arith.addi %mul3A_112, %add3A_120 : i32
        %get3A_122 = arith.index_cast %sub3A_104 : i32 to index
        %get3A_123 = arith.constant 16 : index
        %get3A_124 = tpu.vector_load %arg8[%get3A_122, %get3A_123] {strides = array<i32>} : memref<128x32xf32, #tpu.memory_space<vmem>>, vector<1x16xf32>,
        %get3A_125 = vector.shape_cast %get3A_124 : vector<1x16xf32> to vector<16xf32>
        %swap3A_126 = arith.index_cast %add3A_121 : i32 to index
        %swap3A_127 = tpu.vector_load %arg7[%swap3A_126] {strides = array<i32>} : memref<10240xf32, #tpu.memory_space<vmem>>, vector<16xf32>,
        %swap3A_128 = vector.shape_cast %swap3A_127 : vector<16xf32> to vector<16xf32>
        %swap3A_129 = vector.shape_cast %get3A_125 : vector<16xf32> to vector<16xf32>
        tpu.vector_store %arg7[%swap3A_126], %swap3A_129 {add = true, strides = array<i32>} : memref<10240xf32, #tpu.memory_space<vmem>>, vector<16xf32>,
        %while3A_130 = arith.constant 0 : i32
        scf.yield %while3A_130 : i32
      }
      %while3A_101 = arith.constant 0 : i32
      scf.yield %while3A_101 : i32
    }
    %while3A_73 = arith.constant 1 : i32
    %while3A_74 = scf.for %while3A_79 = %while3A_70 to %while3A_66 step %while3A_73 iter_args(%while3A_80 = %while3A_72) -> (i32)  : i32 {
      %mul3A_81 = arith.constant 128 : i32
      %mul3A_82 = arith.muli %while3A_79, %mul3A_81 : i32
      %add3A_83 = arith.addi %mul3A_34, %mul3A_82 : i32
      "tpu.region"() ({
        %run_scoped3A = tpu.sem_alloc : memref<!tpu.dma_semaphore, #tpu.memory_space<semaphore_mem>>
        %dma_start3A_102 = tpu.memref_slice %arg3[%add3A_83] : memref<160128xi32, #tpu.memory_space<hbm>> -> memref<128xi32, #tpu.memory_space<hbm>>
        %dma_start3A_103 = tpu.memref_slice %arg3[%add3A_83] : memref<160128xi32, #tpu.memory_space<hbm>> -> memref<128xi32, #tpu.memory_space<hbm>>
        tpu.enqueue_dma source(%dma_start3A_103 : memref<128xi32, #tpu.memory_space<hbm>>) target(%arg9 : memref<128xi32, #tpu.memory_space<vmem>>) target_semaphore(%run_scoped3A : memref<!tpu.dma_semaphore, #tpu.memory_space<semaphore_mem>>)
        %dma_wait3A_104 = tpu.memref_slice %arg3[%add3A_83] : memref<160128xi32, #tpu.memory_space<hbm>> -> memref<128xi32, #tpu.memory_space<hbm>>
        %dma_wait3A_105 = tpu.memref_slice %arg3[%add3A_83] : memref<160128xi32, #tpu.memory_space<hbm>> -> memref<128xi32, #tpu.memory_space<hbm>>
        tpu.wait_dma2 semaphore(%run_scoped3A : memref<!tpu.dma_semaphore, #tpu.memory_space<semaphore_mem>>) src(%dma_wait3A_105 : memref<128xi32, #tpu.memory_space<hbm>>) dst(%arg9 : memref<128xi32, #tpu.memory_space<vmem>>)
        tpu.yield
      }) : () -> ()
      "tpu.region"() ({
        %run_scoped3A = tpu.sem_alloc : memref<!tpu.dma_semaphore, #tpu.memory_space<semaphore_mem>>
        %dma_start3A_102 = arith.constant 0 : i32
        %dma_start3A_103 = tpu.memref_slice %arg11[%dma_start3A_102] : memref<144xi32, #tpu.memory_space<vmem>> -> memref<128xi32, #tpu.memory_space<vmem>>
        %dma_start3A_104 = tpu.memref_slice %arg4[%add3A_83] : memref<160128xi32, #tpu.memory_space<hbm>> -> memref<128xi32, #tpu.memory_space<hbm>>
        %dma_start3A_105 = arith.constant 0 : i32
        %dma_start3A_106 = tpu.memref_slice %arg11[%dma_start3A_105] : memref<144xi32, #tpu.memory_space<vmem>> -> memref<128xi32, #tpu.memory_space<vmem>>
        %dma_start3A_107 = tpu.memref_slice %arg4[%add3A_83] : memref<160128xi32, #tpu.memory_space<hbm>> -> memref<128xi32, #tpu.memory_space<hbm>>
        tpu.enqueue_dma source(%dma_start3A_107 : memref<128xi32, #tpu.memory_space<hbm>>) target(%dma_start3A_106 : memref<128xi32, #tpu.memory_space<vmem>>) target_semaphore(%run_scoped3A : memref<!tpu.dma_semaphore, #tpu.memory_space<semaphore_mem>>)
        %dma_wait3A_108 = arith.constant 0 : i32
        %dma_wait3A_109 = tpu.memref_slice %arg11[%dma_wait3A_108] : memref<144xi32, #tpu.memory_space<vmem>> -> memref<128xi32, #tpu.memory_space<vmem>>
        %dma_wait3A_110 = tpu.memref_slice %arg4[%add3A_83] : memref<160128xi32, #tpu.memory_space<hbm>> -> memref<128xi32, #tpu.memory_space<hbm>>
        %dma_wait3A_111 = arith.constant 0 : i32
        %dma_wait3A_112 = tpu.memref_slice %arg11[%dma_wait3A_111] : memref<144xi32, #tpu.memory_space<vmem>> -> memref<128xi32, #tpu.memory_space<vmem>>
        %dma_wait3A_113 = tpu.memref_slice %arg4[%add3A_83] : memref<160128xi32, #tpu.memory_space<hbm>> -> memref<128xi32, #tpu.memory_space<hbm>>
        tpu.wait_dma2 semaphore(%run_scoped3A : memref<!tpu.dma_semaphore, #tpu.memory_space<semaphore_mem>>) src(%dma_wait3A_113 : memref<128xi32, #tpu.memory_space<hbm>>) dst(%dma_wait3A_112 : memref<128xi32, #tpu.memory_space<vmem>>)
        tpu.yield
      }) : () -> ()
      %dma_start3A = arith.constant 0 : i32
      %dma_start3A_84 = arith.constant 0 : i32
      %dma_start3A_85 = tpu.memref_slice %arg2[%dma_start3A, %dma_start3A_84] : memref<160000x32xf32, #tpu.memory_space<hbm>> -> memref<160000x32xf32, #tpu.memory_space<hbm>>
      tpu.enqueue_indirect_dma source(%dma_start3A_85 : memref<160000x32xf32, #tpu.memory_space<hbm>>) target(%arg8 : memref<128x32xf32, #tpu.memory_space<vmem>>) offsets(%arg9 : memref<128xi32, #tpu.memory_space<vmem>>) semaphore(%arg12 : memref<!tpu.dma_semaphore, #tpu.memory_space<semaphore_mem>>)
      %dma_wait3A = arith.constant 0 : i32
      %dma_wait3A_86 = arith.constant 0 : i32
      %dma_wait3A_87 = tpu.memref_slice %arg2[%dma_wait3A, %dma_wait3A_86] : memref<160000x32xf32, #tpu.memory_space<hbm>> -> memref<160000x32xf32, #tpu.memory_space<hbm>>
      tpu.wait_indirect_dma semaphore(%arg12 : memref<!tpu.dma_semaphore, #tpu.memory_space<semaphore_mem>>) src(%dma_wait3A_87 : memref<160000x32xf32, #tpu.memory_space<hbm>>) dst(%arg8 : memref<128x32xf32, #tpu.memory_space<vmem>>)
      %max3A = arith.maxsi %add3A_83, %squeeze3A : i32
      %add3A_88 = arith.constant 128 : i32
      %add3A_89 = arith.addi %add3A_83, %add3A_88 : i32
      %min3A = arith.minsi %add3A_89, %squeeze3A_10 : i32
      %while3A_90 = arith.constant 0 : i32
      %while3A_91 = arith.subi %min3A, %max3A : i32
      %while3A_92 = arith.addi %max3A, %while3A_91 : i32
      %while3A_93 = arith.constant 1 : i32
      %while3A_94 = arith.divsi %while3A_91, %while3A_93 : i32
      %while3A_95 = arith.muli %while3A_94, %while3A_93 : i32
      %while3A_96 = arith.addi %max3A, %while3A_95 : i32
      %while3A_97 = arith.constant 1 : i32
      %while3A_98 = scf.for %while3A_102 = %max3A to %while3A_96 step %while3A_97 iter_args(%while3A_103 = %while3A_90) -> (i32)  : i32 {
        %sub3A_104 = arith.subi %while3A_102, %add3A_83 : i32
        %get3A_105 = arith.index_cast %sub3A_104 : i32 to index
        %get3A_106 = tpu.vector_load %arg11[%get3A_105] {strides = array<i32>} : memref<144xi32, #tpu.memory_space<vmem>>, vector<16xi32>,
        %get3A_107 = vector.shape_cast %get3A_106 : vector<16xi32> to vector<16xi32>
        %slice3A_108 = vector.extract_strided_slice %get3A_107 {offsets = [0], sizes = [1], strides = [1]} : vector<16xi32> to vector<1xi32>
        %squeeze3A_109 = vector.extract %slice3A_108[0] : i32 from vector<1xi32>
        %sub3A_110 = arith.subi %squeeze3A_109, %mul3A_3 : i32
        %mul3A_111 = arith.constant 32 : i32
        %mul3A_112 = arith.muli %sub3A_110, %mul3A_111 : i32
        %get3A_113 = arith.index_cast %sub3A_104 : i32 to index
        %get3A_114 = arith.constant 0 : index
        %get3A_115 = tpu.vector_load %arg8[%get3A_113, %get3A_114] {strides = array<i32>} : memref<128x32xf32, #tpu.memory_space<vmem>>, vector<1x16xf32>,
        %get3A_116 = vector.shape_cast %get3A_115 : vector<1x16xf32> to vector<16xf32>
        %swap3A = arith.index_cast %mul3A_112 : i32 to index
        %swap3A_117 = tpu.vector_load %arg7[%swap3A] {strides = array<i32>} : memref<10240xf32, #tpu.memory_space<vmem>>, vector<16xf32>,
        %swap3A_118 = vector.shape_cast %swap3A_117 : vector<16xf32> to vector<16xf32>
        %swap3A_119 = vector.shape_cast %get3A_116 : vector<16xf32> to vector<16xf32>
        tpu.vector_store %arg7[%swap3A], %swap3A_119 {add = true, strides = array<i32>} : memref<10240xf32, #tpu.memory_space<vmem>>, vector<16xf32>,
        %add3A_120 = arith.constant 16 : i32
        %add3A_121 = arith.addi %mul3A_112, %add3A_120 : i32
        %get3A_122 = arith.index_cast %sub3A_104 : i32 to index
        %get3A_123 = arith.constant 16 : index
        %get3A_124 = tpu.vector_load %arg8[%get3A_122, %get3A_123] {strides = array<i32>} : memref<128x32xf32, #tpu.memory_space<vmem>>, vector<1x16xf32>,
        %get3A_125 = vector.shape_cast %get3A_124 : vector<1x16xf32> to vector<16xf32>
        %swap3A_126 = arith.index_cast %add3A_121 : i32 to index
        %swap3A_127 = tpu.vector_load %arg7[%swap3A_126] {strides = array<i32>} : memref<10240xf32, #tpu.memory_space<vmem>>, vector<16xf32>,
        %swap3A_128 = vector.shape_cast %swap3A_127 : vector<16xf32> to vector<16xf32>
        %swap3A_129 = vector.shape_cast %get3A_125 : vector<16xf32> to vector<16xf32>
        tpu.vector_store %arg7[%swap3A_126], %swap3A_129 {add = true, strides = array<i32>} : memref<10240xf32, #tpu.memory_space<vmem>>, vector<16xf32>,
        %while3A_130 = arith.constant 0 : i32
        scf.yield %while3A_130 : i32
      }
      %while3A_99 = arith.constant 1 : i32
      %while3A_100 = scf.for %while3A_102 = %while3A_96 to %while3A_92 step %while3A_99 iter_args(%while3A_103 = %while3A_98) -> (i32)  : i32 {
        %sub3A_104 = arith.subi %while3A_102, %add3A_83 : i32
        %get3A_105 = arith.index_cast %sub3A_104 : i32 to index
        %get3A_106 = tpu.vector_load %arg11[%get3A_105] {strides = array<i32>} : memref<144xi32, #tpu.memory_space<vmem>>, vector<16xi32>,
        %get3A_107 = vector.shape_cast %get3A_106 : vector<16xi32> to vector<16xi32>
        %slice3A_108 = vector.extract_strided_slice %get3A_107 {offsets = [0], sizes = [1], strides = [1]} : vector<16xi32> to vector<1xi32>
        %squeeze3A_109 = vector.extract %slice3A_108[0] : i32 from vector<1xi32>
        %sub3A_110 = arith.subi %squeeze3A_109, %mul3A_3 : i32
        %mul3A_111 = arith.constant 32 : i32
        %mul3A_112 = arith.muli %sub3A_110, %mul3A_111 : i32
        %get3A_113 = arith.index_cast %sub3A_104 : i32 to index
        %get3A_114 = arith.constant 0 : index
        %get3A_115 = tpu.vector_load %arg8[%get3A_113, %get3A_114] {strides = array<i32>} : memref<128x32xf32, #tpu.memory_space<vmem>>, vector<1x16xf32>,
        %get3A_116 = vector.shape_cast %get3A_115 : vector<1x16xf32> to vector<16xf32>
        %swap3A = arith.index_cast %mul3A_112 : i32 to index
        %swap3A_117 = tpu.vector_load %arg7[%swap3A] {strides = array<i32>} : memref<10240xf32, #tpu.memory_space<vmem>>, vector<16xf32>,
        %swap3A_118 = vector.shape_cast %swap3A_117 : vector<16xf32> to vector<16xf32>
        %swap3A_119 = vector.shape_cast %get3A_116 : vector<16xf32> to vector<16xf32>
        tpu.vector_store %arg7[%swap3A], %swap3A_119 {add = true, strides = array<i32>} : memref<10240xf32, #tpu.memory_space<vmem>>, vector<16xf32>,
        %add3A_120 = arith.constant 16 : i32
        %add3A_121 = arith.addi %mul3A_112, %add3A_120 : i32
        %get3A_122 = arith.index_cast %sub3A_104 : i32 to index
        %get3A_123 = arith.constant 16 : index
        %get3A_124 = tpu.vector_load %arg8[%get3A_122, %get3A_123] {strides = array<i32>} : memref<128x32xf32, #tpu.memory_space<vmem>>, vector<1x16xf32>,
        %get3A_125 = vector.shape_cast %get3A_124 : vector<1x16xf32> to vector<16xf32>
        %swap3A_126 = arith.index_cast %add3A_121 : i32 to index
        %swap3A_127 = tpu.vector_load %arg7[%swap3A_126] {strides = array<i32>} : memref<10240xf32, #tpu.memory_space<vmem>>, vector<16xf32>,
        %swap3A_128 = vector.shape_cast %swap3A_127 : vector<16xf32> to vector<16xf32>
        %swap3A_129 = vector.shape_cast %get3A_125 : vector<16xf32> to vector<16xf32>
        tpu.vector_store %arg7[%swap3A_126], %swap3A_129 {add = true, strides = array<i32>} : memref<10240xf32, #tpu.memory_space<vmem>>, vector<16xf32>,
        %while3A_130 = arith.constant 0 : i32
        scf.yield %while3A_130 : i32
      }
      %while3A_101 = arith.constant 0 : i32
      scf.yield %while3A_101 : i32
    }
    %mul3A_75 = arith.constant 320 : i32
    %mul3A_76 = arith.muli %add3A, %mul3A_75 : i32
    %mul3A_77 = arith.constant 32 : i32
    %mul3A_78 = arith.muli %mul3A_76, %mul3A_77 : i32
    "tpu.region"() ({
      %run_scoped3A = tpu.sem_alloc : memref<!tpu.dma_semaphore, #tpu.memory_space<semaphore_mem>>
      %dma_start3A = tpu.memref_slice %arg6[%mul3A_78] : memref<327680xf32, #tpu.memory_space<hbm>> -> memref<10240xf32, #tpu.memory_space<hbm>>
      %dma_start3A_79 = tpu.memref_slice %arg6[%mul3A_78] : memref<327680xf32, #tpu.memory_space<hbm>> -> memref<10240xf32, #tpu.memory_space<hbm>>
      tpu.enqueue_dma source(%arg7 : memref<10240xf32, #tpu.memory_space<vmem>>) target(%dma_start3A_79 : memref<10240xf32, #tpu.memory_space<hbm>>) target_semaphore(%run_scoped3A : memref<!tpu.dma_semaphore, #tpu.memory_space<semaphore_mem>>)
      %dma_wait3A = tpu.memref_slice %arg6[%mul3A_78] : memref<327680xf32, #tpu.memory_space<hbm>> -> memref<10240xf32, #tpu.memory_space<hbm>>
      %dma_wait3A_80 = tpu.memref_slice %arg6[%mul3A_78] : memref<327680xf32, #tpu.memory_space<hbm>> -> memref<10240xf32, #tpu.memory_space<hbm>>
      tpu.wait_dma2 semaphore(%run_scoped3A : memref<!tpu.dma_semaphore, #tpu.memory_space<semaphore_mem>>) src(%arg7 : memref<10240xf32, #tpu.memory_space<vmem>>) dst(%dma_wait3A_80 : memref<10240xf32, #tpu.memory_space<hbm>>)
      tpu.yield
    }) : () -> ()
    return
  }
}

module attributes {stable_mosaic.version = 14 : i64} {
  func.func @body(%arg0: i32, %arg1: memref<1280x128xf32, #tpu.memory_space<vmem>>, %arg2: memref<128x32xf32, #tpu.memory_space<vmem>>, %arg3: memref<1x32xf32, #tpu.memory_space<vmem>>, %arg4: memref<1280x32xf32, #tpu.memory_space<vmem>>) attributes {dimension_semantics = [#tpu.dimension_semantics<arbitrary>], iteration_bounds = array<i64: 8>, scalar_prefetch = 0 : i64, scratch_operands = 0 : i64, tpu.core_type = #tpu.core_type<tc>, window_params = [{transform_indices = @transform_0, window_bounds = array<i64: 1280, 128>}, {pipeline_mode = #tpu.pipeline_mode<synchronous>, transform_indices = @transform_1, window_bounds = array<i64: 128, 32>}, {pipeline_mode = #tpu.pipeline_mode<synchronous>, transform_indices = @transform_2, window_bounds = array<i64: 1, 32>}, {transform_indices = @transform_3, window_bounds = array<i64: 1280, 32>}]} {
    %get3A = arith.constant 0 : index
    %get3A_0 = arith.constant 0 : index
    %get3A_1 = vector.load %arg1[%get3A, %get3A_0] : memref<1280x128xf32, #tpu.memory_space<vmem>>, vector<1280x128xf32>
    %get3A_2 = arith.constant 0 : index
    %get3A_3 = arith.constant 0 : index
    %get3A_4 = vector.load %arg2[%get3A_2, %get3A_3] : memref<128x32xf32, #tpu.memory_space<vmem>>, vector<128x32xf32>
    %dot_general3A = arith.constant dense<0.000000e+00> : vector<1280x32xf32>
    %dot_general3A_5 = tpu.matmul %get3A_1, %get3A_4, %dot_general3A {dimension_numbers = #tpu.dot_dimension_numbers<[1], [0], [0], [1], [0, 0, 1, 1], [], []>, transpose_lhs_hint = false} : vector<1280x128xf32>, vector<128x32xf32>, vector<1280x32xf32> -> vector<1280x32xf32>
    %get3A_6 = arith.constant 0 : index
    %get3A_7 = arith.constant 0 : index
    %get3A_8 = vector.load %arg3[%get3A_6, %get3A_7] : memref<1x32xf32, #tpu.memory_space<vmem>>, vector<1x32xf32>
    %add3A = vector.broadcast %get3A_8 : vector<1x32xf32> to vector<1280x32xf32>
    %add3A_9 = arith.addf %dot_general3A_5, %add3A : vector<1280x32xf32>
    %max3A = arith.constant 0.000000e+00 : f32
    %max3A_10 = vector.broadcast %max3A : f32 to vector<1280x32xf32>
    %max3A_11 = arith.maximumf %add3A_9, %max3A_10 : vector<1280x32xf32>
    %swap3A = arith.constant 0 : index
    %swap3A_12 = arith.constant 0 : index
    %swap3A_13 = vector.load %arg4[%swap3A, %swap3A_12] : memref<1280x32xf32, #tpu.memory_space<vmem>>, vector<1280x32xf32>
    tpu.vector_store %arg4[%swap3A, %swap3A_12], %max3A_11 {strides = array<i32>} : memref<1280x32xf32, #tpu.memory_space<vmem>>, vector<1280x32xf32>,
    return
  }
  func.func @transform_0(%arg0: i32) -> (i32, i32) {
    %c0_i32 = arith.constant 0 : i32
    %c0_i32_0 = arith.constant 0 : i32
    return %arg0, %c0_i32 : i32, i32
  }
  func.func @transform_1(%arg0: i32) -> (i32, i32) {
    %c0_i32 = arith.constant 0 : i32
    %c0_i32_0 = arith.constant 0 : i32
    %c0_i32_1 = arith.constant 0 : i32
    return %c0_i32, %c0_i32_0 : i32, i32
  }
  func.func @transform_2(%arg0: i32) -> (i32, i32) {
    %c0_i32 = arith.constant 0 : i32
    %c0_i32_0 = arith.constant 0 : i32
    %c0_i32_1 = arith.constant 0 : i32
    return %c0_i32, %c0_i32_0 : i32, i32
  }
  func.func @transform_3(%arg0: i32) -> (i32, i32) {
    %c0_i32 = arith.constant 0 : i32
    %c0_i32_0 = arith.constant 0 : i32
    return %arg0, %c0_i32 : i32, i32
  }
}

module attributes {stable_mosaic.version = 14 : i64} {
  func.func @body(%arg0: i32, %arg1: memref<2000x16xf32, #tpu.memory_space<vmem>>, %arg2: memref<16x32xf32, #tpu.memory_space<vmem>>, %arg3: memref<1x32xf32, #tpu.memory_space<vmem>>, %arg4: memref<32x1024xf32, #tpu.memory_space<vmem>>, %arg5: memref<1x1024xf32, #tpu.memory_space<vmem>>, %arg6: memref<2000x1024xbf16, #tpu.memory_space<vmem>>) attributes {dimension_semantics = [#tpu.dimension_semantics<arbitrary>], iteration_bounds = array<i64: 80>, scalar_prefetch = 0 : i64, scratch_operands = 0 : i64, tpu.core_type = #tpu.core_type<tc>, window_params = [{transform_indices = @transform_0, window_bounds = array<i64: 2000, 16>}, {pipeline_mode = #tpu.pipeline_mode<synchronous>, transform_indices = @transform_1, window_bounds = array<i64: 16, 32>}, {pipeline_mode = #tpu.pipeline_mode<synchronous>, transform_indices = @transform_2, window_bounds = array<i64: 1, 32>}, {pipeline_mode = #tpu.pipeline_mode<synchronous>, transform_indices = @transform_3, window_bounds = array<i64: 32, 1024>}, {pipeline_mode = #tpu.pipeline_mode<synchronous>, transform_indices = @transform_4, window_bounds = array<i64: 1, 1024>}, {transform_indices = @transform_5, window_bounds = array<i64: 2000, 1024>}]} {
    %get3A = arith.constant 0 : index
    %get3A_0 = arith.constant 0 : index
    %get3A_1 = vector.load %arg1[%get3A, %get3A_0] : memref<2000x16xf32, #tpu.memory_space<vmem>>, vector<2000x16xf32>
    %get3A_2 = arith.constant 0 : index
    %get3A_3 = arith.constant 0 : index
    %get3A_4 = vector.load %arg2[%get3A_2, %get3A_3] : memref<16x32xf32, #tpu.memory_space<vmem>>, vector<16x32xf32>
    %dot_general3A = arith.constant dense<0.000000e+00> : vector<2000x32xf32>
    %dot_general3A_5 = tpu.matmul %get3A_1, %get3A_4, %dot_general3A {dimension_numbers = #tpu.dot_dimension_numbers<[1], [0], [0], [1], [0, 0, 1, 1], [], []>, transpose_lhs_hint = false} : vector<2000x16xf32>, vector<16x32xf32>, vector<2000x32xf32> -> vector<2000x32xf32>
    %get3A_6 = arith.constant 0 : index
    %get3A_7 = arith.constant 0 : index
    %get3A_8 = vector.load %arg3[%get3A_6, %get3A_7] : memref<1x32xf32, #tpu.memory_space<vmem>>, vector<1x32xf32>
    %add3A = vector.broadcast %get3A_8 : vector<1x32xf32> to vector<2000x32xf32>
    %add3A_9 = arith.addf %dot_general3A_5, %add3A : vector<2000x32xf32>
    %max3A = arith.constant 0.000000e+00 : f32
    %max3A_10 = vector.broadcast %max3A : f32 to vector<2000x32xf32>
    %max3A_11 = arith.maximumf %add3A_9, %max3A_10 : vector<2000x32xf32>
    %get3A_12 = arith.constant 0 : index
    %get3A_13 = arith.constant 0 : index
    %get3A_14 = vector.load %arg4[%get3A_12, %get3A_13] : memref<32x1024xf32, #tpu.memory_space<vmem>>, vector<32x1024xf32>
    %dot_general3A_15 = arith.constant dense<0.000000e+00> : vector<2000x1024xf32>
    %dot_general3A_16 = tpu.matmul %max3A_11, %get3A_14, %dot_general3A_15 {dimension_numbers = #tpu.dot_dimension_numbers<[1], [0], [0], [1], [0, 0, 1, 1], [], []>, transpose_lhs_hint = false} : vector<2000x32xf32>, vector<32x1024xf32>, vector<2000x1024xf32> -> vector<2000x1024xf32>
    %get3A_17 = arith.constant 0 : index
    %get3A_18 = arith.constant 0 : index
    %get3A_19 = vector.load %arg5[%get3A_17, %get3A_18] : memref<1x1024xf32, #tpu.memory_space<vmem>>, vector<1x1024xf32>
    %add3A_20 = vector.broadcast %get3A_19 : vector<1x1024xf32> to vector<2000x1024xf32>
    %add3A_21 = arith.addf %dot_general3A_16, %add3A_20 : vector<2000x1024xf32>
    %convert_element_type3A = arith.truncf %add3A_21 : vector<2000x1024xf32> to vector<2000x1024xbf16>
    %swap3A = arith.constant 0 : index
    %swap3A_22 = arith.constant 0 : index
    %swap3A_23 = vector.load %arg6[%swap3A, %swap3A_22] : memref<2000x1024xbf16, #tpu.memory_space<vmem>>, vector<2000x1024xbf16>
    tpu.vector_store %arg6[%swap3A, %swap3A_22], %convert_element_type3A {strides = array<i32>} : memref<2000x1024xbf16, #tpu.memory_space<vmem>>, vector<2000x1024xbf16>,
    return
  }
  func.func @transform_0(%arg0: i32) -> (i32, i32) {
    %c0_i32 = arith.constant 0 : i32
    %c0_i32_0 = arith.constant 0 : i32
    return %arg0, %c0_i32 : i32, i32
  }
  func.func @transform_1(%arg0: i32) -> (i32, i32) {
    %c0_i32 = arith.constant 0 : i32
    %c0_i32_0 = arith.constant 0 : i32
    %c0_i32_1 = arith.constant 0 : i32
    return %c0_i32, %c0_i32_0 : i32, i32
  }
  func.func @transform_2(%arg0: i32) -> (i32, i32) {
    %c0_i32 = arith.constant 0 : i32
    %c0_i32_0 = arith.constant 0 : i32
    %c0_i32_1 = arith.constant 0 : i32
    return %c0_i32, %c0_i32_0 : i32, i32
  }
  func.func @transform_3(%arg0: i32) -> (i32, i32) {
    %c0_i32 = arith.constant 0 : i32
    %c0_i32_0 = arith.constant 0 : i32
    %c0_i32_1 = arith.constant 0 : i32
    return %c0_i32, %c0_i32_0 : i32, i32
  }
  func.func @transform_4(%arg0: i32) -> (i32, i32) {
    %c0_i32 = arith.constant 0 : i32
    %c0_i32_0 = arith.constant 0 : i32
    %c0_i32_1 = arith.constant 0 : i32
    return %c0_i32, %c0_i32_0 : i32, i32
  }
  func.func @transform_5(%arg0: i32) -> (i32, i32) {
    %c0_i32 = arith.constant 0 : i32
    %c0_i32_0 = arith.constant 0 : i32
    return %arg0, %c0_i32 : i32, i32
  }
}

module attributes {stable_mosaic.version = 14 : i64} {
  func.func @body(%arg0: i32, %arg1: memref<2000x32xf32, #tpu.memory_space<vmem>>, %arg2: memref<2000x1024xbf16, #tpu.memory_space<vmem>>, %arg3: memref<32x1024xbf16, #tpu.memory_space<vmem>>, %arg4: memref<1024x32xf32, #tpu.memory_space<vmem>>, %arg5: memref<2000x32xf32, #tpu.memory_space<vmem>>) attributes {dimension_semantics = [#tpu.dimension_semantics<arbitrary>], iteration_bounds = array<i64: 80>, scalar_prefetch = 0 : i64, scratch_operands = 0 : i64, tpu.core_type = #tpu.core_type<tc>, window_params = [{transform_indices = @transform_0, window_bounds = array<i64: 2000, 32>}, {transform_indices = @transform_1, window_bounds = array<i64: 2000, 1024>}, {pipeline_mode = #tpu.pipeline_mode<synchronous>, transform_indices = @transform_2, window_bounds = array<i64: 32, 1024>}, {pipeline_mode = #tpu.pipeline_mode<synchronous>, transform_indices = @transform_3, window_bounds = array<i64: 1024, 32>}, {transform_indices = @transform_4, window_bounds = array<i64: 2000, 32>}]} {
    %get3A = arith.constant 0 : index
    %get3A_0 = arith.constant 0 : index
    %get3A_1 = vector.load %arg1[%get3A, %get3A_0] : memref<2000x32xf32, #tpu.memory_space<vmem>>, vector<2000x32xf32>
    %convert_element_type3A = arith.truncf %get3A_1 : vector<2000x32xf32> to vector<2000x32xbf16>
    %get3A_2 = arith.constant 0 : index
    %get3A_3 = arith.constant 0 : index
    %get3A_4 = vector.load %arg3[%get3A_2, %get3A_3] : memref<32x1024xbf16, #tpu.memory_space<vmem>>, vector<32x1024xbf16>
    %dot_general3A = arith.constant dense<0.000000e+00> : vector<2000x1024xf32>
    %dot_general3A_5 = tpu.matmul %convert_element_type3A, %get3A_4, %dot_general3A {dimension_numbers = #tpu.dot_dimension_numbers<[1], [0], [0], [1], [0, 0, 1, 1], [], []>, transpose_lhs_hint = false} : vector<2000x32xbf16>, vector<32x1024xbf16>, vector<2000x1024xf32> -> vector<2000x1024xf32>
    %get3A_6 = arith.constant 0 : index
    %get3A_7 = arith.constant 0 : index
    %get3A_8 = vector.load %arg2[%get3A_6, %get3A_7] : memref<2000x1024xbf16, #tpu.memory_space<vmem>>, vector<2000x1024xbf16>
    %convert_element_type3A_9 = arith.extf %get3A_8 : vector<2000x1024xbf16> to vector<2000x1024xf32>
    %mul3A = arith.mulf %dot_general3A_5, %convert_element_type3A_9 : vector<2000x1024xf32>
    %get3A_10 = arith.constant 0 : index
    %get3A_11 = arith.constant 0 : index
    %get3A_12 = vector.load %arg4[%get3A_10, %get3A_11] : memref<1024x32xf32, #tpu.memory_space<vmem>>, vector<1024x32xf32>
    %dot_general3A_13 = arith.constant dense<0.000000e+00> : vector<2000x32xf32>
    %dot_general3A_14 = tpu.matmul %mul3A, %get3A_12, %dot_general3A_13 {dimension_numbers = #tpu.dot_dimension_numbers<[1], [0], [0], [1], [0, 0, 1, 1], [], []>, precision = #tpu.contract_precision<fp32>, transpose_lhs_hint = false} : vector<2000x1024xf32>, vector<1024x32xf32>, vector<2000x32xf32> -> vector<2000x32xf32>
    %swap3A = arith.constant 0 : index
    %swap3A_15 = arith.constant 0 : index
    %swap3A_16 = vector.load %arg5[%swap3A, %swap3A_15] : memref<2000x32xf32, #tpu.memory_space<vmem>>, vector<2000x32xf32>
    tpu.vector_store %arg5[%swap3A, %swap3A_15], %dot_general3A_14 {strides = array<i32>} : memref<2000x32xf32, #tpu.memory_space<vmem>>, vector<2000x32xf32>,
    return
  }
  func.func @transform_0(%arg0: i32) -> (i32, i32) {
    %c0_i32 = arith.constant 0 : i32
    %c0_i32_0 = arith.constant 0 : i32
    return %arg0, %c0_i32 : i32, i32
  }
  func.func @transform_1(%arg0: i32) -> (i32, i32) {
    %c0_i32 = arith.constant 0 : i32
    %c0_i32_0 = arith.constant 0 : i32
    return %arg0, %c0_i32 : i32, i32
  }
  func.func @transform_2(%arg0: i32) -> (i32, i32) {
    %c0_i32 = arith.constant 0 : i32
    %c0_i32_0 = arith.constant 0 : i32
    %c0_i32_1 = arith.constant 0 : i32
    return %c0_i32, %c0_i32_0 : i32, i32
  }
  func.func @transform_3(%arg0: i32) -> (i32, i32) {
    %c0_i32 = arith.constant 0 : i32
    %c0_i32_0 = arith.constant 0 : i32
    %c0_i32_1 = arith.constant 0 : i32
    return %c0_i32, %c0_i32_0 : i32, i32
  }
  func.func @transform_4(%arg0: i32) -> (i32, i32) {
    %c0_i32 = arith.constant 0 : i32
    %c0_i32_0 = arith.constant 0 : i32
    return %arg0, %c0_i32 : i32, i32
  }
}

module attributes {stable_mosaic.version = 14 : i64} {
  func.func @body(%arg0: i32, %arg1: memref<1280x32xf32, #tpu.memory_space<vmem>>, %arg2: memref<1280x32xf32, #tpu.memory_space<vmem>>, %arg3: memref<1x32xf32, #tpu.memory_space<vmem>>, %arg4: memref<32x96xf32, #tpu.memory_space<vmem>>, %arg5: memref<1x96xf32, #tpu.memory_space<vmem>>, %arg6: memref<32x96xf32, #tpu.memory_space<vmem>>, %arg7: memref<1x96xf32, #tpu.memory_space<vmem>>, %arg8: memref<1280x32xf32, #tpu.memory_space<vmem>>) attributes {dimension_semantics = [#tpu.dimension_semantics<arbitrary>], iteration_bounds = array<i64: 8>, scalar_prefetch = 0 : i64, scratch_operands = 0 : i64, tpu.core_type = #tpu.core_type<tc>, window_params = [{transform_indices = @transform_0, window_bounds = array<i64: 1280, 32>}, {transform_indices = @transform_1, window_bounds = array<i64: 1280, 32>}, {pipeline_mode = #tpu.pipeline_mode<synchronous>, transform_indices = @transform_2, window_bounds = array<i64: 1, 32>}, {pipeline_mode = #tpu.pipeline_mode<synchronous>, transform_indices = @transform_3, window_bounds = array<i64: 32, 96>}, {pipeline_mode = #tpu.pipeline_mode<synchronous>, transform_indices = @transform_4, window_bounds = array<i64: 1, 96>}, {pipeline_mode = #tpu.pipeline_mode<synchronous>, transform_indices = @transform_5, window_bounds = array<i64: 32, 96>}, {pipeline_mode = #tpu.pipeline_mode<synchronous>, transform_indices = @transform_6, window_bounds = array<i64: 1, 96>}, {transform_indices = @transform_7, window_bounds = array<i64: 1280, 32>}]} {
    %get3A = arith.constant 0 : index
    %get3A_0 = arith.constant 0 : index
    %get3A_1 = vector.load %arg1[%get3A, %get3A_0] : memref<1280x32xf32, #tpu.memory_space<vmem>>, vector<1280x32xf32>
    %get3A_2 = arith.constant 0 : index
    %get3A_3 = arith.constant 0 : index
    %get3A_4 = vector.load %arg3[%get3A_2, %get3A_3] : memref<1x32xf32, #tpu.memory_space<vmem>>, vector<1x32xf32>
    %add3A = vector.broadcast %get3A_4 : vector<1x32xf32> to vector<1280x32xf32>
    %add3A_5 = arith.addf %get3A_1, %add3A : vector<1280x32xf32>
    %max3A = arith.constant 0.000000e+00 : f32
    %max3A_6 = vector.broadcast %max3A : f32 to vector<1280x32xf32>
    %max3A_7 = arith.maximumf %add3A_5, %max3A_6 : vector<1280x32xf32>
    %get3A_8 = arith.constant 0 : index
    %get3A_9 = arith.constant 0 : index
    %get3A_10 = vector.load %arg2[%get3A_8, %get3A_9] : memref<1280x32xf32, #tpu.memory_space<vmem>>, vector<1280x32xf32>
    %get3A_11 = arith.constant 0 : index
    %get3A_12 = arith.constant 0 : index
    %get3A_13 = vector.load %arg4[%get3A_11, %get3A_12] : memref<32x96xf32, #tpu.memory_space<vmem>>, vector<32x96xf32>
    %dot_general3A = arith.constant dense<0.000000e+00> : vector<1280x96xf32>
    %dot_general3A_14 = tpu.matmul %max3A_7, %get3A_13, %dot_general3A {dimension_numbers = #tpu.dot_dimension_numbers<[1], [0], [0], [1], [0, 0, 1, 1], [], []>, transpose_lhs_hint = false} : vector<1280x32xf32>, vector<32x96xf32>, vector<1280x96xf32> -> vector<1280x96xf32>
    %get3A_15 = arith.constant 0 : index
    %get3A_16 = arith.constant 0 : index
    %get3A_17 = vector.load %arg5[%get3A_15, %get3A_16] : memref<1x96xf32, #tpu.memory_space<vmem>>, vector<1x96xf32>
    %add3A_18 = vector.broadcast %get3A_17 : vector<1x96xf32> to vector<1280x96xf32>
    %add3A_19 = arith.addf %dot_general3A_14, %add3A_18 : vector<1280x96xf32>
    %get3A_20 = arith.constant 0 : index
    %get3A_21 = arith.constant 0 : index
    %get3A_22 = vector.load %arg6[%get3A_20, %get3A_21] : memref<32x96xf32, #tpu.memory_space<vmem>>, vector<32x96xf32>
    %dot_general3A_23 = arith.constant dense<0.000000e+00> : vector<1280x96xf32>
    %dot_general3A_24 = tpu.matmul %get3A_10, %get3A_22, %dot_general3A_23 {dimension_numbers = #tpu.dot_dimension_numbers<[1], [0], [0], [1], [0, 0, 1, 1], [], []>, transpose_lhs_hint = false} : vector<1280x32xf32>, vector<32x96xf32>, vector<1280x96xf32> -> vector<1280x96xf32>
    %get3A_25 = arith.constant 0 : index
    %get3A_26 = arith.constant 0 : index
    %get3A_27 = vector.load %arg7[%get3A_25, %get3A_26] : memref<1x96xf32, #tpu.memory_space<vmem>>, vector<1x96xf32>
    %add3A_28 = vector.broadcast %get3A_27 : vector<1x96xf32> to vector<1280x96xf32>
    %add3A_29 = arith.addf %dot_general3A_24, %add3A_28 : vector<1280x96xf32>
    %slice3A = vector.extract_strided_slice %add3A_19 {offsets = [0, 0], sizes = [1280, 32], strides = [1, 1]} : vector<1280x96xf32> to vector<1280x32xf32>
    %slice3A_30 = vector.extract_strided_slice %add3A_29 {offsets = [0, 0], sizes = [1280, 32], strides = [1, 1]} : vector<1280x96xf32> to vector<1280x32xf32>
    %add3A_31 = arith.addf %slice3A, %slice3A_30 : vector<1280x32xf32>
    %logistic3A = arith.negf %add3A_31 : vector<1280x32xf32>
    %logistic3A_32 = math.exp %logistic3A : vector<1280x32xf32>
    %logistic3A_33 = arith.constant 1.000000e+00 : f32
    %logistic3A_34 = vector.broadcast %logistic3A_33 : f32 to vector<1280x32xf32>
    %logistic3A_35 = arith.addf %logistic3A_34, %logistic3A_32 : vector<1280x32xf32>
    %logistic3A_36 = arith.divf %logistic3A_34, %logistic3A_35 : vector<1280x32xf32>
    %slice3A_37 = vector.extract_strided_slice %add3A_19 {offsets = [0, 32], sizes = [1280, 32], strides = [1, 1]} : vector<1280x96xf32> to vector<1280x32xf32>
    %slice3A_38 = vector.extract_strided_slice %add3A_29 {offsets = [0, 32], sizes = [1280, 32], strides = [1, 1]} : vector<1280x96xf32> to vector<1280x32xf32>
    %add3A_39 = arith.addf %slice3A_37, %slice3A_38 : vector<1280x32xf32>
    %logistic3A_40 = arith.negf %add3A_39 : vector<1280x32xf32>
    %logistic3A_41 = math.exp %logistic3A_40 : vector<1280x32xf32>
    %logistic3A_42 = arith.constant 1.000000e+00 : f32
    %logistic3A_43 = vector.broadcast %logistic3A_42 : f32 to vector<1280x32xf32>
    %logistic3A_44 = arith.addf %logistic3A_43, %logistic3A_41 : vector<1280x32xf32>
    %logistic3A_45 = arith.divf %logistic3A_43, %logistic3A_44 : vector<1280x32xf32>
    %slice3A_46 = vector.extract_strided_slice %add3A_19 {offsets = [0, 64], sizes = [1280, 32], strides = [1, 1]} : vector<1280x96xf32> to vector<1280x32xf32>
    %slice3A_47 = vector.extract_strided_slice %add3A_29 {offsets = [0, 64], sizes = [1280, 32], strides = [1, 1]} : vector<1280x96xf32> to vector<1280x32xf32>
    %mul3A = arith.mulf %logistic3A_36, %slice3A_47 : vector<1280x32xf32>
    %add3A_48 = arith.addf %slice3A_46, %mul3A : vector<1280x32xf32>
    %tanh3A = math.tanh %add3A_48 : vector<1280x32xf32>
    %sub3A = arith.constant 1.000000e+00 : f32
    %sub3A_49 = vector.broadcast %sub3A : f32 to vector<1280x32xf32>
    %sub3A_50 = arith.subf %sub3A_49, %logistic3A_45 : vector<1280x32xf32>
    %mul3A_51 = arith.mulf %sub3A_50, %tanh3A : vector<1280x32xf32>
    %mul3A_52 = arith.mulf %logistic3A_45, %get3A_10 : vector<1280x32xf32>
    %add3A_53 = arith.addf %mul3A_51, %mul3A_52 : vector<1280x32xf32>
    %swap3A = arith.constant 0 : index
    %swap3A_54 = arith.constant 0 : index
    %swap3A_55 = vector.load %arg8[%swap3A, %swap3A_54] : memref<1280x32xf32, #tpu.memory_space<vmem>>, vector<1280x32xf32>
    tpu.vector_store %arg8[%swap3A, %swap3A_54], %add3A_53 {strides = array<i32>} : memref<1280x32xf32, #tpu.memory_space<vmem>>, vector<1280x32xf32>,
    return
  }
  func.func @transform_0(%arg0: i32) -> (i32, i32) {
    %c0_i32 = arith.constant 0 : i32
    %c0_i32_0 = arith.constant 0 : i32
    return %arg0, %c0_i32 : i32, i32
  }
  func.func @transform_1(%arg0: i32) -> (i32, i32) {
    %c0_i32 = arith.constant 0 : i32
    %c0_i32_0 = arith.constant 0 : i32
    return %arg0, %c0_i32 : i32, i32
  }
  func.func @transform_2(%arg0: i32) -> (i32, i32) {
    %c0_i32 = arith.constant 0 : i32
    %c0_i32_0 = arith.constant 0 : i32
    %c0_i32_1 = arith.constant 0 : i32
    return %c0_i32, %c0_i32_0 : i32, i32
  }
  func.func @transform_3(%arg0: i32) -> (i32, i32) {
    %c0_i32 = arith.constant 0 : i32
    %c0_i32_0 = arith.constant 0 : i32
    %c0_i32_1 = arith.constant 0 : i32
    return %c0_i32, %c0_i32_0 : i32, i32
  }
  func.func @transform_4(%arg0: i32) -> (i32, i32) {
    %c0_i32 = arith.constant 0 : i32
    %c0_i32_0 = arith.constant 0 : i32
    %c0_i32_1 = arith.constant 0 : i32
    return %c0_i32, %c0_i32_0 : i32, i32
  }
  func.func @transform_5(%arg0: i32) -> (i32, i32) {
    %c0_i32 = arith.constant 0 : i32
    %c0_i32_0 = arith.constant 0 : i32
    %c0_i32_1 = arith.constant 0 : i32
    return %c0_i32, %c0_i32_0 : i32, i32
  }
  func.func @transform_6(%arg0: i32) -> (i32, i32) {
    %c0_i32 = arith.constant 0 : i32
    %c0_i32_0 = arith.constant 0 : i32
    %c0_i32_1 = arith.constant 0 : i32
    return %c0_i32, %c0_i32_0 : i32, i32
  }
  func.func @transform_7(%arg0: i32) -> (i32, i32) {
    %c0_i32 = arith.constant 0 : i32
    %c0_i32_0 = arith.constant 0 : i32
    return %arg0, %c0_i32 : i32, i32
  }
}

</mosaic_0001>

<sc_bundles>
// kernel: kernel.28.cloned.1.call-start
scs
__scs_entry_jumppad:
0x0: {  	(pc) =	sbr.rel $0x88, $3  }
0x1: {  	(tag) =	ssettag $0x0;
	lr =	simm.s32 $0x1  }
0x2: {  	[smem:$0x3F93] =	sst lr;
	_ =	strace $0xD0000000  }
0x3: {  	_ = 	snop  }
0x4: {  	_ = 	snop  }
0x5: {  	_ = 	snop  }
0x6: {  	_ = 	snop  }
0x7: {  	_ = 	snop  }
__scs_overlays_trampoline_lowered:
0x8: {  	[smem:$0x3FA2] =	sst s0  }
0x9: {  	[smem:$0x3FA3] =	sst s1  }
0xa: {  	[smem:$0x3FA4] =	sst s2  }
0xb: {  	[smem:$0x3FA5] =	sst s3  }
0xc: {  	[smem:$0x3FA6] =	sst s4  }
0xd: {  	[smem:$0x3FA7] =	sst s5  }
0xe: {  	[smem:$0x3FA8] =	sst s6  }
0xf: {  	[smem:$0x3FA9] =	sst s7  }
0x10: {  	[smem:$0x3FAA] =	sst s8  }
0x11: {  	[smem:$0x3FAB] =	sst s9;
	s0 =	simm.s32 @!p0 $0x0  }
0x12: {  	s1 =	sld [smem:$0x3F91];
	s0 =	simm.s32 @p0 $0x1  }
0x13: {  	[smem:$0x3FAC] =	sst s0;
	s0 =	simm.s32 @!p1 $0x0  }
0x14: {  	s2 =	sld [smem:$0x3F90];
	s0 =	simm.s32 @p1 $0x1  }
0x15: {  	[smem:$0x3FAD] =	sst s0;
	s0 =	simm.s32 @!p2 $0x0  }
0x16: {  	s3 =	sld [smem:$0x3FDB];
	s0 =	simm.s32 @p2 $0x1  }
0x17: {  	s4 =	simm.s32 $0x1BF5;
	[smem:$0x3FAF] =	sst s0  }
0x18: {  	s0 =	sld [smem:$0x3F92];
	_ =	swait.ge [sflag:s4], $0x0  }
0x19: {  	s7 =	sld [smem:$0x3F93]  }
0x1a: {  	s8 =	sadd.s32 $0xFFFFE003, lr  }
0x1b: {  	s9 =	sadd.s32 $0xFFFFFEF7, lr;
	s5 =	simm.s32 $0xFFFFFFFF;
	p2 =	slt.u32 s8, $0xFFFFF086  }
0x1c: {  	p1 =	slt.u32 s9, $0xF7A;
	s5 =	simm.s32 @!p2 $0x0  }
0x1d: {  	s5 =	simm.s32 @p1 $0x1;
	p0 =	seq.s32 s7, s2  }
0x1e: {  	s7 =	smul.u32 @!p0 $0xF7A, s2;
	p2 =	seq.s32 @!p0 s5, $0x0  }
0x1f: {  	s9 =	smul.u32 $0xF7A, s1;
	s8 =	simm.s32 @!p0 $0x1BF5;
	p2 =	por !p2, p0  }
0x20: {  	[sflag:s8] =	ssyncset.s32 @!p0 $0xFFFFF086;
	s6 =	sadd.s32 @!p0 s3, s7;
	s7 =	simm.s32 @!p0 $0x108  }
0x21: {  	s3 =	sadd.s32 s3, s9;
	s6 =	sadd.s32 @!p0 $0x88, s6;
	s7 =	simm.s32 @p2 $0x1082  }
0x22: {  	[simem:s7], [sflag:s8] =	dma.local @!p0 [hbm:s6], $0xF7A  }
0x23: {  	s9 =	sor.u32 $0xD0000000, s2;
	s6 =	simm.s32 $0x108;
	_ =	swait.ge @!p0 [sflag:s8], $0x0  }
0x24: {  	s3 =	sadd.s32 $0x88, s3;
	s6 =	simm.s32 @!p1 $0x1082;
	[sflag:s4] =	ssyncset.s32 $0xFFFFF086  }
0x25: {  	[simem:s6], [sflag:s4] =	dma.local [hbm:s3], $0xF7A  }
0x26: {  	[smem:$0x3F93] =	sst s1;
	(tag) =	ssettag s2;
	_ =	strace s9  }
0x27: {  	s1 =	sld [smem:$0x3FA3]  }
0x28: {  	s2 =	sld [smem:$0x3FA4]  }
0x29: {  	s4 =	sld [smem:$0x3FA6]  }
0x2a: {  	p0 =	seq.s32 s5, $0x0;
	s5 =	sld [smem:$0x3FA7]  }
0x2b: {  	s6 =	sld [smem:$0x3FA8]  }
0x2c: {  	s7 =	sld [smem:$0x3FA9]  }
0x2d: {  	s3 =	simm.s32 $0x108;
	s8 =	sld [smem:$0x3FAA]  }
0x2e: {  	s3 =	simm.s32 @!p0 $0x1082;
	s9 =	sld [smem:$0x3FAB]  }
0x2f: {  	lr =	sadd.s32 s0, s3;
	s0 =	sld [smem:$0x3FA2]  }
0x30: {  	s3 =	sld [smem:$0x3FA5]  }
0x31: {  	[smem:$0x3FAE] =	sst s10  }
0x32: {  	s10 =	sld [smem:$0x3FAC];
	_ =	sdelay $0x3  }
0x33: {  	p0 =	seq.s32 s10, $0x1;
	s10 =	sld [smem:$0x3FAE];
	_ =	sdelay $0x3  }
0x34: {  	[smem:$0x3FAE] =	sst s10  }
0x35: {  	s10 =	sld [smem:$0x3FAD];
	_ =	sdelay $0x3  }
0x36: {  	p1 =	seq.s32 s10, $0x1;
	s10 =	sld [smem:$0x3FAE];
	_ =	sdelay $0x3  }
0x37: {  	[smem:$0x3FAE] =	sst s10  }
0x38: {  	s10 =	sld [smem:$0x3FAF]  }
0x39: {  	_ = 	snop;
	(pc) =	sbr.ind lr, $3  }
0x3a: {  	_ = 	snop  }
0x3b: {  	_ = 	snop  }
0x3c: {  	p2 =	seq.s32 s10, $0x1;
	s10 =	sld [smem:$0x3FAE]  }
0x3d: {  	_ =	shalt  }
0x3e: {  	_ =	shalt  }
0x3f: {  	_ =	shalt  }
0x40: {  	_ =	shalt  }
0x41: {  	_ =	shalt  }
0x42: {  	_ =	shalt  }
0x43: {  	_ =	shalt  }
0x44: {  	_ =	shalt  }
0x45: {  	_ =	shalt  }
0x46: {  	_ =	shalt  }
0x47: {  	_ =	shalt  }
0x48: {  	_ =	shalt  }
0x49: {  	_ =	shalt  }
0x4a: {  	_ =	shalt  }
0x4b: {  	_ =	shalt  }
0x4c: {  	_ =	shalt  }
0x4d: {  	_ =	shalt  }
0x4e: {  	_ =	shalt  }
0x4f: {  	_ =	shalt  }
0x50: {  	_ =	shalt  }
0x51: {  	_ =	shalt  }
0x52: {  	_ =	shalt  }
0x53: {  	_ =	shalt  }
0x54: {  	_ =	shalt  }
0x55: {  	_ =	shalt  }
0x56: {  	_ =	shalt  }
0x57: {  	_ =	shalt  }
0x58: {  	_ =	shalt  }
0x59: {  	_ =	shalt  }
0x5a: {  	_ =	shalt  }
0x5b: {  	_ =	shalt  }
0x5c: {  	_ =	shalt  }
0x5d: {  	_ =	shalt  }
0x5e: {  	_ =	shalt  }
0x5f: {  	_ =	shalt  }
0x60: {  	_ =	shalt  }
0x61: {  	_ =	shalt  }
0x62: {  	_ =	shalt  }
0x63: {  	_ =	shalt  }
0x64: {  	_ =	shalt  }
0x65: {  	_ =	shalt  }
0x66: {  	_ =	shalt  }
0x67: {  	_ =	shalt  }
0x68: {  	_ =	shalt  }
0x69: {  	_ =	shalt  }
0x6a: {  	_ =	shalt  }
0x6b: {  	_ =	shalt  }
0x6c: {  	_ =	shalt  }
0x6d: {  	_ =	shalt  }
0x6e: {  	_ =	shalt  }
0x6f: {  	_ =	shalt  }
0x70: {  	_ =	shalt  }
0x71: {  	_ =	shalt  }
0x72: {  	_ =	shalt  }
0x73: {  	_ =	shalt  }
0x74: {  	_ =	shalt  }
0x75: {  	_ =	shalt  }
0x76: {  	_ =	shalt  }
0x77: {  	_ =	shalt  }
0x78: {  	_ =	shalt  }
0x79: {  	_ =	shalt  }
0x7a: {  	_ =	shalt  }
0x7b: {  	_ =	shalt  }
0x7c: {  	_ =	shalt  }
0x7d: {  	_ =	shalt  }
0x7e: {  	_ =	shalt  }
0x7f: {  	_ =	shalt  }
0x80: {  	_ =	shalt  }
0x81: {  	_ =	shalt  }
0x82: {  	_ =	shalt  }
0x83: {  	_ =	shalt  }
0x84: {  	_ =	shalt  }
0x85: {  	_ =	shalt  }
0x86: {  	_ =	shalt  }
0x87: {  	_ =	shalt  }
.Lfunc_end0:
.L_simem_size_0:
called_computation_lowered:
.L_overlay_start_0:
0x88: {  	s2 =	sld [smem:$0x3FD9]  }
0x89: {  	s3 =	sld [smem:$0x3FFE];
	_ =	sdelay $0x1  }
0x8a: {  	s1 =	srdreg.scid  }
0x8b: {  	s0 =	sand.u32 $0x1, s1  }
0x8c: {  	s17 =	sshll.u32 s0, $0xA;
	s2 =	sadd.s32 s3, s2  }
0x8d: {  	s2 =	sadd.s32 s2, s17  }
0x8e: {  	[smem:$0x3FBA] =	sst s2  }
0x8f: {  	_ = 	snop  }
0x90: {  	s2 =	sld [smem:$0x3FD0];
	(tm) =	ssettm $0x1  }
0x91: {  	s18 =	sld [smem:$0x3FFB];
	_ =	sdelay $0x3  }
0x92: {  	_ =	strace s18  }
0x93: {  	s3 =	sld [smem:$0x3FFC];
	_ =	sdelay $0x3  }
0x94: {  	_ =	strace s3  }
0x95: {  	s3 =	sld [smem:$0x3FFD];
	_ =	sdelay $0x3  }
0x96: {  	_ =	strace s3  }
0x97: {  	_ =	strace $0x8FFFFFFF  }
0x98: {  	s19 =	sld [smem:$0x3FDB];
	_ =	sdelay $0x1  }
0x99: {  	s4 =	simm.s32 $_scs_section_size  }
0x9a: {  	s5 =	simm.s32 $_size__tile_overlayer_lowered;
	s6 =	simm.s32 $_tile_overlayer_lowered  }
0x9b: {  	s22 =	simm.s32 $0x1BFF;
	s21 =	sshll.u32 s6, $0x1;
	s3 =	sadd.s32 s4, s19  }
0x9c: {  	s7 =	simm.s32 $0x0;
	s20 =	sshll.u32 s5, $0x1;
	s5 =	sadd.s32 s21, s3  }
0x9d: {  	[timem:s7], [sflag:s22] =	dma.local [hbm:s5], s20  }
0x9e: {  	_ =	swait.ge [sflag:s22], s20  }
0x9f: {  	s4 =	ssub.s32 $0x0, s20;
	[sflag:s22] =	ssyncset.done $0x0  }
0xa0: {  	[sflag:s22] =	ssyncadd.s32 s4;
	_ =	sdelay $0x1  }
0xa1: {  	s23 =	simm.s32 $0x1B8B  }
0xa2: {  	_ =	swait.ge [sflag:s23], $0x1  }
0xa3: {  	[sflag:s23] =	ssyncset.done $0x0  }
0xa4: {  	s25 =	simm.s32 $0x1B8E;
	s24 =	sld [smem:$0x3FFE];
	[sflag:s23] =	ssyncadd.s32 $0xFFFFFFFF  }
0xa5: {  	s26 =	simm.s32 $execute0_lowered;
	[smem:$0x3FD2] =	sst s25  }
0xa6: {  	s5 =	sshll.u32 s26, $0x1;
	_ =	strace $0x80000046;
	[dreg:$0x1] =	wrdreg $0xFFFFFFFF  }
0xa7: {  	s28 =	simm.s32 $_size_execute0_lowered;
	s3 =	sadd.s32 s3, s5;
	[dreg:$0x0] =	wrdreg $0x0  }
0xa8: {  	s5 =	sshll.u32 s28, $0x1;
	[dreg:$0x2] =	wrdreg s3  }
0xa9: {  	[dreg:$0x3] =	wrdreg s5  }
0xaa: {  	[dreg:$0x4] =	wrdreg $0xC0  }
0xab: {  	_ =	task [dreg:s7], $0x5FFFF  }
0xac: {  	[dreg:$0x1] =	wrdreg $0xFFFFFFFF  }
0xad: {  	[dreg:$0x0] =	wrdreg $0x60  }
0xae: {  	[dreg:$0x2] =	wrdreg s24  }
0xaf: {  	[dreg:$0x3] =	wrdreg s2  }
0xb0: {  	[dreg:$0x4] =	wrdreg $0x9  }
0xb1: {  	_ =	task.clear_ibuf [dreg:s7], $0x5FFFF;
	_ =	strace $0x90000046  }
0xb2: {  	s29 =	simm.s32 $0x9;
	_ =	strace $0x80000048  }
0xb3: {  	_ =	swait.ge [sflag:s29], $0x1  }
0xb4: {  	[sflag:s29] =	ssyncadd.s32 $0xFFFFFFFF  }
0xb5: {  	_ =	strace $0x90000048  }
0xb6: {  	_ =	sfence  }
0xb7: {  	s30 =	sld [smem:$0x0];
	_ =	sdelay $0x2  }
0xb8: {  	s31 =	sshll.u32 s1, $0xD;
	s1 =	sshrl.u32 s1, $0x2  }
0xb9: {  	s3 =	sand.u32 $0x4000, s31;
	s1 =	sadd.s32 s1, s30  }
0xba: {  	s0 =	sor.u32 s3, s0;
	s1 =	sshll.u32 s1, $0x11  }
0xbb: {  	s0 =	sor.u32 s1, s0  }
0xbc: {  	s0 =	sadd.s32 $0x8F2B, s0  }
0xbd: {  	[sflag:s0] =	ssyncadd.remote.s32 $0x1  }
0xbe: {  	_ =	sfence.sel $0xFFFF  }
0xbf: {  	[dreg:$0x0] =	wrdreg $0xFFFFFFFF;
	(pc) =	sbr.abs _section_cstart, $3  }
0xc0: {  	[dreg:$0x1] =	wrdreg $0xFFFFFFFF  }
0xc1: {  	_ =	task.clear_ibuf [dreg:s7], $0x2FFFF;
	_ =	strace $0x9FFFFFFF  }
0xc2: {  	(tm) =	ssettm $0x7FFFFFFF  }
0xc3: {  	_ =	shalt  }
tec
execute0_lowered:
.L_overlay_start_1:
0x0: {  	(tag) =	ssettag $0x1  }
0x1: {  	s4 =	rddreg [dreg:$0x0]  }
0x2: {  	s8 =	rddreg [dreg:$0x1]  }
0x3: {  	s0 =	rddreg [dreg:$0x2];
	s3 =	srdreg.scid  }
0x4: {  	s1 =	stileid.u32;
	s2 =	simm.s32 $0x0;
	s5 =	sand.u32 $0x1, s3  }
0x5: {  	s28 =	sshll.u32 s1, $0x1;
	[smem:$0x7FF] =	sst s2;
	s9 =	smul.u32 $0x9C40, s1  }
0x6: {  	s3 =	sadd.s32 $0x32E00, s4;
	s11 =	smul.u32 $0x2710, s1;
	s6 =	sor.u32 s5, s28  }
0x7: {  	s7 =	sadd.s32 $0x3CE00, s4;
	s29 =	ssub.s32 $0x2, s5;
	s6 =	smul.u32 $0x1388, s6  }
0x8: {  	_ =	strace $0x80000047;
	s12 =	smul.u32 $0x1388, s5;
	s10 =	sshrl.u32 s29, $0x1  }
0x9: {  	s13 =	smul.u32 $0x4E20, s5;
	s10 =	ssub.s32 s29, s10;
	s6 =	sadd.s32 $0x1380, s6  }
0xa: {  	s31 =	sadd.s32 s12, s11;
	s11 =	simm.s32 $0x1;
	s30 =	sshrl.u32 s6, $0x3  }
0xb: {  	s12 =	simm.s32 $0x8;
	s6 =	sshll.u32 s6, $0x2;
	s4 =	sadd.s32 s8, s30  }
0xc: {  	s5 =	sadd.s32 s7, s6;
	s7 =	sadd.s32 s9, s7;
	s6 =	smax.u32 s10, $0x1  }
0xd: {  	s9 =	sshrl.u32 s31, $0x3;
	s10 =	simm.s32 $0x80;
	s7 =	sadd.s32 s13, s7  }
0xe: {  	s8 =	sadd.s32 s9, s8;
	s9 =	simm.s32 $0x2;
	s13 =	simm.s32 $0x0  }
.LBB2_1:
0xf: {  	s14 =	sadd.s32 $0x0, s8  }
0x10: {  	[tilespmem:s2], [sflag:$0x2] =	stream.linear.gather [hbm4b:s14+s2], $0x80, $0x38;
	[tilespmem:$0x1080] =	vst v63  }
0x11: {  	_ =	swait.ge [sflag:s9], $0x80  }
0x12: {  	[sflag:s9] =	ssyncset.done $0x0  }
0x13: {  	[sflag:s9] =	ssyncadd.s32 $0xFFFFFF80  }
0x14: {  	[tilespmem:s10], [sflag:$0x1] =	stream.indirect.gather [hbm4b:s3+s10], $0x20, s2, s10, $0xb8;
	[tilespmem:$0x1080] =	vst v63  }
0x15: {  	_ =	swait.ge [sflag:s11], $0x1000  }
0x16: {  	[sflag:s11] =	ssyncset.done $0x0  }
0x17: {  	[sflag:s11] =	ssyncadd.s32 $0xFFFFF000  }
0x18: {  	[hbm4b:s7+s2] =	stream.linear.scatter [tilespmem:s10], [sflag:$0x2], $0x1000, $0x38;
	[tilespmem:$0x1080] =	vst v63  }
0x19: {  	s15 =	simm.s32 $0x10;
	_ =	swait.ge [sflag:s9], $0x1000  }
0x1a: {  	s16 =	simm.s32 $0x20;
	s14 =	sadd.s32 $0x200, s7;
	[sflag:s9] =	ssyncset.done $0x0  }
.LBB2_2:
0x1b: {  	s17 =	sadd.s32 s15, s8  }
0x1c: {  	[sflag:s9] =	ssyncadd.s32 $0xFFFFF000;
	s15 =	smov.u32 s16;
	s18 =	sadd.s32 $0x10, s16  }
0x1d: {  	[tilespmem:s2], [sflag:$0x2] =	stream.linear.gather [hbm4b:s17+s2], $0x80, $0x38;
	[tilespmem:$0x1080] =	vst v63  }
0x1e: {  	p0 =	sne.s32 s16, $0x260;
	_ =	swait.ge [sflag:s9], $0x80  }
0x1f: {  	[sflag:s9] =	ssyncset.done $0x0  }
0x20: {  	[sflag:s9] =	ssyncadd.s32 $0xFFFFFF80  }
0x21: {  	[tilespmem:s10], [sflag:$0x1] =	stream.indirect.gather [hbm4b:s3+s10], $0x20, s2, s10, $0xb8;
	[tilespmem:$0x1080] =	vst v63  }
0x22: {  	_ =	swait.ge [sflag:s11], $0x1000  }
.Ltmp0:
0x23: {  	[sflag:s11] =	ssyncset.done $0x0;
	(pc) =	sbr.rel @p0 .LBB2_2-.Ltmp0, $4  }
0x24: {  	[sflag:s11] =	ssyncadd.s32 $0xFFFFF000  }
0x25: {  	[hbm4b:s14+s2] =	stream.linear.scatter [tilespmem:s10], [sflag:$0x2], $0x1000, $0x38;
	[tilespmem:$0x1080] =	vst v63  }
0x26: {  	_ =	swait.ge [sflag:s9], $0x1000  }
0x27: {  	s16 =	smov.u32 s18;
	s14 =	sadd.s32 $0x200, s14;
	[sflag:s9] =	ssyncset.done $0x0  }
0x28: {  	s15 =	sadd.s32 s15, s8;
	[sflag:s9] =	ssyncadd.s32 $0xFFFFF000  }
0x29: {  	[tilespmem:s2], [sflag:$0x2] =	stream.linear.gather [hbm4b:s15+s2], $0x80, $0x38;
	[tilespmem:$0x1080] =	vst v63  }
0x2a: {  	_ =	swait.ge [sflag:s9], $0x80  }
0x2b: {  	[sflag:s9] =	ssyncset.done $0x0  }
0x2c: {  	[sflag:s9] =	ssyncadd.s32 $0xFFFFFF80  }
0x2d: {  	[tilespmem:s10], [sflag:$0x1] =	stream.indirect.gather [hbm4b:s3+s10], $0x20, s2, s10, $0xb8;
	[tilespmem:$0x1080] =	vst v63  }
0x2e: {  	_ =	swait.ge [sflag:s11], $0x1000  }
0x2f: {  	[sflag:s11] =	ssyncset.done $0x0  }
0x30: {  	[sflag:s11] =	ssyncadd.s32 $0xFFFFF000  }
0x31: {  	[hbm4b:s14+s2] =	stream.linear.scatter [tilespmem:s10], [sflag:$0x2], $0x1000, $0x38;
	[tilespmem:$0x1080] =	vst v63  }
0x32: {  	_ =	swait.ge [sflag:s9], $0x1000  }
0x33: {  	[sflag:s9] =	ssyncset.done $0x0  }
0x34: {  	[sflag:s9] =	ssyncadd.s32 $0xFFFFF000  }
0x35: {  	[tilespmem:s2], [sflag:$0x2] =	stream.linear.gather [hbm4b:s4+s2], $0x8, $0x38;
	[tilespmem:$0x1080] =	vst v63  }
0x36: {  	_ =	swait.ge [sflag:s9], $0x8  }
0x37: {  	[sflag:s9] =	ssyncset.done $0x0  }
0x38: {  	[sflag:s9] =	ssyncadd.s32 $0xFFFFFFF8  }
0x39: {  	[tilespmem:s10], [sflag:$0x1] =	stream.indirect.gather [hbm4b:s3+s12], $0x20, s2, s12, $0xb8;
	[tilespmem:$0x1080] =	vst v63  }
0x3a: {  	s13 =	sadd.s32 $0x1, s13;
	_ =	swait.ge [sflag:s11], $0x100  }
0x3b: {  	p0 =	sne.s32 s13, s6;
	[sflag:s11] =	ssyncset.done $0x0  }
.Ltmp1:
0x3c: {  	[sflag:s11] =	ssyncadd.s32 $0xFFFFFF00;
	(pc) =	sbr.rel @p0 .LBB2_1-.Ltmp1, $4  }
0x3d: {  	[hbm4b:s5+s2] =	stream.linear.scatter [tilespmem:s10], [sflag:$0x2], $0x100, $0x38;
	[tilespmem:$0x1080] =	vst v63  }
0x3e: {  	_ =	swait.ge [sflag:s9], $0x100  }
0x3f: {  	[sflag:s9] =	ssyncset.done $0x0  }
0x40: {  	[sflag:s9] =	ssyncadd.s32 $0xFFFFFF00  }
0x41: {  	_ =	sfence.sel $0x180000  }
0x42: {  	[bflag:$0x0] =	sbarrier.arrive $0xFFFF  }
0x43: {  	p0 =	sne.s32 s1, $0x0;
	_ =	strace $0x90000047  }
0x44: {  	s0 =	sadd.s32 @!p0 $0x100000, s0;
	[bflag:$0x2] =	sbarrier.arrive $0xFFFF  }
0x45: {  	[sflag:s0] =	ssyncadd.tile.s32 @!p0 $0x1;
	_ =	shalt  }
.Lfunc_end2:
_tile_overlayer_lowered:
.L_overlay_start_2:
0x46: {  	(tag) =	ssettag $0x2  }
0x47: {  	s0 =	rddreg [dreg:$0x0];
	s2 =	stileid.u32  }
0x48: {  	s1 =	rddreg [dreg:$0x1];
	p0 =	sne.s32 s2, $0x0  }
0x49: {  	s3 =	rddreg [dreg:$0x2];
	[bflag:$0x3] =	sbarrier.arrive $0xFFFF;
	s2 =	simm.s32 @!p0 $0x1C02  }
0x4a: {  	[timem:s3], [sflag:s2] =	dma.local @!p0 [hbm:s0], s1  }
0x4b: {  	s0 =	simm.s32 @!p0 $0x2  }
0x4c: {  	_ =	swait.ge @!p0 [sflag:s0], s1  }
0x4d: {  	s1 =	ssub.s32 @!p0 $0x0, s1;
	[sflag:s0] =	ssyncset.done @!p0 $0x0  }
0x4e: {  	[sflag:s0] =	ssyncadd.s32 @!p0 s1  }
0x4f: {  	[bflag:$0x3] =	sbarrier.arrive $0xFFFF  }
0x50: {  	_ =	shalt  }

// kernel: kernel.31.cloned.1.call-start
scs
__scs_entry_jumppad:
0x0: {  	(pc) =	sbr.rel $0x88, $3  }
0x1: {  	(tag) =	ssettag $0x0;
	lr =	simm.s32 $0x1  }
0x2: {  	[smem:$0x3F93] =	sst lr;
	_ =	strace $0xD0000000  }
0x3: {  	_ = 	snop  }
0x4: {  	_ = 	snop  }
0x5: {  	_ = 	snop  }
0x6: {  	_ = 	snop  }
0x7: {  	_ = 	snop  }
__scs_overlays_trampoline_lowered:
0x8: {  	[smem:$0x3FA2] =	sst s0  }
0x9: {  	[smem:$0x3FA3] =	sst s1  }
0xa: {  	[smem:$0x3FA4] =	sst s2  }
0xb: {  	[smem:$0x3FA5] =	sst s3  }
0xc: {  	[smem:$0x3FA6] =	sst s4  }
0xd: {  	[smem:$0x3FA7] =	sst s5  }
0xe: {  	[smem:$0x3FA8] =	sst s6  }
0xf: {  	[smem:$0x3FA9] =	sst s7  }
0x10: {  	[smem:$0x3FAA] =	sst s8  }
0x11: {  	[smem:$0x3FAB] =	sst s9;
	s0 =	simm.s32 @!p0 $0x0  }
0x12: {  	s1 =	sld [smem:$0x3F91];
	s0 =	simm.s32 @p0 $0x1  }
0x13: {  	[smem:$0x3FAC] =	sst s0;
	s0 =	simm.s32 @!p1 $0x0  }
0x14: {  	s2 =	sld [smem:$0x3F90];
	s0 =	simm.s32 @p1 $0x1  }
0x15: {  	[smem:$0x3FAD] =	sst s0;
	s0 =	simm.s32 @!p2 $0x0  }
0x16: {  	s3 =	sld [smem:$0x3FDB];
	s0 =	simm.s32 @p2 $0x1  }
0x17: {  	s4 =	simm.s32 $0x1BF5;
	[smem:$0x3FAF] =	sst s0  }
0x18: {  	s0 =	sld [smem:$0x3F92];
	_ =	swait.ge [sflag:s4], $0x0  }
0x19: {  	s7 =	sld [smem:$0x3F93]  }
0x1a: {  	s8 =	sadd.s32 $0xFFFFE003, lr  }
0x1b: {  	s9 =	sadd.s32 $0xFFFFFEF7, lr;
	s5 =	simm.s32 $0xFFFFFFFF;
	p2 =	slt.u32 s8, $0xFFFFF086  }
0x1c: {  	p1 =	slt.u32 s9, $0xF7A;
	s5 =	simm.s32 @!p2 $0x0  }
0x1d: {  	s5 =	simm.s32 @p1 $0x1;
	p0 =	seq.s32 s7, s2  }
0x1e: {  	s7 =	smul.u32 @!p0 $0xF7A, s2;
	p2 =	seq.s32 @!p0 s5, $0x0  }
0x1f: {  	s9 =	smul.u32 $0xF7A, s1;
	s8 =	simm.s32 @!p0 $0x1BF5;
	p2 =	por !p2, p0  }
0x20: {  	[sflag:s8] =	ssyncset.s32 @!p0 $0xFFFFF086;
	s6 =	sadd.s32 @!p0 s3, s7;
	s7 =	simm.s32 @!p0 $0x108  }
0x21: {  	s3 =	sadd.s32 s3, s9;
	s6 =	sadd.s32 @!p0 $0x88, s6;
	s7 =	simm.s32 @p2 $0x1082  }
0x22: {  	[simem:s7], [sflag:s8] =	dma.local @!p0 [hbm:s6], $0xF7A  }
0x23: {  	s9 =	sor.u32 $0xD0000000, s2;
	s6 =	simm.s32 $0x108;
	_ =	swait.ge @!p0 [sflag:s8], $0x0  }
0x24: {  	s3 =	sadd.s32 $0x88, s3;
	s6 =	simm.s32 @!p1 $0x1082;
	[sflag:s4] =	ssyncset.s32 $0xFFFFF086  }
0x25: {  	[simem:s6], [sflag:s4] =	dma.local [hbm:s3], $0xF7A  }
0x26: {  	[smem:$0x3F93] =	sst s1;
	(tag) =	ssettag s2;
	_ =	strace s9  }
0x27: {  	s1 =	sld [smem:$0x3FA3]  }
0x28: {  	s2 =	sld [smem:$0x3FA4]  }
0x29: {  	s4 =	sld [smem:$0x3FA6]  }
0x2a: {  	p0 =	seq.s32 s5, $0x0;
	s5 =	sld [smem:$0x3FA7]  }
0x2b: {  	s6 =	sld [smem:$0x3FA8]  }
0x2c: {  	s7 =	sld [smem:$0x3FA9]  }
0x2d: {  	s3 =	simm.s32 $0x108;
	s8 =	sld [smem:$0x3FAA]  }
0x2e: {  	s3 =	simm.s32 @!p0 $0x1082;
	s9 =	sld [smem:$0x3FAB]  }
0x2f: {  	lr =	sadd.s32 s0, s3;
	s0 =	sld [smem:$0x3FA2]  }
0x30: {  	s3 =	sld [smem:$0x3FA5]  }
0x31: {  	[smem:$0x3FAE] =	sst s10  }
0x32: {  	s10 =	sld [smem:$0x3FAC];
	_ =	sdelay $0x3  }
0x33: {  	p0 =	seq.s32 s10, $0x1;
	s10 =	sld [smem:$0x3FAE];
	_ =	sdelay $0x3  }
0x34: {  	[smem:$0x3FAE] =	sst s10  }
0x35: {  	s10 =	sld [smem:$0x3FAD];
	_ =	sdelay $0x3  }
0x36: {  	p1 =	seq.s32 s10, $0x1;
	s10 =	sld [smem:$0x3FAE];
	_ =	sdelay $0x3  }
0x37: {  	[smem:$0x3FAE] =	sst s10  }
0x38: {  	s10 =	sld [smem:$0x3FAF]  }
0x39: {  	_ = 	snop;
	(pc) =	sbr.ind lr, $3  }
0x3a: {  	_ = 	snop  }
0x3b: {  	_ = 	snop  }
0x3c: {  	p2 =	seq.s32 s10, $0x1;
	s10 =	sld [smem:$0x3FAE]  }
0x3d: {  	_ =	shalt  }
0x3e: {  	_ =	shalt  }
0x3f: {  	_ =	shalt  }
0x40: {  	_ =	shalt  }
0x41: {  	_ =	shalt  }
0x42: {  	_ =	shalt  }
0x43: {  	_ =	shalt  }
0x44: {  	_ =	shalt  }
0x45: {  	_ =	shalt  }
0x46: {  	_ =	shalt  }
0x47: {  	_ =	shalt  }
0x48: {  	_ =	shalt  }
0x49: {  	_ =	shalt  }
0x4a: {  	_ =	shalt  }
0x4b: {  	_ =	shalt  }
0x4c: {  	_ =	shalt  }
0x4d: {  	_ =	shalt  }
0x4e: {  	_ =	shalt  }
0x4f: {  	_ =	shalt  }
0x50: {  	_ =	shalt  }
0x51: {  	_ =	shalt  }
0x52: {  	_ =	shalt  }
0x53: {  	_ =	shalt  }
0x54: {  	_ =	shalt  }
0x55: {  	_ =	shalt  }
0x56: {  	_ =	shalt  }
0x57: {  	_ =	shalt  }
0x58: {  	_ =	shalt  }
0x59: {  	_ =	shalt  }
0x5a: {  	_ =	shalt  }
0x5b: {  	_ =	shalt  }
0x5c: {  	_ =	shalt  }
0x5d: {  	_ =	shalt  }
0x5e: {  	_ =	shalt  }
0x5f: {  	_ =	shalt  }
0x60: {  	_ =	shalt  }
0x61: {  	_ =	shalt  }
0x62: {  	_ =	shalt  }
0x63: {  	_ =	shalt  }
0x64: {  	_ =	shalt  }
0x65: {  	_ =	shalt  }
0x66: {  	_ =	shalt  }
0x67: {  	_ =	shalt  }
0x68: {  	_ =	shalt  }
0x69: {  	_ =	shalt  }
0x6a: {  	_ =	shalt  }
0x6b: {  	_ =	shalt  }
0x6c: {  	_ =	shalt  }
0x6d: {  	_ =	shalt  }
0x6e: {  	_ =	shalt  }
0x6f: {  	_ =	shalt  }
0x70: {  	_ =	shalt  }
0x71: {  	_ =	shalt  }
0x72: {  	_ =	shalt  }
0x73: {  	_ =	shalt  }
0x74: {  	_ =	shalt  }
0x75: {  	_ =	shalt  }
0x76: {  	_ =	shalt  }
0x77: {  	_ =	shalt  }
0x78: {  	_ =	shalt  }
0x79: {  	_ =	shalt  }
0x7a: {  	_ =	shalt  }
0x7b: {  	_ =	shalt  }
0x7c: {  	_ =	shalt  }
0x7d: {  	_ =	shalt  }
0x7e: {  	_ =	shalt  }
0x7f: {  	_ =	shalt  }
0x80: {  	_ =	shalt  }
0x81: {  	_ =	shalt  }
0x82: {  	_ =	shalt  }
0x83: {  	_ =	shalt  }
0x84: {  	_ =	shalt  }
0x85: {  	_ =	shalt  }
0x86: {  	_ =	shalt  }
0x87: {  	_ =	shalt  }
.Lfunc_end0:
.L_simem_size_0:
called_computation.1_lowered:
.L_overlay_start_0:
0x88: {  	s2 =	sld [smem:$0x3FD9]  }
0x89: {  	s3 =	sld [smem:$0x3FFE];
	_ =	sdelay $0x1  }
0x8a: {  	s1 =	srdreg.scid  }
0x8b: {  	s0 =	sand.u32 $0x1, s1  }
0x8c: {  	s16 =	sshll.u32 s0, $0xA;
	s2 =	sadd.s32 s3, s2  }
0x8d: {  	s2 =	sadd.s32 s2, s16  }
0x8e: {  	[smem:$0x3FBA] =	sst s2  }
0x8f: {  	_ = 	snop  }
0x90: {  	(tm) =	ssettm $0x1  }
0x91: {  	s17 =	sld [smem:$0x3FFB];
	_ =	sdelay $0x3  }
0x92: {  	_ =	strace s17  }
0x93: {  	s2 =	sld [smem:$0x3FFC];
	_ =	sdelay $0x3  }
0x94: {  	_ =	strace s2  }
0x95: {  	s2 =	sld [smem:$0x3FFD];
	_ =	sdelay $0x3  }
0x96: {  	_ =	strace s2  }
0x97: {  	_ =	strace $0x8FFFFFFF  }
0x98: {  	s18 =	sld [smem:$0x3FDB];
	_ =	sdelay $0x1  }
0x99: {  	s19 =	simm.s32 $_scs_section_size  }
0x9a: {  	s4 =	simm.s32 $_size__tile_overlayer_lowered;
	s5 =	simm.s32 $_tile_overlayer_lowered  }
0x9b: {  	s22 =	simm.s32 $0x1BFF;
	s21 =	sshll.u32 s5, $0x1;
	s2 =	sadd.s32 s19, s18  }
0x9c: {  	s6 =	simm.s32 $0x0;
	s20 =	sshll.u32 s4, $0x1;
	s4 =	sadd.s32 s21, s2  }
0x9d: {  	[timem:s6], [sflag:s22] =	dma.local [hbm:s4], s20  }
0x9e: {  	_ =	swait.ge [sflag:s22], s20  }
0x9f: {  	s3 =	ssub.s32 $0x0, s20;
	[sflag:s22] =	ssyncset.done $0x0  }
0xa0: {  	[sflag:s22] =	ssyncadd.s32 s3;
	_ =	sdelay $0x1  }
0xa1: {  	s23 =	simm.s32 $0x1B8B  }
0xa2: {  	_ =	swait.ge [sflag:s23], $0x1  }
0xa3: {  	[sflag:s23] =	ssyncset.done $0x0  }
0xa4: {  	s25 =	simm.s32 $0x1B8E;
	s24 =	sld [smem:$0x3FFE];
	[sflag:s23] =	ssyncadd.s32 $0xFFFFFFFF  }
0xa5: {  	s26 =	simm.s32 $execute0_lowered;
	[smem:$0x3FD2] =	sst s25  }
0xa6: {  	s4 =	sshll.u32 s26, $0x1;
	_ =	strace $0x80000049;
	[dreg:$0x1] =	wrdreg $0xFFFFFFFF  }
0xa7: {  	s28 =	simm.s32 $_size_execute0_lowered;
	s2 =	sadd.s32 s2, s4;
	[dreg:$0x0] =	wrdreg $0x0  }
0xa8: {  	s4 =	sshll.u32 s28, $0x1;
	[dreg:$0x2] =	wrdreg s2  }
0xa9: {  	[dreg:$0x3] =	wrdreg s4  }
0xaa: {  	[dreg:$0x4] =	wrdreg $0xC0  }
0xab: {  	_ =	task [dreg:s6], $0x5FFFF  }
0xac: {  	[dreg:$0x1] =	wrdreg $0xFFFFFFFF  }
0xad: {  	[dreg:$0x0] =	wrdreg $0x60  }
0xae: {  	[dreg:$0x2] =	wrdreg s24  }
0xaf: {  	[dreg:$0x3] =	wrdreg $0x9  }
0xb0: {  	_ =	task.clear_ibuf [dreg:s6], $0x4FFFF;
	_ =	strace $0x90000049  }
0xb1: {  	s29 =	simm.s32 $0x9;
	_ =	strace $0x8000004B  }
0xb2: {  	_ =	swait.ge [sflag:s29], $0x1  }
0xb3: {  	[sflag:s29] =	ssyncadd.s32 $0xFFFFFFFF  }
0xb4: {  	_ =	strace $0x9000004B  }
0xb5: {  	_ =	sfence  }
0xb6: {  	s30 =	sld [smem:$0x0];
	_ =	sdelay $0x2  }
0xb7: {  	s31 =	sshll.u32 s1, $0xD;
	s1 =	sshrl.u32 s1, $0x2  }
0xb8: {  	s3 =	sand.u32 $0x4000, s31;
	s1 =	sadd.s32 s1, s30  }
0xb9: {  	s0 =	sor.u32 s3, s0;
	s1 =	sshll.u32 s1, $0x11  }
0xba: {  	s0 =	sor.u32 s1, s0  }
0xbb: {  	s0 =	sadd.s32 $0x8F2B, s0  }
0xbc: {  	[sflag:s0] =	ssyncadd.remote.s32 $0x1  }
0xbd: {  	_ =	sfence.sel $0xFFFF  }
0xbe: {  	[dreg:$0x0] =	wrdreg $0xFFFFFFFF;
	(pc) =	sbr.abs _section_cstart, $3  }
0xbf: {  	[dreg:$0x1] =	wrdreg $0xFFFFFFFF  }
0xc0: {  	_ =	task.clear_ibuf [dreg:s6], $0x2FFFF;
	_ =	strace $0x9FFFFFFF  }
0xc1: {  	(tm) =	ssettm $0x7FFFFFFF  }
tec
execute0_lowered:
.L_overlay_start_1:
0x0: {  	(tag) =	ssettag $0x1  }
0x1: {  	s0 =	rddreg [dreg:$0x0];
	s3 =	srdreg.scid  }
0x2: {  	s1 =	stileid.u32;
	s2 =	simm.s32 $0x0;
	s11 =	simm.s32 $0x2  }
0x3: {  	s12 =	simm.s32 $0x1;
	s13 =	simm.s32 $0x3800;
	s14 =	simm.s32 $0x39D0  }
0x4: {  	s15 =	simm.s32 $0x80;
	s7 =	sand.u32 $0x1, s3;
	s30 =	sshll.u32 s1, $0x1  }
0x5: {  	s16 =	simm.s32 $0x2800;
	s17 =	simm.s32 $0x0;
	s6 =	sor.u32 s7, s30  }
0x6: {  	[smem:$0x7FF] =	sst s2;
	s4 =	sadd.s32 $0x32E00, s0;
	s3 =	smul.u32 $0x140, s6  }
.Ltmp0:
0x7: {  	s5 =	sadd.s32 $0xD9200, s0;
	_ =	strace $0x8000004A;
	(pc) =	sbr.rel .LBB2_1-.Ltmp0, $4  }
0x8: {  	s7 =	ssub.s32 $0x2, s7;
	s8 =	smul.u32 $0x500, s6;
	s9 =	sshrl.u32 s3, $0x3  }
0x9: {  	s6 =	sadd.s32 $0xDE400, s0;
	s31 =	sshrl.u32 s7, $0x1;
	s9 =	sadd.s32 s9, s0  }
0xa: {  	s10 =	ssub.s32 s7, s31;
	s0 =	sadd.s32 s8, s0;
	s7 =	sadd.s32 $0x354400, s9  }
0xb: {  	v0 =	vimm.f32 $0.0e+00;
	s8 =	sadd.s32 $0xCF200, s0;
	s9 =	smax.u32 s10, $0x1;
	s10 =	simm.s32 $0x3880  }
.LBB2_13:
0xc: {  	s17 =	sadd.s32 $0x1, s17  }
0xd: {  	p0 =	sne.s32 s17, s9  }
.Ltmp1:
0xe: {  	_ = 	snop;
	(pc) =	sbr.rel @!p0 .LBB2_14-.Ltmp1, $4  }
0xf: {  	[hbm4b:s8+s2] =	stream.linear.scatter [tilespmem:s2], [sflag:$0x2], $0x2800, $0x38;
	[tilespmem:$0x3A60] =	vst v63  }
0x10: {  	_ =	swait.ge [sflag:s11], $0x2800  }
0x11: {  	[sflag:s11] =	ssyncset.done $0x0  }
0x12: {  	[sflag:s11] =	ssyncadd.s32 $0xFFFFD800  }
.LBB2_1:
0x13: {  	[tilespmem:s10], [sflag:$0x2] =	stream.linear.gather [hbm4b:s7+s2], $0x150, $0x38;
	[tilespmem:$0x3A60] =	vst v63  }
0x14: {  	_ =	swait.ge [sflag:s11], $0x150  }
0x15: {  	[sflag:s11] =	ssyncset.done $0x0  }
0x16: {  	[sflag:s11] =	ssyncadd.s32 $0xFFFFFEB0  }
0x17: {  	v1 =	vld [tilespmem:$0x3880]  }
0x18: {  	s0 =	simm.s32 $0x40;
	s22 =	simm.s32 $0x0;
	v2 =	vld [tilespmem:$0x39C0]  }
.LBB2_2:
0x19: {  	p0 =	sne.s32 s0, $0x9FC0;
	[tilespmem:s22+$0x0] =	vst v0;
	s18 =	smov.u32 s0;
	s0 =	sadd.s32 $0x40, s0  }
.Ltmp2:
0x1a: {  	(pc) =	sbr.rel @p0 .LBB2_2-.Ltmp2, $2  }
0x1b: {  	_ =	sdelay $0x2  }
0x1c: {  	s22 =	sshra.s32 s18, $0x2  }
0x1d: {  	(v2sf) =	vpush v1, $0x0;
	_ =	sdelay $0x6  }
0x1e: {  	(v2sf) =	vpush v2, $0x0;
	_ =	sdelay $0x7  }
0x1f: {  	s18 =	spop (v2sf)  }
0x20: {  	s0 =	sand.u32 $0x7, s18  }
0x21: {  	s19 =	sshra.s32 s18, $0x1F;
	p0 =	slt.s32 s18, $0x1;
	p1 =	sne.s32 s0, $0x0  }
0x22: {  	s29 =	sshrl.u32 s19, $0x1D;
	p0 =	por !p0, !p1  }
0x23: {  	s19 =	simm.s32 $0x1;
	s0 =	sadd.s32 s29, s18;
	p0 =	por !p0, !p0  }
0x24: {  	s0 =	sshra.s32 s0, $0x3;
	s19 =	simm.s32 @!p0 $0x0  }
0x25: {  	s23 =	ssub.s32 s0, s19  }
0x26: {  	s19 =	spop (v2sf);
	s20 =	sshll.u32 s23, $0x3  }
0x27: {  	s30 =	ssub.s32 s19, s20  }
0x28: {  	s0 =	sadd.s32 $0x7F, s30  }
0x29: {  	s21 =	sand.u32 $0x7F, s0  }
0x2a: {  	s31 =	sshra.s32 s0, $0x1F;
	p6 =	slt.s32 s0, $0x1;
	p5 =	sne.s32 s21, $0x0  }
0x2b: {  	s21 =	sshrl.u32 s31, $0x19;
	p0 =	por !p6, !p5  }
0x2c: {  	s0 =	sadd.s32 s21, s0;
	s21 =	simm.s32 $0x1;
	p0 =	por !p0, !p0  }
0x2d: {  	s0 =	sshra.s32 s0, $0x7;
	s21 =	simm.s32 @!p0 $0x0  }
0x2e: {  	s21 =	ssub.s32 s0, s21  }
0x2f: {  	p0 =	slt.s32 s21, $0x1  }
.Ltmp3:
0x30: {  	_ = 	snop;
	(pc) =	sbr.rel @p0 .LBB2_13-.Ltmp3, $2  }
0x31: {  	_ =	sdelay $0x2  }
0x32: {  	[tilespmem:s22+$0x0] =	vst v0  }
.Ltmp4:
0x33: {  	(pc) =	sbr.rel .LBB2_5-.Ltmp4, $3  }
0x34: {  	_ =	sdelay $0x1  }
0x35: {  	s0 =	sshll.u32 s23, $0x3  }
0x36: {  	s23 =	simm.s32 $0x0;
	s24 =	smov.u32 s20;
	s22 =	ssub.s32 $0x0, s0  }
.LBB2_7:
0x37: {  	s29 =	smov.u32 s25  }
.LBB2_11:
0x38: {  	s1 =	sor.u32 s31, s30;
	[tilespmem:s0+$0x0] =	vst.add.f32.msk @p0 $0xffff, v1  }
0x39: {  	v1 =	vld [tilespmem:s1+$0x39D0];
	_ =	sdelay $0x4  }
0x3a: {  	(v2sf) =	vpush v1, $0x0;
	_ =	sdelay $0xb  }
0x3b: {  	s0 =	sadd.s32 @p0 $0x20, s29  }
0x3c: {  	s25 =	smov.u32 @p0 s0  }
0x3d: {  	v1 =	vld [tilespmem:s25+$0xFFFFFFF0]  }
0x3e: {  	s31 =	spop (v2sf)  }
0x3f: {  	s0 =	ssub.s32 s31, s3  }
0x40: {  	s0 =	sshll.u32 s0, $0x7  }
0x41: {  	s0 =	sshra.s32 s0, $0x2  }
0x42: {  	[tilespmem:s0+$0x0] =	vst.add.f32.msk $0xffff, v1  }
0x43: {  	v1 =	vld [tilespmem:s25+$0x0];
	_ =	sdelay $0x3  }
0x44: {  	s0 =	sor.u32 $0x10, s0  }
0x45: {  	[tilespmem:s0+$0x0] =	vst.add.f32.msk $0xffff, v1  }
.LBB2_12:
0x46: {  	s23 =	sadd.s32 $0x1, s23  }
0x47: {  	p0 =	sne.s32 s23, s21  }
.Ltmp5:
0x48: {  	_ = 	snop;
	(pc) =	sbr.rel @!p0 .LBB2_13-.Ltmp5, $2  }
0x49: {  	_ =	sdelay $0x2  }
0x4a: {  	s24 =	sadd.s32 $0x80, s24;
	s22 =	sadd.s32 $0xFFFFFF80, s22  }
.LBB2_5:
0x4b: {  	s0 =	sshll.u32 s23, $0x7  }
0x4c: {  	s0 =	sadd.s32 s20, s0  }
0x4d: {  	s25 =	sshrl.u32 s0, $0x3  }
0x4e: {  	s26 =	sadd.s32 s5, s25  }
0x4f: {  	[tilespmem:s13], [sflag:$0x2] =	stream.linear.gather [hbm4b:s26+s2], $0x80, $0x38;
	[tilespmem:$0x3A60] =	vst v63  }
0x50: {  	_ =	swait.ge [sflag:s11], $0x80  }
0x51: {  	[sflag:s11] =	ssyncset.done $0x0  }
0x52: {  	s25 =	sadd.s32 s6, s25;
	[sflag:s11] =	ssyncadd.s32 $0xFFFFFF80  }
0x53: {  	[tilespmem:s14], [sflag:$0x2] =	stream.linear.gather [hbm4b:s25+s2], $0x80, $0x38;
	[tilespmem:$0x3A60] =	vst v63  }
0x54: {  	s28 =	smov.u32 s18;
	s25 =	sadd.s32 $0x80, s0  }
0x55: {  	p0 =	sgt.s32 s0, s18;
	s26 =	smov.u32 s19;
	p1 =	slt.s32 s25, s19  }
0x56: {  	s28 =	smov.u32 @p0 s0;
	_ =	swait.ge [sflag:s11], $0x80;
	s26 =	smov.u32 @p1 s25  }
0x57: {  	[sflag:s11] =	ssyncset.done $0x0;
	p0 =	sge.s32 s28, s26  }
.Ltmp6:
0x58: {  	[sflag:s11] =	ssyncadd.s32 $0xFFFFFF80;
	(pc) =	sbr.rel @p0 .LBB2_12-.Ltmp6, $4  }
0x59: {  	[tilespmem:s16], [sflag:$0x1] =	stream.indirect.gather [hbm4b:s4+s15], $0x20, s13, s15, $0xb8;
	[tilespmem:$0x3A60] =	vst v63  }
0x5a: {  	_ =	swait.ge [sflag:s12], $0x1000  }
0x5b: {  	[sflag:s12] =	ssyncset.done $0x0  }
0x5c: {  	[sflag:s12] =	ssyncadd.s32 $0xFFFFF000  }
0x5d: {  	s29 =	sadd.s32 $0x1, s28  }
0x5e: {  	p0 =	sgt.s32 s18, s24;
	s0 =	smov.u32 s24;
	p1 =	slt.s32 s29, s26  }
.Ltmp7:
0x5f: {  	s0 =	smov.u32 @p0 s18;
	(pc) =	sbr.rel @!p1 .LBB2_7-.Ltmp7, $4  }
0x60: {  	s0 =	sadd.s32 s22, s0  }
0x61: {  	s0 =	sshll.u32 s0, $0x7  }
0x62: {  	s1 =	sadd.s32 s28, s22;
	s31 =	sand.u32 $0x7, s28;
	s0 =	sshra.s32 s0, $0x2  }
0x63: {  	s30 =	sand.u32 $0xFFFFFFF8, s1;
	p0 =	por $0x0, $0x0;
	s25 =	sadd.s32 $0x2810, s0  }
0x64: {  	s0 =	sor.u32 s31, s30  }
0x65: {  	v1 =	vld [tilespmem:s0+$0x39D0];
	_ =	sdelay $0x4  }
0x66: {  	(v2sf) =	vpush v1, $0x0;
	_ =	sdelay $0xd  }
0x67: {  	v1 =	vld [tilespmem:s25+$0xFFFFFFF0]  }
0x68: {  	s1 =	spop (v2sf)  }
0x69: {  	s0 =	ssub.s32 s1, s3  }
0x6a: {  	s0 =	sshll.u32 s0, $0x7  }
0x6b: {  	s28 =	sadd.s32 $0x1, s29;
	s0 =	sshra.s32 s0, $0x2  }
0x6c: {  	p1 =	slt.s32 s28, s26;
	[tilespmem:s0+$0x0] =	vst.add.f32.msk $0xffff, v1  }
.Ltmp8:
0x6d: {  	v1 =	vld [tilespmem:s25+$0x0];
	(pc) =	sbr.rel @!p1 .LBB2_9-.Ltmp8, $3  }
0x6e: {  	_ =	sdelay $0x1  }
0x6f: {  	s30 =	sadd.s32 s29, s22;
	s31 =	sand.u32 $0x7, s29;
	p0 =	por $0x1, $0x1  }
0x70: {  	s29 =	smov.u32 s25;
	s30 =	sand.u32 $0xFFFFFFF8, s30;
	s0 =	sor.u32 $0x10, s0  }
.LBB2_10:
0x71: {  	s30 =	sor.u32 s31, s30  }
0x72: {  	[tilespmem:s0+$0x0] =	vst.add.f32.msk $0xffff, v1;
	s29 =	sadd.s32 $0x20, s29;
	s0 =	smov.u32 s28;
	s28 =	sadd.s32 $0x1, s28  }
0x73: {  	p1 =	slt.s32 s28, s26;
	v1 =	vld [tilespmem:s30+$0x39D0];
	_ =	sdelay $0x4  }
0x74: {  	(v2sf) =	vpush v1, $0x0;
	_ =	sdelay $0xd  }
0x75: {  	v1 =	vld [tilespmem:s29+$0xFFFFFFF0]  }
0x76: {  	s30 =	spop (v2sf)  }
0x77: {  	s30 =	ssub.s32 s30, s3  }
0x78: {  	s30 =	sshll.u32 s30, $0x7  }
0x79: {  	s1 =	sshra.s32 s30, $0x2  }
0x7a: {  	[tilespmem:s1+$0x0] =	vst.add.f32.msk $0xffff, v1  }
.Ltmp9:
0x7b: {  	v1 =	vld [tilespmem:s29+$0x0];
	(pc) =	sbr.rel @p1 .LBB2_10-.Ltmp9, $3  }
0x7c: {  	_ =	sdelay $0x1  }
0x7d: {  	s30 =	sadd.s32 s0, s22  }
0x7e: {  	s31 =	sand.u32 $0x7, s0;
	s30 =	sand.u32 $0xFFFFFFF8, s30;
	s0 =	sor.u32 $0x10, s1  }
.Ltmp10:
0x7f: {  	_ = 	snop;
	(pc) =	sbr.rel .LBB2_11-.Ltmp10, $1  }
0x80: {  	_ =	sdelay $0x3  }
.LBB2_9:
.Ltmp11:
0x81: {  	(pc) =	sbr.rel .LBB2_11-.Ltmp11, $2  }
0x82: {  	_ =	sdelay $0x2  }
0x83: {  	s29 =	smov.u32 s25  }
.LBB2_14:
0x84: {  	_ =	sfence.sel $0x180000  }
0x85: {  	[bflag:$0x0] =	sbarrier.arrive $0xFFFF  }
0x86: {  	_ =	strace $0x9000004A  }
0x87: {  	s0 =	stileid.u32;
	[bflag:$0x2] =	sbarrier.arrive $0xFFFF  }
0x88: {  	p0 =	sne.s32 s0, $0x0;
	s0 =	rddreg [dreg:$0x1]  }
0x89: {  	s0 =	sadd.s32 @!p0 $0x100000, s0  }
0x8a: {  	[sflag:s0] =	ssyncadd.tile.s32 @!p0 $0x1;
	_ =	shalt  }
.Lfunc_end2:
_tile_overlayer_lowered:
.L_overlay_start_2:
0x8b: {  	(tag) =	ssettag $0x2  }
0x8c: {  	s0 =	rddreg [dreg:$0x0];
	s2 =	stileid.u32  }
0x8d: {  	s1 =	rddreg [dreg:$0x1];
	p0 =	sne.s32 s2, $0x0  }
0x8e: {  	s3 =	rddreg [dreg:$0x2];
	[bflag:$0x3] =	sbarrier.arrive $0xFFFF;
	s2 =	simm.s32 @!p0 $0x1C02  }
0x8f: {  	[timem:s3], [sflag:s2] =	dma.local @!p0 [hbm:s0], s1  }
0x90: {  	s0 =	simm.s32 @!p0 $0x2  }
0x91: {  	_ =	swait.ge @!p0 [sflag:s0], s1  }
0x92: {  	s1 =	ssub.s32 @!p0 $0x0, s1;
	[sflag:s0] =	ssyncset.done @!p0 $0x0  }
0x93: {  	[sflag:s0] =	ssyncadd.s32 @!p0 s1  }
0x94: {  	[bflag:$0x3] =	sbarrier.arrive $0xFFFF  }
0x95: {  	_ =	shalt  }

// kernel: kernel.34.cloned.1.call-start
scs
__scs_entry_jumppad:
0x0: {  	(pc) =	sbr.rel $0x88, $3  }
0x1: {  	(tag) =	ssettag $0x0;
	lr =	simm.s32 $0x1  }
0x2: {  	[smem:$0x3F93] =	sst lr;
	_ =	strace $0xD0000000  }
0x3: {  	_ = 	snop  }
0x4: {  	_ = 	snop  }
0x5: {  	_ = 	snop  }
0x6: {  	_ = 	snop  }
0x7: {  	_ = 	snop  }
__scs_overlays_trampoline_lowered:
0x8: {  	[smem:$0x3FA2] =	sst s0  }
0x9: {  	[smem:$0x3FA3] =	sst s1  }
0xa: {  	[smem:$0x3FA4] =	sst s2  }
0xb: {  	[smem:$0x3FA5] =	sst s3  }
0xc: {  	[smem:$0x3FA6] =	sst s4  }
0xd: {  	[smem:$0x3FA7] =	sst s5  }
0xe: {  	[smem:$0x3FA8] =	sst s6  }
0xf: {  	[smem:$0x3FA9] =	sst s7  }
0x10: {  	[smem:$0x3FAA] =	sst s8  }
0x11: {  	[smem:$0x3FAB] =	sst s9;
	s0 =	simm.s32 @!p0 $0x0  }
0x12: {  	s1 =	sld [smem:$0x3F91];
	s0 =	simm.s32 @p0 $0x1  }
0x13: {  	[smem:$0x3FAC] =	sst s0;
	s0 =	simm.s32 @!p1 $0x0  }
0x14: {  	s2 =	sld [smem:$0x3F90];
	s0 =	simm.s32 @p1 $0x1  }
0x15: {  	[smem:$0x3FAD] =	sst s0;
	s0 =	simm.s32 @!p2 $0x0  }
0x16: {  	s3 =	sld [smem:$0x3FDB];
	s0 =	simm.s32 @p2 $0x1  }
0x17: {  	s4 =	simm.s32 $0x1BF5;
	[smem:$0x3FAF] =	sst s0  }
0x18: {  	s0 =	sld [smem:$0x3F92];
	_ =	swait.ge [sflag:s4], $0x0  }
0x19: {  	s7 =	sld [smem:$0x3F93]  }
0x1a: {  	s8 =	sadd.s32 $0xFFFFE003, lr  }
0x1b: {  	s9 =	sadd.s32 $0xFFFFFEF7, lr;
	s5 =	simm.s32 $0xFFFFFFFF;
	p2 =	slt.u32 s8, $0xFFFFF086  }
0x1c: {  	p1 =	slt.u32 s9, $0xF7A;
	s5 =	simm.s32 @!p2 $0x0  }
0x1d: {  	s5 =	simm.s32 @p1 $0x1;
	p0 =	seq.s32 s7, s2  }
0x1e: {  	s7 =	smul.u32 @!p0 $0xF7A, s2;
	p2 =	seq.s32 @!p0 s5, $0x0  }
0x1f: {  	s9 =	smul.u32 $0xF7A, s1;
	s8 =	simm.s32 @!p0 $0x1BF5;
	p2 =	por !p2, p0  }
0x20: {  	[sflag:s8] =	ssyncset.s32 @!p0 $0xFFFFF086;
	s6 =	sadd.s32 @!p0 s3, s7;
	s7 =	simm.s32 @!p0 $0x108  }
0x21: {  	s3 =	sadd.s32 s3, s9;
	s6 =	sadd.s32 @!p0 $0x88, s6;
	s7 =	simm.s32 @p2 $0x1082  }
0x22: {  	[simem:s7], [sflag:s8] =	dma.local @!p0 [hbm:s6], $0xF7A  }
0x23: {  	s9 =	sor.u32 $0xD0000000, s2;
	s6 =	simm.s32 $0x108;
	_ =	swait.ge @!p0 [sflag:s8], $0x0  }
0x24: {  	s3 =	sadd.s32 $0x88, s3;
	s6 =	simm.s32 @!p1 $0x1082;
	[sflag:s4] =	ssyncset.s32 $0xFFFFF086  }
0x25: {  	[simem:s6], [sflag:s4] =	dma.local [hbm:s3], $0xF7A  }
0x26: {  	[smem:$0x3F93] =	sst s1;
	(tag) =	ssettag s2;
	_ =	strace s9  }
0x27: {  	s1 =	sld [smem:$0x3FA3]  }
0x28: {  	s2 =	sld [smem:$0x3FA4]  }
0x29: {  	s4 =	sld [smem:$0x3FA6]  }
0x2a: {  	p0 =	seq.s32 s5, $0x0;
	s5 =	sld [smem:$0x3FA7]  }
0x2b: {  	s6 =	sld [smem:$0x3FA8]  }
0x2c: {  	s7 =	sld [smem:$0x3FA9]  }
0x2d: {  	s3 =	simm.s32 $0x108;
	s8 =	sld [smem:$0x3FAA]  }
0x2e: {  	s3 =	simm.s32 @!p0 $0x1082;
	s9 =	sld [smem:$0x3FAB]  }
0x2f: {  	lr =	sadd.s32 s0, s3;
	s0 =	sld [smem:$0x3FA2]  }
0x30: {  	s3 =	sld [smem:$0x3FA5]  }
0x31: {  	[smem:$0x3FAE] =	sst s10  }
0x32: {  	s10 =	sld [smem:$0x3FAC];
	_ =	sdelay $0x3  }
0x33: {  	p0 =	seq.s32 s10, $0x1;
	s10 =	sld [smem:$0x3FAE];
	_ =	sdelay $0x3  }
0x34: {  	[smem:$0x3FAE] =	sst s10  }
0x35: {  	s10 =	sld [smem:$0x3FAD];
	_ =	sdelay $0x3  }
0x36: {  	p1 =	seq.s32 s10, $0x1;
	s10 =	sld [smem:$0x3FAE];
	_ =	sdelay $0x3  }
0x37: {  	[smem:$0x3FAE] =	sst s10  }
0x38: {  	s10 =	sld [smem:$0x3FAF]  }
0x39: {  	_ = 	snop;
	(pc) =	sbr.ind lr, $3  }
0x3a: {  	_ = 	snop  }
0x3b: {  	_ = 	snop  }
0x3c: {  	p2 =	seq.s32 s10, $0x1;
	s10 =	sld [smem:$0x3FAE]  }
0x3d: {  	_ =	shalt  }
0x3e: {  	_ =	shalt  }
0x3f: {  	_ =	shalt  }
0x40: {  	_ =	shalt  }
0x41: {  	_ =	shalt  }
0x42: {  	_ =	shalt  }
0x43: {  	_ =	shalt  }
0x44: {  	_ =	shalt  }
0x45: {  	_ =	shalt  }
0x46: {  	_ =	shalt  }
0x47: {  	_ =	shalt  }
0x48: {  	_ =	shalt  }
0x49: {  	_ =	shalt  }
0x4a: {  	_ =	shalt  }
0x4b: {  	_ =	shalt  }
0x4c: {  	_ =	shalt  }
0x4d: {  	_ =	shalt  }
0x4e: {  	_ =	shalt  }
0x4f: {  	_ =	shalt  }
0x50: {  	_ =	shalt  }
0x51: {  	_ =	shalt  }
0x52: {  	_ =	shalt  }
0x53: {  	_ =	shalt  }
0x54: {  	_ =	shalt  }
0x55: {  	_ =	shalt  }
0x56: {  	_ =	shalt  }
0x57: {  	_ =	shalt  }
0x58: {  	_ =	shalt  }
0x59: {  	_ =	shalt  }
0x5a: {  	_ =	shalt  }
0x5b: {  	_ =	shalt  }
0x5c: {  	_ =	shalt  }
0x5d: {  	_ =	shalt  }
0x5e: {  	_ =	shalt  }
0x5f: {  	_ =	shalt  }
0x60: {  	_ =	shalt  }
0x61: {  	_ =	shalt  }
0x62: {  	_ =	shalt  }
0x63: {  	_ =	shalt  }
0x64: {  	_ =	shalt  }
0x65: {  	_ =	shalt  }
0x66: {  	_ =	shalt  }
0x67: {  	_ =	shalt  }
0x68: {  	_ =	shalt  }
0x69: {  	_ =	shalt  }
0x6a: {  	_ =	shalt  }
0x6b: {  	_ =	shalt  }
0x6c: {  	_ =	shalt  }
0x6d: {  	_ =	shalt  }
0x6e: {  	_ =	shalt  }
0x6f: {  	_ =	shalt  }
0x70: {  	_ =	shalt  }
0x71: {  	_ =	shalt  }
0x72: {  	_ =	shalt  }
0x73: {  	_ =	shalt  }
0x74: {  	_ =	shalt  }
0x75: {  	_ =	shalt  }
0x76: {  	_ =	shalt  }
0x77: {  	_ =	shalt  }
0x78: {  	_ =	shalt  }
0x79: {  	_ =	shalt  }
0x7a: {  	_ =	shalt  }
0x7b: {  	_ =	shalt  }
0x7c: {  	_ =	shalt  }
0x7d: {  	_ =	shalt  }
0x7e: {  	_ =	shalt  }
0x7f: {  	_ =	shalt  }
0x80: {  	_ =	shalt  }
0x81: {  	_ =	shalt  }
0x82: {  	_ =	shalt  }
0x83: {  	_ =	shalt  }
0x84: {  	_ =	shalt  }
0x85: {  	_ =	shalt  }
0x86: {  	_ =	shalt  }
0x87: {  	_ =	shalt  }
.Lfunc_end0:
.L_simem_size_0:
called_computation.2_lowered:
.L_overlay_start_0:
0x88: {  	s2 =	sld [smem:$0x3FD9]  }
0x89: {  	s3 =	sld [smem:$0x3FFE];
	_ =	sdelay $0x1  }
0x8a: {  	s1 =	srdreg.scid  }
0x8b: {  	s0 =	sand.u32 $0x1, s1  }
0x8c: {  	s17 =	sshll.u32 s0, $0xA;
	s2 =	sadd.s32 s3, s2  }
0x8d: {  	s2 =	sadd.s32 s2, s17  }
0x8e: {  	[smem:$0x3FBA] =	sst s2  }
0x8f: {  	_ = 	snop  }
0x90: {  	s2 =	sld [smem:$0x3FD0];
	(tm) =	ssettm $0x1  }
0x91: {  	s18 =	sld [smem:$0x3FFB];
	_ =	sdelay $0x3  }
0x92: {  	_ =	strace s18  }
0x93: {  	s3 =	sld [smem:$0x3FFC];
	_ =	sdelay $0x3  }
0x94: {  	_ =	strace s3  }
0x95: {  	s3 =	sld [smem:$0x3FFD];
	_ =	sdelay $0x3  }
0x96: {  	_ =	strace s3  }
0x97: {  	_ =	strace $0x8FFFFFFF  }
0x98: {  	s19 =	sld [smem:$0x3FDB];
	_ =	sdelay $0x1  }
0x99: {  	s4 =	simm.s32 $_scs_section_size  }
0x9a: {  	s5 =	simm.s32 $_size__tile_overlayer_lowered;
	s6 =	simm.s32 $_tile_overlayer_lowered  }
0x9b: {  	s22 =	simm.s32 $0x1BFF;
	s21 =	sshll.u32 s6, $0x1;
	s3 =	sadd.s32 s4, s19  }
0x9c: {  	s7 =	simm.s32 $0x0;
	s20 =	sshll.u32 s5, $0x1;
	s5 =	sadd.s32 s21, s3  }
0x9d: {  	[timem:s7], [sflag:s22] =	dma.local [hbm:s5], s20  }
0x9e: {  	_ =	swait.ge [sflag:s22], s20  }
0x9f: {  	s4 =	ssub.s32 $0x0, s20;
	[sflag:s22] =	ssyncset.done $0x0  }
0xa0: {  	[sflag:s22] =	ssyncadd.s32 s4;
	_ =	sdelay $0x1  }
0xa1: {  	s23 =	simm.s32 $0x1B8B  }
0xa2: {  	_ =	swait.ge [sflag:s23], $0x1  }
0xa3: {  	[sflag:s23] =	ssyncset.done $0x0  }
0xa4: {  	s25 =	simm.s32 $0x1B8E;
	s24 =	sld [smem:$0x3FFE];
	[sflag:s23] =	ssyncadd.s32 $0xFFFFFFFF  }
0xa5: {  	s26 =	simm.s32 $execute0_lowered;
	[smem:$0x3FD2] =	sst s25  }
0xa6: {  	s5 =	sshll.u32 s26, $0x1;
	_ =	strace $0x8000004C;
	[dreg:$0x1] =	wrdreg $0xFFFFFFFF  }
0xa7: {  	s28 =	simm.s32 $_size_execute0_lowered;
	s3 =	sadd.s32 s3, s5;
	[dreg:$0x0] =	wrdreg $0x0  }
0xa8: {  	s5 =	sshll.u32 s28, $0x1;
	[dreg:$0x2] =	wrdreg s3  }
0xa9: {  	[dreg:$0x3] =	wrdreg s5  }
0xaa: {  	[dreg:$0x4] =	wrdreg $0xC0  }
0xab: {  	_ =	task [dreg:s7], $0x5FFFF  }
0xac: {  	[dreg:$0x1] =	wrdreg $0xFFFFFFFF  }
0xad: {  	[dreg:$0x0] =	wrdreg $0x60  }
0xae: {  	[dreg:$0x2] =	wrdreg s24  }
0xaf: {  	[dreg:$0x3] =	wrdreg s2  }
0xb0: {  	[dreg:$0x4] =	wrdreg $0x9  }
0xb1: {  	_ =	task.clear_ibuf [dreg:s7], $0x5FFFF;
	_ =	strace $0x9000004C  }
0xb2: {  	s29 =	simm.s32 $0x9;
	_ =	strace $0x8000004E  }
0xb3: {  	_ =	swait.ge [sflag:s29], $0x1  }
0xb4: {  	[sflag:s29] =	ssyncadd.s32 $0xFFFFFFFF  }
0xb5: {  	_ =	strace $0x9000004E  }
0xb6: {  	_ =	sfence  }
0xb7: {  	s30 =	sld [smem:$0x0];
	_ =	sdelay $0x2  }
0xb8: {  	s31 =	sshll.u32 s1, $0xD;
	s1 =	sshrl.u32 s1, $0x2  }
0xb9: {  	s3 =	sand.u32 $0x4000, s31;
	s1 =	sadd.s32 s1, s30  }
0xba: {  	s0 =	sor.u32 s3, s0;
	s1 =	sshll.u32 s1, $0x11  }
0xbb: {  	s0 =	sor.u32 s1, s0  }
0xbc: {  	s0 =	sadd.s32 $0x8F2B, s0  }
0xbd: {  	[sflag:s0] =	ssyncadd.remote.s32 $0x1  }
0xbe: {  	_ =	sfence.sel $0xFFFF  }
0xbf: {  	[dreg:$0x0] =	wrdreg $0xFFFFFFFF;
	(pc) =	sbr.abs _section_cstart, $3  }
0xc0: {  	[dreg:$0x1] =	wrdreg $0xFFFFFFFF  }
0xc1: {  	_ =	task.clear_ibuf [dreg:s7], $0x2FFFF;
	_ =	strace $0x9FFFFFFF  }
0xc2: {  	(tm) =	ssettm $0x7FFFFFFF  }
0xc3: {  	_ =	shalt  }
tec
execute0_lowered:
.L_overlay_start_1:
0x0: {  	(tag) =	ssettag $0x1  }
0x1: {  	s4 =	rddreg [dreg:$0x0]  }
0x2: {  	s8 =	rddreg [dreg:$0x1]  }
0x3: {  	s0 =	rddreg [dreg:$0x2];
	s3 =	srdreg.scid  }
0x4: {  	s1 =	stileid.u32;
	s2 =	simm.s32 $0x0;
	s5 =	sand.u32 $0x1, s3  }
0x5: {  	s28 =	sshll.u32 s1, $0x1;
	[smem:$0x7FF] =	sst s2;
	s9 =	smul.u32 $0x9C40, s1  }
0x6: {  	s3 =	sadd.s32 $0x32E00, s4;
	s11 =	smul.u32 $0x2710, s1;
	s6 =	sor.u32 s5, s28  }
0x7: {  	s7 =	sadd.s32 $0x3CE00, s4;
	s29 =	ssub.s32 $0x2, s5;
	s6 =	smul.u32 $0x1388, s6  }
0x8: {  	_ =	strace $0x8000004D;
	s12 =	smul.u32 $0x1388, s5;
	s10 =	sshrl.u32 s29, $0x1  }
0x9: {  	s13 =	smul.u32 $0x4E20, s5;
	s10 =	ssub.s32 s29, s10;
	s6 =	sadd.s32 $0x1380, s6  }
0xa: {  	s31 =	sadd.s32 s12, s11;
	s11 =	simm.s32 $0x1;
	s30 =	sshrl.u32 s6, $0x3  }
0xb: {  	s12 =	simm.s32 $0x8;
	s6 =	sshll.u32 s6, $0x2;
	s4 =	sadd.s32 s8, s30  }
0xc: {  	s5 =	sadd.s32 s7, s6;
	s7 =	sadd.s32 s9, s7;
	s6 =	smax.u32 s10, $0x1  }
0xd: {  	s9 =	sshrl.u32 s31, $0x3;
	s10 =	simm.s32 $0x80;
	s7 =	sadd.s32 s13, s7  }
0xe: {  	s8 =	sadd.s32 s9, s8;
	s9 =	simm.s32 $0x2;
	s13 =	simm.s32 $0x0  }
.LBB2_1:
0xf: {  	s14 =	sadd.s32 $0x0, s8  }
0x10: {  	[tilespmem:s2], [sflag:$0x2] =	stream.linear.gather [hbm4b:s14+s2], $0x80, $0x38;
	[tilespmem:$0x1080] =	vst v63  }
0x11: {  	_ =	swait.ge [sflag:s9], $0x80  }
0x12: {  	[sflag:s9] =	ssyncset.done $0x0  }
0x13: {  	[sflag:s9] =	ssyncadd.s32 $0xFFFFFF80  }
0x14: {  	[tilespmem:s10], [sflag:$0x1] =	stream.indirect.gather [hbm4b:s3+s10], $0x20, s2, s10, $0xb8;
	[tilespmem:$0x1080] =	vst v63  }
0x15: {  	_ =	swait.ge [sflag:s11], $0x1000  }
0x16: {  	[sflag:s11] =	ssyncset.done $0x0  }
0x17: {  	[sflag:s11] =	ssyncadd.s32 $0xFFFFF000  }
0x18: {  	[hbm4b:s7+s2] =	stream.linear.scatter [tilespmem:s10], [sflag:$0x2], $0x1000, $0x38;
	[tilespmem:$0x1080] =	vst v63  }
0x19: {  	s15 =	simm.s32 $0x10;
	_ =	swait.ge [sflag:s9], $0x1000  }
0x1a: {  	s16 =	simm.s32 $0x20;
	s14 =	sadd.s32 $0x200, s7;
	[sflag:s9] =	ssyncset.done $0x0  }
.LBB2_2:
0x1b: {  	s17 =	sadd.s32 s15, s8  }
0x1c: {  	[sflag:s9] =	ssyncadd.s32 $0xFFFFF000;
	s15 =	smov.u32 s16;
	s18 =	sadd.s32 $0x10, s16  }
0x1d: {  	[tilespmem:s2], [sflag:$0x2] =	stream.linear.gather [hbm4b:s17+s2], $0x80, $0x38;
	[tilespmem:$0x1080] =	vst v63  }
0x1e: {  	p0 =	sne.s32 s16, $0x260;
	_ =	swait.ge [sflag:s9], $0x80  }
0x1f: {  	[sflag:s9] =	ssyncset.done $0x0  }
0x20: {  	[sflag:s9] =	ssyncadd.s32 $0xFFFFFF80  }
0x21: {  	[tilespmem:s10], [sflag:$0x1] =	stream.indirect.gather [hbm4b:s3+s10], $0x20, s2, s10, $0xb8;
	[tilespmem:$0x1080] =	vst v63  }
0x22: {  	_ =	swait.ge [sflag:s11], $0x1000  }
.Ltmp0:
0x23: {  	[sflag:s11] =	ssyncset.done $0x0;
	(pc) =	sbr.rel @p0 .LBB2_2-.Ltmp0, $4  }
0x24: {  	[sflag:s11] =	ssyncadd.s32 $0xFFFFF000  }
0x25: {  	[hbm4b:s14+s2] =	stream.linear.scatter [tilespmem:s10], [sflag:$0x2], $0x1000, $0x38;
	[tilespmem:$0x1080] =	vst v63  }
0x26: {  	_ =	swait.ge [sflag:s9], $0x1000  }
0x27: {  	s16 =	smov.u32 s18;
	s14 =	sadd.s32 $0x200, s14;
	[sflag:s9] =	ssyncset.done $0x0  }
0x28: {  	s15 =	sadd.s32 s15, s8;
	[sflag:s9] =	ssyncadd.s32 $0xFFFFF000  }
0x29: {  	[tilespmem:s2], [sflag:$0x2] =	stream.linear.gather [hbm4b:s15+s2], $0x80, $0x38;
	[tilespmem:$0x1080] =	vst v63  }
0x2a: {  	_ =	swait.ge [sflag:s9], $0x80  }
0x2b: {  	[sflag:s9] =	ssyncset.done $0x0  }
0x2c: {  	[sflag:s9] =	ssyncadd.s32 $0xFFFFFF80  }
0x2d: {  	[tilespmem:s10], [sflag:$0x1] =	stream.indirect.gather [hbm4b:s3+s10], $0x20, s2, s10, $0xb8;
	[tilespmem:$0x1080] =	vst v63  }
0x2e: {  	_ =	swait.ge [sflag:s11], $0x1000  }
0x2f: {  	[sflag:s11] =	ssyncset.done $0x0  }
0x30: {  	[sflag:s11] =	ssyncadd.s32 $0xFFFFF000  }
0x31: {  	[hbm4b:s14+s2] =	stream.linear.scatter [tilespmem:s10], [sflag:$0x2], $0x1000, $0x38;
	[tilespmem:$0x1080] =	vst v63  }
0x32: {  	_ =	swait.ge [sflag:s9], $0x1000  }
0x33: {  	[sflag:s9] =	ssyncset.done $0x0  }
0x34: {  	[sflag:s9] =	ssyncadd.s32 $0xFFFFF000  }
0x35: {  	[tilespmem:s2], [sflag:$0x2] =	stream.linear.gather [hbm4b:s4+s2], $0x8, $0x38;
	[tilespmem:$0x1080] =	vst v63  }
0x36: {  	_ =	swait.ge [sflag:s9], $0x8  }
0x37: {  	[sflag:s9] =	ssyncset.done $0x0  }
0x38: {  	[sflag:s9] =	ssyncadd.s32 $0xFFFFFFF8  }
0x39: {  	[tilespmem:s10], [sflag:$0x1] =	stream.indirect.gather [hbm4b:s3+s12], $0x20, s2, s12, $0xb8;
	[tilespmem:$0x1080] =	vst v63  }
0x3a: {  	s13 =	sadd.s32 $0x1, s13;
	_ =	swait.ge [sflag:s11], $0x100  }
0x3b: {  	p0 =	sne.s32 s13, s6;
	[sflag:s11] =	ssyncset.done $0x0  }
.Ltmp1:
0x3c: {  	[sflag:s11] =	ssyncadd.s32 $0xFFFFFF00;
	(pc) =	sbr.rel @p0 .LBB2_1-.Ltmp1, $4  }
0x3d: {  	[hbm4b:s5+s2] =	stream.linear.scatter [tilespmem:s10], [sflag:$0x2], $0x100, $0x38;
	[tilespmem:$0x1080] =	vst v63  }
0x3e: {  	_ =	swait.ge [sflag:s9], $0x100  }
0x3f: {  	[sflag:s9] =	ssyncset.done $0x0  }
0x40: {  	[sflag:s9] =	ssyncadd.s32 $0xFFFFFF00  }
0x41: {  	_ =	sfence.sel $0x180000  }
0x42: {  	[bflag:$0x0] =	sbarrier.arrive $0xFFFF  }
0x43: {  	p0 =	sne.s32 s1, $0x0;
	_ =	strace $0x9000004D  }
0x44: {  	s0 =	sadd.s32 @!p0 $0x100000, s0;
	[bflag:$0x2] =	sbarrier.arrive $0xFFFF  }
0x45: {  	[sflag:s0] =	ssyncadd.tile.s32 @!p0 $0x1;
	_ =	shalt  }
.Lfunc_end2:
_tile_overlayer_lowered:
.L_overlay_start_2:
0x46: {  	(tag) =	ssettag $0x2  }
0x47: {  	s0 =	rddreg [dreg:$0x0];
	s2 =	stileid.u32  }
0x48: {  	s1 =	rddreg [dreg:$0x1];
	p0 =	sne.s32 s2, $0x0  }
0x49: {  	s3 =	rddreg [dreg:$0x2];
	[bflag:$0x3] =	sbarrier.arrive $0xFFFF;
	s2 =	simm.s32 @!p0 $0x1C02  }
0x4a: {  	[timem:s3], [sflag:s2] =	dma.local @!p0 [hbm:s0], s1  }
0x4b: {  	s0 =	simm.s32 @!p0 $0x2  }
0x4c: {  	_ =	swait.ge @!p0 [sflag:s0], s1  }
0x4d: {  	s1 =	ssub.s32 @!p0 $0x0, s1;
	[sflag:s0] =	ssyncset.done @!p0 $0x0  }
0x4e: {  	[sflag:s0] =	ssyncadd.s32 @!p0 s1  }
0x4f: {  	[bflag:$0x3] =	sbarrier.arrive $0xFFFF  }
0x50: {  	_ =	shalt  }

// kernel: kernel.37.cloned.1.call-start
scs
__scs_entry_jumppad:
0x0: {  	(pc) =	sbr.rel $0x88, $3  }
0x1: {  	(tag) =	ssettag $0x0;
	lr =	simm.s32 $0x1  }
0x2: {  	[smem:$0x3F93] =	sst lr;
	_ =	strace $0xD0000000  }
0x3: {  	_ = 	snop  }
0x4: {  	_ = 	snop  }
0x5: {  	_ = 	snop  }
0x6: {  	_ = 	snop  }
0x7: {  	_ = 	snop  }
__scs_overlays_trampoline_lowered:
0x8: {  	[smem:$0x3FA2] =	sst s0  }
0x9: {  	[smem:$0x3FA3] =	sst s1  }
0xa: {  	[smem:$0x3FA4] =	sst s2  }
0xb: {  	[smem:$0x3FA5] =	sst s3  }
0xc: {  	[smem:$0x3FA6] =	sst s4  }
0xd: {  	[smem:$0x3FA7] =	sst s5  }
0xe: {  	[smem:$0x3FA8] =	sst s6  }
0xf: {  	[smem:$0x3FA9] =	sst s7  }
0x10: {  	[smem:$0x3FAA] =	sst s8  }
0x11: {  	[smem:$0x3FAB] =	sst s9;
	s0 =	simm.s32 @!p0 $0x0  }
0x12: {  	s1 =	sld [smem:$0x3F91];
	s0 =	simm.s32 @p0 $0x1  }
0x13: {  	[smem:$0x3FAC] =	sst s0;
	s0 =	simm.s32 @!p1 $0x0  }
0x14: {  	s2 =	sld [smem:$0x3F90];
	s0 =	simm.s32 @p1 $0x1  }
0x15: {  	[smem:$0x3FAD] =	sst s0;
	s0 =	simm.s32 @!p2 $0x0  }
0x16: {  	s3 =	sld [smem:$0x3FDB];
	s0 =	simm.s32 @p2 $0x1  }
0x17: {  	s4 =	simm.s32 $0x1BF5;
	[smem:$0x3FAF] =	sst s0  }
0x18: {  	s0 =	sld [smem:$0x3F92];
	_ =	swait.ge [sflag:s4], $0x0  }
0x19: {  	s7 =	sld [smem:$0x3F93]  }
0x1a: {  	s8 =	sadd.s32 $0xFFFFE003, lr  }
0x1b: {  	s9 =	sadd.s32 $0xFFFFFEF7, lr;
	s5 =	simm.s32 $0xFFFFFFFF;
	p2 =	slt.u32 s8, $0xFFFFF086  }
0x1c: {  	p1 =	slt.u32 s9, $0xF7A;
	s5 =	simm.s32 @!p2 $0x0  }
0x1d: {  	s5 =	simm.s32 @p1 $0x1;
	p0 =	seq.s32 s7, s2  }
0x1e: {  	s7 =	smul.u32 @!p0 $0xF7A, s2;
	p2 =	seq.s32 @!p0 s5, $0x0  }
0x1f: {  	s9 =	smul.u32 $0xF7A, s1;
	s8 =	simm.s32 @!p0 $0x1BF5;
	p2 =	por !p2, p0  }
0x20: {  	[sflag:s8] =	ssyncset.s32 @!p0 $0xFFFFF086;
	s6 =	sadd.s32 @!p0 s3, s7;
	s7 =	simm.s32 @!p0 $0x108  }
0x21: {  	s3 =	sadd.s32 s3, s9;
	s6 =	sadd.s32 @!p0 $0x88, s6;
	s7 =	simm.s32 @p2 $0x1082  }
0x22: {  	[simem:s7], [sflag:s8] =	dma.local @!p0 [hbm:s6], $0xF7A  }
0x23: {  	s9 =	sor.u32 $0xD0000000, s2;
	s6 =	simm.s32 $0x108;
	_ =	swait.ge @!p0 [sflag:s8], $0x0  }
0x24: {  	s3 =	sadd.s32 $0x88, s3;
	s6 =	simm.s32 @!p1 $0x1082;
	[sflag:s4] =	ssyncset.s32 $0xFFFFF086  }
0x25: {  	[simem:s6], [sflag:s4] =	dma.local [hbm:s3], $0xF7A  }
0x26: {  	[smem:$0x3F93] =	sst s1;
	(tag) =	ssettag s2;
	_ =	strace s9  }
0x27: {  	s1 =	sld [smem:$0x3FA3]  }
0x28: {  	s2 =	sld [smem:$0x3FA4]  }
0x29: {  	s4 =	sld [smem:$0x3FA6]  }
0x2a: {  	p0 =	seq.s32 s5, $0x0;
	s5 =	sld [smem:$0x3FA7]  }
0x2b: {  	s6 =	sld [smem:$0x3FA8]  }
0x2c: {  	s7 =	sld [smem:$0x3FA9]  }
0x2d: {  	s3 =	simm.s32 $0x108;
	s8 =	sld [smem:$0x3FAA]  }
0x2e: {  	s3 =	simm.s32 @!p0 $0x1082;
	s9 =	sld [smem:$0x3FAB]  }
0x2f: {  	lr =	sadd.s32 s0, s3;
	s0 =	sld [smem:$0x3FA2]  }
0x30: {  	s3 =	sld [smem:$0x3FA5]  }
0x31: {  	[smem:$0x3FAE] =	sst s10  }
0x32: {  	s10 =	sld [smem:$0x3FAC];
	_ =	sdelay $0x3  }
0x33: {  	p0 =	seq.s32 s10, $0x1;
	s10 =	sld [smem:$0x3FAE];
	_ =	sdelay $0x3  }
0x34: {  	[smem:$0x3FAE] =	sst s10  }
0x35: {  	s10 =	sld [smem:$0x3FAD];
	_ =	sdelay $0x3  }
0x36: {  	p1 =	seq.s32 s10, $0x1;
	s10 =	sld [smem:$0x3FAE];
	_ =	sdelay $0x3  }
0x37: {  	[smem:$0x3FAE] =	sst s10  }
0x38: {  	s10 =	sld [smem:$0x3FAF]  }
0x39: {  	_ = 	snop;
	(pc) =	sbr.ind lr, $3  }
0x3a: {  	_ = 	snop  }
0x3b: {  	_ = 	snop  }
0x3c: {  	p2 =	seq.s32 s10, $0x1;
	s10 =	sld [smem:$0x3FAE]  }
0x3d: {  	_ =	shalt  }
0x3e: {  	_ =	shalt  }
0x3f: {  	_ =	shalt  }
0x40: {  	_ =	shalt  }
0x41: {  	_ =	shalt  }
0x42: {  	_ =	shalt  }
0x43: {  	_ =	shalt  }
0x44: {  	_ =	shalt  }
0x45: {  	_ =	shalt  }
0x46: {  	_ =	shalt  }
0x47: {  	_ =	shalt  }
0x48: {  	_ =	shalt  }
0x49: {  	_ =	shalt  }
0x4a: {  	_ =	shalt  }
0x4b: {  	_ =	shalt  }
0x4c: {  	_ =	shalt  }
0x4d: {  	_ =	shalt  }
0x4e: {  	_ =	shalt  }
0x4f: {  	_ =	shalt  }
0x50: {  	_ =	shalt  }
0x51: {  	_ =	shalt  }
0x52: {  	_ =	shalt  }
0x53: {  	_ =	shalt  }
0x54: {  	_ =	shalt  }
0x55: {  	_ =	shalt  }
0x56: {  	_ =	shalt  }
0x57: {  	_ =	shalt  }
0x58: {  	_ =	shalt  }
0x59: {  	_ =	shalt  }
0x5a: {  	_ =	shalt  }
0x5b: {  	_ =	shalt  }
0x5c: {  	_ =	shalt  }
0x5d: {  	_ =	shalt  }
0x5e: {  	_ =	shalt  }
0x5f: {  	_ =	shalt  }
0x60: {  	_ =	shalt  }
0x61: {  	_ =	shalt  }
0x62: {  	_ =	shalt  }
0x63: {  	_ =	shalt  }
0x64: {  	_ =	shalt  }
0x65: {  	_ =	shalt  }
0x66: {  	_ =	shalt  }
0x67: {  	_ =	shalt  }
0x68: {  	_ =	shalt  }
0x69: {  	_ =	shalt  }
0x6a: {  	_ =	shalt  }
0x6b: {  	_ =	shalt  }
0x6c: {  	_ =	shalt  }
0x6d: {  	_ =	shalt  }
0x6e: {  	_ =	shalt  }
0x6f: {  	_ =	shalt  }
0x70: {  	_ =	shalt  }
0x71: {  	_ =	shalt  }
0x72: {  	_ =	shalt  }
0x73: {  	_ =	shalt  }
0x74: {  	_ =	shalt  }
0x75: {  	_ =	shalt  }
0x76: {  	_ =	shalt  }
0x77: {  	_ =	shalt  }
0x78: {  	_ =	shalt  }
0x79: {  	_ =	shalt  }
0x7a: {  	_ =	shalt  }
0x7b: {  	_ =	shalt  }
0x7c: {  	_ =	shalt  }
0x7d: {  	_ =	shalt  }
0x7e: {  	_ =	shalt  }
0x7f: {  	_ =	shalt  }
0x80: {  	_ =	shalt  }
0x81: {  	_ =	shalt  }
0x82: {  	_ =	shalt  }
0x83: {  	_ =	shalt  }
0x84: {  	_ =	shalt  }
0x85: {  	_ =	shalt  }
0x86: {  	_ =	shalt  }
0x87: {  	_ =	shalt  }
.Lfunc_end0:
.L_simem_size_0:
called_computation.3_lowered:
.L_overlay_start_0:
0x88: {  	s2 =	sld [smem:$0x3FD9]  }
0x89: {  	s3 =	sld [smem:$0x3FFE];
	_ =	sdelay $0x1  }
0x8a: {  	s1 =	srdreg.scid  }
0x8b: {  	s0 =	sand.u32 $0x1, s1  }
0x8c: {  	s16 =	sshll.u32 s0, $0xA;
	s2 =	sadd.s32 s3, s2  }
0x8d: {  	s2 =	sadd.s32 s2, s16  }
0x8e: {  	[smem:$0x3FBA] =	sst s2  }
0x8f: {  	_ = 	snop  }
0x90: {  	(tm) =	ssettm $0x1  }
0x91: {  	s17 =	sld [smem:$0x3FFB];
	_ =	sdelay $0x3  }
0x92: {  	_ =	strace s17  }
0x93: {  	s2 =	sld [smem:$0x3FFC];
	_ =	sdelay $0x3  }
0x94: {  	_ =	strace s2  }
0x95: {  	s2 =	sld [smem:$0x3FFD];
	_ =	sdelay $0x3  }
0x96: {  	_ =	strace s2  }
0x97: {  	_ =	strace $0x8FFFFFFF  }
0x98: {  	s18 =	sld [smem:$0x3FDB];
	_ =	sdelay $0x1  }
0x99: {  	s19 =	simm.s32 $_scs_section_size  }
0x9a: {  	s4 =	simm.s32 $_size__tile_overlayer_lowered;
	s5 =	simm.s32 $_tile_overlayer_lowered  }
0x9b: {  	s22 =	simm.s32 $0x1BFF;
	s21 =	sshll.u32 s5, $0x1;
	s2 =	sadd.s32 s19, s18  }
0x9c: {  	s6 =	simm.s32 $0x0;
	s20 =	sshll.u32 s4, $0x1;
	s4 =	sadd.s32 s21, s2  }
0x9d: {  	[timem:s6], [sflag:s22] =	dma.local [hbm:s4], s20  }
0x9e: {  	_ =	swait.ge [sflag:s22], s20  }
0x9f: {  	s3 =	ssub.s32 $0x0, s20;
	[sflag:s22] =	ssyncset.done $0x0  }
0xa0: {  	[sflag:s22] =	ssyncadd.s32 s3;
	_ =	sdelay $0x1  }
0xa1: {  	s23 =	simm.s32 $0x1B8B  }
0xa2: {  	_ =	swait.ge [sflag:s23], $0x1  }
0xa3: {  	[sflag:s23] =	ssyncset.done $0x0  }
0xa4: {  	s25 =	simm.s32 $0x1B8E;
	s24 =	sld [smem:$0x3FFE];
	[sflag:s23] =	ssyncadd.s32 $0xFFFFFFFF  }
0xa5: {  	s26 =	simm.s32 $execute0_lowered;
	[smem:$0x3FD2] =	sst s25  }
0xa6: {  	s4 =	sshll.u32 s26, $0x1;
	_ =	strace $0x8000004F;
	[dreg:$0x1] =	wrdreg $0xFFFFFFFF  }
0xa7: {  	s28 =	simm.s32 $_size_execute0_lowered;
	s2 =	sadd.s32 s2, s4;
	[dreg:$0x0] =	wrdreg $0x0  }
0xa8: {  	s4 =	sshll.u32 s28, $0x1;
	[dreg:$0x2] =	wrdreg s2  }
0xa9: {  	[dreg:$0x3] =	wrdreg s4  }
0xaa: {  	[dreg:$0x4] =	wrdreg $0xC0  }
0xab: {  	_ =	task [dreg:s6], $0x5FFFF  }
0xac: {  	[dreg:$0x1] =	wrdreg $0xFFFFFFFF  }
0xad: {  	[dreg:$0x0] =	wrdreg $0x60  }
0xae: {  	[dreg:$0x2] =	wrdreg s24  }
0xaf: {  	[dreg:$0x3] =	wrdreg $0x9  }
0xb0: {  	_ =	task.clear_ibuf [dreg:s6], $0x4FFFF;
	_ =	strace $0x9000004F  }
0xb1: {  	s29 =	simm.s32 $0x9;
	_ =	strace $0x80000051  }
0xb2: {  	_ =	swait.ge [sflag:s29], $0x1  }
0xb3: {  	[sflag:s29] =	ssyncadd.s32 $0xFFFFFFFF  }
0xb4: {  	_ =	strace $0x90000051  }
0xb5: {  	_ =	sfence  }
0xb6: {  	s30 =	sld [smem:$0x0];
	_ =	sdelay $0x2  }
0xb7: {  	s31 =	sshll.u32 s1, $0xD;
	s1 =	sshrl.u32 s1, $0x2  }
0xb8: {  	s3 =	sand.u32 $0x4000, s31;
	s1 =	sadd.s32 s1, s30  }
0xb9: {  	s0 =	sor.u32 s3, s0;
	s1 =	sshll.u32 s1, $0x11  }
0xba: {  	s0 =	sor.u32 s1, s0  }
0xbb: {  	s0 =	sadd.s32 $0x8F2B, s0  }
0xbc: {  	[sflag:s0] =	ssyncadd.remote.s32 $0x1  }
0xbd: {  	_ =	sfence.sel $0xFFFF  }
0xbe: {  	[dreg:$0x0] =	wrdreg $0xFFFFFFFF;
	(pc) =	sbr.abs _section_cstart, $3  }
0xbf: {  	[dreg:$0x1] =	wrdreg $0xFFFFFFFF  }
0xc0: {  	_ =	task.clear_ibuf [dreg:s6], $0x2FFFF;
	_ =	strace $0x9FFFFFFF  }
0xc1: {  	(tm) =	ssettm $0x7FFFFFFF  }
tec
execute0_lowered:
.L_overlay_start_1:
0x0: {  	(tag) =	ssettag $0x1  }
0x1: {  	s0 =	rddreg [dreg:$0x0];
	s3 =	srdreg.scid  }
0x2: {  	s1 =	stileid.u32;
	s2 =	simm.s32 $0x0;
	s11 =	simm.s32 $0x2  }
0x3: {  	s12 =	simm.s32 $0x1;
	s13 =	simm.s32 $0x3800;
	s14 =	simm.s32 $0x39D0  }
0x4: {  	s15 =	simm.s32 $0x80;
	s7 =	sand.u32 $0x1, s3;
	s30 =	sshll.u32 s1, $0x1  }
0x5: {  	s16 =	simm.s32 $0x2800;
	s17 =	simm.s32 $0x0;
	s6 =	sor.u32 s7, s30  }
0x6: {  	[smem:$0x7FF] =	sst s2;
	s4 =	sadd.s32 $0x32E00, s0;
	s3 =	smul.u32 $0x140, s6  }
.Ltmp0:
0x7: {  	s5 =	sadd.s32 $0xD9200, s0;
	_ =	strace $0x80000050;
	(pc) =	sbr.rel .LBB2_1-.Ltmp0, $4  }
0x8: {  	s7 =	ssub.s32 $0x2, s7;
	s8 =	smul.u32 $0x500, s6;
	s9 =	sshrl.u32 s3, $0x3  }
0x9: {  	s6 =	sadd.s32 $0xDE400, s0;
	s31 =	sshrl.u32 s7, $0x1;
	s9 =	sadd.s32 s9, s0  }
0xa: {  	s10 =	ssub.s32 s7, s31;
	s0 =	sadd.s32 s8, s0;
	s7 =	sadd.s32 $0x354400, s9  }
0xb: {  	v0 =	vimm.f32 $0.0e+00;
	s8 =	sadd.s32 $0xCF200, s0;
	s9 =	smax.u32 s10, $0x1;
	s10 =	simm.s32 $0x3880  }
.LBB2_13:
0xc: {  	s17 =	sadd.s32 $0x1, s17  }
0xd: {  	p0 =	sne.s32 s17, s9  }
.Ltmp1:
0xe: {  	_ = 	snop;
	(pc) =	sbr.rel @!p0 .LBB2_14-.Ltmp1, $4  }
0xf: {  	[hbm4b:s8+s2] =	stream.linear.scatter [tilespmem:s2], [sflag:$0x2], $0x2800, $0x38;
	[tilespmem:$0x3A60] =	vst v63  }
0x10: {  	_ =	swait.ge [sflag:s11], $0x2800  }
0x11: {  	[sflag:s11] =	ssyncset.done $0x0  }
0x12: {  	[sflag:s11] =	ssyncadd.s32 $0xFFFFD800  }
.LBB2_1:
0x13: {  	[tilespmem:s10], [sflag:$0x2] =	stream.linear.gather [hbm4b:s7+s2], $0x150, $0x38;
	[tilespmem:$0x3A60] =	vst v63  }
0x14: {  	_ =	swait.ge [sflag:s11], $0x150  }
0x15: {  	[sflag:s11] =	ssyncset.done $0x0  }
0x16: {  	[sflag:s11] =	ssyncadd.s32 $0xFFFFFEB0  }
0x17: {  	v1 =	vld [tilespmem:$0x3880]  }
0x18: {  	s0 =	simm.s32 $0x40;
	s22 =	simm.s32 $0x0;
	v2 =	vld [tilespmem:$0x39C0]  }
.LBB2_2:
0x19: {  	p0 =	sne.s32 s0, $0x9FC0;
	[tilespmem:s22+$0x0] =	vst v0;
	s18 =	smov.u32 s0;
	s0 =	sadd.s32 $0x40, s0  }
.Ltmp2:
0x1a: {  	(pc) =	sbr.rel @p0 .LBB2_2-.Ltmp2, $2  }
0x1b: {  	_ =	sdelay $0x2  }
0x1c: {  	s22 =	sshra.s32 s18, $0x2  }
0x1d: {  	(v2sf) =	vpush v1, $0x0;
	_ =	sdelay $0x6  }
0x1e: {  	(v2sf) =	vpush v2, $0x0;
	_ =	sdelay $0x7  }
0x1f: {  	s18 =	spop (v2sf)  }
0x20: {  	s0 =	sand.u32 $0x7, s18  }
0x21: {  	s19 =	sshra.s32 s18, $0x1F;
	p0 =	slt.s32 s18, $0x1;
	p1 =	sne.s32 s0, $0x0  }
0x22: {  	s29 =	sshrl.u32 s19, $0x1D;
	p0 =	por !p0, !p1  }
0x23: {  	s19 =	simm.s32 $0x1;
	s0 =	sadd.s32 s29, s18;
	p0 =	por !p0, !p0  }
0x24: {  	s0 =	sshra.s32 s0, $0x3;
	s19 =	simm.s32 @!p0 $0x0  }
0x25: {  	s23 =	ssub.s32 s0, s19  }
0x26: {  	s19 =	spop (v2sf);
	s20 =	sshll.u32 s23, $0x3  }
0x27: {  	s30 =	ssub.s32 s19, s20  }
0x28: {  	s0 =	sadd.s32 $0x7F, s30  }
0x29: {  	s21 =	sand.u32 $0x7F, s0  }
0x2a: {  	s31 =	sshra.s32 s0, $0x1F;
	p6 =	slt.s32 s0, $0x1;
	p5 =	sne.s32 s21, $0x0  }
0x2b: {  	s21 =	sshrl.u32 s31, $0x19;
	p0 =	por !p6, !p5  }
0x2c: {  	s0 =	sadd.s32 s21, s0;
	s21 =	simm.s32 $0x1;
	p0 =	por !p0, !p0  }
0x2d: {  	s0 =	sshra.s32 s0, $0x7;
	s21 =	simm.s32 @!p0 $0x0  }
0x2e: {  	s21 =	ssub.s32 s0, s21  }
0x2f: {  	p0 =	slt.s32 s21, $0x1  }
.Ltmp3:
0x30: {  	_ = 	snop;
	(pc) =	sbr.rel @p0 .LBB2_13-.Ltmp3, $2  }
0x31: {  	_ =	sdelay $0x2  }
0x32: {  	[tilespmem:s22+$0x0] =	vst v0  }
.Ltmp4:
0x33: {  	(pc) =	sbr.rel .LBB2_5-.Ltmp4, $3  }
0x34: {  	_ =	sdelay $0x1  }
0x35: {  	s0 =	sshll.u32 s23, $0x3  }
0x36: {  	s23 =	simm.s32 $0x0;
	s24 =	smov.u32 s20;
	s22 =	ssub.s32 $0x0, s0  }
.LBB2_7:
0x37: {  	s29 =	smov.u32 s25  }
.LBB2_11:
0x38: {  	s1 =	sor.u32 s31, s30;
	[tilespmem:s0+$0x0] =	vst.add.f32.msk @p0 $0xffff, v1  }
0x39: {  	v1 =	vld [tilespmem:s1+$0x39D0];
	_ =	sdelay $0x4  }
0x3a: {  	(v2sf) =	vpush v1, $0x0;
	_ =	sdelay $0xb  }
0x3b: {  	s0 =	sadd.s32 @p0 $0x20, s29  }
0x3c: {  	s25 =	smov.u32 @p0 s0  }
0x3d: {  	v1 =	vld [tilespmem:s25+$0xFFFFFFF0]  }
0x3e: {  	s31 =	spop (v2sf)  }
0x3f: {  	s0 =	ssub.s32 s31, s3  }
0x40: {  	s0 =	sshll.u32 s0, $0x7  }
0x41: {  	s0 =	sshra.s32 s0, $0x2  }
0x42: {  	[tilespmem:s0+$0x0] =	vst.add.f32.msk $0xffff, v1  }
0x43: {  	v1 =	vld [tilespmem:s25+$0x0];
	_ =	sdelay $0x3  }
0x44: {  	s0 =	sor.u32 $0x10, s0  }
0x45: {  	[tilespmem:s0+$0x0] =	vst.add.f32.msk $0xffff, v1  }
.LBB2_12:
0x46: {  	s23 =	sadd.s32 $0x1, s23  }
0x47: {  	p0 =	sne.s32 s23, s21  }
.Ltmp5:
0x48: {  	_ = 	snop;
	(pc) =	sbr.rel @!p0 .LBB2_13-.Ltmp5, $2  }
0x49: {  	_ =	sdelay $0x2  }
0x4a: {  	s24 =	sadd.s32 $0x80, s24;
	s22 =	sadd.s32 $0xFFFFFF80, s22  }
.LBB2_5:
0x4b: {  	s0 =	sshll.u32 s23, $0x7  }
0x4c: {  	s0 =	sadd.s32 s20, s0  }
0x4d: {  	s25 =	sshrl.u32 s0, $0x3  }
0x4e: {  	s26 =	sadd.s32 s5, s25  }
0x4f: {  	[tilespmem:s13], [sflag:$0x2] =	stream.linear.gather [hbm4b:s26+s2], $0x80, $0x38;
	[tilespmem:$0x3A60] =	vst v63  }
0x50: {  	_ =	swait.ge [sflag:s11], $0x80  }
0x51: {  	[sflag:s11] =	ssyncset.done $0x0  }
0x52: {  	s25 =	sadd.s32 s6, s25;
	[sflag:s11] =	ssyncadd.s32 $0xFFFFFF80  }
0x53: {  	[tilespmem:s14], [sflag:$0x2] =	stream.linear.gather [hbm4b:s25+s2], $0x80, $0x38;
	[tilespmem:$0x3A60] =	vst v63  }
0x54: {  	s28 =	smov.u32 s18;
	s25 =	sadd.s32 $0x80, s0  }
0x55: {  	p0 =	sgt.s32 s0, s18;
	s26 =	smov.u32 s19;
	p1 =	slt.s32 s25, s19  }
0x56: {  	s28 =	smov.u32 @p0 s0;
	_ =	swait.ge [sflag:s11], $0x80;
	s26 =	smov.u32 @p1 s25  }
0x57: {  	[sflag:s11] =	ssyncset.done $0x0;
	p0 =	sge.s32 s28, s26  }
.Ltmp6:
0x58: {  	[sflag:s11] =	ssyncadd.s32 $0xFFFFFF80;
	(pc) =	sbr.rel @p0 .LBB2_12-.Ltmp6, $4  }
0x59: {  	[tilespmem:s16], [sflag:$0x1] =	stream.indirect.gather [hbm4b:s4+s15], $0x20, s13, s15, $0xb8;
	[tilespmem:$0x3A60] =	vst v63  }
0x5a: {  	_ =	swait.ge [sflag:s12], $0x1000  }
0x5b: {  	[sflag:s12] =	ssyncset.done $0x0  }
0x5c: {  	[sflag:s12] =	ssyncadd.s32 $0xFFFFF000  }
0x5d: {  	s29 =	sadd.s32 $0x1, s28  }
0x5e: {  	p0 =	sgt.s32 s18, s24;
	s0 =	smov.u32 s24;
	p1 =	slt.s32 s29, s26  }
.Ltmp7:
0x5f: {  	s0 =	smov.u32 @p0 s18;
	(pc) =	sbr.rel @!p1 .LBB2_7-.Ltmp7, $4  }
0x60: {  	s0 =	sadd.s32 s22, s0  }
0x61: {  	s0 =	sshll.u32 s0, $0x7  }
0x62: {  	s1 =	sadd.s32 s28, s22;
	s31 =	sand.u32 $0x7, s28;
	s0 =	sshra.s32 s0, $0x2  }
0x63: {  	s30 =	sand.u32 $0xFFFFFFF8, s1;
	p0 =	por $0x0, $0x0;
	s25 =	sadd.s32 $0x2810, s0  }
0x64: {  	s0 =	sor.u32 s31, s30  }
0x65: {  	v1 =	vld [tilespmem:s0+$0x39D0];
	_ =	sdelay $0x4  }
0x66: {  	(v2sf) =	vpush v1, $0x0;
	_ =	sdelay $0xd  }
0x67: {  	v1 =	vld [tilespmem:s25+$0xFFFFFFF0]  }
0x68: {  	s1 =	spop (v2sf)  }
0x69: {  	s0 =	ssub.s32 s1, s3  }
0x6a: {  	s0 =	sshll.u32 s0, $0x7  }
0x6b: {  	s28 =	sadd.s32 $0x1, s29;
	s0 =	sshra.s32 s0, $0x2  }
0x6c: {  	p1 =	slt.s32 s28, s26;
	[tilespmem:s0+$0x0] =	vst.add.f32.msk $0xffff, v1  }
.Ltmp8:
0x6d: {  	v1 =	vld [tilespmem:s25+$0x0];
	(pc) =	sbr.rel @!p1 .LBB2_9-.Ltmp8, $3  }
0x6e: {  	_ =	sdelay $0x1  }
0x6f: {  	s30 =	sadd.s32 s29, s22;
	s31 =	sand.u32 $0x7, s29;
	p0 =	por $0x1, $0x1  }
0x70: {  	s29 =	smov.u32 s25;
	s30 =	sand.u32 $0xFFFFFFF8, s30;
	s0 =	sor.u32 $0x10, s0  }
.LBB2_10:
0x71: {  	s30 =	sor.u32 s31, s30  }
0x72: {  	[tilespmem:s0+$0x0] =	vst.add.f32.msk $0xffff, v1;
	s29 =	sadd.s32 $0x20, s29;
	s0 =	smov.u32 s28;
	s28 =	sadd.s32 $0x1, s28  }
0x73: {  	p1 =	slt.s32 s28, s26;
	v1 =	vld [tilespmem:s30+$0x39D0];
	_ =	sdelay $0x4  }
0x74: {  	(v2sf) =	vpush v1, $0x0;
	_ =	sdelay $0xd  }
0x75: {  	v1 =	vld [tilespmem:s29+$0xFFFFFFF0]  }
0x76: {  	s30 =	spop (v2sf)  }
0x77: {  	s30 =	ssub.s32 s30, s3  }
0x78: {  	s30 =	sshll.u32 s30, $0x7  }
0x79: {  	s1 =	sshra.s32 s30, $0x2  }
0x7a: {  	[tilespmem:s1+$0x0] =	vst.add.f32.msk $0xffff, v1  }
.Ltmp9:
0x7b: {  	v1 =	vld [tilespmem:s29+$0x0];
	(pc) =	sbr.rel @p1 .LBB2_10-.Ltmp9, $3  }
0x7c: {  	_ =	sdelay $0x1  }
0x7d: {  	s30 =	sadd.s32 s0, s22  }
0x7e: {  	s31 =	sand.u32 $0x7, s0;
	s30 =	sand.u32 $0xFFFFFFF8, s30;
	s0 =	sor.u32 $0x10, s1  }
.Ltmp10:
0x7f: {  	_ = 	snop;
	(pc) =	sbr.rel .LBB2_11-.Ltmp10, $1  }
0x80: {  	_ =	sdelay $0x3  }
.LBB2_9:
.Ltmp11:
0x81: {  	(pc) =	sbr.rel .LBB2_11-.Ltmp11, $2  }
0x82: {  	_ =	sdelay $0x2  }
0x83: {  	s29 =	smov.u32 s25  }
.LBB2_14:
0x84: {  	_ =	sfence.sel $0x180000  }
0x85: {  	[bflag:$0x0] =	sbarrier.arrive $0xFFFF  }
0x86: {  	_ =	strace $0x90000050  }
0x87: {  	s0 =	stileid.u32;
	[bflag:$0x2] =	sbarrier.arrive $0xFFFF  }
0x88: {  	p0 =	sne.s32 s0, $0x0;
	s0 =	rddreg [dreg:$0x1]  }
0x89: {  	s0 =	sadd.s32 @!p0 $0x100000, s0  }
0x8a: {  	[sflag:s0] =	ssyncadd.tile.s32 @!p0 $0x1;
	_ =	shalt  }
.Lfunc_end2:
_tile_overlayer_lowered:
.L_overlay_start_2:
0x8b: {  	(tag) =	ssettag $0x2  }
0x8c: {  	s0 =	rddreg [dreg:$0x0];
	s2 =	stileid.u32  }
0x8d: {  	s1 =	rddreg [dreg:$0x1];
	p0 =	sne.s32 s2, $0x0  }
0x8e: {  	s3 =	rddreg [dreg:$0x2];
	[bflag:$0x3] =	sbarrier.arrive $0xFFFF;
	s2 =	simm.s32 @!p0 $0x1C02  }
0x8f: {  	[timem:s3], [sflag:s2] =	dma.local @!p0 [hbm:s0], s1  }
0x90: {  	s0 =	simm.s32 @!p0 $0x2  }
0x91: {  	_ =	swait.ge @!p0 [sflag:s0], s1  }
0x92: {  	s1 =	ssub.s32 @!p0 $0x0, s1;
	[sflag:s0] =	ssyncset.done @!p0 $0x0  }
0x93: {  	[sflag:s0] =	ssyncadd.s32 @!p0 s1  }
0x94: {  	[bflag:$0x3] =	sbarrier.arrive $0xFFFF  }
0x95: {  	_ =	shalt  }

// kernel: kernel.40.cloned.1.call-start
scs
__scs_entry_jumppad:
0x0: {  	(pc) =	sbr.rel $0x88, $3  }
0x1: {  	(tag) =	ssettag $0x0;
	lr =	simm.s32 $0x1  }
0x2: {  	[smem:$0x3F93] =	sst lr;
	_ =	strace $0xD0000000  }
0x3: {  	_ = 	snop  }
0x4: {  	_ = 	snop  }
0x5: {  	_ = 	snop  }
0x6: {  	_ = 	snop  }
0x7: {  	_ = 	snop  }
__scs_overlays_trampoline_lowered:
0x8: {  	[smem:$0x3FA2] =	sst s0  }
0x9: {  	[smem:$0x3FA3] =	sst s1  }
0xa: {  	[smem:$0x3FA4] =	sst s2  }
0xb: {  	[smem:$0x3FA5] =	sst s3  }
0xc: {  	[smem:$0x3FA6] =	sst s4  }
0xd: {  	[smem:$0x3FA7] =	sst s5  }
0xe: {  	[smem:$0x3FA8] =	sst s6  }
0xf: {  	[smem:$0x3FA9] =	sst s7  }
0x10: {  	[smem:$0x3FAA] =	sst s8  }
0x11: {  	[smem:$0x3FAB] =	sst s9;
	s0 =	simm.s32 @!p0 $0x0  }
0x12: {  	s1 =	sld [smem:$0x3F91];
	s0 =	simm.s32 @p0 $0x1  }
0x13: {  	[smem:$0x3FAC] =	sst s0;
	s0 =	simm.s32 @!p1 $0x0  }
0x14: {  	s2 =	sld [smem:$0x3F90];
	s0 =	simm.s32 @p1 $0x1  }
0x15: {  	[smem:$0x3FAD] =	sst s0;
	s0 =	simm.s32 @!p2 $0x0  }
0x16: {  	s3 =	sld [smem:$0x3FDB];
	s0 =	simm.s32 @p2 $0x1  }
0x17: {  	s4 =	simm.s32 $0x1BF5;
	[smem:$0x3FAF] =	sst s0  }
0x18: {  	s0 =	sld [smem:$0x3F92];
	_ =	swait.ge [sflag:s4], $0x0  }
0x19: {  	s7 =	sld [smem:$0x3F93]  }
0x1a: {  	s8 =	sadd.s32 $0xFFFFE003, lr  }
0x1b: {  	s9 =	sadd.s32 $0xFFFFFEF7, lr;
	s5 =	simm.s32 $0xFFFFFFFF;
	p2 =	slt.u32 s8, $0xFFFFF086  }
0x1c: {  	p1 =	slt.u32 s9, $0xF7A;
	s5 =	simm.s32 @!p2 $0x0  }
0x1d: {  	s5 =	simm.s32 @p1 $0x1;
	p0 =	seq.s32 s7, s2  }
0x1e: {  	s7 =	smul.u32 @!p0 $0xF7A, s2;
	p2 =	seq.s32 @!p0 s5, $0x0  }
0x1f: {  	s9 =	smul.u32 $0xF7A, s1;
	s8 =	simm.s32 @!p0 $0x1BF5;
	p2 =	por !p2, p0  }
0x20: {  	[sflag:s8] =	ssyncset.s32 @!p0 $0xFFFFF086;
	s6 =	sadd.s32 @!p0 s3, s7;
	s7 =	simm.s32 @!p0 $0x108  }
0x21: {  	s3 =	sadd.s32 s3, s9;
	s6 =	sadd.s32 @!p0 $0x88, s6;
	s7 =	simm.s32 @p2 $0x1082  }
0x22: {  	[simem:s7], [sflag:s8] =	dma.local @!p0 [hbm:s6], $0xF7A  }
0x23: {  	s9 =	sor.u32 $0xD0000000, s2;
	s6 =	simm.s32 $0x108;
	_ =	swait.ge @!p0 [sflag:s8], $0x0  }
0x24: {  	s3 =	sadd.s32 $0x88, s3;
	s6 =	simm.s32 @!p1 $0x1082;
	[sflag:s4] =	ssyncset.s32 $0xFFFFF086  }
0x25: {  	[simem:s6], [sflag:s4] =	dma.local [hbm:s3], $0xF7A  }
0x26: {  	[smem:$0x3F93] =	sst s1;
	(tag) =	ssettag s2;
	_ =	strace s9  }
0x27: {  	s1 =	sld [smem:$0x3FA3]  }
0x28: {  	s2 =	sld [smem:$0x3FA4]  }
0x29: {  	s4 =	sld [smem:$0x3FA6]  }
0x2a: {  	p0 =	seq.s32 s5, $0x0;
	s5 =	sld [smem:$0x3FA7]  }
0x2b: {  	s6 =	sld [smem:$0x3FA8]  }
0x2c: {  	s7 =	sld [smem:$0x3FA9]  }
0x2d: {  	s3 =	simm.s32 $0x108;
	s8 =	sld [smem:$0x3FAA]  }
0x2e: {  	s3 =	simm.s32 @!p0 $0x1082;
	s9 =	sld [smem:$0x3FAB]  }
0x2f: {  	lr =	sadd.s32 s0, s3;
	s0 =	sld [smem:$0x3FA2]  }
0x30: {  	s3 =	sld [smem:$0x3FA5]  }
0x31: {  	[smem:$0x3FAE] =	sst s10  }
0x32: {  	s10 =	sld [smem:$0x3FAC];
	_ =	sdelay $0x3  }
0x33: {  	p0 =	seq.s32 s10, $0x1;
	s10 =	sld [smem:$0x3FAE];
	_ =	sdelay $0x3  }
0x34: {  	[smem:$0x3FAE] =	sst s10  }
0x35: {  	s10 =	sld [smem:$0x3FAD];
	_ =	sdelay $0x3  }
0x36: {  	p1 =	seq.s32 s10, $0x1;
	s10 =	sld [smem:$0x3FAE];
	_ =	sdelay $0x3  }
0x37: {  	[smem:$0x3FAE] =	sst s10  }
0x38: {  	s10 =	sld [smem:$0x3FAF]  }
0x39: {  	_ = 	snop;
	(pc) =	sbr.ind lr, $3  }
0x3a: {  	_ = 	snop  }
0x3b: {  	_ = 	snop  }
0x3c: {  	p2 =	seq.s32 s10, $0x1;
	s10 =	sld [smem:$0x3FAE]  }
0x3d: {  	_ =	shalt  }
0x3e: {  	_ =	shalt  }
0x3f: {  	_ =	shalt  }
0x40: {  	_ =	shalt  }
0x41: {  	_ =	shalt  }
0x42: {  	_ =	shalt  }
0x43: {  	_ =	shalt  }
0x44: {  	_ =	shalt  }
0x45: {  	_ =	shalt  }
0x46: {  	_ =	shalt  }
0x47: {  	_ =	shalt  }
0x48: {  	_ =	shalt  }
0x49: {  	_ =	shalt  }
0x4a: {  	_ =	shalt  }
0x4b: {  	_ =	shalt  }
0x4c: {  	_ =	shalt  }
0x4d: {  	_ =	shalt  }
0x4e: {  	_ =	shalt  }
0x4f: {  	_ =	shalt  }
0x50: {  	_ =	shalt  }
0x51: {  	_ =	shalt  }
0x52: {  	_ =	shalt  }
0x53: {  	_ =	shalt  }
0x54: {  	_ =	shalt  }
0x55: {  	_ =	shalt  }
0x56: {  	_ =	shalt  }
0x57: {  	_ =	shalt  }
0x58: {  	_ =	shalt  }
0x59: {  	_ =	shalt  }
0x5a: {  	_ =	shalt  }
0x5b: {  	_ =	shalt  }
0x5c: {  	_ =	shalt  }
0x5d: {  	_ =	shalt  }
0x5e: {  	_ =	shalt  }
0x5f: {  	_ =	shalt  }
0x60: {  	_ =	shalt  }
0x61: {  	_ =	shalt  }
0x62: {  	_ =	shalt  }
0x63: {  	_ =	shalt  }
0x64: {  	_ =	shalt  }
0x65: {  	_ =	shalt  }
0x66: {  	_ =	shalt  }
0x67: {  	_ =	shalt  }
0x68: {  	_ =	shalt  }
0x69: {  	_ =	shalt  }
0x6a: {  	_ =	shalt  }
0x6b: {  	_ =	shalt  }
0x6c: {  	_ =	shalt  }
0x6d: {  	_ =	shalt  }
0x6e: {  	_ =	shalt  }
0x6f: {  	_ =	shalt  }
0x70: {  	_ =	shalt  }
0x71: {  	_ =	shalt  }
0x72: {  	_ =	shalt  }
0x73: {  	_ =	shalt  }
0x74: {  	_ =	shalt  }
0x75: {  	_ =	shalt  }
0x76: {  	_ =	shalt  }
0x77: {  	_ =	shalt  }
0x78: {  	_ =	shalt  }
0x79: {  	_ =	shalt  }
0x7a: {  	_ =	shalt  }
0x7b: {  	_ =	shalt  }
0x7c: {  	_ =	shalt  }
0x7d: {  	_ =	shalt  }
0x7e: {  	_ =	shalt  }
0x7f: {  	_ =	shalt  }
0x80: {  	_ =	shalt  }
0x81: {  	_ =	shalt  }
0x82: {  	_ =	shalt  }
0x83: {  	_ =	shalt  }
0x84: {  	_ =	shalt  }
0x85: {  	_ =	shalt  }
0x86: {  	_ =	shalt  }
0x87: {  	_ =	shalt  }
.Lfunc_end0:
.L_simem_size_0:
called_computation.4_lowered:
.L_overlay_start_0:
0x88: {  	s2 =	sld [smem:$0x3FD9]  }
0x89: {  	s3 =	sld [smem:$0x3FFE];
	_ =	sdelay $0x1  }
0x8a: {  	s1 =	srdreg.scid  }
0x8b: {  	s0 =	sand.u32 $0x1, s1  }
0x8c: {  	s17 =	sshll.u32 s0, $0xA;
	s2 =	sadd.s32 s3, s2  }
0x8d: {  	s2 =	sadd.s32 s2, s17  }
0x8e: {  	[smem:$0x3FBA] =	sst s2  }
0x8f: {  	_ = 	snop  }
0x90: {  	s2 =	sld [smem:$0x3FD0];
	(tm) =	ssettm $0x1  }
0x91: {  	s18 =	sld [smem:$0x3FFB];
	_ =	sdelay $0x3  }
0x92: {  	_ =	strace s18  }
0x93: {  	s3 =	sld [smem:$0x3FFC];
	_ =	sdelay $0x3  }
0x94: {  	_ =	strace s3  }
0x95: {  	s3 =	sld [smem:$0x3FFD];
	_ =	sdelay $0x3  }
0x96: {  	_ =	strace s3  }
0x97: {  	_ =	strace $0x8FFFFFFF  }
0x98: {  	s19 =	sld [smem:$0x3FDB];
	_ =	sdelay $0x1  }
0x99: {  	s4 =	simm.s32 $_scs_section_size  }
0x9a: {  	s5 =	simm.s32 $_size__tile_overlayer_lowered;
	s6 =	simm.s32 $_tile_overlayer_lowered  }
0x9b: {  	s22 =	simm.s32 $0x1BFF;
	s21 =	sshll.u32 s6, $0x1;
	s3 =	sadd.s32 s4, s19  }
0x9c: {  	s7 =	simm.s32 $0x0;
	s20 =	sshll.u32 s5, $0x1;
	s5 =	sadd.s32 s21, s3  }
0x9d: {  	[timem:s7], [sflag:s22] =	dma.local [hbm:s5], s20  }
0x9e: {  	_ =	swait.ge [sflag:s22], s20  }
0x9f: {  	s4 =	ssub.s32 $0x0, s20;
	[sflag:s22] =	ssyncset.done $0x0  }
0xa0: {  	[sflag:s22] =	ssyncadd.s32 s4;
	_ =	sdelay $0x1  }
0xa1: {  	s23 =	simm.s32 $0x1B8B  }
0xa2: {  	_ =	swait.ge [sflag:s23], $0x1  }
0xa3: {  	[sflag:s23] =	ssyncset.done $0x0  }
0xa4: {  	s25 =	simm.s32 $0x1B8E;
	s24 =	sld [smem:$0x3FFE];
	[sflag:s23] =	ssyncadd.s32 $0xFFFFFFFF  }
0xa5: {  	s26 =	simm.s32 $execute0_lowered;
	[smem:$0x3FD2] =	sst s25  }
0xa6: {  	s5 =	sshll.u32 s26, $0x1;
	_ =	strace $0x80000052;
	[dreg:$0x1] =	wrdreg $0xFFFFFFFF  }
0xa7: {  	s28 =	simm.s32 $_size_execute0_lowered;
	s3 =	sadd.s32 s3, s5;
	[dreg:$0x0] =	wrdreg $0x0  }
0xa8: {  	s5 =	sshll.u32 s28, $0x1;
	[dreg:$0x2] =	wrdreg s3  }
0xa9: {  	[dreg:$0x3] =	wrdreg s5  }
0xaa: {  	[dreg:$0x4] =	wrdreg $0xC0  }
0xab: {  	_ =	task [dreg:s7], $0x5FFFF  }
0xac: {  	[dreg:$0x1] =	wrdreg $0xFFFFFFFF  }
0xad: {  	[dreg:$0x0] =	wrdreg $0x60  }
0xae: {  	[dreg:$0x2] =	wrdreg s24  }
0xaf: {  	[dreg:$0x3] =	wrdreg s2  }
0xb0: {  	[dreg:$0x4] =	wrdreg $0x9  }
0xb1: {  	_ =	task.clear_ibuf [dreg:s7], $0x5FFFF;
	_ =	strace $0x90000052  }
0xb2: {  	s29 =	simm.s32 $0x9;
	_ =	strace $0x80000054  }
0xb3: {  	_ =	swait.ge [sflag:s29], $0x1  }
0xb4: {  	[sflag:s29] =	ssyncadd.s32 $0xFFFFFFFF  }
0xb5: {  	_ =	strace $0x90000054  }
0xb6: {  	_ =	sfence  }
0xb7: {  	s30 =	sld [smem:$0x0];
	_ =	sdelay $0x2  }
0xb8: {  	s31 =	sshll.u32 s1, $0xD;
	s1 =	sshrl.u32 s1, $0x2  }
0xb9: {  	s3 =	sand.u32 $0x4000, s31;
	s1 =	sadd.s32 s1, s30  }
0xba: {  	s0 =	sor.u32 s3, s0;
	s1 =	sshll.u32 s1, $0x11  }
0xbb: {  	s0 =	sor.u32 s1, s0  }
0xbc: {  	s0 =	sadd.s32 $0x8F2B, s0  }
0xbd: {  	[sflag:s0] =	ssyncadd.remote.s32 $0x1  }
0xbe: {  	_ =	sfence.sel $0xFFFF  }
0xbf: {  	[dreg:$0x0] =	wrdreg $0xFFFFFFFF;
	(pc) =	sbr.abs _section_cstart, $3  }
0xc0: {  	[dreg:$0x1] =	wrdreg $0xFFFFFFFF  }
0xc1: {  	_ =	task.clear_ibuf [dreg:s7], $0x2FFFF;
	_ =	strace $0x9FFFFFFF  }
0xc2: {  	(tm) =	ssettm $0x7FFFFFFF  }
0xc3: {  	_ =	shalt  }
tec
execute0_lowered:
.L_overlay_start_1:
0x0: {  	(tag) =	ssettag $0x1  }
0x1: {  	s4 =	rddreg [dreg:$0x0]  }
0x2: {  	s8 =	rddreg [dreg:$0x1]  }
0x3: {  	s0 =	rddreg [dreg:$0x2];
	s3 =	srdreg.scid  }
0x4: {  	s1 =	stileid.u32;
	s2 =	simm.s32 $0x0;
	s5 =	sand.u32 $0x1, s3  }
0x5: {  	s28 =	sshll.u32 s1, $0x1;
	[smem:$0x7FF] =	sst s2;
	s9 =	smul.u32 $0x9C40, s1  }
0x6: {  	s3 =	sadd.s32 $0x32E00, s4;
	s11 =	smul.u32 $0x2710, s1;
	s6 =	sor.u32 s5, s28  }
0x7: {  	s7 =	sadd.s32 $0x3CE00, s4;
	s29 =	ssub.s32 $0x2, s5;
	s6 =	smul.u32 $0x1388, s6  }
0x8: {  	_ =	strace $0x80000053;
	s12 =	smul.u32 $0x1388, s5;
	s10 =	sshrl.u32 s29, $0x1  }
0x9: {  	s13 =	smul.u32 $0x4E20, s5;
	s10 =	ssub.s32 s29, s10;
	s6 =	sadd.s32 $0x1380, s6  }
0xa: {  	s31 =	sadd.s32 s12, s11;
	s11 =	simm.s32 $0x1;
	s30 =	sshrl.u32 s6, $0x3  }
0xb: {  	s12 =	simm.s32 $0x8;
	s6 =	sshll.u32 s6, $0x2;
	s4 =	sadd.s32 s8, s30  }
0xc: {  	s5 =	sadd.s32 s7, s6;
	s7 =	sadd.s32 s9, s7;
	s6 =	smax.u32 s10, $0x1  }
0xd: {  	s9 =	sshrl.u32 s31, $0x3;
	s10 =	simm.s32 $0x80;
	s7 =	sadd.s32 s13, s7  }
0xe: {  	s8 =	sadd.s32 s9, s8;
	s9 =	simm.s32 $0x2;
	s13 =	simm.s32 $0x0  }
.LBB2_1:
0xf: {  	s14 =	sadd.s32 $0x0, s8  }
0x10: {  	[tilespmem:s2], [sflag:$0x2] =	stream.linear.gather [hbm4b:s14+s2], $0x80, $0x38;
	[tilespmem:$0x1080] =	vst v63  }
0x11: {  	_ =	swait.ge [sflag:s9], $0x80  }
0x12: {  	[sflag:s9] =	ssyncset.done $0x0  }
0x13: {  	[sflag:s9] =	ssyncadd.s32 $0xFFFFFF80  }
0x14: {  	[tilespmem:s10], [sflag:$0x1] =	stream.indirect.gather [hbm4b:s3+s10], $0x20, s2, s10, $0xb8;
	[tilespmem:$0x1080] =	vst v63  }
0x15: {  	_ =	swait.ge [sflag:s11], $0x1000  }
0x16: {  	[sflag:s11] =	ssyncset.done $0x0  }
0x17: {  	[sflag:s11] =	ssyncadd.s32 $0xFFFFF000  }
0x18: {  	[hbm4b:s7+s2] =	stream.linear.scatter [tilespmem:s10], [sflag:$0x2], $0x1000, $0x38;
	[tilespmem:$0x1080] =	vst v63  }
0x19: {  	s15 =	simm.s32 $0x10;
	_ =	swait.ge [sflag:s9], $0x1000  }
0x1a: {  	s16 =	simm.s32 $0x20;
	s14 =	sadd.s32 $0x200, s7;
	[sflag:s9] =	ssyncset.done $0x0  }
.LBB2_2:
0x1b: {  	s17 =	sadd.s32 s15, s8  }
0x1c: {  	[sflag:s9] =	ssyncadd.s32 $0xFFFFF000;
	s15 =	smov.u32 s16;
	s18 =	sadd.s32 $0x10, s16  }
0x1d: {  	[tilespmem:s2], [sflag:$0x2] =	stream.linear.gather [hbm4b:s17+s2], $0x80, $0x38;
	[tilespmem:$0x1080] =	vst v63  }
0x1e: {  	p0 =	sne.s32 s16, $0x260;
	_ =	swait.ge [sflag:s9], $0x80  }
0x1f: {  	[sflag:s9] =	ssyncset.done $0x0  }
0x20: {  	[sflag:s9] =	ssyncadd.s32 $0xFFFFFF80  }
0x21: {  	[tilespmem:s10], [sflag:$0x1] =	stream.indirect.gather [hbm4b:s3+s10], $0x20, s2, s10, $0xb8;
	[tilespmem:$0x1080] =	vst v63  }
0x22: {  	_ =	swait.ge [sflag:s11], $0x1000  }
.Ltmp0:
0x23: {  	[sflag:s11] =	ssyncset.done $0x0;
	(pc) =	sbr.rel @p0 .LBB2_2-.Ltmp0, $4  }
0x24: {  	[sflag:s11] =	ssyncadd.s32 $0xFFFFF000  }
0x25: {  	[hbm4b:s14+s2] =	stream.linear.scatter [tilespmem:s10], [sflag:$0x2], $0x1000, $0x38;
	[tilespmem:$0x1080] =	vst v63  }
0x26: {  	_ =	swait.ge [sflag:s9], $0x1000  }
0x27: {  	s16 =	smov.u32 s18;
	s14 =	sadd.s32 $0x200, s14;
	[sflag:s9] =	ssyncset.done $0x0  }
0x28: {  	s15 =	sadd.s32 s15, s8;
	[sflag:s9] =	ssyncadd.s32 $0xFFFFF000  }
0x29: {  	[tilespmem:s2], [sflag:$0x2] =	stream.linear.gather [hbm4b:s15+s2], $0x80, $0x38;
	[tilespmem:$0x1080] =	vst v63  }
0x2a: {  	_ =	swait.ge [sflag:s9], $0x80  }
0x2b: {  	[sflag:s9] =	ssyncset.done $0x0  }
0x2c: {  	[sflag:s9] =	ssyncadd.s32 $0xFFFFFF80  }
0x2d: {  	[tilespmem:s10], [sflag:$0x1] =	stream.indirect.gather [hbm4b:s3+s10], $0x20, s2, s10, $0xb8;
	[tilespmem:$0x1080] =	vst v63  }
0x2e: {  	_ =	swait.ge [sflag:s11], $0x1000  }
0x2f: {  	[sflag:s11] =	ssyncset.done $0x0  }
0x30: {  	[sflag:s11] =	ssyncadd.s32 $0xFFFFF000  }
0x31: {  	[hbm4b:s14+s2] =	stream.linear.scatter [tilespmem:s10], [sflag:$0x2], $0x1000, $0x38;
	[tilespmem:$0x1080] =	vst v63  }
0x32: {  	_ =	swait.ge [sflag:s9], $0x1000  }
0x33: {  	[sflag:s9] =	ssyncset.done $0x0  }
0x34: {  	[sflag:s9] =	ssyncadd.s32 $0xFFFFF000  }
0x35: {  	[tilespmem:s2], [sflag:$0x2] =	stream.linear.gather [hbm4b:s4+s2], $0x8, $0x38;
	[tilespmem:$0x1080] =	vst v63  }
0x36: {  	_ =	swait.ge [sflag:s9], $0x8  }
0x37: {  	[sflag:s9] =	ssyncset.done $0x0  }
0x38: {  	[sflag:s9] =	ssyncadd.s32 $0xFFFFFFF8  }
0x39: {  	[tilespmem:s10], [sflag:$0x1] =	stream.indirect.gather [hbm4b:s3+s12], $0x20, s2, s12, $0xb8;
	[tilespmem:$0x1080] =	vst v63  }
0x3a: {  	s13 =	sadd.s32 $0x1, s13;
	_ =	swait.ge [sflag:s11], $0x100  }
0x3b: {  	p0 =	sne.s32 s13, s6;
	[sflag:s11] =	ssyncset.done $0x0  }
.Ltmp1:
0x3c: {  	[sflag:s11] =	ssyncadd.s32 $0xFFFFFF00;
	(pc) =	sbr.rel @p0 .LBB2_1-.Ltmp1, $4  }
0x3d: {  	[hbm4b:s5+s2] =	stream.linear.scatter [tilespmem:s10], [sflag:$0x2], $0x100, $0x38;
	[tilespmem:$0x1080] =	vst v63  }
0x3e: {  	_ =	swait.ge [sflag:s9], $0x100  }
0x3f: {  	[sflag:s9] =	ssyncset.done $0x0  }
0x40: {  	[sflag:s9] =	ssyncadd.s32 $0xFFFFFF00  }
0x41: {  	_ =	sfence.sel $0x180000  }
0x42: {  	[bflag:$0x0] =	sbarrier.arrive $0xFFFF  }
0x43: {  	p0 =	sne.s32 s1, $0x0;
	_ =	strace $0x90000053  }
0x44: {  	s0 =	sadd.s32 @!p0 $0x100000, s0;
	[bflag:$0x2] =	sbarrier.arrive $0xFFFF  }
0x45: {  	[sflag:s0] =	ssyncadd.tile.s32 @!p0 $0x1;
	_ =	shalt  }
.Lfunc_end2:
_tile_overlayer_lowered:
.L_overlay_start_2:
0x46: {  	(tag) =	ssettag $0x2  }
0x47: {  	s0 =	rddreg [dreg:$0x0];
	s2 =	stileid.u32  }
0x48: {  	s1 =	rddreg [dreg:$0x1];
	p0 =	sne.s32 s2, $0x0  }
0x49: {  	s3 =	rddreg [dreg:$0x2];
	[bflag:$0x3] =	sbarrier.arrive $0xFFFF;
	s2 =	simm.s32 @!p0 $0x1C02  }
0x4a: {  	[timem:s3], [sflag:s2] =	dma.local @!p0 [hbm:s0], s1  }
0x4b: {  	s0 =	simm.s32 @!p0 $0x2  }
0x4c: {  	_ =	swait.ge @!p0 [sflag:s0], s1  }
0x4d: {  	s1 =	ssub.s32 @!p0 $0x0, s1;
	[sflag:s0] =	ssyncset.done @!p0 $0x0  }
0x4e: {  	[sflag:s0] =	ssyncadd.s32 @!p0 s1  }
0x4f: {  	[bflag:$0x3] =	sbarrier.arrive $0xFFFF  }
0x50: {  	_ =	shalt  }

// kernel: kernel.43.cloned.1.call-start
scs
__scs_entry_jumppad:
0x0: {  	(pc) =	sbr.rel $0x88, $3  }
0x1: {  	(tag) =	ssettag $0x0;
	lr =	simm.s32 $0x1  }
0x2: {  	[smem:$0x3F93] =	sst lr;
	_ =	strace $0xD0000000  }
0x3: {  	_ = 	snop  }
0x4: {  	_ = 	snop  }
0x5: {  	_ = 	snop  }
0x6: {  	_ = 	snop  }
0x7: {  	_ = 	snop  }
__scs_overlays_trampoline_lowered:
0x8: {  	[smem:$0x3FA2] =	sst s0  }
0x9: {  	[smem:$0x3FA3] =	sst s1  }
0xa: {  	[smem:$0x3FA4] =	sst s2  }
0xb: {  	[smem:$0x3FA5] =	sst s3  }
0xc: {  	[smem:$0x3FA6] =	sst s4  }
0xd: {  	[smem:$0x3FA7] =	sst s5  }
0xe: {  	[smem:$0x3FA8] =	sst s6  }
0xf: {  	[smem:$0x3FA9] =	sst s7  }
0x10: {  	[smem:$0x3FAA] =	sst s8  }
0x11: {  	[smem:$0x3FAB] =	sst s9;
	s0 =	simm.s32 @!p0 $0x0  }
0x12: {  	s1 =	sld [smem:$0x3F91];
	s0 =	simm.s32 @p0 $0x1  }
0x13: {  	[smem:$0x3FAC] =	sst s0;
	s0 =	simm.s32 @!p1 $0x0  }
0x14: {  	s2 =	sld [smem:$0x3F90];
	s0 =	simm.s32 @p1 $0x1  }
0x15: {  	[smem:$0x3FAD] =	sst s0;
	s0 =	simm.s32 @!p2 $0x0  }
0x16: {  	s3 =	sld [smem:$0x3FDB];
	s0 =	simm.s32 @p2 $0x1  }
0x17: {  	s4 =	simm.s32 $0x1BF5;
	[smem:$0x3FAF] =	sst s0  }
0x18: {  	s0 =	sld [smem:$0x3F92];
	_ =	swait.ge [sflag:s4], $0x0  }
0x19: {  	s7 =	sld [smem:$0x3F93]  }
0x1a: {  	s8 =	sadd.s32 $0xFFFFE003, lr  }
0x1b: {  	s9 =	sadd.s32 $0xFFFFFEF7, lr;
	s5 =	simm.s32 $0xFFFFFFFF;
	p2 =	slt.u32 s8, $0xFFFFF086  }
0x1c: {  	p1 =	slt.u32 s9, $0xF7A;
	s5 =	simm.s32 @!p2 $0x0  }
0x1d: {  	s5 =	simm.s32 @p1 $0x1;
	p0 =	seq.s32 s7, s2  }
0x1e: {  	s7 =	smul.u32 @!p0 $0xF7A, s2;
	p2 =	seq.s32 @!p0 s5, $0x0  }
0x1f: {  	s9 =	smul.u32 $0xF7A, s1;
	s8 =	simm.s32 @!p0 $0x1BF5;
	p2 =	por !p2, p0  }
0x20: {  	[sflag:s8] =	ssyncset.s32 @!p0 $0xFFFFF086;
	s6 =	sadd.s32 @!p0 s3, s7;
	s7 =	simm.s32 @!p0 $0x108  }
0x21: {  	s3 =	sadd.s32 s3, s9;
	s6 =	sadd.s32 @!p0 $0x88, s6;
	s7 =	simm.s32 @p2 $0x1082  }
0x22: {  	[simem:s7], [sflag:s8] =	dma.local @!p0 [hbm:s6], $0xF7A  }
0x23: {  	s9 =	sor.u32 $0xD0000000, s2;
	s6 =	simm.s32 $0x108;
	_ =	swait.ge @!p0 [sflag:s8], $0x0  }
0x24: {  	s3 =	sadd.s32 $0x88, s3;
	s6 =	simm.s32 @!p1 $0x1082;
	[sflag:s4] =	ssyncset.s32 $0xFFFFF086  }
0x25: {  	[simem:s6], [sflag:s4] =	dma.local [hbm:s3], $0xF7A  }
0x26: {  	[smem:$0x3F93] =	sst s1;
	(tag) =	ssettag s2;
	_ =	strace s9  }
0x27: {  	s1 =	sld [smem:$0x3FA3]  }
0x28: {  	s2 =	sld [smem:$0x3FA4]  }
0x29: {  	s4 =	sld [smem:$0x3FA6]  }
0x2a: {  	p0 =	seq.s32 s5, $0x0;
	s5 =	sld [smem:$0x3FA7]  }
0x2b: {  	s6 =	sld [smem:$0x3FA8]  }
0x2c: {  	s7 =	sld [smem:$0x3FA9]  }
0x2d: {  	s3 =	simm.s32 $0x108;
	s8 =	sld [smem:$0x3FAA]  }
0x2e: {  	s3 =	simm.s32 @!p0 $0x1082;
	s9 =	sld [smem:$0x3FAB]  }
0x2f: {  	lr =	sadd.s32 s0, s3;
	s0 =	sld [smem:$0x3FA2]  }
0x30: {  	s3 =	sld [smem:$0x3FA5]  }
0x31: {  	[smem:$0x3FAE] =	sst s10  }
0x32: {  	s10 =	sld [smem:$0x3FAC];
	_ =	sdelay $0x3  }
0x33: {  	p0 =	seq.s32 s10, $0x1;
	s10 =	sld [smem:$0x3FAE];
	_ =	sdelay $0x3  }
0x34: {  	[smem:$0x3FAE] =	sst s10  }
0x35: {  	s10 =	sld [smem:$0x3FAD];
	_ =	sdelay $0x3  }
0x36: {  	p1 =	seq.s32 s10, $0x1;
	s10 =	sld [smem:$0x3FAE];
	_ =	sdelay $0x3  }
0x37: {  	[smem:$0x3FAE] =	sst s10  }
0x38: {  	s10 =	sld [smem:$0x3FAF]  }
0x39: {  	_ = 	snop;
	(pc) =	sbr.ind lr, $3  }
0x3a: {  	_ = 	snop  }
0x3b: {  	_ = 	snop  }
0x3c: {  	p2 =	seq.s32 s10, $0x1;
	s10 =	sld [smem:$0x3FAE]  }
0x3d: {  	_ =	shalt  }
0x3e: {  	_ =	shalt  }
0x3f: {  	_ =	shalt  }
0x40: {  	_ =	shalt  }
0x41: {  	_ =	shalt  }
0x42: {  	_ =	shalt  }
0x43: {  	_ =	shalt  }
0x44: {  	_ =	shalt  }
0x45: {  	_ =	shalt  }
0x46: {  	_ =	shalt  }
0x47: {  	_ =	shalt  }
0x48: {  	_ =	shalt  }
0x49: {  	_ =	shalt  }
0x4a: {  	_ =	shalt  }
0x4b: {  	_ =	shalt  }
0x4c: {  	_ =	shalt  }
0x4d: {  	_ =	shalt  }
0x4e: {  	_ =	shalt  }
0x4f: {  	_ =	shalt  }
0x50: {  	_ =	shalt  }
0x51: {  	_ =	shalt  }
0x52: {  	_ =	shalt  }
0x53: {  	_ =	shalt  }
0x54: {  	_ =	shalt  }
0x55: {  	_ =	shalt  }
0x56: {  	_ =	shalt  }
0x57: {  	_ =	shalt  }
0x58: {  	_ =	shalt  }
0x59: {  	_ =	shalt  }
0x5a: {  	_ =	shalt  }
0x5b: {  	_ =	shalt  }
0x5c: {  	_ =	shalt  }
0x5d: {  	_ =	shalt  }
0x5e: {  	_ =	shalt  }
0x5f: {  	_ =	shalt  }
0x60: {  	_ =	shalt  }
0x61: {  	_ =	shalt  }
0x62: {  	_ =	shalt  }
0x63: {  	_ =	shalt  }
0x64: {  	_ =	shalt  }
0x65: {  	_ =	shalt  }
0x66: {  	_ =	shalt  }
0x67: {  	_ =	shalt  }
0x68: {  	_ =	shalt  }
0x69: {  	_ =	shalt  }
0x6a: {  	_ =	shalt  }
0x6b: {  	_ =	shalt  }
0x6c: {  	_ =	shalt  }
0x6d: {  	_ =	shalt  }
0x6e: {  	_ =	shalt  }
0x6f: {  	_ =	shalt  }
0x70: {  	_ =	shalt  }
0x71: {  	_ =	shalt  }
0x72: {  	_ =	shalt  }
0x73: {  	_ =	shalt  }
0x74: {  	_ =	shalt  }
0x75: {  	_ =	shalt  }
0x76: {  	_ =	shalt  }
0x77: {  	_ =	shalt  }
0x78: {  	_ =	shalt  }
0x79: {  	_ =	shalt  }
0x7a: {  	_ =	shalt  }
0x7b: {  	_ =	shalt  }
0x7c: {  	_ =	shalt  }
0x7d: {  	_ =	shalt  }
0x7e: {  	_ =	shalt  }
0x7f: {  	_ =	shalt  }
0x80: {  	_ =	shalt  }
0x81: {  	_ =	shalt  }
0x82: {  	_ =	shalt  }
0x83: {  	_ =	shalt  }
0x84: {  	_ =	shalt  }
0x85: {  	_ =	shalt  }
0x86: {  	_ =	shalt  }
0x87: {  	_ =	shalt  }
.Lfunc_end0:
.L_simem_size_0:
called_computation.5_lowered:
.L_overlay_start_0:
0x88: {  	s2 =	sld [smem:$0x3FD9]  }
0x89: {  	s3 =	sld [smem:$0x3FFE];
	_ =	sdelay $0x1  }
0x8a: {  	s1 =	srdreg.scid  }
0x8b: {  	s0 =	sand.u32 $0x1, s1  }
0x8c: {  	s16 =	sshll.u32 s0, $0xA;
	s2 =	sadd.s32 s3, s2  }
0x8d: {  	s2 =	sadd.s32 s2, s16  }
0x8e: {  	[smem:$0x3FBA] =	sst s2  }
0x8f: {  	_ = 	snop  }
0x90: {  	(tm) =	ssettm $0x1  }
0x91: {  	s17 =	sld [smem:$0x3FFB];
	_ =	sdelay $0x3  }
0x92: {  	_ =	strace s17  }
0x93: {  	s2 =	sld [smem:$0x3FFC];
	_ =	sdelay $0x3  }
0x94: {  	_ =	strace s2  }
0x95: {  	s2 =	sld [smem:$0x3FFD];
	_ =	sdelay $0x3  }
0x96: {  	_ =	strace s2  }
0x97: {  	_ =	strace $0x8FFFFFFF  }
0x98: {  	s18 =	sld [smem:$0x3FDB];
	_ =	sdelay $0x1  }
0x99: {  	s19 =	simm.s32 $_scs_section_size  }
0x9a: {  	s4 =	simm.s32 $_size__tile_overlayer_lowered;
	s5 =	simm.s32 $_tile_overlayer_lowered  }
0x9b: {  	s22 =	simm.s32 $0x1BFF;
	s21 =	sshll.u32 s5, $0x1;
	s2 =	sadd.s32 s19, s18  }
0x9c: {  	s6 =	simm.s32 $0x0;
	s20 =	sshll.u32 s4, $0x1;
	s4 =	sadd.s32 s21, s2  }
0x9d: {  	[timem:s6], [sflag:s22] =	dma.local [hbm:s4], s20  }
0x9e: {  	_ =	swait.ge [sflag:s22], s20  }
0x9f: {  	s3 =	ssub.s32 $0x0, s20;
	[sflag:s22] =	ssyncset.done $0x0  }
0xa0: {  	[sflag:s22] =	ssyncadd.s32 s3;
	_ =	sdelay $0x1  }
0xa1: {  	s23 =	simm.s32 $0x1B8B  }
0xa2: {  	_ =	swait.ge [sflag:s23], $0x1  }
0xa3: {  	[sflag:s23] =	ssyncset.done $0x0  }
0xa4: {  	s25 =	simm.s32 $0x1B8E;
	s24 =	sld [smem:$0x3FFE];
	[sflag:s23] =	ssyncadd.s32 $0xFFFFFFFF  }
0xa5: {  	s26 =	simm.s32 $execute0_lowered;
	[smem:$0x3FD2] =	sst s25  }
0xa6: {  	s4 =	sshll.u32 s26, $0x1;
	_ =	strace $0x80000055;
	[dreg:$0x1] =	wrdreg $0xFFFFFFFF  }
0xa7: {  	s28 =	simm.s32 $_size_execute0_lowered;
	s2 =	sadd.s32 s2, s4;
	[dreg:$0x0] =	wrdreg $0x0  }
0xa8: {  	s4 =	sshll.u32 s28, $0x1;
	[dreg:$0x2] =	wrdreg s2  }
0xa9: {  	[dreg:$0x3] =	wrdreg s4  }
0xaa: {  	[dreg:$0x4] =	wrdreg $0xC0  }
0xab: {  	_ =	task [dreg:s6], $0x5FFFF  }
0xac: {  	[dreg:$0x1] =	wrdreg $0xFFFFFFFF  }
0xad: {  	[dreg:$0x0] =	wrdreg $0x60  }
0xae: {  	[dreg:$0x2] =	wrdreg s24  }
0xaf: {  	[dreg:$0x3] =	wrdreg $0x9  }
0xb0: {  	_ =	task.clear_ibuf [dreg:s6], $0x4FFFF;
	_ =	strace $0x90000055  }
0xb1: {  	s29 =	simm.s32 $0x9;
	_ =	strace $0x80000057  }
0xb2: {  	_ =	swait.ge [sflag:s29], $0x1  }
0xb3: {  	[sflag:s29] =	ssyncadd.s32 $0xFFFFFFFF  }
0xb4: {  	_ =	strace $0x90000057  }
0xb5: {  	_ =	sfence  }
0xb6: {  	s30 =	sld [smem:$0x0];
	_ =	sdelay $0x2  }
0xb7: {  	s31 =	sshll.u32 s1, $0xD;
	s1 =	sshrl.u32 s1, $0x2  }
0xb8: {  	s3 =	sand.u32 $0x4000, s31;
	s1 =	sadd.s32 s1, s30  }
0xb9: {  	s0 =	sor.u32 s3, s0;
	s1 =	sshll.u32 s1, $0x11  }
0xba: {  	s0 =	sor.u32 s1, s0  }
0xbb: {  	s0 =	sadd.s32 $0x8F2B, s0  }
0xbc: {  	[sflag:s0] =	ssyncadd.remote.s32 $0x1  }
0xbd: {  	_ =	sfence.sel $0xFFFF  }
0xbe: {  	[dreg:$0x0] =	wrdreg $0xFFFFFFFF;
	(pc) =	sbr.abs _section_cstart, $3  }
0xbf: {  	[dreg:$0x1] =	wrdreg $0xFFFFFFFF  }
0xc0: {  	_ =	task.clear_ibuf [dreg:s6], $0x2FFFF;
	_ =	strace $0x9FFFFFFF  }
0xc1: {  	(tm) =	ssettm $0x7FFFFFFF  }
tec
execute0_lowered:
.L_overlay_start_1:
0x0: {  	(tag) =	ssettag $0x1  }
0x1: {  	s0 =	rddreg [dreg:$0x0];
	s3 =	srdreg.scid  }
0x2: {  	s1 =	stileid.u32;
	s2 =	simm.s32 $0x0;
	s11 =	simm.s32 $0x2  }
0x3: {  	s12 =	simm.s32 $0x1;
	s13 =	simm.s32 $0x3800;
	s14 =	simm.s32 $0x39D0  }
0x4: {  	s15 =	simm.s32 $0x80;
	s7 =	sand.u32 $0x1, s3;
	s30 =	sshll.u32 s1, $0x1  }
0x5: {  	s16 =	simm.s32 $0x2800;
	s17 =	simm.s32 $0x0;
	s6 =	sor.u32 s7, s30  }
0x6: {  	[smem:$0x7FF] =	sst s2;
	s4 =	sadd.s32 $0x32E00, s0;
	s3 =	smul.u32 $0x140, s6  }
.Ltmp0:
0x7: {  	s5 =	sadd.s32 $0xD9200, s0;
	_ =	strace $0x80000056;
	(pc) =	sbr.rel .LBB2_1-.Ltmp0, $4  }
0x8: {  	s7 =	ssub.s32 $0x2, s7;
	s8 =	smul.u32 $0x500, s6;
	s9 =	sshrl.u32 s3, $0x3  }
0x9: {  	s6 =	sadd.s32 $0xDE400, s0;
	s31 =	sshrl.u32 s7, $0x1;
	s9 =	sadd.s32 s9, s0  }
0xa: {  	s10 =	ssub.s32 s7, s31;
	s0 =	sadd.s32 s8, s0;
	s7 =	sadd.s32 $0x354400, s9  }
0xb: {  	v0 =	vimm.f32 $0.0e+00;
	s8 =	sadd.s32 $0xCF200, s0;
	s9 =	smax.u32 s10, $0x1;
	s10 =	simm.s32 $0x3880  }
.LBB2_13:
0xc: {  	s17 =	sadd.s32 $0x1, s17  }
0xd: {  	p0 =	sne.s32 s17, s9  }
.Ltmp1:
0xe: {  	_ = 	snop;
	(pc) =	sbr.rel @!p0 .LBB2_14-.Ltmp1, $4  }
0xf: {  	[hbm4b:s8+s2] =	stream.linear.scatter [tilespmem:s2], [sflag:$0x2], $0x2800, $0x38;
	[tilespmem:$0x3A60] =	vst v63  }
0x10: {  	_ =	swait.ge [sflag:s11], $0x2800  }
0x11: {  	[sflag:s11] =	ssyncset.done $0x0  }
0x12: {  	[sflag:s11] =	ssyncadd.s32 $0xFFFFD800  }
.LBB2_1:
0x13: {  	[tilespmem:s10], [sflag:$0x2] =	stream.linear.gather [hbm4b:s7+s2], $0x150, $0x38;
	[tilespmem:$0x3A60] =	vst v63  }
0x14: {  	_ =	swait.ge [sflag:s11], $0x150  }
0x15: {  	[sflag:s11] =	ssyncset.done $0x0  }
0x16: {  	[sflag:s11] =	ssyncadd.s32 $0xFFFFFEB0  }
0x17: {  	v1 =	vld [tilespmem:$0x3880]  }
0x18: {  	s0 =	simm.s32 $0x40;
	s22 =	simm.s32 $0x0;
	v2 =	vld [tilespmem:$0x39C0]  }
.LBB2_2:
0x19: {  	p0 =	sne.s32 s0, $0x9FC0;
	[tilespmem:s22+$0x0] =	vst v0;
	s18 =	smov.u32 s0;
	s0 =	sadd.s32 $0x40, s0  }
.Ltmp2:
0x1a: {  	(pc) =	sbr.rel @p0 .LBB2_2-.Ltmp2, $2  }
0x1b: {  	_ =	sdelay $0x2  }
0x1c: {  	s22 =	sshra.s32 s18, $0x2  }
0x1d: {  	(v2sf) =	vpush v1, $0x0;
	_ =	sdelay $0x6  }
0x1e: {  	(v2sf) =	vpush v2, $0x0;
	_ =	sdelay $0x7  }
0x1f: {  	s18 =	spop (v2sf)  }
0x20: {  	s0 =	sand.u32 $0x7, s18  }
0x21: {  	s19 =	sshra.s32 s18, $0x1F;
	p0 =	slt.s32 s18, $0x1;
	p1 =	sne.s32 s0, $0x0  }
0x22: {  	s29 =	sshrl.u32 s19, $0x1D;
	p0 =	por !p0, !p1  }
0x23: {  	s19 =	simm.s32 $0x1;
	s0 =	sadd.s32 s29, s18;
	p0 =	por !p0, !p0  }
0x24: {  	s0 =	sshra.s32 s0, $0x3;
	s19 =	simm.s32 @!p0 $0x0  }
0x25: {  	s23 =	ssub.s32 s0, s19  }
0x26: {  	s19 =	spop (v2sf);
	s20 =	sshll.u32 s23, $0x3  }
0x27: {  	s30 =	ssub.s32 s19, s20  }
0x28: {  	s0 =	sadd.s32 $0x7F, s30  }
0x29: {  	s21 =	sand.u32 $0x7F, s0  }
0x2a: {  	s31 =	sshra.s32 s0, $0x1F;
	p6 =	slt.s32 s0, $0x1;
	p5 =	sne.s32 s21, $0x0  }
0x2b: {  	s21 =	sshrl.u32 s31, $0x19;
	p0 =	por !p6, !p5  }
0x2c: {  	s0 =	sadd.s32 s21, s0;
	s21 =	simm.s32 $0x1;
	p0 =	por !p0, !p0  }
0x2d: {  	s0 =	sshra.s32 s0, $0x7;
	s21 =	simm.s32 @!p0 $0x0  }
0x2e: {  	s21 =	ssub.s32 s0, s21  }
0x2f: {  	p0 =	slt.s32 s21, $0x1  }
.Ltmp3:
0x30: {  	_ = 	snop;
	(pc) =	sbr.rel @p0 .LBB2_13-.Ltmp3, $2  }
0x31: {  	_ =	sdelay $0x2  }
0x32: {  	[tilespmem:s22+$0x0] =	vst v0  }
.Ltmp4:
0x33: {  	(pc) =	sbr.rel .LBB2_5-.Ltmp4, $3  }
0x34: {  	_ =	sdelay $0x1  }
0x35: {  	s0 =	sshll.u32 s23, $0x3  }
0x36: {  	s23 =	simm.s32 $0x0;
	s24 =	smov.u32 s20;
	s22 =	ssub.s32 $0x0, s0  }
.LBB2_7:
0x37: {  	s29 =	smov.u32 s25  }
.LBB2_11:
0x38: {  	s1 =	sor.u32 s31, s30;
	[tilespmem:s0+$0x0] =	vst.add.f32.msk @p0 $0xffff, v1  }
0x39: {  	v1 =	vld [tilespmem:s1+$0x39D0];
	_ =	sdelay $0x4  }
0x3a: {  	(v2sf) =	vpush v1, $0x0;
	_ =	sdelay $0xb  }
0x3b: {  	s0 =	sadd.s32 @p0 $0x20, s29  }
0x3c: {  	s25 =	smov.u32 @p0 s0  }
0x3d: {  	v1 =	vld [tilespmem:s25+$0xFFFFFFF0]  }
0x3e: {  	s31 =	spop (v2sf)  }
0x3f: {  	s0 =	ssub.s32 s31, s3  }
0x40: {  	s0 =	sshll.u32 s0, $0x7  }
0x41: {  	s0 =	sshra.s32 s0, $0x2  }
0x42: {  	[tilespmem:s0+$0x0] =	vst.add.f32.msk $0xffff, v1  }
0x43: {  	v1 =	vld [tilespmem:s25+$0x0];
	_ =	sdelay $0x3  }
0x44: {  	s0 =	sor.u32 $0x10, s0  }
0x45: {  	[tilespmem:s0+$0x0] =	vst.add.f32.msk $0xffff, v1  }
.LBB2_12:
0x46: {  	s23 =	sadd.s32 $0x1, s23  }
0x47: {  	p0 =	sne.s32 s23, s21  }
.Ltmp5:
0x48: {  	_ = 	snop;
	(pc) =	sbr.rel @!p0 .LBB2_13-.Ltmp5, $2  }
0x49: {  	_ =	sdelay $0x2  }
0x4a: {  	s24 =	sadd.s32 $0x80, s24;
	s22 =	sadd.s32 $0xFFFFFF80, s22  }
.LBB2_5:
0x4b: {  	s0 =	sshll.u32 s23, $0x7  }
0x4c: {  	s0 =	sadd.s32 s20, s0  }
0x4d: {  	s25 =	sshrl.u32 s0, $0x3  }
0x4e: {  	s26 =	sadd.s32 s5, s25  }
0x4f: {  	[tilespmem:s13], [sflag:$0x2] =	stream.linear.gather [hbm4b:s26+s2], $0x80, $0x38;
	[tilespmem:$0x3A60] =	vst v63  }
0x50: {  	_ =	swait.ge [sflag:s11], $0x80  }
0x51: {  	[sflag:s11] =	ssyncset.done $0x0  }
0x52: {  	s25 =	sadd.s32 s6, s25;
	[sflag:s11] =	ssyncadd.s32 $0xFFFFFF80  }
0x53: {  	[tilespmem:s14], [sflag:$0x2] =	stream.linear.gather [hbm4b:s25+s2], $0x80, $0x38;
	[tilespmem:$0x3A60] =	vst v63  }
0x54: {  	s28 =	smov.u32 s18;
	s25 =	sadd.s32 $0x80, s0  }
0x55: {  	p0 =	sgt.s32 s0, s18;
	s26 =	smov.u32 s19;
	p1 =	slt.s32 s25, s19  }
0x56: {  	s28 =	smov.u32 @p0 s0;
	_ =	swait.ge [sflag:s11], $0x80;
	s26 =	smov.u32 @p1 s25  }
0x57: {  	[sflag:s11] =	ssyncset.done $0x0;
	p0 =	sge.s32 s28, s26  }
.Ltmp6:
0x58: {  	[sflag:s11] =	ssyncadd.s32 $0xFFFFFF80;
	(pc) =	sbr.rel @p0 .LBB2_12-.Ltmp6, $4  }
0x59: {  	[tilespmem:s16], [sflag:$0x1] =	stream.indirect.gather [hbm4b:s4+s15], $0x20, s13, s15, $0xb8;
	[tilespmem:$0x3A60] =	vst v63  }
0x5a: {  	_ =	swait.ge [sflag:s12], $0x1000  }
0x5b: {  	[sflag:s12] =	ssyncset.done $0x0  }
0x5c: {  	[sflag:s12] =	ssyncadd.s32 $0xFFFFF000  }
0x5d: {  	s29 =	sadd.s32 $0x1, s28  }
0x5e: {  	p0 =	sgt.s32 s18, s24;
	s0 =	smov.u32 s24;
	p1 =	slt.s32 s29, s26  }
.Ltmp7:
0x5f: {  	s0 =	smov.u32 @p0 s18;
	(pc) =	sbr.rel @!p1 .LBB2_7-.Ltmp7, $4  }
0x60: {  	s0 =	sadd.s32 s22, s0  }
0x61: {  	s0 =	sshll.u32 s0, $0x7  }
0x62: {  	s1 =	sadd.s32 s28, s22;
	s31 =	sand.u32 $0x7, s28;
	s0 =	sshra.s32 s0, $0x2  }
0x63: {  	s30 =	sand.u32 $0xFFFFFFF8, s1;
	p0 =	por $0x0, $0x0;
	s25 =	sadd.s32 $0x2810, s0  }
0x64: {  	s0 =	sor.u32 s31, s30  }
0x65: {  	v1 =	vld [tilespmem:s0+$0x39D0];
	_ =	sdelay $0x4  }
0x66: {  	(v2sf) =	vpush v1, $0x0;
	_ =	sdelay $0xd  }
0x67: {  	v1 =	vld [tilespmem:s25+$0xFFFFFFF0]  }
0x68: {  	s1 =	spop (v2sf)  }
0x69: {  	s0 =	ssub.s32 s1, s3  }
0x6a: {  	s0 =	sshll.u32 s0, $0x7  }
0x6b: {  	s28 =	sadd.s32 $0x1, s29;
	s0 =	sshra.s32 s0, $0x2  }
0x6c: {  	p1 =	slt.s32 s28, s26;
	[tilespmem:s0+$0x0] =	vst.add.f32.msk $0xffff, v1  }
.Ltmp8:
0x6d: {  	v1 =	vld [tilespmem:s25+$0x0];
	(pc) =	sbr.rel @!p1 .LBB2_9-.Ltmp8, $3  }
0x6e: {  	_ =	sdelay $0x1  }
0x6f: {  	s30 =	sadd.s32 s29, s22;
	s31 =	sand.u32 $0x7, s29;
	p0 =	por $0x1, $0x1  }
0x70: {  	s29 =	smov.u32 s25;
	s30 =	sand.u32 $0xFFFFFFF8, s30;
	s0 =	sor.u32 $0x10, s0  }
.LBB2_10:
0x71: {  	s30 =	sor.u32 s31, s30  }
0x72: {  	[tilespmem:s0+$0x0] =	vst.add.f32.msk $0xffff, v1;
	s29 =	sadd.s32 $0x20, s29;
	s0 =	smov.u32 s28;
	s28 =	sadd.s32 $0x1, s28  }
0x73: {  	p1 =	slt.s32 s28, s26;
	v1 =	vld [tilespmem:s30+$0x39D0];
	_ =	sdelay $0x4  }
0x74: {  	(v2sf) =	vpush v1, $0x0;
	_ =	sdelay $0xd  }
0x75: {  	v1 =	vld [tilespmem:s29+$0xFFFFFFF0]  }
0x76: {  	s30 =	spop (v2sf)  }
0x77: {  	s30 =	ssub.s32 s30, s3  }
0x78: {  	s30 =	sshll.u32 s30, $0x7  }
0x79: {  	s1 =	sshra.s32 s30, $0x2  }
0x7a: {  	[tilespmem:s1+$0x0] =	vst.add.f32.msk $0xffff, v1  }
.Ltmp9:
0x7b: {  	v1 =	vld [tilespmem:s29+$0x0];
	(pc) =	sbr.rel @p1 .LBB2_10-.Ltmp9, $3  }
0x7c: {  	_ =	sdelay $0x1  }
0x7d: {  	s30 =	sadd.s32 s0, s22  }
0x7e: {  	s31 =	sand.u32 $0x7, s0;
	s30 =	sand.u32 $0xFFFFFFF8, s30;
	s0 =	sor.u32 $0x10, s1  }
.Ltmp10:
0x7f: {  	_ = 	snop;
	(pc) =	sbr.rel .LBB2_11-.Ltmp10, $1  }
0x80: {  	_ =	sdelay $0x3  }
.LBB2_9:
.Ltmp11:
0x81: {  	(pc) =	sbr.rel .LBB2_11-.Ltmp11, $2  }
0x82: {  	_ =	sdelay $0x2  }
0x83: {  	s29 =	smov.u32 s25  }
.LBB2_14:
0x84: {  	_ =	sfence.sel $0x180000  }
0x85: {  	[bflag:$0x0] =	sbarrier.arrive $0xFFFF  }
0x86: {  	_ =	strace $0x90000056  }
0x87: {  	s0 =	stileid.u32;
	[bflag:$0x2] =	sbarrier.arrive $0xFFFF  }
0x88: {  	p0 =	sne.s32 s0, $0x0;
	s0 =	rddreg [dreg:$0x1]  }
0x89: {  	s0 =	sadd.s32 @!p0 $0x100000, s0  }
0x8a: {  	[sflag:s0] =	ssyncadd.tile.s32 @!p0 $0x1;
	_ =	shalt  }
.Lfunc_end2:
_tile_overlayer_lowered:
.L_overlay_start_2:
0x8b: {  	(tag) =	ssettag $0x2  }
0x8c: {  	s0 =	rddreg [dreg:$0x0];
	s2 =	stileid.u32  }
0x8d: {  	s1 =	rddreg [dreg:$0x1];
	p0 =	sne.s32 s2, $0x0  }
0x8e: {  	s3 =	rddreg [dreg:$0x2];
	[bflag:$0x3] =	sbarrier.arrive $0xFFFF;
	s2 =	simm.s32 @!p0 $0x1C02  }
0x8f: {  	[timem:s3], [sflag:s2] =	dma.local @!p0 [hbm:s0], s1  }
0x90: {  	s0 =	simm.s32 @!p0 $0x2  }
0x91: {  	_ =	swait.ge @!p0 [sflag:s0], s1  }
0x92: {  	s1 =	ssub.s32 @!p0 $0x0, s1;
	[sflag:s0] =	ssyncset.done @!p0 $0x0  }
0x93: {  	[sflag:s0] =	ssyncadd.s32 @!p0 s1  }
0x94: {  	[bflag:$0x3] =	sbarrier.arrive $0xFFFF  }
0x95: {  	_ =	shalt  }

// kernel: kernel.46.cloned.1.call-start
scs
__scs_entry_jumppad:
0x0: {  	(pc) =	sbr.rel $0x88, $3  }
0x1: {  	(tag) =	ssettag $0x0;
	lr =	simm.s32 $0x1  }
0x2: {  	[smem:$0x3F93] =	sst lr;
	_ =	strace $0xD0000000  }
0x3: {  	_ = 	snop  }
0x4: {  	_ = 	snop  }
0x5: {  	_ = 	snop  }
0x6: {  	_ = 	snop  }
0x7: {  	_ = 	snop  }
__scs_overlays_trampoline_lowered:
0x8: {  	[smem:$0x3FA2] =	sst s0  }
0x9: {  	[smem:$0x3FA3] =	sst s1  }
0xa: {  	[smem:$0x3FA4] =	sst s2  }
0xb: {  	[smem:$0x3FA5] =	sst s3  }
0xc: {  	[smem:$0x3FA6] =	sst s4  }
0xd: {  	[smem:$0x3FA7] =	sst s5  }
0xe: {  	[smem:$0x3FA8] =	sst s6  }
0xf: {  	[smem:$0x3FA9] =	sst s7  }
0x10: {  	[smem:$0x3FAA] =	sst s8  }
0x11: {  	[smem:$0x3FAB] =	sst s9;
	s0 =	simm.s32 @!p0 $0x0  }
0x12: {  	s1 =	sld [smem:$0x3F91];
	s0 =	simm.s32 @p0 $0x1  }
0x13: {  	[smem:$0x3FAC] =	sst s0;
	s0 =	simm.s32 @!p1 $0x0  }
0x14: {  	s2 =	sld [smem:$0x3F90];
	s0 =	simm.s32 @p1 $0x1  }
0x15: {  	[smem:$0x3FAD] =	sst s0;
	s0 =	simm.s32 @!p2 $0x0  }
0x16: {  	s3 =	sld [smem:$0x3FDB];
	s0 =	simm.s32 @p2 $0x1  }
0x17: {  	s4 =	simm.s32 $0x1BF5;
	[smem:$0x3FAF] =	sst s0  }
0x18: {  	s0 =	sld [smem:$0x3F92];
	_ =	swait.ge [sflag:s4], $0x0  }
0x19: {  	s7 =	sld [smem:$0x3F93]  }
0x1a: {  	s8 =	sadd.s32 $0xFFFFE003, lr  }
0x1b: {  	s9 =	sadd.s32 $0xFFFFFEF7, lr;
	s5 =	simm.s32 $0xFFFFFFFF;
	p2 =	slt.u32 s8, $0xFFFFF086  }
0x1c: {  	p1 =	slt.u32 s9, $0xF7A;
	s5 =	simm.s32 @!p2 $0x0  }
0x1d: {  	s5 =	simm.s32 @p1 $0x1;
	p0 =	seq.s32 s7, s2  }
0x1e: {  	s7 =	smul.u32 @!p0 $0xF7A, s2;
	p2 =	seq.s32 @!p0 s5, $0x0  }
0x1f: {  	s9 =	smul.u32 $0xF7A, s1;
	s8 =	simm.s32 @!p0 $0x1BF5;
	p2 =	por !p2, p0  }
0x20: {  	[sflag:s8] =	ssyncset.s32 @!p0 $0xFFFFF086;
	s6 =	sadd.s32 @!p0 s3, s7;
	s7 =	simm.s32 @!p0 $0x108  }
0x21: {  	s3 =	sadd.s32 s3, s9;
	s6 =	sadd.s32 @!p0 $0x88, s6;
	s7 =	simm.s32 @p2 $0x1082  }
0x22: {  	[simem:s7], [sflag:s8] =	dma.local @!p0 [hbm:s6], $0xF7A  }
0x23: {  	s9 =	sor.u32 $0xD0000000, s2;
	s6 =	simm.s32 $0x108;
	_ =	swait.ge @!p0 [sflag:s8], $0x0  }
0x24: {  	s3 =	sadd.s32 $0x88, s3;
	s6 =	simm.s32 @!p1 $0x1082;
	[sflag:s4] =	ssyncset.s32 $0xFFFFF086  }
0x25: {  	[simem:s6], [sflag:s4] =	dma.local [hbm:s3], $0xF7A  }
0x26: {  	[smem:$0x3F93] =	sst s1;
	(tag) =	ssettag s2;
	_ =	strace s9  }
0x27: {  	s1 =	sld [smem:$0x3FA3]  }
0x28: {  	s2 =	sld [smem:$0x3FA4]  }
0x29: {  	s4 =	sld [smem:$0x3FA6]  }
0x2a: {  	p0 =	seq.s32 s5, $0x0;
	s5 =	sld [smem:$0x3FA7]  }
0x2b: {  	s6 =	sld [smem:$0x3FA8]  }
0x2c: {  	s7 =	sld [smem:$0x3FA9]  }
0x2d: {  	s3 =	simm.s32 $0x108;
	s8 =	sld [smem:$0x3FAA]  }
0x2e: {  	s3 =	simm.s32 @!p0 $0x1082;
	s9 =	sld [smem:$0x3FAB]  }
0x2f: {  	lr =	sadd.s32 s0, s3;
	s0 =	sld [smem:$0x3FA2]  }
0x30: {  	s3 =	sld [smem:$0x3FA5]  }
0x31: {  	[smem:$0x3FAE] =	sst s10  }
0x32: {  	s10 =	sld [smem:$0x3FAC];
	_ =	sdelay $0x3  }
0x33: {  	p0 =	seq.s32 s10, $0x1;
	s10 =	sld [smem:$0x3FAE];
	_ =	sdelay $0x3  }
0x34: {  	[smem:$0x3FAE] =	sst s10  }
0x35: {  	s10 =	sld [smem:$0x3FAD];
	_ =	sdelay $0x3  }
0x36: {  	p1 =	seq.s32 s10, $0x1;
	s10 =	sld [smem:$0x3FAE];
	_ =	sdelay $0x3  }
0x37: {  	[smem:$0x3FAE] =	sst s10  }
0x38: {  	s10 =	sld [smem:$0x3FAF]  }
0x39: {  	_ = 	snop;
	(pc) =	sbr.ind lr, $3  }
0x3a: {  	_ = 	snop  }
0x3b: {  	_ = 	snop  }
0x3c: {  	p2 =	seq.s32 s10, $0x1;
	s10 =	sld [smem:$0x3FAE]  }
0x3d: {  	_ =	shalt  }
0x3e: {  	_ =	shalt  }
0x3f: {  	_ =	shalt  }
0x40: {  	_ =	shalt  }
0x41: {  	_ =	shalt  }
0x42: {  	_ =	shalt  }
0x43: {  	_ =	shalt  }
0x44: {  	_ =	shalt  }
0x45: {  	_ =	shalt  }
0x46: {  	_ =	shalt  }
0x47: {  	_ =	shalt  }
0x48: {  	_ =	shalt  }
0x49: {  	_ =	shalt  }
0x4a: {  	_ =	shalt  }
0x4b: {  	_ =	shalt  }
0x4c: {  	_ =	shalt  }
0x4d: {  	_ =	shalt  }
0x4e: {  	_ =	shalt  }
0x4f: {  	_ =	shalt  }
0x50: {  	_ =	shalt  }
0x51: {  	_ =	shalt  }
0x52: {  	_ =	shalt  }
0x53: {  	_ =	shalt  }
0x54: {  	_ =	shalt  }
0x55: {  	_ =	shalt  }
0x56: {  	_ =	shalt  }
0x57: {  	_ =	shalt  }
0x58: {  	_ =	shalt  }
0x59: {  	_ =	shalt  }
0x5a: {  	_ =	shalt  }
0x5b: {  	_ =	shalt  }
0x5c: {  	_ =	shalt  }
0x5d: {  	_ =	shalt  }
0x5e: {  	_ =	shalt  }
0x5f: {  	_ =	shalt  }
0x60: {  	_ =	shalt  }
0x61: {  	_ =	shalt  }
0x62: {  	_ =	shalt  }
0x63: {  	_ =	shalt  }
0x64: {  	_ =	shalt  }
0x65: {  	_ =	shalt  }
0x66: {  	_ =	shalt  }
0x67: {  	_ =	shalt  }
0x68: {  	_ =	shalt  }
0x69: {  	_ =	shalt  }
0x6a: {  	_ =	shalt  }
0x6b: {  	_ =	shalt  }
0x6c: {  	_ =	shalt  }
0x6d: {  	_ =	shalt  }
0x6e: {  	_ =	shalt  }
0x6f: {  	_ =	shalt  }
0x70: {  	_ =	shalt  }
0x71: {  	_ =	shalt  }
0x72: {  	_ =	shalt  }
0x73: {  	_ =	shalt  }
0x74: {  	_ =	shalt  }
0x75: {  	_ =	shalt  }
0x76: {  	_ =	shalt  }
0x77: {  	_ =	shalt  }
0x78: {  	_ =	shalt  }
0x79: {  	_ =	shalt  }
0x7a: {  	_ =	shalt  }
0x7b: {  	_ =	shalt  }
0x7c: {  	_ =	shalt  }
0x7d: {  	_ =	shalt  }
0x7e: {  	_ =	shalt  }
0x7f: {  	_ =	shalt  }
0x80: {  	_ =	shalt  }
0x81: {  	_ =	shalt  }
0x82: {  	_ =	shalt  }
0x83: {  	_ =	shalt  }
0x84: {  	_ =	shalt  }
0x85: {  	_ =	shalt  }
0x86: {  	_ =	shalt  }
0x87: {  	_ =	shalt  }
.Lfunc_end0:
.L_simem_size_0:
called_computation.6_lowered:
.L_overlay_start_0:
0x88: {  	s2 =	sld [smem:$0x3FD9]  }
0x89: {  	s3 =	sld [smem:$0x3FFE];
	_ =	sdelay $0x1  }
0x8a: {  	s1 =	srdreg.scid  }
0x8b: {  	s0 =	sand.u32 $0x1, s1  }
0x8c: {  	s17 =	sshll.u32 s0, $0xA;
	s2 =	sadd.s32 s3, s2  }
0x8d: {  	s2 =	sadd.s32 s2, s17  }
0x8e: {  	[smem:$0x3FBA] =	sst s2  }
0x8f: {  	_ = 	snop  }
0x90: {  	s2 =	sld [smem:$0x3FD0];
	(tm) =	ssettm $0x1  }
0x91: {  	s18 =	sld [smem:$0x3FFB];
	_ =	sdelay $0x3  }
0x92: {  	_ =	strace s18  }
0x93: {  	s3 =	sld [smem:$0x3FFC];
	_ =	sdelay $0x3  }
0x94: {  	_ =	strace s3  }
0x95: {  	s3 =	sld [smem:$0x3FFD];
	_ =	sdelay $0x3  }
0x96: {  	_ =	strace s3  }
0x97: {  	_ =	strace $0x8FFFFFFF  }
0x98: {  	s19 =	sld [smem:$0x3FDB];
	_ =	sdelay $0x1  }
0x99: {  	s4 =	simm.s32 $_scs_section_size  }
0x9a: {  	s5 =	simm.s32 $_size__tile_overlayer_lowered;
	s6 =	simm.s32 $_tile_overlayer_lowered  }
0x9b: {  	s22 =	simm.s32 $0x1BFF;
	s21 =	sshll.u32 s6, $0x1;
	s3 =	sadd.s32 s4, s19  }
0x9c: {  	s7 =	simm.s32 $0x0;
	s20 =	sshll.u32 s5, $0x1;
	s5 =	sadd.s32 s21, s3  }
0x9d: {  	[timem:s7], [sflag:s22] =	dma.local [hbm:s5], s20  }
0x9e: {  	_ =	swait.ge [sflag:s22], s20  }
0x9f: {  	s4 =	ssub.s32 $0x0, s20;
	[sflag:s22] =	ssyncset.done $0x0  }
0xa0: {  	[sflag:s22] =	ssyncadd.s32 s4;
	_ =	sdelay $0x1  }
0xa1: {  	s23 =	simm.s32 $0x1B8B  }
0xa2: {  	_ =	swait.ge [sflag:s23], $0x1  }
0xa3: {  	[sflag:s23] =	ssyncset.done $0x0  }
0xa4: {  	s25 =	simm.s32 $0x1B8E;
	s24 =	sld [smem:$0x3FFE];
	[sflag:s23] =	ssyncadd.s32 $0xFFFFFFFF  }
0xa5: {  	s26 =	simm.s32 $execute0_lowered;
	[smem:$0x3FD2] =	sst s25  }
0xa6: {  	s5 =	sshll.u32 s26, $0x1;
	_ =	strace $0x80000058;
	[dreg:$0x1] =	wrdreg $0xFFFFFFFF  }
0xa7: {  	s28 =	simm.s32 $_size_execute0_lowered;
	s3 =	sadd.s32 s3, s5;
	[dreg:$0x0] =	wrdreg $0x0  }
0xa8: {  	s5 =	sshll.u32 s28, $0x1;
	[dreg:$0x2] =	wrdreg s3  }
0xa9: {  	[dreg:$0x3] =	wrdreg s5  }
0xaa: {  	[dreg:$0x4] =	wrdreg $0xC0  }
0xab: {  	_ =	task [dreg:s7], $0x5FFFF  }
0xac: {  	[dreg:$0x1] =	wrdreg $0xFFFFFFFF  }
0xad: {  	[dreg:$0x0] =	wrdreg $0x60  }
0xae: {  	[dreg:$0x2] =	wrdreg s24  }
0xaf: {  	[dreg:$0x3] =	wrdreg s2  }
0xb0: {  	[dreg:$0x4] =	wrdreg $0x9  }
0xb1: {  	_ =	task.clear_ibuf [dreg:s7], $0x5FFFF;
	_ =	strace $0x90000058  }
0xb2: {  	s29 =	simm.s32 $0x9;
	_ =	strace $0x8000005A  }
0xb3: {  	_ =	swait.ge [sflag:s29], $0x1  }
0xb4: {  	[sflag:s29] =	ssyncadd.s32 $0xFFFFFFFF  }
0xb5: {  	_ =	strace $0x9000005A  }
0xb6: {  	_ =	sfence  }
0xb7: {  	s30 =	sld [smem:$0x0];
	_ =	sdelay $0x2  }
0xb8: {  	s31 =	sshll.u32 s1, $0xD;
	s1 =	sshrl.u32 s1, $0x2  }
0xb9: {  	s3 =	sand.u32 $0x4000, s31;
	s1 =	sadd.s32 s1, s30  }
0xba: {  	s0 =	sor.u32 s3, s0;
	s1 =	sshll.u32 s1, $0x11  }
0xbb: {  	s0 =	sor.u32 s1, s0  }
0xbc: {  	s0 =	sadd.s32 $0x8F2B, s0  }
0xbd: {  	[sflag:s0] =	ssyncadd.remote.s32 $0x1  }
0xbe: {  	_ =	sfence.sel $0xFFFF  }
0xbf: {  	[dreg:$0x0] =	wrdreg $0xFFFFFFFF;
	(pc) =	sbr.abs _section_cstart, $3  }
0xc0: {  	[dreg:$0x1] =	wrdreg $0xFFFFFFFF  }
0xc1: {  	_ =	task.clear_ibuf [dreg:s7], $0x2FFFF;
	_ =	strace $0x9FFFFFFF  }
0xc2: {  	(tm) =	ssettm $0x7FFFFFFF  }
0xc3: {  	_ =	shalt  }
tec
execute0_lowered:
.L_overlay_start_1:
0x0: {  	(tag) =	ssettag $0x1  }
0x1: {  	s4 =	rddreg [dreg:$0x0]  }
0x2: {  	s8 =	rddreg [dreg:$0x1]  }
0x3: {  	s0 =	rddreg [dreg:$0x2];
	s3 =	srdreg.scid  }
0x4: {  	s1 =	stileid.u32;
	s2 =	simm.s32 $0x0;
	s5 =	sand.u32 $0x1, s3  }
0x5: {  	s28 =	sshll.u32 s1, $0x1;
	[smem:$0x7FF] =	sst s2;
	s9 =	smul.u32 $0x9C40, s1  }
0x6: {  	s3 =	sadd.s32 $0x32E00, s4;
	s11 =	smul.u32 $0x2710, s1;
	s6 =	sor.u32 s5, s28  }
0x7: {  	s7 =	sadd.s32 $0x3CE00, s4;
	s29 =	ssub.s32 $0x2, s5;
	s6 =	smul.u32 $0x1388, s6  }
0x8: {  	_ =	strace $0x80000059;
	s12 =	smul.u32 $0x1388, s5;
	s10 =	sshrl.u32 s29, $0x1  }
0x9: {  	s13 =	smul.u32 $0x4E20, s5;
	s10 =	ssub.s32 s29, s10;
	s6 =	sadd.s32 $0x1380, s6  }
0xa: {  	s31 =	sadd.s32 s12, s11;
	s11 =	simm.s32 $0x1;
	s30 =	sshrl.u32 s6, $0x3  }
0xb: {  	s12 =	simm.s32 $0x8;
	s6 =	sshll.u32 s6, $0x2;
	s4 =	sadd.s32 s8, s30  }
0xc: {  	s5 =	sadd.s32 s7, s6;
	s7 =	sadd.s32 s9, s7;
	s6 =	smax.u32 s10, $0x1  }
0xd: {  	s9 =	sshrl.u32 s31, $0x3;
	s10 =	simm.s32 $0x80;
	s7 =	sadd.s32 s13, s7  }
0xe: {  	s8 =	sadd.s32 s9, s8;
	s9 =	simm.s32 $0x2;
	s13 =	simm.s32 $0x0  }
.LBB2_1:
0xf: {  	s14 =	sadd.s32 $0x0, s8  }
0x10: {  	[tilespmem:s2], [sflag:$0x2] =	stream.linear.gather [hbm4b:s14+s2], $0x80, $0x38;
	[tilespmem:$0x1080] =	vst v63  }
0x11: {  	_ =	swait.ge [sflag:s9], $0x80  }
0x12: {  	[sflag:s9] =	ssyncset.done $0x0  }
0x13: {  	[sflag:s9] =	ssyncadd.s32 $0xFFFFFF80  }
0x14: {  	[tilespmem:s10], [sflag:$0x1] =	stream.indirect.gather [hbm4b:s3+s10], $0x20, s2, s10, $0xb8;
	[tilespmem:$0x1080] =	vst v63  }
0x15: {  	_ =	swait.ge [sflag:s11], $0x1000  }
0x16: {  	[sflag:s11] =	ssyncset.done $0x0  }
0x17: {  	[sflag:s11] =	ssyncadd.s32 $0xFFFFF000  }
0x18: {  	[hbm4b:s7+s2] =	stream.linear.scatter [tilespmem:s10], [sflag:$0x2], $0x1000, $0x38;
	[tilespmem:$0x1080] =	vst v63  }
0x19: {  	s15 =	simm.s32 $0x10;
	_ =	swait.ge [sflag:s9], $0x1000  }
0x1a: {  	s16 =	simm.s32 $0x20;
	s14 =	sadd.s32 $0x200, s7;
	[sflag:s9] =	ssyncset.done $0x0  }
.LBB2_2:
0x1b: {  	s17 =	sadd.s32 s15, s8  }
0x1c: {  	[sflag:s9] =	ssyncadd.s32 $0xFFFFF000;
	s15 =	smov.u32 s16;
	s18 =	sadd.s32 $0x10, s16  }
0x1d: {  	[tilespmem:s2], [sflag:$0x2] =	stream.linear.gather [hbm4b:s17+s2], $0x80, $0x38;
	[tilespmem:$0x1080] =	vst v63  }
0x1e: {  	p0 =	sne.s32 s16, $0x260;
	_ =	swait.ge [sflag:s9], $0x80  }
0x1f: {  	[sflag:s9] =	ssyncset.done $0x0  }
0x20: {  	[sflag:s9] =	ssyncadd.s32 $0xFFFFFF80  }
0x21: {  	[tilespmem:s10], [sflag:$0x1] =	stream.indirect.gather [hbm4b:s3+s10], $0x20, s2, s10, $0xb8;
	[tilespmem:$0x1080] =	vst v63  }
0x22: {  	_ =	swait.ge [sflag:s11], $0x1000  }
.Ltmp0:
0x23: {  	[sflag:s11] =	ssyncset.done $0x0;
	(pc) =	sbr.rel @p0 .LBB2_2-.Ltmp0, $4  }
0x24: {  	[sflag:s11] =	ssyncadd.s32 $0xFFFFF000  }
0x25: {  	[hbm4b:s14+s2] =	stream.linear.scatter [tilespmem:s10], [sflag:$0x2], $0x1000, $0x38;
	[tilespmem:$0x1080] =	vst v63  }
0x26: {  	_ =	swait.ge [sflag:s9], $0x1000  }
0x27: {  	s16 =	smov.u32 s18;
	s14 =	sadd.s32 $0x200, s14;
	[sflag:s9] =	ssyncset.done $0x0  }
0x28: {  	s15 =	sadd.s32 s15, s8;
	[sflag:s9] =	ssyncadd.s32 $0xFFFFF000  }
0x29: {  	[tilespmem:s2], [sflag:$0x2] =	stream.linear.gather [hbm4b:s15+s2], $0x80, $0x38;
	[tilespmem:$0x1080] =	vst v63  }
0x2a: {  	_ =	swait.ge [sflag:s9], $0x80  }
0x2b: {  	[sflag:s9] =	ssyncset.done $0x0  }
0x2c: {  	[sflag:s9] =	ssyncadd.s32 $0xFFFFFF80  }
0x2d: {  	[tilespmem:s10], [sflag:$0x1] =	stream.indirect.gather [hbm4b:s3+s10], $0x20, s2, s10, $0xb8;
	[tilespmem:$0x1080] =	vst v63  }
0x2e: {  	_ =	swait.ge [sflag:s11], $0x1000  }
0x2f: {  	[sflag:s11] =	ssyncset.done $0x0  }
0x30: {  	[sflag:s11] =	ssyncadd.s32 $0xFFFFF000  }
0x31: {  	[hbm4b:s14+s2] =	stream.linear.scatter [tilespmem:s10], [sflag:$0x2], $0x1000, $0x38;
	[tilespmem:$0x1080] =	vst v63  }
0x32: {  	_ =	swait.ge [sflag:s9], $0x1000  }
0x33: {  	[sflag:s9] =	ssyncset.done $0x0  }
0x34: {  	[sflag:s9] =	ssyncadd.s32 $0xFFFFF000  }
0x35: {  	[tilespmem:s2], [sflag:$0x2] =	stream.linear.gather [hbm4b:s4+s2], $0x8, $0x38;
	[tilespmem:$0x1080] =	vst v63  }
0x36: {  	_ =	swait.ge [sflag:s9], $0x8  }
0x37: {  	[sflag:s9] =	ssyncset.done $0x0  }
0x38: {  	[sflag:s9] =	ssyncadd.s32 $0xFFFFFFF8  }
0x39: {  	[tilespmem:s10], [sflag:$0x1] =	stream.indirect.gather [hbm4b:s3+s12], $0x20, s2, s12, $0xb8;
	[tilespmem:$0x1080] =	vst v63  }
0x3a: {  	s13 =	sadd.s32 $0x1, s13;
	_ =	swait.ge [sflag:s11], $0x100  }
0x3b: {  	p0 =	sne.s32 s13, s6;
	[sflag:s11] =	ssyncset.done $0x0  }
.Ltmp1:
0x3c: {  	[sflag:s11] =	ssyncadd.s32 $0xFFFFFF00;
	(pc) =	sbr.rel @p0 .LBB2_1-.Ltmp1, $4  }
0x3d: {  	[hbm4b:s5+s2] =	stream.linear.scatter [tilespmem:s10], [sflag:$0x2], $0x100, $0x38;
	[tilespmem:$0x1080] =	vst v63  }
0x3e: {  	_ =	swait.ge [sflag:s9], $0x100  }
0x3f: {  	[sflag:s9] =	ssyncset.done $0x0  }
0x40: {  	[sflag:s9] =	ssyncadd.s32 $0xFFFFFF00  }
0x41: {  	_ =	sfence.sel $0x180000  }
0x42: {  	[bflag:$0x0] =	sbarrier.arrive $0xFFFF  }
0x43: {  	p0 =	sne.s32 s1, $0x0;
	_ =	strace $0x90000059  }
0x44: {  	s0 =	sadd.s32 @!p0 $0x100000, s0;
	[bflag:$0x2] =	sbarrier.arrive $0xFFFF  }
0x45: {  	[sflag:s0] =	ssyncadd.tile.s32 @!p0 $0x1;
	_ =	shalt  }
.Lfunc_end2:
_tile_overlayer_lowered:
.L_overlay_start_2:
0x46: {  	(tag) =	ssettag $0x2  }
0x47: {  	s0 =	rddreg [dreg:$0x0];
	s2 =	stileid.u32  }
0x48: {  	s1 =	rddreg [dreg:$0x1];
	p0 =	sne.s32 s2, $0x0  }
0x49: {  	s3 =	rddreg [dreg:$0x2];
	[bflag:$0x3] =	sbarrier.arrive $0xFFFF;
	s2 =	simm.s32 @!p0 $0x1C02  }
0x4a: {  	[timem:s3], [sflag:s2] =	dma.local @!p0 [hbm:s0], s1  }
0x4b: {  	s0 =	simm.s32 @!p0 $0x2  }
0x4c: {  	_ =	swait.ge @!p0 [sflag:s0], s1  }
0x4d: {  	s1 =	ssub.s32 @!p0 $0x0, s1;
	[sflag:s0] =	ssyncset.done @!p0 $0x0  }
0x4e: {  	[sflag:s0] =	ssyncadd.s32 @!p0 s1  }
0x4f: {  	[bflag:$0x3] =	sbarrier.arrive $0xFFFF  }
0x50: {  	_ =	shalt  }

// kernel: kernel.49.cloned.1.call-start
scs
__scs_entry_jumppad:
0x0: {  	(pc) =	sbr.rel $0x88, $3  }
0x1: {  	(tag) =	ssettag $0x0;
	lr =	simm.s32 $0x1  }
0x2: {  	[smem:$0x3F93] =	sst lr;
	_ =	strace $0xD0000000  }
0x3: {  	_ = 	snop  }
0x4: {  	_ = 	snop  }
0x5: {  	_ = 	snop  }
0x6: {  	_ = 	snop  }
0x7: {  	_ = 	snop  }
__scs_overlays_trampoline_lowered:
0x8: {  	[smem:$0x3FA2] =	sst s0  }
0x9: {  	[smem:$0x3FA3] =	sst s1  }
0xa: {  	[smem:$0x3FA4] =	sst s2  }
0xb: {  	[smem:$0x3FA5] =	sst s3  }
0xc: {  	[smem:$0x3FA6] =	sst s4  }
0xd: {  	[smem:$0x3FA7] =	sst s5  }
0xe: {  	[smem:$0x3FA8] =	sst s6  }
0xf: {  	[smem:$0x3FA9] =	sst s7  }
0x10: {  	[smem:$0x3FAA] =	sst s8  }
0x11: {  	[smem:$0x3FAB] =	sst s9;
	s0 =	simm.s32 @!p0 $0x0  }
0x12: {  	s1 =	sld [smem:$0x3F91];
	s0 =	simm.s32 @p0 $0x1  }
0x13: {  	[smem:$0x3FAC] =	sst s0;
	s0 =	simm.s32 @!p1 $0x0  }
0x14: {  	s2 =	sld [smem:$0x3F90];
	s0 =	simm.s32 @p1 $0x1  }
0x15: {  	[smem:$0x3FAD] =	sst s0;
	s0 =	simm.s32 @!p2 $0x0  }
0x16: {  	s3 =	sld [smem:$0x3FDB];
	s0 =	simm.s32 @p2 $0x1  }
0x17: {  	s4 =	simm.s32 $0x1BF5;
	[smem:$0x3FAF] =	sst s0  }
0x18: {  	s0 =	sld [smem:$0x3F92];
	_ =	swait.ge [sflag:s4], $0x0  }
0x19: {  	s7 =	sld [smem:$0x3F93]  }
0x1a: {  	s8 =	sadd.s32 $0xFFFFE003, lr  }
0x1b: {  	s9 =	sadd.s32 $0xFFFFFEF7, lr;
	s5 =	simm.s32 $0xFFFFFFFF;
	p2 =	slt.u32 s8, $0xFFFFF086  }
0x1c: {  	p1 =	slt.u32 s9, $0xF7A;
	s5 =	simm.s32 @!p2 $0x0  }
0x1d: {  	s5 =	simm.s32 @p1 $0x1;
	p0 =	seq.s32 s7, s2  }
0x1e: {  	s7 =	smul.u32 @!p0 $0xF7A, s2;
	p2 =	seq.s32 @!p0 s5, $0x0  }
0x1f: {  	s9 =	smul.u32 $0xF7A, s1;
	s8 =	simm.s32 @!p0 $0x1BF5;
	p2 =	por !p2, p0  }
0x20: {  	[sflag:s8] =	ssyncset.s32 @!p0 $0xFFFFF086;
	s6 =	sadd.s32 @!p0 s3, s7;
	s7 =	simm.s32 @!p0 $0x108  }
0x21: {  	s3 =	sadd.s32 s3, s9;
	s6 =	sadd.s32 @!p0 $0x88, s6;
	s7 =	simm.s32 @p2 $0x1082  }
0x22: {  	[simem:s7], [sflag:s8] =	dma.local @!p0 [hbm:s6], $0xF7A  }
0x23: {  	s9 =	sor.u32 $0xD0000000, s2;
	s6 =	simm.s32 $0x108;
	_ =	swait.ge @!p0 [sflag:s8], $0x0  }
0x24: {  	s3 =	sadd.s32 $0x88, s3;
	s6 =	simm.s32 @!p1 $0x1082;
	[sflag:s4] =	ssyncset.s32 $0xFFFFF086  }
0x25: {  	[simem:s6], [sflag:s4] =	dma.local [hbm:s3], $0xF7A  }
0x26: {  	[smem:$0x3F93] =	sst s1;
	(tag) =	ssettag s2;
	_ =	strace s9  }
0x27: {  	s1 =	sld [smem:$0x3FA3]  }
0x28: {  	s2 =	sld [smem:$0x3FA4]  }
0x29: {  	s4 =	sld [smem:$0x3FA6]  }
0x2a: {  	p0 =	seq.s32 s5, $0x0;
	s5 =	sld [smem:$0x3FA7]  }
0x2b: {  	s6 =	sld [smem:$0x3FA8]  }
0x2c: {  	s7 =	sld [smem:$0x3FA9]  }
0x2d: {  	s3 =	simm.s32 $0x108;
	s8 =	sld [smem:$0x3FAA]  }
0x2e: {  	s3 =	simm.s32 @!p0 $0x1082;
	s9 =	sld [smem:$0x3FAB]  }
0x2f: {  	lr =	sadd.s32 s0, s3;
	s0 =	sld [smem:$0x3FA2]  }
0x30: {  	s3 =	sld [smem:$0x3FA5]  }
0x31: {  	[smem:$0x3FAE] =	sst s10  }
0x32: {  	s10 =	sld [smem:$0x3FAC];
	_ =	sdelay $0x3  }
0x33: {  	p0 =	seq.s32 s10, $0x1;
	s10 =	sld [smem:$0x3FAE];
	_ =	sdelay $0x3  }
0x34: {  	[smem:$0x3FAE] =	sst s10  }
0x35: {  	s10 =	sld [smem:$0x3FAD];
	_ =	sdelay $0x3  }
0x36: {  	p1 =	seq.s32 s10, $0x1;
	s10 =	sld [smem:$0x3FAE];
	_ =	sdelay $0x3  }
0x37: {  	[smem:$0x3FAE] =	sst s10  }
0x38: {  	s10 =	sld [smem:$0x3FAF]  }
0x39: {  	_ = 	snop;
	(pc) =	sbr.ind lr, $3  }
0x3a: {  	_ = 	snop  }
0x3b: {  	_ = 	snop  }
0x3c: {  	p2 =	seq.s32 s10, $0x1;
	s10 =	sld [smem:$0x3FAE]  }
0x3d: {  	_ =	shalt  }
0x3e: {  	_ =	shalt  }
0x3f: {  	_ =	shalt  }
0x40: {  	_ =	shalt  }
0x41: {  	_ =	shalt  }
0x42: {  	_ =	shalt  }
0x43: {  	_ =	shalt  }
0x44: {  	_ =	shalt  }
0x45: {  	_ =	shalt  }
0x46: {  	_ =	shalt  }
0x47: {  	_ =	shalt  }
0x48: {  	_ =	shalt  }
0x49: {  	_ =	shalt  }
0x4a: {  	_ =	shalt  }
0x4b: {  	_ =	shalt  }
0x4c: {  	_ =	shalt  }
0x4d: {  	_ =	shalt  }
0x4e: {  	_ =	shalt  }
0x4f: {  	_ =	shalt  }
0x50: {  	_ =	shalt  }
0x51: {  	_ =	shalt  }
0x52: {  	_ =	shalt  }
0x53: {  	_ =	shalt  }
0x54: {  	_ =	shalt  }
0x55: {  	_ =	shalt  }
0x56: {  	_ =	shalt  }
0x57: {  	_ =	shalt  }
0x58: {  	_ =	shalt  }
0x59: {  	_ =	shalt  }
0x5a: {  	_ =	shalt  }
0x5b: {  	_ =	shalt  }
0x5c: {  	_ =	shalt  }
0x5d: {  	_ =	shalt  }
0x5e: {  	_ =	shalt  }
0x5f: {  	_ =	shalt  }
0x60: {  	_ =	shalt  }
0x61: {  	_ =	shalt  }
0x62: {  	_ =	shalt  }
0x63: {  	_ =	shalt  }
0x64: {  	_ =	shalt  }
0x65: {  	_ =	shalt  }
0x66: {  	_ =	shalt  }
0x67: {  	_ =	shalt  }
0x68: {  	_ =	shalt  }
0x69: {  	_ =	shalt  }
0x6a: {  	_ =	shalt  }
0x6b: {  	_ =	shalt  }
0x6c: {  	_ =	shalt  }
0x6d: {  	_ =	shalt  }
0x6e: {  	_ =	shalt  }
0x6f: {  	_ =	shalt  }
0x70: {  	_ =	shalt  }
0x71: {  	_ =	shalt  }
0x72: {  	_ =	shalt  }
0x73: {  	_ =	shalt  }
0x74: {  	_ =	shalt  }
0x75: {  	_ =	shalt  }
0x76: {  	_ =	shalt  }
0x77: {  	_ =	shalt  }
0x78: {  	_ =	shalt  }
0x79: {  	_ =	shalt  }
0x7a: {  	_ =	shalt  }
0x7b: {  	_ =	shalt  }
0x7c: {  	_ =	shalt  }
0x7d: {  	_ =	shalt  }
0x7e: {  	_ =	shalt  }
0x7f: {  	_ =	shalt  }
0x80: {  	_ =	shalt  }
0x81: {  	_ =	shalt  }
0x82: {  	_ =	shalt  }
0x83: {  	_ =	shalt  }
0x84: {  	_ =	shalt  }
0x85: {  	_ =	shalt  }
0x86: {  	_ =	shalt  }
0x87: {  	_ =	shalt  }
.Lfunc_end0:
.L_simem_size_0:
called_computation.7_lowered:
.L_overlay_start_0:
0x88: {  	s2 =	sld [smem:$0x3FD9]  }
0x89: {  	s3 =	sld [smem:$0x3FFE];
	_ =	sdelay $0x1  }
0x8a: {  	s1 =	srdreg.scid  }
0x8b: {  	s0 =	sand.u32 $0x1, s1  }
0x8c: {  	s16 =	sshll.u32 s0, $0xA;
	s2 =	sadd.s32 s3, s2  }
0x8d: {  	s2 =	sadd.s32 s2, s16  }
0x8e: {  	[smem:$0x3FBA] =	sst s2  }
0x8f: {  	_ = 	snop  }
0x90: {  	(tm) =	ssettm $0x1  }
0x91: {  	s17 =	sld [smem:$0x3FFB];
	_ =	sdelay $0x3  }
0x92: {  	_ =	strace s17  }
0x93: {  	s2 =	sld [smem:$0x3FFC];
	_ =	sdelay $0x3  }
0x94: {  	_ =	strace s2  }
0x95: {  	s2 =	sld [smem:$0x3FFD];
	_ =	sdelay $0x3  }
0x96: {  	_ =	strace s2  }
0x97: {  	_ =	strace $0x8FFFFFFF  }
0x98: {  	s18 =	sld [smem:$0x3FDB];
	_ =	sdelay $0x1  }
0x99: {  	s19 =	simm.s32 $_scs_section_size  }
0x9a: {  	s4 =	simm.s32 $_size__tile_overlayer_lowered;
	s5 =	simm.s32 $_tile_overlayer_lowered  }
0x9b: {  	s22 =	simm.s32 $0x1BFF;
	s21 =	sshll.u32 s5, $0x1;
	s2 =	sadd.s32 s19, s18  }
0x9c: {  	s6 =	simm.s32 $0x0;
	s20 =	sshll.u32 s4, $0x1;
	s4 =	sadd.s32 s21, s2  }
0x9d: {  	[timem:s6], [sflag:s22] =	dma.local [hbm:s4], s20  }
0x9e: {  	_ =	swait.ge [sflag:s22], s20  }
0x9f: {  	s3 =	ssub.s32 $0x0, s20;
	[sflag:s22] =	ssyncset.done $0x0  }
0xa0: {  	[sflag:s22] =	ssyncadd.s32 s3;
	_ =	sdelay $0x1  }
0xa1: {  	s23 =	simm.s32 $0x1B8B  }
0xa2: {  	_ =	swait.ge [sflag:s23], $0x1  }
0xa3: {  	[sflag:s23] =	ssyncset.done $0x0  }
0xa4: {  	s25 =	simm.s32 $0x1B8E;
	s24 =	sld [smem:$0x3FFE];
	[sflag:s23] =	ssyncadd.s32 $0xFFFFFFFF  }
0xa5: {  	s26 =	simm.s32 $execute0_lowered;
	[smem:$0x3FD2] =	sst s25  }
0xa6: {  	s4 =	sshll.u32 s26, $0x1;
	_ =	strace $0x8000005B;
	[dreg:$0x1] =	wrdreg $0xFFFFFFFF  }
0xa7: {  	s28 =	simm.s32 $_size_execute0_lowered;
	s2 =	sadd.s32 s2, s4;
	[dreg:$0x0] =	wrdreg $0x0  }
0xa8: {  	s4 =	sshll.u32 s28, $0x1;
	[dreg:$0x2] =	wrdreg s2  }
0xa9: {  	[dreg:$0x3] =	wrdreg s4  }
0xaa: {  	[dreg:$0x4] =	wrdreg $0xC0  }
0xab: {  	_ =	task [dreg:s6], $0x5FFFF  }
0xac: {  	[dreg:$0x1] =	wrdreg $0xFFFFFFFF  }
0xad: {  	[dreg:$0x0] =	wrdreg $0x60  }
0xae: {  	[dreg:$0x2] =	wrdreg s24  }
0xaf: {  	[dreg:$0x3] =	wrdreg $0x9  }
0xb0: {  	_ =	task.clear_ibuf [dreg:s6], $0x4FFFF;
	_ =	strace $0x9000005B  }
0xb1: {  	s29 =	simm.s32 $0x9;
	_ =	strace $0x8000005D  }
0xb2: {  	_ =	swait.ge [sflag:s29], $0x1  }
0xb3: {  	[sflag:s29] =	ssyncadd.s32 $0xFFFFFFFF  }
0xb4: {  	_ =	strace $0x9000005D  }
0xb5: {  	_ =	sfence  }
0xb6: {  	s30 =	sld [smem:$0x0];
	_ =	sdelay $0x2  }
0xb7: {  	s31 =	sshll.u32 s1, $0xD;
	s1 =	sshrl.u32 s1, $0x2  }
0xb8: {  	s3 =	sand.u32 $0x4000, s31;
	s1 =	sadd.s32 s1, s30  }
0xb9: {  	s0 =	sor.u32 s3, s0;
	s1 =	sshll.u32 s1, $0x11  }
0xba: {  	s0 =	sor.u32 s1, s0  }
0xbb: {  	s0 =	sadd.s32 $0x8F2B, s0  }
0xbc: {  	[sflag:s0] =	ssyncadd.remote.s32 $0x1  }
0xbd: {  	_ =	sfence.sel $0xFFFF  }
0xbe: {  	[dreg:$0x0] =	wrdreg $0xFFFFFFFF;
	(pc) =	sbr.abs _section_cstart, $3  }
0xbf: {  	[dreg:$0x1] =	wrdreg $0xFFFFFFFF  }
0xc0: {  	_ =	task.clear_ibuf [dreg:s6], $0x2FFFF;
	_ =	strace $0x9FFFFFFF  }
0xc1: {  	(tm) =	ssettm $0x7FFFFFFF  }
tec
execute0_lowered:
.L_overlay_start_1:
0x0: {  	(tag) =	ssettag $0x1  }
0x1: {  	s0 =	rddreg [dreg:$0x0];
	s3 =	srdreg.scid  }
0x2: {  	s1 =	stileid.u32;
	s2 =	simm.s32 $0x0;
	s11 =	simm.s32 $0x2  }
0x3: {  	s12 =	simm.s32 $0x1;
	s13 =	simm.s32 $0x3800;
	s14 =	simm.s32 $0x39D0  }
0x4: {  	s15 =	simm.s32 $0x80;
	s7 =	sand.u32 $0x1, s3;
	s30 =	sshll.u32 s1, $0x1  }
0x5: {  	s16 =	simm.s32 $0x2800;
	s17 =	simm.s32 $0x0;
	s6 =	sor.u32 s7, s30  }
0x6: {  	[smem:$0x7FF] =	sst s2;
	s4 =	sadd.s32 $0x32E00, s0;
	s3 =	smul.u32 $0x140, s6  }
.Ltmp0:
0x7: {  	s5 =	sadd.s32 $0xD9200, s0;
	_ =	strace $0x8000005C;
	(pc) =	sbr.rel .LBB2_1-.Ltmp0, $4  }
0x8: {  	s7 =	ssub.s32 $0x2, s7;
	s8 =	smul.u32 $0x500, s6;
	s9 =	sshrl.u32 s3, $0x3  }
0x9: {  	s6 =	sadd.s32 $0xDE400, s0;
	s31 =	sshrl.u32 s7, $0x1;
	s9 =	sadd.s32 s9, s0  }
0xa: {  	s10 =	ssub.s32 s7, s31;
	s0 =	sadd.s32 s8, s0;
	s7 =	sadd.s32 $0x354400, s9  }
0xb: {  	v0 =	vimm.f32 $0.0e+00;
	s8 =	sadd.s32 $0xCF200, s0;
	s9 =	smax.u32 s10, $0x1;
	s10 =	simm.s32 $0x3880  }
.LBB2_13:
0xc: {  	s17 =	sadd.s32 $0x1, s17  }
0xd: {  	p0 =	sne.s32 s17, s9  }
.Ltmp1:
0xe: {  	_ = 	snop;
	(pc) =	sbr.rel @!p0 .LBB2_14-.Ltmp1, $4  }
0xf: {  	[hbm4b:s8+s2] =	stream.linear.scatter [tilespmem:s2], [sflag:$0x2], $0x2800, $0x38;
	[tilespmem:$0x3A60] =	vst v63  }
0x10: {  	_ =	swait.ge [sflag:s11], $0x2800  }
0x11: {  	[sflag:s11] =	ssyncset.done $0x0  }
0x12: {  	[sflag:s11] =	ssyncadd.s32 $0xFFFFD800  }
.LBB2_1:
0x13: {  	[tilespmem:s10], [sflag:$0x2] =	stream.linear.gather [hbm4b:s7+s2], $0x150, $0x38;
	[tilespmem:$0x3A60] =	vst v63  }
0x14: {  	_ =	swait.ge [sflag:s11], $0x150  }
0x15: {  	[sflag:s11] =	ssyncset.done $0x0  }
0x16: {  	[sflag:s11] =	ssyncadd.s32 $0xFFFFFEB0  }
0x17: {  	v1 =	vld [tilespmem:$0x3880]  }
0x18: {  	s0 =	simm.s32 $0x40;
	s22 =	simm.s32 $0x0;
	v2 =	vld [tilespmem:$0x39C0]  }
.LBB2_2:
0x19: {  	p0 =	sne.s32 s0, $0x9FC0;
	[tilespmem:s22+$0x0] =	vst v0;
	s18 =	smov.u32 s0;
	s0 =	sadd.s32 $0x40, s0  }
.Ltmp2:
0x1a: {  	(pc) =	sbr.rel @p0 .LBB2_2-.Ltmp2, $2  }
0x1b: {  	_ =	sdelay $0x2  }
0x1c: {  	s22 =	sshra.s32 s18, $0x2  }
0x1d: {  	(v2sf) =	vpush v1, $0x0;
	_ =	sdelay $0x6  }
0x1e: {  	(v2sf) =	vpush v2, $0x0;
	_ =	sdelay $0x7  }
0x1f: {  	s18 =	spop (v2sf)  }
0x20: {  	s0 =	sand.u32 $0x7, s18  }
0x21: {  	s19 =	sshra.s32 s18, $0x1F;
	p0 =	slt.s32 s18, $0x1;
	p1 =	sne.s32 s0, $0x0  }
0x22: {  	s29 =	sshrl.u32 s19, $0x1D;
	p0 =	por !p0, !p1  }
0x23: {  	s19 =	simm.s32 $0x1;
	s0 =	sadd.s32 s29, s18;
	p0 =	por !p0, !p0  }
0x24: {  	s0 =	sshra.s32 s0, $0x3;
	s19 =	simm.s32 @!p0 $0x0  }
0x25: {  	s23 =	ssub.s32 s0, s19  }
0x26: {  	s19 =	spop (v2sf);
	s20 =	sshll.u32 s23, $0x3  }
0x27: {  	s30 =	ssub.s32 s19, s20  }
0x28: {  	s0 =	sadd.s32 $0x7F, s30  }
0x29: {  	s21 =	sand.u32 $0x7F, s0  }
0x2a: {  	s31 =	sshra.s32 s0, $0x1F;
	p6 =	slt.s32 s0, $0x1;
	p5 =	sne.s32 s21, $0x0  }
0x2b: {  	s21 =	sshrl.u32 s31, $0x19;
	p0 =	por !p6, !p5  }
0x2c: {  	s0 =	sadd.s32 s21, s0;
	s21 =	simm.s32 $0x1;
	p0 =	por !p0, !p0  }
0x2d: {  	s0 =	sshra.s32 s0, $0x7;
	s21 =	simm.s32 @!p0 $0x0  }
0x2e: {  	s21 =	ssub.s32 s0, s21  }
0x2f: {  	p0 =	slt.s32 s21, $0x1  }
.Ltmp3:
0x30: {  	_ = 	snop;
	(pc) =	sbr.rel @p0 .LBB2_13-.Ltmp3, $2  }
0x31: {  	_ =	sdelay $0x2  }
0x32: {  	[tilespmem:s22+$0x0] =	vst v0  }
.Ltmp4:
0x33: {  	(pc) =	sbr.rel .LBB2_5-.Ltmp4, $3  }
0x34: {  	_ =	sdelay $0x1  }
0x35: {  	s0 =	sshll.u32 s23, $0x3  }
0x36: {  	s23 =	simm.s32 $0x0;
	s24 =	smov.u32 s20;
	s22 =	ssub.s32 $0x0, s0  }
.LBB2_7:
0x37: {  	s29 =	smov.u32 s25  }
.LBB2_11:
0x38: {  	s1 =	sor.u32 s31, s30;
	[tilespmem:s0+$0x0] =	vst.add.f32.msk @p0 $0xffff, v1  }
0x39: {  	v1 =	vld [tilespmem:s1+$0x39D0];
	_ =	sdelay $0x4  }
0x3a: {  	(v2sf) =	vpush v1, $0x0;
	_ =	sdelay $0xb  }
0x3b: {  	s0 =	sadd.s32 @p0 $0x20, s29  }
0x3c: {  	s25 =	smov.u32 @p0 s0  }
0x3d: {  	v1 =	vld [tilespmem:s25+$0xFFFFFFF0]  }
0x3e: {  	s31 =	spop (v2sf)  }
0x3f: {  	s0 =	ssub.s32 s31, s3  }
0x40: {  	s0 =	sshll.u32 s0, $0x7  }
0x41: {  	s0 =	sshra.s32 s0, $0x2  }
0x42: {  	[tilespmem:s0+$0x0] =	vst.add.f32.msk $0xffff, v1  }
0x43: {  	v1 =	vld [tilespmem:s25+$0x0];
	_ =	sdelay $0x3  }
0x44: {  	s0 =	sor.u32 $0x10, s0  }
0x45: {  	[tilespmem:s0+$0x0] =	vst.add.f32.msk $0xffff, v1  }
.LBB2_12:
0x46: {  	s23 =	sadd.s32 $0x1, s23  }
0x47: {  	p0 =	sne.s32 s23, s21  }
.Ltmp5:
0x48: {  	_ = 	snop;
	(pc) =	sbr.rel @!p0 .LBB2_13-.Ltmp5, $2  }
0x49: {  	_ =	sdelay $0x2  }
0x4a: {  	s24 =	sadd.s32 $0x80, s24;
	s22 =	sadd.s32 $0xFFFFFF80, s22  }
.LBB2_5:
0x4b: {  	s0 =	sshll.u32 s23, $0x7  }
0x4c: {  	s0 =	sadd.s32 s20, s0  }
0x4d: {  	s25 =	sshrl.u32 s0, $0x3  }
0x4e: {  	s26 =	sadd.s32 s5, s25  }
0x4f: {  	[tilespmem:s13], [sflag:$0x2] =	stream.linear.gather [hbm4b:s26+s2], $0x80, $0x38;
	[tilespmem:$0x3A60] =	vst v63  }
0x50: {  	_ =	swait.ge [sflag:s11], $0x80  }
0x51: {  	[sflag:s11] =	ssyncset.done $0x0  }
0x52: {  	s25 =	sadd.s32 s6, s25;
	[sflag:s11] =	ssyncadd.s32 $0xFFFFFF80  }
0x53: {  	[tilespmem:s14], [sflag:$0x2] =	stream.linear.gather [hbm4b:s25+s2], $0x80, $0x38;
	[tilespmem:$0x3A60] =	vst v63  }
0x54: {  	s28 =	smov.u32 s18;
	s25 =	sadd.s32 $0x80, s0  }
0x55: {  	p0 =	sgt.s32 s0, s18;
	s26 =	smov.u32 s19;
	p1 =	slt.s32 s25, s19  }
0x56: {  	s28 =	smov.u32 @p0 s0;
	_ =	swait.ge [sflag:s11], $0x80;
	s26 =	smov.u32 @p1 s25  }
0x57: {  	[sflag:s11] =	ssyncset.done $0x0;
	p0 =	sge.s32 s28, s26  }
.Ltmp6:
0x58: {  	[sflag:s11] =	ssyncadd.s32 $0xFFFFFF80;
	(pc) =	sbr.rel @p0 .LBB2_12-.Ltmp6, $4  }
0x59: {  	[tilespmem:s16], [sflag:$0x1] =	stream.indirect.gather [hbm4b:s4+s15], $0x20, s13, s15, $0xb8;
	[tilespmem:$0x3A60] =	vst v63  }
0x5a: {  	_ =	swait.ge [sflag:s12], $0x1000  }
0x5b: {  	[sflag:s12] =	ssyncset.done $0x0  }
0x5c: {  	[sflag:s12] =	ssyncadd.s32 $0xFFFFF000  }
0x5d: {  	s29 =	sadd.s32 $0x1, s28  }
0x5e: {  	p0 =	sgt.s32 s18, s24;
	s0 =	smov.u32 s24;
	p1 =	slt.s32 s29, s26  }
.Ltmp7:
0x5f: {  	s0 =	smov.u32 @p0 s18;
	(pc) =	sbr.rel @!p1 .LBB2_7-.Ltmp7, $4  }
0x60: {  	s0 =	sadd.s32 s22, s0  }
0x61: {  	s0 =	sshll.u32 s0, $0x7  }
0x62: {  	s1 =	sadd.s32 s28, s22;
	s31 =	sand.u32 $0x7, s28;
	s0 =	sshra.s32 s0, $0x2  }
0x63: {  	s30 =	sand.u32 $0xFFFFFFF8, s1;
	p0 =	por $0x0, $0x0;
	s25 =	sadd.s32 $0x2810, s0  }
0x64: {  	s0 =	sor.u32 s31, s30  }
0x65: {  	v1 =	vld [tilespmem:s0+$0x39D0];
	_ =	sdelay $0x4  }
0x66: {  	(v2sf) =	vpush v1, $0x0;
	_ =	sdelay $0xd  }
0x67: {  	v1 =	vld [tilespmem:s25+$0xFFFFFFF0]  }
0x68: {  	s1 =	spop (v2sf)  }
0x69: {  	s0 =	ssub.s32 s1, s3  }
0x6a: {  	s0 =	sshll.u32 s0, $0x7  }
0x6b: {  	s28 =	sadd.s32 $0x1, s29;
	s0 =	sshra.s32 s0, $0x2  }
0x6c: {  	p1 =	slt.s32 s28, s26;
	[tilespmem:s0+$0x0] =	vst.add.f32.msk $0xffff, v1  }
.Ltmp8:
0x6d: {  	v1 =	vld [tilespmem:s25+$0x0];
	(pc) =	sbr.rel @!p1 .LBB2_9-.Ltmp8, $3  }
0x6e: {  	_ =	sdelay $0x1  }
0x6f: {  	s30 =	sadd.s32 s29, s22;
	s31 =	sand.u32 $0x7, s29;
	p0 =	por $0x1, $0x1  }
0x70: {  	s29 =	smov.u32 s25;
	s30 =	sand.u32 $0xFFFFFFF8, s30;
	s0 =	sor.u32 $0x10, s0  }
.LBB2_10:
0x71: {  	s30 =	sor.u32 s31, s30  }
0x72: {  	[tilespmem:s0+$0x0] =	vst.add.f32.msk $0xffff, v1;
	s29 =	sadd.s32 $0x20, s29;
	s0 =	smov.u32 s28;
	s28 =	sadd.s32 $0x1, s28  }
0x73: {  	p1 =	slt.s32 s28, s26;
	v1 =	vld [tilespmem:s30+$0x39D0];
	_ =	sdelay $0x4  }
0x74: {  	(v2sf) =	vpush v1, $0x0;
	_ =	sdelay $0xd  }
0x75: {  	v1 =	vld [tilespmem:s29+$0xFFFFFFF0]  }
0x76: {  	s30 =	spop (v2sf)  }
0x77: {  	s30 =	ssub.s32 s30, s3  }
0x78: {  	s30 =	sshll.u32 s30, $0x7  }
0x79: {  	s1 =	sshra.s32 s30, $0x2  }
0x7a: {  	[tilespmem:s1+$0x0] =	vst.add.f32.msk $0xffff, v1  }
.Ltmp9:
0x7b: {  	v1 =	vld [tilespmem:s29+$0x0];
	(pc) =	sbr.rel @p1 .LBB2_10-.Ltmp9, $3  }
0x7c: {  	_ =	sdelay $0x1  }
0x7d: {  	s30 =	sadd.s32 s0, s22  }
0x7e: {  	s31 =	sand.u32 $0x7, s0;
	s30 =	sand.u32 $0xFFFFFFF8, s30;
	s0 =	sor.u32 $0x10, s1  }
.Ltmp10:
0x7f: {  	_ = 	snop;
	(pc) =	sbr.rel .LBB2_11-.Ltmp10, $1  }
0x80: {  	_ =	sdelay $0x3  }
.LBB2_9:
.Ltmp11:
0x81: {  	(pc) =	sbr.rel .LBB2_11-.Ltmp11, $2  }
0x82: {  	_ =	sdelay $0x2  }
0x83: {  	s29 =	smov.u32 s25  }
.LBB2_14:
0x84: {  	_ =	sfence.sel $0x180000  }
0x85: {  	[bflag:$0x0] =	sbarrier.arrive $0xFFFF  }
0x86: {  	_ =	strace $0x9000005C  }
0x87: {  	s0 =	stileid.u32;
	[bflag:$0x2] =	sbarrier.arrive $0xFFFF  }
0x88: {  	p0 =	sne.s32 s0, $0x0;
	s0 =	rddreg [dreg:$0x1]  }
0x89: {  	s0 =	sadd.s32 @!p0 $0x100000, s0  }
0x8a: {  	[sflag:s0] =	ssyncadd.tile.s32 @!p0 $0x1;
	_ =	shalt  }
.Lfunc_end2:
_tile_overlayer_lowered:
.L_overlay_start_2:
0x8b: {  	(tag) =	ssettag $0x2  }
0x8c: {  	s0 =	rddreg [dreg:$0x0];
	s2 =	stileid.u32  }
0x8d: {  	s1 =	rddreg [dreg:$0x1];
	p0 =	sne.s32 s2, $0x0  }
0x8e: {  	s3 =	rddreg [dreg:$0x2];
	[bflag:$0x3] =	sbarrier.arrive $0xFFFF;
	s2 =	simm.s32 @!p0 $0x1C02  }
0x8f: {  	[timem:s3], [sflag:s2] =	dma.local @!p0 [hbm:s0], s1  }
0x90: {  	s0 =	simm.s32 @!p0 $0x2  }
0x91: {  	_ =	swait.ge @!p0 [sflag:s0], s1  }
0x92: {  	s1 =	ssub.s32 @!p0 $0x0, s1;
	[sflag:s0] =	ssyncset.done @!p0 $0x0  }
0x93: {  	[sflag:s0] =	ssyncadd.s32 @!p0 s1  }
0x94: {  	[bflag:$0x3] =	sbarrier.arrive $0xFFFF  }
0x95: {  	_ =	shalt  }

// kernel: kernel.52.cloned.1.call-start
scs
__scs_entry_jumppad:
0x0: {  	(pc) =	sbr.rel $0x88, $3  }
0x1: {  	(tag) =	ssettag $0x0;
	lr =	simm.s32 $0x1  }
0x2: {  	[smem:$0x3F93] =	sst lr;
	_ =	strace $0xD0000000  }
0x3: {  	_ = 	snop  }
0x4: {  	_ = 	snop  }
0x5: {  	_ = 	snop  }
0x6: {  	_ = 	snop  }
0x7: {  	_ = 	snop  }
__scs_overlays_trampoline_lowered:
0x8: {  	[smem:$0x3FA2] =	sst s0  }
0x9: {  	[smem:$0x3FA3] =	sst s1  }
0xa: {  	[smem:$0x3FA4] =	sst s2  }
0xb: {  	[smem:$0x3FA5] =	sst s3  }
0xc: {  	[smem:$0x3FA6] =	sst s4  }
0xd: {  	[smem:$0x3FA7] =	sst s5  }
0xe: {  	[smem:$0x3FA8] =	sst s6  }
0xf: {  	[smem:$0x3FA9] =	sst s7  }
0x10: {  	[smem:$0x3FAA] =	sst s8  }
0x11: {  	[smem:$0x3FAB] =	sst s9;
	s0 =	simm.s32 @!p0 $0x0  }
0x12: {  	s1 =	sld [smem:$0x3F91];
	s0 =	simm.s32 @p0 $0x1  }
0x13: {  	[smem:$0x3FAC] =	sst s0;
	s0 =	simm.s32 @!p1 $0x0  }
0x14: {  	s2 =	sld [smem:$0x3F90];
	s0 =	simm.s32 @p1 $0x1  }
0x15: {  	[smem:$0x3FAD] =	sst s0;
	s0 =	simm.s32 @!p2 $0x0  }
0x16: {  	s3 =	sld [smem:$0x3FDB];
	s0 =	simm.s32 @p2 $0x1  }
0x17: {  	s4 =	simm.s32 $0x1BF5;
	[smem:$0x3FAF] =	sst s0  }
0x18: {  	s0 =	sld [smem:$0x3F92];
	_ =	swait.ge [sflag:s4], $0x0  }
0x19: {  	s7 =	sld [smem:$0x3F93]  }
0x1a: {  	s8 =	sadd.s32 $0xFFFFE003, lr  }
0x1b: {  	s9 =	sadd.s32 $0xFFFFFEF7, lr;
	s5 =	simm.s32 $0xFFFFFFFF;
	p2 =	slt.u32 s8, $0xFFFFF086  }
0x1c: {  	p1 =	slt.u32 s9, $0xF7A;
	s5 =	simm.s32 @!p2 $0x0  }
0x1d: {  	s5 =	simm.s32 @p1 $0x1;
	p0 =	seq.s32 s7, s2  }
0x1e: {  	s7 =	smul.u32 @!p0 $0xF7A, s2;
	p2 =	seq.s32 @!p0 s5, $0x0  }
0x1f: {  	s9 =	smul.u32 $0xF7A, s1;
	s8 =	simm.s32 @!p0 $0x1BF5;
	p2 =	por !p2, p0  }
0x20: {  	[sflag:s8] =	ssyncset.s32 @!p0 $0xFFFFF086;
	s6 =	sadd.s32 @!p0 s3, s7;
	s7 =	simm.s32 @!p0 $0x108  }
0x21: {  	s3 =	sadd.s32 s3, s9;
	s6 =	sadd.s32 @!p0 $0x88, s6;
	s7 =	simm.s32 @p2 $0x1082  }
0x22: {  	[simem:s7], [sflag:s8] =	dma.local @!p0 [hbm:s6], $0xF7A  }
0x23: {  	s9 =	sor.u32 $0xD0000000, s2;
	s6 =	simm.s32 $0x108;
	_ =	swait.ge @!p0 [sflag:s8], $0x0  }
0x24: {  	s3 =	sadd.s32 $0x88, s3;
	s6 =	simm.s32 @!p1 $0x1082;
	[sflag:s4] =	ssyncset.s32 $0xFFFFF086  }
0x25: {  	[simem:s6], [sflag:s4] =	dma.local [hbm:s3], $0xF7A  }
0x26: {  	[smem:$0x3F93] =	sst s1;
	(tag) =	ssettag s2;
	_ =	strace s9  }
0x27: {  	s1 =	sld [smem:$0x3FA3]  }
0x28: {  	s2 =	sld [smem:$0x3FA4]  }
0x29: {  	s4 =	sld [smem:$0x3FA6]  }
0x2a: {  	p0 =	seq.s32 s5, $0x0;
	s5 =	sld [smem:$0x3FA7]  }
0x2b: {  	s6 =	sld [smem:$0x3FA8]  }
0x2c: {  	s7 =	sld [smem:$0x3FA9]  }
0x2d: {  	s3 =	simm.s32 $0x108;
	s8 =	sld [smem:$0x3FAA]  }
0x2e: {  	s3 =	simm.s32 @!p0 $0x1082;
	s9 =	sld [smem:$0x3FAB]  }
0x2f: {  	lr =	sadd.s32 s0, s3;
	s0 =	sld [smem:$0x3FA2]  }
0x30: {  	s3 =	sld [smem:$0x3FA5]  }
0x31: {  	[smem:$0x3FAE] =	sst s10  }
0x32: {  	s10 =	sld [smem:$0x3FAC];
	_ =	sdelay $0x3  }
0x33: {  	p0 =	seq.s32 s10, $0x1;
	s10 =	sld [smem:$0x3FAE];
	_ =	sdelay $0x3  }
0x34: {  	[smem:$0x3FAE] =	sst s10  }
0x35: {  	s10 =	sld [smem:$0x3FAD];
	_ =	sdelay $0x3  }
0x36: {  	p1 =	seq.s32 s10, $0x1;
	s10 =	sld [smem:$0x3FAE];
	_ =	sdelay $0x3  }
0x37: {  	[smem:$0x3FAE] =	sst s10  }
0x38: {  	s10 =	sld [smem:$0x3FAF]  }
0x39: {  	_ = 	snop;
	(pc) =	sbr.ind lr, $3  }
0x3a: {  	_ = 	snop  }
0x3b: {  	_ = 	snop  }
0x3c: {  	p2 =	seq.s32 s10, $0x1;
	s10 =	sld [smem:$0x3FAE]  }
0x3d: {  	_ =	shalt  }
0x3e: {  	_ =	shalt  }
0x3f: {  	_ =	shalt  }
0x40: {  	_ =	shalt  }
0x41: {  	_ =	shalt  }
0x42: {  	_ =	shalt  }
0x43: {  	_ =	shalt  }
0x44: {  	_ =	shalt  }
0x45: {  	_ =	shalt  }
0x46: {  	_ =	shalt  }
0x47: {  	_ =	shalt  }
0x48: {  	_ =	shalt  }
0x49: {  	_ =	shalt  }
0x4a: {  	_ =	shalt  }
0x4b: {  	_ =	shalt  }
0x4c: {  	_ =	shalt  }
0x4d: {  	_ =	shalt  }
0x4e: {  	_ =	shalt  }
0x4f: {  	_ =	shalt  }
0x50: {  	_ =	shalt  }
0x51: {  	_ =	shalt  }
0x52: {  	_ =	shalt  }
0x53: {  	_ =	shalt  }
0x54: {  	_ =	shalt  }
0x55: {  	_ =	shalt  }
0x56: {  	_ =	shalt  }
0x57: {  	_ =	shalt  }
0x58: {  	_ =	shalt  }
0x59: {  	_ =	shalt  }
0x5a: {  	_ =	shalt  }
0x5b: {  	_ =	shalt  }
0x5c: {  	_ =	shalt  }
0x5d: {  	_ =	shalt  }
0x5e: {  	_ =	shalt  }
0x5f: {  	_ =	shalt  }
0x60: {  	_ =	shalt  }
0x61: {  	_ =	shalt  }
0x62: {  	_ =	shalt  }
0x63: {  	_ =	shalt  }
0x64: {  	_ =	shalt  }
0x65: {  	_ =	shalt  }
0x66: {  	_ =	shalt  }
0x67: {  	_ =	shalt  }
0x68: {  	_ =	shalt  }
0x69: {  	_ =	shalt  }
0x6a: {  	_ =	shalt  }
0x6b: {  	_ =	shalt  }
0x6c: {  	_ =	shalt  }
0x6d: {  	_ =	shalt  }
0x6e: {  	_ =	shalt  }
0x6f: {  	_ =	shalt  }
0x70: {  	_ =	shalt  }
0x71: {  	_ =	shalt  }
0x72: {  	_ =	shalt  }
0x73: {  	_ =	shalt  }
0x74: {  	_ =	shalt  }
0x75: {  	_ =	shalt  }
0x76: {  	_ =	shalt  }
0x77: {  	_ =	shalt  }
0x78: {  	_ =	shalt  }
0x79: {  	_ =	shalt  }
0x7a: {  	_ =	shalt  }
0x7b: {  	_ =	shalt  }
0x7c: {  	_ =	shalt  }
0x7d: {  	_ =	shalt  }
0x7e: {  	_ =	shalt  }
0x7f: {  	_ =	shalt  }
0x80: {  	_ =	shalt  }
0x81: {  	_ =	shalt  }
0x82: {  	_ =	shalt  }
0x83: {  	_ =	shalt  }
0x84: {  	_ =	shalt  }
0x85: {  	_ =	shalt  }
0x86: {  	_ =	shalt  }
0x87: {  	_ =	shalt  }
.Lfunc_end0:
.L_simem_size_0:
called_computation.8_lowered:
.L_overlay_start_0:
0x88: {  	s2 =	sld [smem:$0x3FD9]  }
0x89: {  	s3 =	sld [smem:$0x3FFE];
	_ =	sdelay $0x1  }
0x8a: {  	s1 =	srdreg.scid  }
0x8b: {  	s0 =	sand.u32 $0x1, s1  }
0x8c: {  	s17 =	sshll.u32 s0, $0xA;
	s2 =	sadd.s32 s3, s2  }
0x8d: {  	s2 =	sadd.s32 s2, s17  }
0x8e: {  	[smem:$0x3FBA] =	sst s2  }
0x8f: {  	_ = 	snop  }
0x90: {  	s2 =	sld [smem:$0x3FD0];
	(tm) =	ssettm $0x1  }
0x91: {  	s18 =	sld [smem:$0x3FFB];
	_ =	sdelay $0x3  }
0x92: {  	_ =	strace s18  }
0x93: {  	s3 =	sld [smem:$0x3FFC];
	_ =	sdelay $0x3  }
0x94: {  	_ =	strace s3  }
0x95: {  	s3 =	sld [smem:$0x3FFD];
	_ =	sdelay $0x3  }
0x96: {  	_ =	strace s3  }
0x97: {  	_ =	strace $0x8FFFFFFF  }
0x98: {  	s19 =	sld [smem:$0x3FDB];
	_ =	sdelay $0x1  }
0x99: {  	s4 =	simm.s32 $_scs_section_size  }
0x9a: {  	s5 =	simm.s32 $_size__tile_overlayer_lowered;
	s6 =	simm.s32 $_tile_overlayer_lowered  }
0x9b: {  	s22 =	simm.s32 $0x1BFF;
	s21 =	sshll.u32 s6, $0x1;
	s3 =	sadd.s32 s4, s19  }
0x9c: {  	s7 =	simm.s32 $0x0;
	s20 =	sshll.u32 s5, $0x1;
	s5 =	sadd.s32 s21, s3  }
0x9d: {  	[timem:s7], [sflag:s22] =	dma.local [hbm:s5], s20  }
0x9e: {  	_ =	swait.ge [sflag:s22], s20  }
0x9f: {  	s4 =	ssub.s32 $0x0, s20;
	[sflag:s22] =	ssyncset.done $0x0  }
0xa0: {  	[sflag:s22] =	ssyncadd.s32 s4;
	_ =	sdelay $0x1  }
0xa1: {  	s23 =	simm.s32 $0x1B8B  }
0xa2: {  	_ =	swait.ge [sflag:s23], $0x1  }
0xa3: {  	[sflag:s23] =	ssyncset.done $0x0  }
0xa4: {  	s25 =	simm.s32 $0x1B8E;
	s24 =	sld [smem:$0x3FFE];
	[sflag:s23] =	ssyncadd.s32 $0xFFFFFFFF  }
0xa5: {  	s26 =	simm.s32 $execute0_lowered;
	[smem:$0x3FD2] =	sst s25  }
0xa6: {  	s5 =	sshll.u32 s26, $0x1;
	_ =	strace $0x8000005E;
	[dreg:$0x1] =	wrdreg $0xFFFFFFFF  }
0xa7: {  	s28 =	simm.s32 $_size_execute0_lowered;
	s3 =	sadd.s32 s3, s5;
	[dreg:$0x0] =	wrdreg $0x0  }
0xa8: {  	s5 =	sshll.u32 s28, $0x1;
	[dreg:$0x2] =	wrdreg s3  }
0xa9: {  	[dreg:$0x3] =	wrdreg s5  }
0xaa: {  	[dreg:$0x4] =	wrdreg $0xC0  }
0xab: {  	_ =	task [dreg:s7], $0x5FFFF  }
0xac: {  	[dreg:$0x1] =	wrdreg $0xFFFFFFFF  }
0xad: {  	[dreg:$0x0] =	wrdreg $0x60  }
0xae: {  	[dreg:$0x2] =	wrdreg s24  }
0xaf: {  	[dreg:$0x3] =	wrdreg s2  }
0xb0: {  	[dreg:$0x4] =	wrdreg $0x9  }
0xb1: {  	_ =	task.clear_ibuf [dreg:s7], $0x5FFFF;
	_ =	strace $0x9000005E  }
0xb2: {  	s29 =	simm.s32 $0x9;
	_ =	strace $0x80000060  }
0xb3: {  	_ =	swait.ge [sflag:s29], $0x1  }
0xb4: {  	[sflag:s29] =	ssyncadd.s32 $0xFFFFFFFF  }
0xb5: {  	_ =	strace $0x90000060  }
0xb6: {  	_ =	sfence  }
0xb7: {  	s30 =	sld [smem:$0x0];
	_ =	sdelay $0x2  }
0xb8: {  	s31 =	sshll.u32 s1, $0xD;
	s1 =	sshrl.u32 s1, $0x2  }
0xb9: {  	s3 =	sand.u32 $0x4000, s31;
	s1 =	sadd.s32 s1, s30  }
0xba: {  	s0 =	sor.u32 s3, s0;
	s1 =	sshll.u32 s1, $0x11  }
0xbb: {  	s0 =	sor.u32 s1, s0  }
0xbc: {  	s0 =	sadd.s32 $0x8F2B, s0  }
0xbd: {  	[sflag:s0] =	ssyncadd.remote.s32 $0x1  }
0xbe: {  	_ =	sfence.sel $0xFFFF  }
0xbf: {  	[dreg:$0x0] =	wrdreg $0xFFFFFFFF;
	(pc) =	sbr.abs _section_cstart, $3  }
0xc0: {  	[dreg:$0x1] =	wrdreg $0xFFFFFFFF  }
0xc1: {  	_ =	task.clear_ibuf [dreg:s7], $0x2FFFF;
	_ =	strace $0x9FFFFFFF  }
0xc2: {  	(tm) =	ssettm $0x7FFFFFFF  }
0xc3: {  	_ =	shalt  }
tec
execute0_lowered:
.L_overlay_start_1:
0x0: {  	(tag) =	ssettag $0x1  }
0x1: {  	s4 =	rddreg [dreg:$0x0]  }
0x2: {  	s8 =	rddreg [dreg:$0x1]  }
0x3: {  	s0 =	rddreg [dreg:$0x2];
	s3 =	srdreg.scid  }
0x4: {  	s1 =	stileid.u32;
	s2 =	simm.s32 $0x0;
	s5 =	sand.u32 $0x1, s3  }
0x5: {  	s28 =	sshll.u32 s1, $0x1;
	[smem:$0x7FF] =	sst s2;
	s9 =	smul.u32 $0x9C40, s1  }
0x6: {  	s3 =	sadd.s32 $0x32E00, s4;
	s11 =	smul.u32 $0x2710, s1;
	s6 =	sor.u32 s5, s28  }
0x7: {  	s7 =	sadd.s32 $0x3CE00, s4;
	s29 =	ssub.s32 $0x2, s5;
	s6 =	smul.u32 $0x1388, s6  }
0x8: {  	_ =	strace $0x8000005F;
	s12 =	smul.u32 $0x1388, s5;
	s10 =	sshrl.u32 s29, $0x1  }
0x9: {  	s13 =	smul.u32 $0x4E20, s5;
	s10 =	ssub.s32 s29, s10;
	s6 =	sadd.s32 $0x1380, s6  }
0xa: {  	s31 =	sadd.s32 s12, s11;
	s11 =	simm.s32 $0x1;
	s30 =	sshrl.u32 s6, $0x3  }
0xb: {  	s12 =	simm.s32 $0x8;
	s6 =	sshll.u32 s6, $0x2;
	s4 =	sadd.s32 s8, s30  }
0xc: {  	s5 =	sadd.s32 s7, s6;
	s7 =	sadd.s32 s9, s7;
	s6 =	smax.u32 s10, $0x1  }
0xd: {  	s9 =	sshrl.u32 s31, $0x3;
	s10 =	simm.s32 $0x80;
	s7 =	sadd.s32 s13, s7  }
0xe: {  	s8 =	sadd.s32 s9, s8;
	s9 =	simm.s32 $0x2;
	s13 =	simm.s32 $0x0  }
.LBB2_1:
0xf: {  	s14 =	sadd.s32 $0x0, s8  }
0x10: {  	[tilespmem:s2], [sflag:$0x2] =	stream.linear.gather [hbm4b:s14+s2], $0x80, $0x38;
	[tilespmem:$0x1080] =	vst v63  }
0x11: {  	_ =	swait.ge [sflag:s9], $0x80  }
0x12: {  	[sflag:s9] =	ssyncset.done $0x0  }
0x13: {  	[sflag:s9] =	ssyncadd.s32 $0xFFFFFF80  }
0x14: {  	[tilespmem:s10], [sflag:$0x1] =	stream.indirect.gather [hbm4b:s3+s10], $0x20, s2, s10, $0xb8;
	[tilespmem:$0x1080] =	vst v63  }
0x15: {  	_ =	swait.ge [sflag:s11], $0x1000  }
0x16: {  	[sflag:s11] =	ssyncset.done $0x0  }
0x17: {  	[sflag:s11] =	ssyncadd.s32 $0xFFFFF000  }
0x18: {  	[hbm4b:s7+s2] =	stream.linear.scatter [tilespmem:s10], [sflag:$0x2], $0x1000, $0x38;
	[tilespmem:$0x1080] =	vst v63  }
0x19: {  	s15 =	simm.s32 $0x10;
	_ =	swait.ge [sflag:s9], $0x1000  }
0x1a: {  	s16 =	simm.s32 $0x20;
	s14 =	sadd.s32 $0x200, s7;
	[sflag:s9] =	ssyncset.done $0x0  }
.LBB2_2:
0x1b: {  	s17 =	sadd.s32 s15, s8  }
0x1c: {  	[sflag:s9] =	ssyncadd.s32 $0xFFFFF000;
	s15 =	smov.u32 s16;
	s18 =	sadd.s32 $0x10, s16  }
0x1d: {  	[tilespmem:s2], [sflag:$0x2] =	stream.linear.gather [hbm4b:s17+s2], $0x80, $0x38;
	[tilespmem:$0x1080] =	vst v63  }
0x1e: {  	p0 =	sne.s32 s16, $0x260;
	_ =	swait.ge [sflag:s9], $0x80  }
0x1f: {  	[sflag:s9] =	ssyncset.done $0x0  }
0x20: {  	[sflag:s9] =	ssyncadd.s32 $0xFFFFFF80  }
0x21: {  	[tilespmem:s10], [sflag:$0x1] =	stream.indirect.gather [hbm4b:s3+s10], $0x20, s2, s10, $0xb8;
	[tilespmem:$0x1080] =	vst v63  }
0x22: {  	_ =	swait.ge [sflag:s11], $0x1000  }
.Ltmp0:
0x23: {  	[sflag:s11] =	ssyncset.done $0x0;
	(pc) =	sbr.rel @p0 .LBB2_2-.Ltmp0, $4  }
0x24: {  	[sflag:s11] =	ssyncadd.s32 $0xFFFFF000  }
0x25: {  	[hbm4b:s14+s2] =	stream.linear.scatter [tilespmem:s10], [sflag:$0x2], $0x1000, $0x38;
	[tilespmem:$0x1080] =	vst v63  }
0x26: {  	_ =	swait.ge [sflag:s9], $0x1000  }
0x27: {  	s16 =	smov.u32 s18;
	s14 =	sadd.s32 $0x200, s14;
	[sflag:s9] =	ssyncset.done $0x0  }
0x28: {  	s15 =	sadd.s32 s15, s8;
	[sflag:s9] =	ssyncadd.s32 $0xFFFFF000  }
0x29: {  	[tilespmem:s2], [sflag:$0x2] =	stream.linear.gather [hbm4b:s15+s2], $0x80, $0x38;
	[tilespmem:$0x1080] =	vst v63  }
0x2a: {  	_ =	swait.ge [sflag:s9], $0x80  }
0x2b: {  	[sflag:s9] =	ssyncset.done $0x0  }
0x2c: {  	[sflag:s9] =	ssyncadd.s32 $0xFFFFFF80  }
0x2d: {  	[tilespmem:s10], [sflag:$0x1] =	stream.indirect.gather [hbm4b:s3+s10], $0x20, s2, s10, $0xb8;
	[tilespmem:$0x1080] =	vst v63  }
0x2e: {  	_ =	swait.ge [sflag:s11], $0x1000  }
0x2f: {  	[sflag:s11] =	ssyncset.done $0x0  }
0x30: {  	[sflag:s11] =	ssyncadd.s32 $0xFFFFF000  }
0x31: {  	[hbm4b:s14+s2] =	stream.linear.scatter [tilespmem:s10], [sflag:$0x2], $0x1000, $0x38;
	[tilespmem:$0x1080] =	vst v63  }
0x32: {  	_ =	swait.ge [sflag:s9], $0x1000  }
0x33: {  	[sflag:s9] =	ssyncset.done $0x0  }
0x34: {  	[sflag:s9] =	ssyncadd.s32 $0xFFFFF000  }
0x35: {  	[tilespmem:s2], [sflag:$0x2] =	stream.linear.gather [hbm4b:s4+s2], $0x8, $0x38;
	[tilespmem:$0x1080] =	vst v63  }
0x36: {  	_ =	swait.ge [sflag:s9], $0x8  }
0x37: {  	[sflag:s9] =	ssyncset.done $0x0  }
0x38: {  	[sflag:s9] =	ssyncadd.s32 $0xFFFFFFF8  }
0x39: {  	[tilespmem:s10], [sflag:$0x1] =	stream.indirect.gather [hbm4b:s3+s12], $0x20, s2, s12, $0xb8;
	[tilespmem:$0x1080] =	vst v63  }
0x3a: {  	s13 =	sadd.s32 $0x1, s13;
	_ =	swait.ge [sflag:s11], $0x100  }
0x3b: {  	p0 =	sne.s32 s13, s6;
	[sflag:s11] =	ssyncset.done $0x0  }
.Ltmp1:
0x3c: {  	[sflag:s11] =	ssyncadd.s32 $0xFFFFFF00;
	(pc) =	sbr.rel @p0 .LBB2_1-.Ltmp1, $4  }
0x3d: {  	[hbm4b:s5+s2] =	stream.linear.scatter [tilespmem:s10], [sflag:$0x2], $0x100, $0x38;
	[tilespmem:$0x1080] =	vst v63  }
0x3e: {  	_ =	swait.ge [sflag:s9], $0x100  }
0x3f: {  	[sflag:s9] =	ssyncset.done $0x0  }
0x40: {  	[sflag:s9] =	ssyncadd.s32 $0xFFFFFF00  }
0x41: {  	_ =	sfence.sel $0x180000  }
0x42: {  	[bflag:$0x0] =	sbarrier.arrive $0xFFFF  }
0x43: {  	p0 =	sne.s32 s1, $0x0;
	_ =	strace $0x9000005F  }
0x44: {  	s0 =	sadd.s32 @!p0 $0x100000, s0;
	[bflag:$0x2] =	sbarrier.arrive $0xFFFF  }
0x45: {  	[sflag:s0] =	ssyncadd.tile.s32 @!p0 $0x1;
	_ =	shalt  }
.Lfunc_end2:
_tile_overlayer_lowered:
.L_overlay_start_2:
0x46: {  	(tag) =	ssettag $0x2  }
0x47: {  	s0 =	rddreg [dreg:$0x0];
	s2 =	stileid.u32  }
0x48: {  	s1 =	rddreg [dreg:$0x1];
	p0 =	sne.s32 s2, $0x0  }
0x49: {  	s3 =	rddreg [dreg:$0x2];
	[bflag:$0x3] =	sbarrier.arrive $0xFFFF;
	s2 =	simm.s32 @!p0 $0x1C02  }
0x4a: {  	[timem:s3], [sflag:s2] =	dma.local @!p0 [hbm:s0], s1  }
0x4b: {  	s0 =	simm.s32 @!p0 $0x2  }
0x4c: {  	_ =	swait.ge @!p0 [sflag:s0], s1  }
0x4d: {  	s1 =	ssub.s32 @!p0 $0x0, s1;
	[sflag:s0] =	ssyncset.done @!p0 $0x0  }
0x4e: {  	[sflag:s0] =	ssyncadd.s32 @!p0 s1  }
0x4f: {  	[bflag:$0x3] =	sbarrier.arrive $0xFFFF  }
0x50: {  	_ =	shalt  }

// kernel: kernel.55.cloned.1.call-start
scs
__scs_entry_jumppad:
0x0: {  	(pc) =	sbr.rel $0x88, $3  }
0x1: {  	(tag) =	ssettag $0x0;
	lr =	simm.s32 $0x1  }
0x2: {  	[smem:$0x3F93] =	sst lr;
	_ =	strace $0xD0000000  }
0x3: {  	_ = 	snop  }
0x4: {  	_ = 	snop  }
0x5: {  	_ = 	snop  }
0x6: {  	_ = 	snop  }
0x7: {  	_ = 	snop  }
__scs_overlays_trampoline_lowered:
0x8: {  	[smem:$0x3FA2] =	sst s0  }
0x9: {  	[smem:$0x3FA3] =	sst s1  }
0xa: {  	[smem:$0x3FA4] =	sst s2  }
0xb: {  	[smem:$0x3FA5] =	sst s3  }
0xc: {  	[smem:$0x3FA6] =	sst s4  }
0xd: {  	[smem:$0x3FA7] =	sst s5  }
0xe: {  	[smem:$0x3FA8] =	sst s6  }
0xf: {  	[smem:$0x3FA9] =	sst s7  }
0x10: {  	[smem:$0x3FAA] =	sst s8  }
0x11: {  	[smem:$0x3FAB] =	sst s9;
	s0 =	simm.s32 @!p0 $0x0  }
0x12: {  	s1 =	sld [smem:$0x3F91];
	s0 =	simm.s32 @p0 $0x1  }
0x13: {  	[smem:$0x3FAC] =	sst s0;
	s0 =	simm.s32 @!p1 $0x0  }
0x14: {  	s2 =	sld [smem:$0x3F90];
	s0 =	simm.s32 @p1 $0x1  }
0x15: {  	[smem:$0x3FAD] =	sst s0;
	s0 =	simm.s32 @!p2 $0x0  }
0x16: {  	s3 =	sld [smem:$0x3FDB];
	s0 =	simm.s32 @p2 $0x1  }
0x17: {  	s4 =	simm.s32 $0x1BF5;
	[smem:$0x3FAF] =	sst s0  }
0x18: {  	s0 =	sld [smem:$0x3F92];
	_ =	swait.ge [sflag:s4], $0x0  }
0x19: {  	s7 =	sld [smem:$0x3F93]  }
0x1a: {  	s8 =	sadd.s32 $0xFFFFE003, lr  }
0x1b: {  	s9 =	sadd.s32 $0xFFFFFEF7, lr;
	s5 =	simm.s32 $0xFFFFFFFF;
	p2 =	slt.u32 s8, $0xFFFFF086  }
0x1c: {  	p1 =	slt.u32 s9, $0xF7A;
	s5 =	simm.s32 @!p2 $0x0  }
0x1d: {  	s5 =	simm.s32 @p1 $0x1;
	p0 =	seq.s32 s7, s2  }
0x1e: {  	s7 =	smul.u32 @!p0 $0xF7A, s2;
	p2 =	seq.s32 @!p0 s5, $0x0  }
0x1f: {  	s9 =	smul.u32 $0xF7A, s1;
	s8 =	simm.s32 @!p0 $0x1BF5;
	p2 =	por !p2, p0  }
0x20: {  	[sflag:s8] =	ssyncset.s32 @!p0 $0xFFFFF086;
	s6 =	sadd.s32 @!p0 s3, s7;
	s7 =	simm.s32 @!p0 $0x108  }
0x21: {  	s3 =	sadd.s32 s3, s9;
	s6 =	sadd.s32 @!p0 $0x88, s6;
	s7 =	simm.s32 @p2 $0x1082  }
0x22: {  	[simem:s7], [sflag:s8] =	dma.local @!p0 [hbm:s6], $0xF7A  }
0x23: {  	s9 =	sor.u32 $0xD0000000, s2;
	s6 =	simm.s32 $0x108;
	_ =	swait.ge @!p0 [sflag:s8], $0x0  }
0x24: {  	s3 =	sadd.s32 $0x88, s3;
	s6 =	simm.s32 @!p1 $0x1082;
	[sflag:s4] =	ssyncset.s32 $0xFFFFF086  }
0x25: {  	[simem:s6], [sflag:s4] =	dma.local [hbm:s3], $0xF7A  }
0x26: {  	[smem:$0x3F93] =	sst s1;
	(tag) =	ssettag s2;
	_ =	strace s9  }
0x27: {  	s1 =	sld [smem:$0x3FA3]  }
0x28: {  	s2 =	sld [smem:$0x3FA4]  }
0x29: {  	s4 =	sld [smem:$0x3FA6]  }
0x2a: {  	p0 =	seq.s32 s5, $0x0;
	s5 =	sld [smem:$0x3FA7]  }
0x2b: {  	s6 =	sld [smem:$0x3FA8]  }
0x2c: {  	s7 =	sld [smem:$0x3FA9]  }
0x2d: {  	s3 =	simm.s32 $0x108;
	s8 =	sld [smem:$0x3FAA]  }
0x2e: {  	s3 =	simm.s32 @!p0 $0x1082;
	s9 =	sld [smem:$0x3FAB]  }
0x2f: {  	lr =	sadd.s32 s0, s3;
	s0 =	sld [smem:$0x3FA2]  }
0x30: {  	s3 =	sld [smem:$0x3FA5]  }
0x31: {  	[smem:$0x3FAE] =	sst s10  }
0x32: {  	s10 =	sld [smem:$0x3FAC];
	_ =	sdelay $0x3  }
0x33: {  	p0 =	seq.s32 s10, $0x1;
	s10 =	sld [smem:$0x3FAE];
	_ =	sdelay $0x3  }
0x34: {  	[smem:$0x3FAE] =	sst s10  }
0x35: {  	s10 =	sld [smem:$0x3FAD];
	_ =	sdelay $0x3  }
0x36: {  	p1 =	seq.s32 s10, $0x1;
	s10 =	sld [smem:$0x3FAE];
	_ =	sdelay $0x3  }
0x37: {  	[smem:$0x3FAE] =	sst s10  }
0x38: {  	s10 =	sld [smem:$0x3FAF]  }
0x39: {  	_ = 	snop;
	(pc) =	sbr.ind lr, $3  }
0x3a: {  	_ = 	snop  }
0x3b: {  	_ = 	snop  }
0x3c: {  	p2 =	seq.s32 s10, $0x1;
	s10 =	sld [smem:$0x3FAE]  }
0x3d: {  	_ =	shalt  }
0x3e: {  	_ =	shalt  }
0x3f: {  	_ =	shalt  }
0x40: {  	_ =	shalt  }
0x41: {  	_ =	shalt  }
0x42: {  	_ =	shalt  }
0x43: {  	_ =	shalt  }
0x44: {  	_ =	shalt  }
0x45: {  	_ =	shalt  }
0x46: {  	_ =	shalt  }
0x47: {  	_ =	shalt  }
0x48: {  	_ =	shalt  }
0x49: {  	_ =	shalt  }
0x4a: {  	_ =	shalt  }
0x4b: {  	_ =	shalt  }
0x4c: {  	_ =	shalt  }
0x4d: {  	_ =	shalt  }
0x4e: {  	_ =	shalt  }
0x4f: {  	_ =	shalt  }
0x50: {  	_ =	shalt  }
0x51: {  	_ =	shalt  }
0x52: {  	_ =	shalt  }
0x53: {  	_ =	shalt  }
0x54: {  	_ =	shalt  }
0x55: {  	_ =	shalt  }
0x56: {  	_ =	shalt  }
0x57: {  	_ =	shalt  }
0x58: {  	_ =	shalt  }
0x59: {  	_ =	shalt  }
0x5a: {  	_ =	shalt  }
0x5b: {  	_ =	shalt  }
0x5c: {  	_ =	shalt  }
0x5d: {  	_ =	shalt  }
0x5e: {  	_ =	shalt  }
0x5f: {  	_ =	shalt  }
0x60: {  	_ =	shalt  }
0x61: {  	_ =	shalt  }
0x62: {  	_ =	shalt  }
0x63: {  	_ =	shalt  }
0x64: {  	_ =	shalt  }
0x65: {  	_ =	shalt  }
0x66: {  	_ =	shalt  }
0x67: {  	_ =	shalt  }
0x68: {  	_ =	shalt  }
0x69: {  	_ =	shalt  }
0x6a: {  	_ =	shalt  }
0x6b: {  	_ =	shalt  }
0x6c: {  	_ =	shalt  }
0x6d: {  	_ =	shalt  }
0x6e: {  	_ =	shalt  }
0x6f: {  	_ =	shalt  }
0x70: {  	_ =	shalt  }
0x71: {  	_ =	shalt  }
0x72: {  	_ =	shalt  }
0x73: {  	_ =	shalt  }
0x74: {  	_ =	shalt  }
0x75: {  	_ =	shalt  }
0x76: {  	_ =	shalt  }
0x77: {  	_ =	shalt  }
0x78: {  	_ =	shalt  }
0x79: {  	_ =	shalt  }
0x7a: {  	_ =	shalt  }
0x7b: {  	_ =	shalt  }
0x7c: {  	_ =	shalt  }
0x7d: {  	_ =	shalt  }
0x7e: {  	_ =	shalt  }
0x7f: {  	_ =	shalt  }
0x80: {  	_ =	shalt  }
0x81: {  	_ =	shalt  }
0x82: {  	_ =	shalt  }
0x83: {  	_ =	shalt  }
0x84: {  	_ =	shalt  }
0x85: {  	_ =	shalt  }
0x86: {  	_ =	shalt  }
0x87: {  	_ =	shalt  }
.Lfunc_end0:
.L_simem_size_0:
called_computation.9_lowered:
.L_overlay_start_0:
0x88: {  	s2 =	sld [smem:$0x3FD9]  }
0x89: {  	s3 =	sld [smem:$0x3FFE];
	_ =	sdelay $0x1  }
0x8a: {  	s1 =	srdreg.scid  }
0x8b: {  	s0 =	sand.u32 $0x1, s1  }
0x8c: {  	s16 =	sshll.u32 s0, $0xA;
	s2 =	sadd.s32 s3, s2  }
0x8d: {  	s2 =	sadd.s32 s2, s16  }
0x8e: {  	[smem:$0x3FBA] =	sst s2  }
0x8f: {  	_ = 	snop  }
0x90: {  	(tm) =	ssettm $0x1  }
0x91: {  	s17 =	sld [smem:$0x3FFB];
	_ =	sdelay $0x3  }
0x92: {  	_ =	strace s17  }
0x93: {  	s2 =	sld [smem:$0x3FFC];
	_ =	sdelay $0x3  }
0x94: {  	_ =	strace s2  }
0x95: {  	s2 =	sld [smem:$0x3FFD];
	_ =	sdelay $0x3  }
0x96: {  	_ =	strace s2  }
0x97: {  	_ =	strace $0x8FFFFFFF  }
0x98: {  	s18 =	sld [smem:$0x3FDB];
	_ =	sdelay $0x1  }
0x99: {  	s19 =	simm.s32 $_scs_section_size  }
0x9a: {  	s4 =	simm.s32 $_size__tile_overlayer_lowered;
	s5 =	simm.s32 $_tile_overlayer_lowered  }
0x9b: {  	s22 =	simm.s32 $0x1BFF;
	s21 =	sshll.u32 s5, $0x1;
	s2 =	sadd.s32 s19, s18  }
0x9c: {  	s6 =	simm.s32 $0x0;
	s20 =	sshll.u32 s4, $0x1;
	s4 =	sadd.s32 s21, s2  }
0x9d: {  	[timem:s6], [sflag:s22] =	dma.local [hbm:s4], s20  }
0x9e: {  	_ =	swait.ge [sflag:s22], s20  }
0x9f: {  	s3 =	ssub.s32 $0x0, s20;
	[sflag:s22] =	ssyncset.done $0x0  }
0xa0: {  	[sflag:s22] =	ssyncadd.s32 s3;
	_ =	sdelay $0x1  }
0xa1: {  	s23 =	simm.s32 $0x1B8B  }
0xa2: {  	_ =	swait.ge [sflag:s23], $0x1  }
0xa3: {  	[sflag:s23] =	ssyncset.done $0x0  }
0xa4: {  	s25 =	simm.s32 $0x1B8E;
	s24 =	sld [smem:$0x3FFE];
	[sflag:s23] =	ssyncadd.s32 $0xFFFFFFFF  }
0xa5: {  	s26 =	simm.s32 $execute0_lowered;
	[smem:$0x3FD2] =	sst s25  }
0xa6: {  	s4 =	sshll.u32 s26, $0x1;
	_ =	strace $0x80000061;
	[dreg:$0x1] =	wrdreg $0xFFFFFFFF  }
0xa7: {  	s28 =	simm.s32 $_size_execute0_lowered;
	s2 =	sadd.s32 s2, s4;
	[dreg:$0x0] =	wrdreg $0x0  }
0xa8: {  	s4 =	sshll.u32 s28, $0x1;
	[dreg:$0x2] =	wrdreg s2  }
0xa9: {  	[dreg:$0x3] =	wrdreg s4  }
0xaa: {  	[dreg:$0x4] =	wrdreg $0xC0  }
0xab: {  	_ =	task [dreg:s6], $0x5FFFF  }
0xac: {  	[dreg:$0x1] =	wrdreg $0xFFFFFFFF  }
0xad: {  	[dreg:$0x0] =	wrdreg $0x60  }
0xae: {  	[dreg:$0x2] =	wrdreg s24  }
0xaf: {  	[dreg:$0x3] =	wrdreg $0x9  }
0xb0: {  	_ =	task.clear_ibuf [dreg:s6], $0x4FFFF;
	_ =	strace $0x90000061  }
0xb1: {  	s29 =	simm.s32 $0x9;
	_ =	strace $0x80000063  }
0xb2: {  	_ =	swait.ge [sflag:s29], $0x1  }
0xb3: {  	[sflag:s29] =	ssyncadd.s32 $0xFFFFFFFF  }
0xb4: {  	_ =	strace $0x90000063  }
0xb5: {  	_ =	sfence  }
0xb6: {  	s30 =	sld [smem:$0x0];
	_ =	sdelay $0x2  }
0xb7: {  	s31 =	sshll.u32 s1, $0xD;
	s1 =	sshrl.u32 s1, $0x2  }
0xb8: {  	s3 =	sand.u32 $0x4000, s31;
	s1 =	sadd.s32 s1, s30  }
0xb9: {  	s0 =	sor.u32 s3, s0;
	s1 =	sshll.u32 s1, $0x11  }
0xba: {  	s0 =	sor.u32 s1, s0  }
0xbb: {  	s0 =	sadd.s32 $0x8F2B, s0  }
0xbc: {  	[sflag:s0] =	ssyncadd.remote.s32 $0x1  }
0xbd: {  	_ =	sfence.sel $0xFFFF  }
0xbe: {  	[dreg:$0x0] =	wrdreg $0xFFFFFFFF;
	(pc) =	sbr.abs _section_cstart, $3  }
0xbf: {  	[dreg:$0x1] =	wrdreg $0xFFFFFFFF  }
0xc0: {  	_ =	task.clear_ibuf [dreg:s6], $0x2FFFF;
	_ =	strace $0x9FFFFFFF  }
0xc1: {  	(tm) =	ssettm $0x7FFFFFFF  }
tec
execute0_lowered:
.L_overlay_start_1:
0x0: {  	(tag) =	ssettag $0x1  }
0x1: {  	s0 =	rddreg [dreg:$0x0];
	s3 =	srdreg.scid  }
0x2: {  	s1 =	stileid.u32;
	s2 =	simm.s32 $0x0;
	s11 =	simm.s32 $0x2  }
0x3: {  	s12 =	simm.s32 $0x1;
	s13 =	simm.s32 $0x3800;
	s14 =	simm.s32 $0x39D0  }
0x4: {  	s15 =	simm.s32 $0x80;
	s7 =	sand.u32 $0x1, s3;
	s30 =	sshll.u32 s1, $0x1  }
0x5: {  	s16 =	simm.s32 $0x2800;
	s17 =	simm.s32 $0x0;
	s6 =	sor.u32 s7, s30  }
0x6: {  	[smem:$0x7FF] =	sst s2;
	s4 =	sadd.s32 $0x32E00, s0;
	s3 =	smul.u32 $0x140, s6  }
.Ltmp0:
0x7: {  	s5 =	sadd.s32 $0xD9200, s0;
	_ =	strace $0x80000062;
	(pc) =	sbr.rel .LBB2_1-.Ltmp0, $4  }
0x8: {  	s7 =	ssub.s32 $0x2, s7;
	s8 =	smul.u32 $0x500, s6;
	s9 =	sshrl.u32 s3, $0x3  }
0x9: {  	s6 =	sadd.s32 $0xDE400, s0;
	s31 =	sshrl.u32 s7, $0x1;
	s9 =	sadd.s32 s9, s0  }
0xa: {  	s10 =	ssub.s32 s7, s31;
	s0 =	sadd.s32 s8, s0;
	s7 =	sadd.s32 $0x354400, s9  }
0xb: {  	v0 =	vimm.f32 $0.0e+00;
	s8 =	sadd.s32 $0xCF200, s0;
	s9 =	smax.u32 s10, $0x1;
	s10 =	simm.s32 $0x3880  }
.LBB2_13:
0xc: {  	s17 =	sadd.s32 $0x1, s17  }
0xd: {  	p0 =	sne.s32 s17, s9  }
.Ltmp1:
0xe: {  	_ = 	snop;
	(pc) =	sbr.rel @!p0 .LBB2_14-.Ltmp1, $4  }
0xf: {  	[hbm4b:s8+s2] =	stream.linear.scatter [tilespmem:s2], [sflag:$0x2], $0x2800, $0x38;
	[tilespmem:$0x3A60] =	vst v63  }
0x10: {  	_ =	swait.ge [sflag:s11], $0x2800  }
0x11: {  	[sflag:s11] =	ssyncset.done $0x0  }
0x12: {  	[sflag:s11] =	ssyncadd.s32 $0xFFFFD800  }
.LBB2_1:
0x13: {  	[tilespmem:s10], [sflag:$0x2] =	stream.linear.gather [hbm4b:s7+s2], $0x150, $0x38;
	[tilespmem:$0x3A60] =	vst v63  }
0x14: {  	_ =	swait.ge [sflag:s11], $0x150  }
0x15: {  	[sflag:s11] =	ssyncset.done $0x0  }
0x16: {  	[sflag:s11] =	ssyncadd.s32 $0xFFFFFEB0  }
0x17: {  	v1 =	vld [tilespmem:$0x3880]  }
0x18: {  	s0 =	simm.s32 $0x40;
	s22 =	simm.s32 $0x0;
	v2 =	vld [tilespmem:$0x39C0]  }
.LBB2_2:
0x19: {  	p0 =	sne.s32 s0, $0x9FC0;
	[tilespmem:s22+$0x0] =	vst v0;
	s18 =	smov.u32 s0;
	s0 =	sadd.s32 $0x40, s0  }
.Ltmp2:
0x1a: {  	(pc) =	sbr.rel @p0 .LBB2_2-.Ltmp2, $2  }
0x1b: {  	_ =	sdelay $0x2  }
0x1c: {  	s22 =	sshra.s32 s18, $0x2  }
0x1d: {  	(v2sf) =	vpush v1, $0x0;
	_ =	sdelay $0x6  }
0x1e: {  	(v2sf) =	vpush v2, $0x0;
	_ =	sdelay $0x7  }
0x1f: {  	s18 =	spop (v2sf)  }
0x20: {  	s0 =	sand.u32 $0x7, s18  }
0x21: {  	s19 =	sshra.s32 s18, $0x1F;
	p0 =	slt.s32 s18, $0x1;
	p1 =	sne.s32 s0, $0x0  }
0x22: {  	s29 =	sshrl.u32 s19, $0x1D;
	p0 =	por !p0, !p1  }
0x23: {  	s19 =	simm.s32 $0x1;
	s0 =	sadd.s32 s29, s18;
	p0 =	por !p0, !p0  }
0x24: {  	s0 =	sshra.s32 s0, $0x3;
	s19 =	simm.s32 @!p0 $0x0  }
0x25: {  	s23 =	ssub.s32 s0, s19  }
0x26: {  	s19 =	spop (v2sf);
	s20 =	sshll.u32 s23, $0x3  }
0x27: {  	s30 =	ssub.s32 s19, s20  }
0x28: {  	s0 =	sadd.s32 $0x7F, s30  }
0x29: {  	s21 =	sand.u32 $0x7F, s0  }
0x2a: {  	s31 =	sshra.s32 s0, $0x1F;
	p6 =	slt.s32 s0, $0x1;
	p5 =	sne.s32 s21, $0x0  }
0x2b: {  	s21 =	sshrl.u32 s31, $0x19;
	p0 =	por !p6, !p5  }
0x2c: {  	s0 =	sadd.s32 s21, s0;
	s21 =	simm.s32 $0x1;
	p0 =	por !p0, !p0  }
0x2d: {  	s0 =	sshra.s32 s0, $0x7;
	s21 =	simm.s32 @!p0 $0x0  }
0x2e: {  	s21 =	ssub.s32 s0, s21  }
0x2f: {  	p0 =	slt.s32 s21, $0x1  }
.Ltmp3:
0x30: {  	_ = 	snop;
	(pc) =	sbr.rel @p0 .LBB2_13-.Ltmp3, $2  }
0x31: {  	_ =	sdelay $0x2  }
0x32: {  	[tilespmem:s22+$0x0] =	vst v0  }
.Ltmp4:
0x33: {  	(pc) =	sbr.rel .LBB2_5-.Ltmp4, $3  }
0x34: {  	_ =	sdelay $0x1  }
0x35: {  	s0 =	sshll.u32 s23, $0x3  }
0x36: {  	s23 =	simm.s32 $0x0;
	s24 =	smov.u32 s20;
	s22 =	ssub.s32 $0x0, s0  }
.LBB2_7:
0x37: {  	s29 =	smov.u32 s25  }
.LBB2_11:
0x38: {  	s1 =	sor.u32 s31, s30;
	[tilespmem:s0+$0x0] =	vst.add.f32.msk @p0 $0xffff, v1  }
0x39: {  	v1 =	vld [tilespmem:s1+$0x39D0];
	_ =	sdelay $0x4  }
0x3a: {  	(v2sf) =	vpush v1, $0x0;
	_ =	sdelay $0xb  }
0x3b: {  	s0 =	sadd.s32 @p0 $0x20, s29  }
0x3c: {  	s25 =	smov.u32 @p0 s0  }
0x3d: {  	v1 =	vld [tilespmem:s25+$0xFFFFFFF0]  }
0x3e: {  	s31 =	spop (v2sf)  }
0x3f: {  	s0 =	ssub.s32 s31, s3  }
0x40: {  	s0 =	sshll.u32 s0, $0x7  }
0x41: {  	s0 =	sshra.s32 s0, $0x2  }
0x42: {  	[tilespmem:s0+$0x0] =	vst.add.f32.msk $0xffff, v1  }
0x43: {  	v1 =	vld [tilespmem:s25+$0x0];
	_ =	sdelay $0x3  }
0x44: {  	s0 =	sor.u32 $0x10, s0  }
0x45: {  	[tilespmem:s0+$0x0] =	vst.add.f32.msk $0xffff, v1  }
.LBB2_12:
0x46: {  	s23 =	sadd.s32 $0x1, s23  }
0x47: {  	p0 =	sne.s32 s23, s21  }
.Ltmp5:
0x48: {  	_ = 	snop;
	(pc) =	sbr.rel @!p0 .LBB2_13-.Ltmp5, $2  }
0x49: {  	_ =	sdelay $0x2  }
0x4a: {  	s24 =	sadd.s32 $0x80, s24;
	s22 =	sadd.s32 $0xFFFFFF80, s22  }
.LBB2_5:
0x4b: {  	s0 =	sshll.u32 s23, $0x7  }
0x4c: {  	s0 =	sadd.s32 s20, s0  }
0x4d: {  	s25 =	sshrl.u32 s0, $0x3  }
0x4e: {  	s26 =	sadd.s32 s5, s25  }
0x4f: {  	[tilespmem:s13], [sflag:$0x2] =	stream.linear.gather [hbm4b:s26+s2], $0x80, $0x38;
	[tilespmem:$0x3A60] =	vst v63  }
0x50: {  	_ =	swait.ge [sflag:s11], $0x80  }
0x51: {  	[sflag:s11] =	ssyncset.done $0x0  }
0x52: {  	s25 =	sadd.s32 s6, s25;
	[sflag:s11] =	ssyncadd.s32 $0xFFFFFF80  }
0x53: {  	[tilespmem:s14], [sflag:$0x2] =	stream.linear.gather [hbm4b:s25+s2], $0x80, $0x38;
	[tilespmem:$0x3A60] =	vst v63  }
0x54: {  	s28 =	smov.u32 s18;
	s25 =	sadd.s32 $0x80, s0  }
0x55: {  	p0 =	sgt.s32 s0, s18;
	s26 =	smov.u32 s19;
	p1 =	slt.s32 s25, s19  }
0x56: {  	s28 =	smov.u32 @p0 s0;
	_ =	swait.ge [sflag:s11], $0x80;
	s26 =	smov.u32 @p1 s25  }
0x57: {  	[sflag:s11] =	ssyncset.done $0x0;
	p0 =	sge.s32 s28, s26  }
.Ltmp6:
0x58: {  	[sflag:s11] =	ssyncadd.s32 $0xFFFFFF80;
	(pc) =	sbr.rel @p0 .LBB2_12-.Ltmp6, $4  }
0x59: {  	[tilespmem:s16], [sflag:$0x1] =	stream.indirect.gather [hbm4b:s4+s15], $0x20, s13, s15, $0xb8;
	[tilespmem:$0x3A60] =	vst v63  }
0x5a: {  	_ =	swait.ge [sflag:s12], $0x1000  }
0x5b: {  	[sflag:s12] =	ssyncset.done $0x0  }
0x5c: {  	[sflag:s12] =	ssyncadd.s32 $0xFFFFF000  }
0x5d: {  	s29 =	sadd.s32 $0x1, s28  }
0x5e: {  	p0 =	sgt.s32 s18, s24;
	s0 =	smov.u32 s24;
	p1 =	slt.s32 s29, s26  }
.Ltmp7:
0x5f: {  	s0 =	smov.u32 @p0 s18;
	(pc) =	sbr.rel @!p1 .LBB2_7-.Ltmp7, $4  }
0x60: {  	s0 =	sadd.s32 s22, s0  }
0x61: {  	s0 =	sshll.u32 s0, $0x7  }
0x62: {  	s1 =	sadd.s32 s28, s22;
	s31 =	sand.u32 $0x7, s28;
	s0 =	sshra.s32 s0, $0x2  }
0x63: {  	s30 =	sand.u32 $0xFFFFFFF8, s1;
	p0 =	por $0x0, $0x0;
	s25 =	sadd.s32 $0x2810, s0  }
0x64: {  	s0 =	sor.u32 s31, s30  }
0x65: {  	v1 =	vld [tilespmem:s0+$0x39D0];
	_ =	sdelay $0x4  }
0x66: {  	(v2sf) =	vpush v1, $0x0;
	_ =	sdelay $0xd  }
0x67: {  	v1 =	vld [tilespmem:s25+$0xFFFFFFF0]  }
0x68: {  	s1 =	spop (v2sf)  }
0x69: {  	s0 =	ssub.s32 s1, s3  }
0x6a: {  	s0 =	sshll.u32 s0, $0x7  }
0x6b: {  	s28 =	sadd.s32 $0x1, s29;
	s0 =	sshra.s32 s0, $0x2  }
0x6c: {  	p1 =	slt.s32 s28, s26;
	[tilespmem:s0+$0x0] =	vst.add.f32.msk $0xffff, v1  }
.Ltmp8:
0x6d: {  	v1 =	vld [tilespmem:s25+$0x0];
	(pc) =	sbr.rel @!p1 .LBB2_9-.Ltmp8, $3  }
0x6e: {  	_ =	sdelay $0x1  }
0x6f: {  	s30 =	sadd.s32 s29, s22;
	s31 =	sand.u32 $0x7, s29;
	p0 =	por $0x1, $0x1  }
0x70: {  	s29 =	smov.u32 s25;
	s30 =	sand.u32 $0xFFFFFFF8, s30;
	s0 =	sor.u32 $0x10, s0  }
.LBB2_10:
0x71: {  	s30 =	sor.u32 s31, s30  }
0x72: {  	[tilespmem:s0+$0x0] =	vst.add.f32.msk $0xffff, v1;
	s29 =	sadd.s32 $0x20, s29;
	s0 =	smov.u32 s28;
	s28 =	sadd.s32 $0x1, s28  }
0x73: {  	p1 =	slt.s32 s28, s26;
	v1 =	vld [tilespmem:s30+$0x39D0];
	_ =	sdelay $0x4  }
0x74: {  	(v2sf) =	vpush v1, $0x0;
	_ =	sdelay $0xd  }
0x75: {  	v1 =	vld [tilespmem:s29+$0xFFFFFFF0]  }
0x76: {  	s30 =	spop (v2sf)  }
0x77: {  	s30 =	ssub.s32 s30, s3  }
0x78: {  	s30 =	sshll.u32 s30, $0x7  }
0x79: {  	s1 =	sshra.s32 s30, $0x2  }
0x7a: {  	[tilespmem:s1+$0x0] =	vst.add.f32.msk $0xffff, v1  }
.Ltmp9:
0x7b: {  	v1 =	vld [tilespmem:s29+$0x0];
	(pc) =	sbr.rel @p1 .LBB2_10-.Ltmp9, $3  }
0x7c: {  	_ =	sdelay $0x1  }
0x7d: {  	s30 =	sadd.s32 s0, s22  }
0x7e: {  	s31 =	sand.u32 $0x7, s0;
	s30 =	sand.u32 $0xFFFFFFF8, s30;
	s0 =	sor.u32 $0x10, s1  }
.Ltmp10:
0x7f: {  	_ = 	snop;
	(pc) =	sbr.rel .LBB2_11-.Ltmp10, $1  }
0x80: {  	_ =	sdelay $0x3  }
.LBB2_9:
.Ltmp11:
0x81: {  	(pc) =	sbr.rel .LBB2_11-.Ltmp11, $2  }
0x82: {  	_ =	sdelay $0x2  }
0x83: {  	s29 =	smov.u32 s25  }
.LBB2_14:
0x84: {  	_ =	sfence.sel $0x180000  }
0x85: {  	[bflag:$0x0] =	sbarrier.arrive $0xFFFF  }
0x86: {  	_ =	strace $0x90000062  }
0x87: {  	s0 =	stileid.u32;
	[bflag:$0x2] =	sbarrier.arrive $0xFFFF  }
0x88: {  	p0 =	sne.s32 s0, $0x0;
	s0 =	rddreg [dreg:$0x1]  }
0x89: {  	s0 =	sadd.s32 @!p0 $0x100000, s0  }
0x8a: {  	[sflag:s0] =	ssyncadd.tile.s32 @!p0 $0x1;
	_ =	shalt  }
.Lfunc_end2:
_tile_overlayer_lowered:
.L_overlay_start_2:
0x8b: {  	(tag) =	ssettag $0x2  }
0x8c: {  	s0 =	rddreg [dreg:$0x0];
	s2 =	stileid.u32  }
0x8d: {  	s1 =	rddreg [dreg:$0x1];
	p0 =	sne.s32 s2, $0x0  }
0x8e: {  	s3 =	rddreg [dreg:$0x2];
	[bflag:$0x3] =	sbarrier.arrive $0xFFFF;
	s2 =	simm.s32 @!p0 $0x1C02  }
0x8f: {  	[timem:s3], [sflag:s2] =	dma.local @!p0 [hbm:s0], s1  }
0x90: {  	s0 =	simm.s32 @!p0 $0x2  }
0x91: {  	_ =	swait.ge @!p0 [sflag:s0], s1  }
0x92: {  	s1 =	ssub.s32 @!p0 $0x0, s1;
	[sflag:s0] =	ssyncset.done @!p0 $0x0  }
0x93: {  	[sflag:s0] =	ssyncadd.s32 @!p0 s1  }
0x94: {  	[bflag:$0x3] =	sbarrier.arrive $0xFFFF  }
0x95: {  	_ =	shalt  }

// kernel: kernel.58.cloned.1.call-start
scs
__scs_entry_jumppad:
0x0: {  	(pc) =	sbr.rel $0x88, $3  }
0x1: {  	(tag) =	ssettag $0x0;
	lr =	simm.s32 $0x1  }
0x2: {  	[smem:$0x3F93] =	sst lr;
	_ =	strace $0xD0000000  }
0x3: {  	_ = 	snop  }
0x4: {  	_ = 	snop  }
0x5: {  	_ = 	snop  }
0x6: {  	_ = 	snop  }
0x7: {  	_ = 	snop  }
__scs_overlays_trampoline_lowered:
0x8: {  	[smem:$0x3FA2] =	sst s0  }
0x9: {  	[smem:$0x3FA3] =	sst s1  }
0xa: {  	[smem:$0x3FA4] =	sst s2  }
0xb: {  	[smem:$0x3FA5] =	sst s3  }
0xc: {  	[smem:$0x3FA6] =	sst s4  }
0xd: {  	[smem:$0x3FA7] =	sst s5  }
0xe: {  	[smem:$0x3FA8] =	sst s6  }
0xf: {  	[smem:$0x3FA9] =	sst s7  }
0x10: {  	[smem:$0x3FAA] =	sst s8  }
0x11: {  	[smem:$0x3FAB] =	sst s9;
	s0 =	simm.s32 @!p0 $0x0  }
0x12: {  	s1 =	sld [smem:$0x3F91];
	s0 =	simm.s32 @p0 $0x1  }
0x13: {  	[smem:$0x3FAC] =	sst s0;
	s0 =	simm.s32 @!p1 $0x0  }
0x14: {  	s2 =	sld [smem:$0x3F90];
	s0 =	simm.s32 @p1 $0x1  }
0x15: {  	[smem:$0x3FAD] =	sst s0;
	s0 =	simm.s32 @!p2 $0x0  }
0x16: {  	s3 =	sld [smem:$0x3FDB];
	s0 =	simm.s32 @p2 $0x1  }
0x17: {  	s4 =	simm.s32 $0x1BF5;
	[smem:$0x3FAF] =	sst s0  }
0x18: {  	s0 =	sld [smem:$0x3F92];
	_ =	swait.ge [sflag:s4], $0x0  }
0x19: {  	s7 =	sld [smem:$0x3F93]  }
0x1a: {  	s8 =	sadd.s32 $0xFFFFE003, lr  }
0x1b: {  	s9 =	sadd.s32 $0xFFFFFEF7, lr;
	s5 =	simm.s32 $0xFFFFFFFF;
	p2 =	slt.u32 s8, $0xFFFFF086  }
0x1c: {  	p1 =	slt.u32 s9, $0xF7A;
	s5 =	simm.s32 @!p2 $0x0  }
0x1d: {  	s5 =	simm.s32 @p1 $0x1;
	p0 =	seq.s32 s7, s2  }
0x1e: {  	s7 =	smul.u32 @!p0 $0xF7A, s2;
	p2 =	seq.s32 @!p0 s5, $0x0  }
0x1f: {  	s9 =	smul.u32 $0xF7A, s1;
	s8 =	simm.s32 @!p0 $0x1BF5;
	p2 =	por !p2, p0  }
0x20: {  	[sflag:s8] =	ssyncset.s32 @!p0 $0xFFFFF086;
	s6 =	sadd.s32 @!p0 s3, s7;
	s7 =	simm.s32 @!p0 $0x108  }
0x21: {  	s3 =	sadd.s32 s3, s9;
	s6 =	sadd.s32 @!p0 $0x88, s6;
	s7 =	simm.s32 @p2 $0x1082  }
0x22: {  	[simem:s7], [sflag:s8] =	dma.local @!p0 [hbm:s6], $0xF7A  }
0x23: {  	s9 =	sor.u32 $0xD0000000, s2;
	s6 =	simm.s32 $0x108;
	_ =	swait.ge @!p0 [sflag:s8], $0x0  }
0x24: {  	s3 =	sadd.s32 $0x88, s3;
	s6 =	simm.s32 @!p1 $0x1082;
	[sflag:s4] =	ssyncset.s32 $0xFFFFF086  }
0x25: {  	[simem:s6], [sflag:s4] =	dma.local [hbm:s3], $0xF7A  }
0x26: {  	[smem:$0x3F93] =	sst s1;
	(tag) =	ssettag s2;
	_ =	strace s9  }
0x27: {  	s1 =	sld [smem:$0x3FA3]  }
0x28: {  	s2 =	sld [smem:$0x3FA4]  }
0x29: {  	s4 =	sld [smem:$0x3FA6]  }
0x2a: {  	p0 =	seq.s32 s5, $0x0;
	s5 =	sld [smem:$0x3FA7]  }
0x2b: {  	s6 =	sld [smem:$0x3FA8]  }
0x2c: {  	s7 =	sld [smem:$0x3FA9]  }
0x2d: {  	s3 =	simm.s32 $0x108;
	s8 =	sld [smem:$0x3FAA]  }
0x2e: {  	s3 =	simm.s32 @!p0 $0x1082;
	s9 =	sld [smem:$0x3FAB]  }
0x2f: {  	lr =	sadd.s32 s0, s3;
	s0 =	sld [smem:$0x3FA2]  }
0x30: {  	s3 =	sld [smem:$0x3FA5]  }
0x31: {  	[smem:$0x3FAE] =	sst s10  }
0x32: {  	s10 =	sld [smem:$0x3FAC];
	_ =	sdelay $0x3  }
0x33: {  	p0 =	seq.s32 s10, $0x1;
	s10 =	sld [smem:$0x3FAE];
	_ =	sdelay $0x3  }
0x34: {  	[smem:$0x3FAE] =	sst s10  }
0x35: {  	s10 =	sld [smem:$0x3FAD];
	_ =	sdelay $0x3  }
0x36: {  	p1 =	seq.s32 s10, $0x1;
	s10 =	sld [smem:$0x3FAE];
	_ =	sdelay $0x3  }
0x37: {  	[smem:$0x3FAE] =	sst s10  }
0x38: {  	s10 =	sld [smem:$0x3FAF]  }
0x39: {  	_ = 	snop;
	(pc) =	sbr.ind lr, $3  }
0x3a: {  	_ = 	snop  }
0x3b: {  	_ = 	snop  }
0x3c: {  	p2 =	seq.s32 s10, $0x1;
	s10 =	sld [smem:$0x3FAE]  }
0x3d: {  	_ =	shalt  }
0x3e: {  	_ =	shalt  }
0x3f: {  	_ =	shalt  }
0x40: {  	_ =	shalt  }
0x41: {  	_ =	shalt  }
0x42: {  	_ =	shalt  }
0x43: {  	_ =	shalt  }
0x44: {  	_ =	shalt  }
0x45: {  	_ =	shalt  }
0x46: {  	_ =	shalt  }
0x47: {  	_ =	shalt  }
0x48: {  	_ =	shalt  }
0x49: {  	_ =	shalt  }
0x4a: {  	_ =	shalt  }
0x4b: {  	_ =	shalt  }
0x4c: {  	_ =	shalt  }
0x4d: {  	_ =	shalt  }
0x4e: {  	_ =	shalt  }
0x4f: {  	_ =	shalt  }
0x50: {  	_ =	shalt  }
0x51: {  	_ =	shalt  }
0x52: {  	_ =	shalt  }
0x53: {  	_ =	shalt  }
0x54: {  	_ =	shalt  }
0x55: {  	_ =	shalt  }
0x56: {  	_ =	shalt  }
0x57: {  	_ =	shalt  }
0x58: {  	_ =	shalt  }
0x59: {  	_ =	shalt  }
0x5a: {  	_ =	shalt  }
0x5b: {  	_ =	shalt  }
0x5c: {  	_ =	shalt  }
0x5d: {  	_ =	shalt  }
0x5e: {  	_ =	shalt  }
0x5f: {  	_ =	shalt  }
0x60: {  	_ =	shalt  }
0x61: {  	_ =	shalt  }
0x62: {  	_ =	shalt  }
0x63: {  	_ =	shalt  }
0x64: {  	_ =	shalt  }
0x65: {  	_ =	shalt  }
0x66: {  	_ =	shalt  }
0x67: {  	_ =	shalt  }
0x68: {  	_ =	shalt  }
0x69: {  	_ =	shalt  }
0x6a: {  	_ =	shalt  }
0x6b: {  	_ =	shalt  }
0x6c: {  	_ =	shalt  }
0x6d: {  	_ =	shalt  }
0x6e: {  	_ =	shalt  }
0x6f: {  	_ =	shalt  }
0x70: {  	_ =	shalt  }
0x71: {  	_ =	shalt  }
0x72: {  	_ =	shalt  }
0x73: {  	_ =	shalt  }
0x74: {  	_ =	shalt  }
0x75: {  	_ =	shalt  }
0x76: {  	_ =	shalt  }
0x77: {  	_ =	shalt  }
0x78: {  	_ =	shalt  }
0x79: {  	_ =	shalt  }
0x7a: {  	_ =	shalt  }
0x7b: {  	_ =	shalt  }
0x7c: {  	_ =	shalt  }
0x7d: {  	_ =	shalt  }
0x7e: {  	_ =	shalt  }
0x7f: {  	_ =	shalt  }
0x80: {  	_ =	shalt  }
0x81: {  	_ =	shalt  }
0x82: {  	_ =	shalt  }
0x83: {  	_ =	shalt  }
0x84: {  	_ =	shalt  }
0x85: {  	_ =	shalt  }
0x86: {  	_ =	shalt  }
0x87: {  	_ =	shalt  }
.Lfunc_end0:
.L_simem_size_0:
called_computation.10_lowered:
.L_overlay_start_0:
0x88: {  	s2 =	sld [smem:$0x3FD9]  }
0x89: {  	s3 =	sld [smem:$0x3FFE];
	_ =	sdelay $0x1  }
0x8a: {  	s1 =	srdreg.scid  }
0x8b: {  	s0 =	sand.u32 $0x1, s1  }
0x8c: {  	s17 =	sshll.u32 s0, $0xA;
	s2 =	sadd.s32 s3, s2  }
0x8d: {  	s2 =	sadd.s32 s2, s17  }
0x8e: {  	[smem:$0x3FBA] =	sst s2  }
0x8f: {  	_ = 	snop  }
0x90: {  	s2 =	sld [smem:$0x3FD0];
	(tm) =	ssettm $0x1  }
0x91: {  	s18 =	sld [smem:$0x3FFB];
	_ =	sdelay $0x3  }
0x92: {  	_ =	strace s18  }
0x93: {  	s3 =	sld [smem:$0x3FFC];
	_ =	sdelay $0x3  }
0x94: {  	_ =	strace s3  }
0x95: {  	s3 =	sld [smem:$0x3FFD];
	_ =	sdelay $0x3  }
0x96: {  	_ =	strace s3  }
0x97: {  	_ =	strace $0x8FFFFFFF  }
0x98: {  	s19 =	sld [smem:$0x3FDB];
	_ =	sdelay $0x1  }
0x99: {  	s4 =	simm.s32 $_scs_section_size  }
0x9a: {  	s5 =	simm.s32 $_size__tile_overlayer_lowered;
	s6 =	simm.s32 $_tile_overlayer_lowered  }
0x9b: {  	s22 =	simm.s32 $0x1BFF;
	s21 =	sshll.u32 s6, $0x1;
	s3 =	sadd.s32 s4, s19  }
0x9c: {  	s7 =	simm.s32 $0x0;
	s20 =	sshll.u32 s5, $0x1;
	s5 =	sadd.s32 s21, s3  }
0x9d: {  	[timem:s7], [sflag:s22] =	dma.local [hbm:s5], s20  }
0x9e: {  	_ =	swait.ge [sflag:s22], s20  }
0x9f: {  	s4 =	ssub.s32 $0x0, s20;
	[sflag:s22] =	ssyncset.done $0x0  }
0xa0: {  	[sflag:s22] =	ssyncadd.s32 s4;
	_ =	sdelay $0x1  }
0xa1: {  	s23 =	simm.s32 $0x1B8B  }
0xa2: {  	_ =	swait.ge [sflag:s23], $0x1  }
0xa3: {  	[sflag:s23] =	ssyncset.done $0x0  }
0xa4: {  	s25 =	simm.s32 $0x1B8E;
	s24 =	sld [smem:$0x3FFE];
	[sflag:s23] =	ssyncadd.s32 $0xFFFFFFFF  }
0xa5: {  	s26 =	simm.s32 $execute0_lowered;
	[smem:$0x3FD2] =	sst s25  }
0xa6: {  	s5 =	sshll.u32 s26, $0x1;
	_ =	strace $0x80000064;
	[dreg:$0x1] =	wrdreg $0xFFFFFFFF  }
0xa7: {  	s28 =	simm.s32 $_size_execute0_lowered;
	s3 =	sadd.s32 s3, s5;
	[dreg:$0x0] =	wrdreg $0x0  }
0xa8: {  	s5 =	sshll.u32 s28, $0x1;
	[dreg:$0x2] =	wrdreg s3  }
0xa9: {  	[dreg:$0x3] =	wrdreg s5  }
0xaa: {  	[dreg:$0x4] =	wrdreg $0xC0  }
0xab: {  	_ =	task [dreg:s7], $0x5FFFF  }
0xac: {  	[dreg:$0x1] =	wrdreg $0xFFFFFFFF  }
0xad: {  	[dreg:$0x0] =	wrdreg $0x60  }
0xae: {  	[dreg:$0x2] =	wrdreg s24  }
0xaf: {  	[dreg:$0x3] =	wrdreg s2  }
0xb0: {  	[dreg:$0x4] =	wrdreg $0x9  }
0xb1: {  	_ =	task.clear_ibuf [dreg:s7], $0x5FFFF;
	_ =	strace $0x90000064  }
0xb2: {  	s29 =	simm.s32 $0x9;
	_ =	strace $0x80000066  }
0xb3: {  	_ =	swait.ge [sflag:s29], $0x1  }
0xb4: {  	[sflag:s29] =	ssyncadd.s32 $0xFFFFFFFF  }
0xb5: {  	_ =	strace $0x90000066  }
0xb6: {  	_ =	sfence  }
0xb7: {  	s30 =	sld [smem:$0x0];
	_ =	sdelay $0x2  }
0xb8: {  	s31 =	sshll.u32 s1, $0xD;
	s1 =	sshrl.u32 s1, $0x2  }
0xb9: {  	s3 =	sand.u32 $0x4000, s31;
	s1 =	sadd.s32 s1, s30  }
0xba: {  	s0 =	sor.u32 s3, s0;
	s1 =	sshll.u32 s1, $0x11  }
0xbb: {  	s0 =	sor.u32 s1, s0  }
0xbc: {  	s0 =	sadd.s32 $0x8F2B, s0  }
0xbd: {  	[sflag:s0] =	ssyncadd.remote.s32 $0x1  }
0xbe: {  	_ =	sfence.sel $0xFFFF  }
0xbf: {  	[dreg:$0x0] =	wrdreg $0xFFFFFFFF;
	(pc) =	sbr.abs _section_cstart, $3  }
0xc0: {  	[dreg:$0x1] =	wrdreg $0xFFFFFFFF  }
0xc1: {  	_ =	task.clear_ibuf [dreg:s7], $0x2FFFF;
	_ =	strace $0x9FFFFFFF  }
0xc2: {  	(tm) =	ssettm $0x7FFFFFFF  }
0xc3: {  	_ =	shalt  }
tec
execute0_lowered:
.L_overlay_start_1:
0x0: {  	(tag) =	ssettag $0x1  }
0x1: {  	s4 =	rddreg [dreg:$0x0]  }
0x2: {  	s8 =	rddreg [dreg:$0x1]  }
0x3: {  	s0 =	rddreg [dreg:$0x2];
	s3 =	srdreg.scid  }
0x4: {  	s1 =	stileid.u32;
	s2 =	simm.s32 $0x0;
	s5 =	sand.u32 $0x1, s3  }
0x5: {  	s28 =	sshll.u32 s1, $0x1;
	[smem:$0x7FF] =	sst s2;
	s9 =	smul.u32 $0x9C40, s1  }
0x6: {  	s3 =	sadd.s32 $0x32E00, s4;
	s11 =	smul.u32 $0x2710, s1;
	s6 =	sor.u32 s5, s28  }
0x7: {  	s7 =	sadd.s32 $0x3CE00, s4;
	s29 =	ssub.s32 $0x2, s5;
	s6 =	smul.u32 $0x1388, s6  }
0x8: {  	_ =	strace $0x80000065;
	s12 =	smul.u32 $0x1388, s5;
	s10 =	sshrl.u32 s29, $0x1  }
0x9: {  	s13 =	smul.u32 $0x4E20, s5;
	s10 =	ssub.s32 s29, s10;
	s6 =	sadd.s32 $0x1380, s6  }
0xa: {  	s31 =	sadd.s32 s12, s11;
	s11 =	simm.s32 $0x1;
	s30 =	sshrl.u32 s6, $0x3  }
0xb: {  	s12 =	simm.s32 $0x8;
	s6 =	sshll.u32 s6, $0x2;
	s4 =	sadd.s32 s8, s30  }
0xc: {  	s5 =	sadd.s32 s7, s6;
	s7 =	sadd.s32 s9, s7;
	s6 =	smax.u32 s10, $0x1  }
0xd: {  	s9 =	sshrl.u32 s31, $0x3;
	s10 =	simm.s32 $0x80;
	s7 =	sadd.s32 s13, s7  }
0xe: {  	s8 =	sadd.s32 s9, s8;
	s9 =	simm.s32 $0x2;
	s13 =	simm.s32 $0x0  }
.LBB2_1:
0xf: {  	s14 =	sadd.s32 $0x0, s8  }
0x10: {  	[tilespmem:s2], [sflag:$0x2] =	stream.linear.gather [hbm4b:s14+s2], $0x80, $0x38;
	[tilespmem:$0x1080] =	vst v63  }
0x11: {  	_ =	swait.ge [sflag:s9], $0x80  }
0x12: {  	[sflag:s9] =	ssyncset.done $0x0  }
0x13: {  	[sflag:s9] =	ssyncadd.s32 $0xFFFFFF80  }
0x14: {  	[tilespmem:s10], [sflag:$0x1] =	stream.indirect.gather [hbm4b:s3+s10], $0x20, s2, s10, $0xb8;
	[tilespmem:$0x1080] =	vst v63  }
0x15: {  	_ =	swait.ge [sflag:s11], $0x1000  }
0x16: {  	[sflag:s11] =	ssyncset.done $0x0  }
0x17: {  	[sflag:s11] =	ssyncadd.s32 $0xFFFFF000  }
0x18: {  	[hbm4b:s7+s2] =	stream.linear.scatter [tilespmem:s10], [sflag:$0x2], $0x1000, $0x38;
	[tilespmem:$0x1080] =	vst v63  }
0x19: {  	s15 =	simm.s32 $0x10;
	_ =	swait.ge [sflag:s9], $0x1000  }
0x1a: {  	s16 =	simm.s32 $0x20;
	s14 =	sadd.s32 $0x200, s7;
	[sflag:s9] =	ssyncset.done $0x0  }
.LBB2_2:
0x1b: {  	s17 =	sadd.s32 s15, s8  }
0x1c: {  	[sflag:s9] =	ssyncadd.s32 $0xFFFFF000;
	s15 =	smov.u32 s16;
	s18 =	sadd.s32 $0x10, s16  }
0x1d: {  	[tilespmem:s2], [sflag:$0x2] =	stream.linear.gather [hbm4b:s17+s2], $0x80, $0x38;
	[tilespmem:$0x1080] =	vst v63  }
0x1e: {  	p0 =	sne.s32 s16, $0x260;
	_ =	swait.ge [sflag:s9], $0x80  }
0x1f: {  	[sflag:s9] =	ssyncset.done $0x0  }
0x20: {  	[sflag:s9] =	ssyncadd.s32 $0xFFFFFF80  }
0x21: {  	[tilespmem:s10], [sflag:$0x1] =	stream.indirect.gather [hbm4b:s3+s10], $0x20, s2, s10, $0xb8;
	[tilespmem:$0x1080] =	vst v63  }
0x22: {  	_ =	swait.ge [sflag:s11], $0x1000  }
.Ltmp0:
0x23: {  	[sflag:s11] =	ssyncset.done $0x0;
	(pc) =	sbr.rel @p0 .LBB2_2-.Ltmp0, $4  }
0x24: {  	[sflag:s11] =	ssyncadd.s32 $0xFFFFF000  }
0x25: {  	[hbm4b:s14+s2] =	stream.linear.scatter [tilespmem:s10], [sflag:$0x2], $0x1000, $0x38;
	[tilespmem:$0x1080] =	vst v63  }
0x26: {  	_ =	swait.ge [sflag:s9], $0x1000  }
0x27: {  	s16 =	smov.u32 s18;
	s14 =	sadd.s32 $0x200, s14;
	[sflag:s9] =	ssyncset.done $0x0  }
0x28: {  	s15 =	sadd.s32 s15, s8;
	[sflag:s9] =	ssyncadd.s32 $0xFFFFF000  }
0x29: {  	[tilespmem:s2], [sflag:$0x2] =	stream.linear.gather [hbm4b:s15+s2], $0x80, $0x38;
	[tilespmem:$0x1080] =	vst v63  }
0x2a: {  	_ =	swait.ge [sflag:s9], $0x80  }
0x2b: {  	[sflag:s9] =	ssyncset.done $0x0  }
0x2c: {  	[sflag:s9] =	ssyncadd.s32 $0xFFFFFF80  }
0x2d: {  	[tilespmem:s10], [sflag:$0x1] =	stream.indirect.gather [hbm4b:s3+s10], $0x20, s2, s10, $0xb8;
	[tilespmem:$0x1080] =	vst v63  }
0x2e: {  	_ =	swait.ge [sflag:s11], $0x1000  }
0x2f: {  	[sflag:s11] =	ssyncset.done $0x0  }
0x30: {  	[sflag:s11] =	ssyncadd.s32 $0xFFFFF000  }
0x31: {  	[hbm4b:s14+s2] =	stream.linear.scatter [tilespmem:s10], [sflag:$0x2], $0x1000, $0x38;
	[tilespmem:$0x1080] =	vst v63  }
0x32: {  	_ =	swait.ge [sflag:s9], $0x1000  }
0x33: {  	[sflag:s9] =	ssyncset.done $0x0  }
0x34: {  	[sflag:s9] =	ssyncadd.s32 $0xFFFFF000  }
0x35: {  	[tilespmem:s2], [sflag:$0x2] =	stream.linear.gather [hbm4b:s4+s2], $0x8, $0x38;
	[tilespmem:$0x1080] =	vst v63  }
0x36: {  	_ =	swait.ge [sflag:s9], $0x8  }
0x37: {  	[sflag:s9] =	ssyncset.done $0x0  }
0x38: {  	[sflag:s9] =	ssyncadd.s32 $0xFFFFFFF8  }
0x39: {  	[tilespmem:s10], [sflag:$0x1] =	stream.indirect.gather [hbm4b:s3+s12], $0x20, s2, s12, $0xb8;
	[tilespmem:$0x1080] =	vst v63  }
0x3a: {  	s13 =	sadd.s32 $0x1, s13;
	_ =	swait.ge [sflag:s11], $0x100  }
0x3b: {  	p0 =	sne.s32 s13, s6;
	[sflag:s11] =	ssyncset.done $0x0  }
.Ltmp1:
0x3c: {  	[sflag:s11] =	ssyncadd.s32 $0xFFFFFF00;
	(pc) =	sbr.rel @p0 .LBB2_1-.Ltmp1, $4  }
0x3d: {  	[hbm4b:s5+s2] =	stream.linear.scatter [tilespmem:s10], [sflag:$0x2], $0x100, $0x38;
	[tilespmem:$0x1080] =	vst v63  }
0x3e: {  	_ =	swait.ge [sflag:s9], $0x100  }
0x3f: {  	[sflag:s9] =	ssyncset.done $0x0  }
0x40: {  	[sflag:s9] =	ssyncadd.s32 $0xFFFFFF00  }
0x41: {  	_ =	sfence.sel $0x180000  }
0x42: {  	[bflag:$0x0] =	sbarrier.arrive $0xFFFF  }
0x43: {  	p0 =	sne.s32 s1, $0x0;
	_ =	strace $0x90000065  }
0x44: {  	s0 =	sadd.s32 @!p0 $0x100000, s0;
	[bflag:$0x2] =	sbarrier.arrive $0xFFFF  }
0x45: {  	[sflag:s0] =	ssyncadd.tile.s32 @!p0 $0x1;
	_ =	shalt  }
.Lfunc_end2:
_tile_overlayer_lowered:
.L_overlay_start_2:
0x46: {  	(tag) =	ssettag $0x2  }
0x47: {  	s0 =	rddreg [dreg:$0x0];
	s2 =	stileid.u32  }
0x48: {  	s1 =	rddreg [dreg:$0x1];
	p0 =	sne.s32 s2, $0x0  }
0x49: {  	s3 =	rddreg [dreg:$0x2];
	[bflag:$0x3] =	sbarrier.arrive $0xFFFF;
	s2 =	simm.s32 @!p0 $0x1C02  }
0x4a: {  	[timem:s3], [sflag:s2] =	dma.local @!p0 [hbm:s0], s1  }
0x4b: {  	s0 =	simm.s32 @!p0 $0x2  }
0x4c: {  	_ =	swait.ge @!p0 [sflag:s0], s1  }
0x4d: {  	s1 =	ssub.s32 @!p0 $0x0, s1;
	[sflag:s0] =	ssyncset.done @!p0 $0x0  }
0x4e: {  	[sflag:s0] =	ssyncadd.s32 @!p0 s1  }
0x4f: {  	[bflag:$0x3] =	sbarrier.arrive $0xFFFF  }
0x50: {  	_ =	shalt  }

// kernel: kernel.61.cloned.1.call-start
scs
__scs_entry_jumppad:
0x0: {  	(pc) =	sbr.rel $0x88, $3  }
0x1: {  	(tag) =	ssettag $0x0;
	lr =	simm.s32 $0x1  }
0x2: {  	[smem:$0x3F93] =	sst lr;
	_ =	strace $0xD0000000  }
0x3: {  	_ = 	snop  }
0x4: {  	_ = 	snop  }
0x5: {  	_ = 	snop  }
0x6: {  	_ = 	snop  }
0x7: {  	_ = 	snop  }
__scs_overlays_trampoline_lowered:
0x8: {  	[smem:$0x3FA2] =	sst s0  }
0x9: {  	[smem:$0x3FA3] =	sst s1  }
0xa: {  	[smem:$0x3FA4] =	sst s2  }
0xb: {  	[smem:$0x3FA5] =	sst s3  }
0xc: {  	[smem:$0x3FA6] =	sst s4  }
0xd: {  	[smem:$0x3FA7] =	sst s5  }
0xe: {  	[smem:$0x3FA8] =	sst s6  }
0xf: {  	[smem:$0x3FA9] =	sst s7  }
0x10: {  	[smem:$0x3FAA] =	sst s8  }
0x11: {  	[smem:$0x3FAB] =	sst s9;
	s0 =	simm.s32 @!p0 $0x0  }
0x12: {  	s1 =	sld [smem:$0x3F91];
	s0 =	simm.s32 @p0 $0x1  }
0x13: {  	[smem:$0x3FAC] =	sst s0;
	s0 =	simm.s32 @!p1 $0x0  }
0x14: {  	s2 =	sld [smem:$0x3F90];
	s0 =	simm.s32 @p1 $0x1  }
0x15: {  	[smem:$0x3FAD] =	sst s0;
	s0 =	simm.s32 @!p2 $0x0  }
0x16: {  	s3 =	sld [smem:$0x3FDB];
	s0 =	simm.s32 @p2 $0x1  }
0x17: {  	s4 =	simm.s32 $0x1BF5;
	[smem:$0x3FAF] =	sst s0  }
0x18: {  	s0 =	sld [smem:$0x3F92];
	_ =	swait.ge [sflag:s4], $0x0  }
0x19: {  	s7 =	sld [smem:$0x3F93]  }
0x1a: {  	s8 =	sadd.s32 $0xFFFFE003, lr  }
0x1b: {  	s9 =	sadd.s32 $0xFFFFFEF7, lr;
	s5 =	simm.s32 $0xFFFFFFFF;
	p2 =	slt.u32 s8, $0xFFFFF086  }
0x1c: {  	p1 =	slt.u32 s9, $0xF7A;
	s5 =	simm.s32 @!p2 $0x0  }
0x1d: {  	s5 =	simm.s32 @p1 $0x1;
	p0 =	seq.s32 s7, s2  }
0x1e: {  	s7 =	smul.u32 @!p0 $0xF7A, s2;
	p2 =	seq.s32 @!p0 s5, $0x0  }
0x1f: {  	s9 =	smul.u32 $0xF7A, s1;
	s8 =	simm.s32 @!p0 $0x1BF5;
	p2 =	por !p2, p0  }
0x20: {  	[sflag:s8] =	ssyncset.s32 @!p0 $0xFFFFF086;
	s6 =	sadd.s32 @!p0 s3, s7;
	s7 =	simm.s32 @!p0 $0x108  }
0x21: {  	s3 =	sadd.s32 s3, s9;
	s6 =	sadd.s32 @!p0 $0x88, s6;
	s7 =	simm.s32 @p2 $0x1082  }
0x22: {  	[simem:s7], [sflag:s8] =	dma.local @!p0 [hbm:s6], $0xF7A  }
0x23: {  	s9 =	sor.u32 $0xD0000000, s2;
	s6 =	simm.s32 $0x108;
	_ =	swait.ge @!p0 [sflag:s8], $0x0  }
0x24: {  	s3 =	sadd.s32 $0x88, s3;
	s6 =	simm.s32 @!p1 $0x1082;
	[sflag:s4] =	ssyncset.s32 $0xFFFFF086  }
0x25: {  	[simem:s6], [sflag:s4] =	dma.local [hbm:s3], $0xF7A  }
0x26: {  	[smem:$0x3F93] =	sst s1;
	(tag) =	ssettag s2;
	_ =	strace s9  }
0x27: {  	s1 =	sld [smem:$0x3FA3]  }
0x28: {  	s2 =	sld [smem:$0x3FA4]  }
0x29: {  	s4 =	sld [smem:$0x3FA6]  }
0x2a: {  	p0 =	seq.s32 s5, $0x0;
	s5 =	sld [smem:$0x3FA7]  }
0x2b: {  	s6 =	sld [smem:$0x3FA8]  }
0x2c: {  	s7 =	sld [smem:$0x3FA9]  }
0x2d: {  	s3 =	simm.s32 $0x108;
	s8 =	sld [smem:$0x3FAA]  }
0x2e: {  	s3 =	simm.s32 @!p0 $0x1082;
	s9 =	sld [smem:$0x3FAB]  }
0x2f: {  	lr =	sadd.s32 s0, s3;
	s0 =	sld [smem:$0x3FA2]  }
0x30: {  	s3 =	sld [smem:$0x3FA5]  }
0x31: {  	[smem:$0x3FAE] =	sst s10  }
0x32: {  	s10 =	sld [smem:$0x3FAC];
	_ =	sdelay $0x3  }
0x33: {  	p0 =	seq.s32 s10, $0x1;
	s10 =	sld [smem:$0x3FAE];
	_ =	sdelay $0x3  }
0x34: {  	[smem:$0x3FAE] =	sst s10  }
0x35: {  	s10 =	sld [smem:$0x3FAD];
	_ =	sdelay $0x3  }
0x36: {  	p1 =	seq.s32 s10, $0x1;
	s10 =	sld [smem:$0x3FAE];
	_ =	sdelay $0x3  }
0x37: {  	[smem:$0x3FAE] =	sst s10  }
0x38: {  	s10 =	sld [smem:$0x3FAF]  }
0x39: {  	_ = 	snop;
	(pc) =	sbr.ind lr, $3  }
0x3a: {  	_ = 	snop  }
0x3b: {  	_ = 	snop  }
0x3c: {  	p2 =	seq.s32 s10, $0x1;
	s10 =	sld [smem:$0x3FAE]  }
0x3d: {  	_ =	shalt  }
0x3e: {  	_ =	shalt  }
0x3f: {  	_ =	shalt  }
0x40: {  	_ =	shalt  }
0x41: {  	_ =	shalt  }
0x42: {  	_ =	shalt  }
0x43: {  	_ =	shalt  }
0x44: {  	_ =	shalt  }
0x45: {  	_ =	shalt  }
0x46: {  	_ =	shalt  }
0x47: {  	_ =	shalt  }
0x48: {  	_ =	shalt  }
0x49: {  	_ =	shalt  }
0x4a: {  	_ =	shalt  }
0x4b: {  	_ =	shalt  }
0x4c: {  	_ =	shalt  }
0x4d: {  	_ =	shalt  }
0x4e: {  	_ =	shalt  }
0x4f: {  	_ =	shalt  }
0x50: {  	_ =	shalt  }
0x51: {  	_ =	shalt  }
0x52: {  	_ =	shalt  }
0x53: {  	_ =	shalt  }
0x54: {  	_ =	shalt  }
0x55: {  	_ =	shalt  }
0x56: {  	_ =	shalt  }
0x57: {  	_ =	shalt  }
0x58: {  	_ =	shalt  }
0x59: {  	_ =	shalt  }
0x5a: {  	_ =	shalt  }
0x5b: {  	_ =	shalt  }
0x5c: {  	_ =	shalt  }
0x5d: {  	_ =	shalt  }
0x5e: {  	_ =	shalt  }
0x5f: {  	_ =	shalt  }
0x60: {  	_ =	shalt  }
0x61: {  	_ =	shalt  }
0x62: {  	_ =	shalt  }
0x63: {  	_ =	shalt  }
0x64: {  	_ =	shalt  }
0x65: {  	_ =	shalt  }
0x66: {  	_ =	shalt  }
0x67: {  	_ =	shalt  }
0x68: {  	_ =	shalt  }
0x69: {  	_ =	shalt  }
0x6a: {  	_ =	shalt  }
0x6b: {  	_ =	shalt  }
0x6c: {  	_ =	shalt  }
0x6d: {  	_ =	shalt  }
0x6e: {  	_ =	shalt  }
0x6f: {  	_ =	shalt  }
0x70: {  	_ =	shalt  }
0x71: {  	_ =	shalt  }
0x72: {  	_ =	shalt  }
0x73: {  	_ =	shalt  }
0x74: {  	_ =	shalt  }
0x75: {  	_ =	shalt  }
0x76: {  	_ =	shalt  }
0x77: {  	_ =	shalt  }
0x78: {  	_ =	shalt  }
0x79: {  	_ =	shalt  }
0x7a: {  	_ =	shalt  }
0x7b: {  	_ =	shalt  }
0x7c: {  	_ =	shalt  }
0x7d: {  	_ =	shalt  }
0x7e: {  	_ =	shalt  }
0x7f: {  	_ =	shalt  }
0x80: {  	_ =	shalt  }
0x81: {  	_ =	shalt  }
0x82: {  	_ =	shalt  }
0x83: {  	_ =	shalt  }
0x84: {  	_ =	shalt  }
0x85: {  	_ =	shalt  }
0x86: {  	_ =	shalt  }
0x87: {  	_ =	shalt  }
.Lfunc_end0:
.L_simem_size_0:
called_computation.11_lowered:
.L_overlay_start_0:
0x88: {  	s2 =	sld [smem:$0x3FD9]  }
0x89: {  	s3 =	sld [smem:$0x3FFE];
	_ =	sdelay $0x1  }
0x8a: {  	s1 =	srdreg.scid  }
0x8b: {  	s0 =	sand.u32 $0x1, s1  }
0x8c: {  	s16 =	sshll.u32 s0, $0xA;
	s2 =	sadd.s32 s3, s2  }
0x8d: {  	s2 =	sadd.s32 s2, s16  }
0x8e: {  	[smem:$0x3FBA] =	sst s2  }
0x8f: {  	_ = 	snop  }
0x90: {  	(tm) =	ssettm $0x1  }
0x91: {  	s17 =	sld [smem:$0x3FFB];
	_ =	sdelay $0x3  }
0x92: {  	_ =	strace s17  }
0x93: {  	s2 =	sld [smem:$0x3FFC];
	_ =	sdelay $0x3  }
0x94: {  	_ =	strace s2  }
0x95: {  	s2 =	sld [smem:$0x3FFD];
	_ =	sdelay $0x3  }
0x96: {  	_ =	strace s2  }
0x97: {  	_ =	strace $0x8FFFFFFF  }
0x98: {  	s18 =	sld [smem:$0x3FDB];
	_ =	sdelay $0x1  }
0x99: {  	s19 =	simm.s32 $_scs_section_size  }
0x9a: {  	s4 =	simm.s32 $_size__tile_overlayer_lowered;
	s5 =	simm.s32 $_tile_overlayer_lowered  }
0x9b: {  	s22 =	simm.s32 $0x1BFF;
	s21 =	sshll.u32 s5, $0x1;
	s2 =	sadd.s32 s19, s18  }
0x9c: {  	s6 =	simm.s32 $0x0;
	s20 =	sshll.u32 s4, $0x1;
	s4 =	sadd.s32 s21, s2  }
0x9d: {  	[timem:s6], [sflag:s22] =	dma.local [hbm:s4], s20  }
0x9e: {  	_ =	swait.ge [sflag:s22], s20  }
0x9f: {  	s3 =	ssub.s32 $0x0, s20;
	[sflag:s22] =	ssyncset.done $0x0  }
0xa0: {  	[sflag:s22] =	ssyncadd.s32 s3;
	_ =	sdelay $0x1  }
0xa1: {  	s23 =	simm.s32 $0x1B8B  }
0xa2: {  	_ =	swait.ge [sflag:s23], $0x1  }
0xa3: {  	[sflag:s23] =	ssyncset.done $0x0  }
0xa4: {  	s25 =	simm.s32 $0x1B8E;
	s24 =	sld [smem:$0x3FFE];
	[sflag:s23] =	ssyncadd.s32 $0xFFFFFFFF  }
0xa5: {  	s26 =	simm.s32 $execute0_lowered;
	[smem:$0x3FD2] =	sst s25  }
0xa6: {  	s4 =	sshll.u32 s26, $0x1;
	_ =	strace $0x80000067;
	[dreg:$0x1] =	wrdreg $0xFFFFFFFF  }
0xa7: {  	s28 =	simm.s32 $_size_execute0_lowered;
	s2 =	sadd.s32 s2, s4;
	[dreg:$0x0] =	wrdreg $0x0  }
0xa8: {  	s4 =	sshll.u32 s28, $0x1;
	[dreg:$0x2] =	wrdreg s2  }
0xa9: {  	[dreg:$0x3] =	wrdreg s4  }
0xaa: {  	[dreg:$0x4] =	wrdreg $0xC0  }
0xab: {  	_ =	task [dreg:s6], $0x5FFFF  }
0xac: {  	[dreg:$0x1] =	wrdreg $0xFFFFFFFF  }
0xad: {  	[dreg:$0x0] =	wrdreg $0x60  }
0xae: {  	[dreg:$0x2] =	wrdreg s24  }
0xaf: {  	[dreg:$0x3] =	wrdreg $0x9  }
0xb0: {  	_ =	task.clear_ibuf [dreg:s6], $0x4FFFF;
	_ =	strace $0x90000067  }
0xb1: {  	s29 =	simm.s32 $0x9;
	_ =	strace $0x80000069  }
0xb2: {  	_ =	swait.ge [sflag:s29], $0x1  }
0xb3: {  	[sflag:s29] =	ssyncadd.s32 $0xFFFFFFFF  }
0xb4: {  	_ =	strace $0x90000069  }
0xb5: {  	_ =	sfence  }
0xb6: {  	s30 =	sld [smem:$0x0];
	_ =	sdelay $0x2  }
0xb7: {  	s31 =	sshll.u32 s1, $0xD;
	s1 =	sshrl.u32 s1, $0x2  }
0xb8: {  	s3 =	sand.u32 $0x4000, s31;
	s1 =	sadd.s32 s1, s30  }
0xb9: {  	s0 =	sor.u32 s3, s0;
	s1 =	sshll.u32 s1, $0x11  }
0xba: {  	s0 =	sor.u32 s1, s0  }
0xbb: {  	s0 =	sadd.s32 $0x8F2B, s0  }
0xbc: {  	[sflag:s0] =	ssyncadd.remote.s32 $0x1  }
0xbd: {  	_ =	sfence.sel $0xFFFF  }
0xbe: {  	[dreg:$0x0] =	wrdreg $0xFFFFFFFF;
	(pc) =	sbr.abs _section_cstart, $3  }
0xbf: {  	[dreg:$0x1] =	wrdreg $0xFFFFFFFF  }
0xc0: {  	_ =	task.clear_ibuf [dreg:s6], $0x2FFFF;
	_ =	strace $0x9FFFFFFF  }
0xc1: {  	(tm) =	ssettm $0x7FFFFFFF  }
tec
execute0_lowered:
.L_overlay_start_1:
0x0: {  	(tag) =	ssettag $0x1  }
0x1: {  	s0 =	rddreg [dreg:$0x0];
	s3 =	srdreg.scid  }
0x2: {  	s1 =	stileid.u32;
	s2 =	simm.s32 $0x0;
	s11 =	simm.s32 $0x2  }
0x3: {  	s12 =	simm.s32 $0x1;
	s13 =	simm.s32 $0x3800;
	s14 =	simm.s32 $0x39D0  }
0x4: {  	s15 =	simm.s32 $0x80;
	s7 =	sand.u32 $0x1, s3;
	s30 =	sshll.u32 s1, $0x1  }
0x5: {  	s16 =	simm.s32 $0x2800;
	s17 =	simm.s32 $0x0;
	s6 =	sor.u32 s7, s30  }
0x6: {  	[smem:$0x7FF] =	sst s2;
	s4 =	sadd.s32 $0x32E00, s0;
	s3 =	smul.u32 $0x140, s6  }
.Ltmp0:
0x7: {  	s5 =	sadd.s32 $0xD9200, s0;
	_ =	strace $0x80000068;
	(pc) =	sbr.rel .LBB2_1-.Ltmp0, $4  }
0x8: {  	s7 =	ssub.s32 $0x2, s7;
	s8 =	smul.u32 $0x500, s6;
	s9 =	sshrl.u32 s3, $0x3  }
0x9: {  	s6 =	sadd.s32 $0xDE400, s0;
	s31 =	sshrl.u32 s7, $0x1;
	s9 =	sadd.s32 s9, s0  }
0xa: {  	s10 =	ssub.s32 s7, s31;
	s0 =	sadd.s32 s8, s0;
	s7 =	sadd.s32 $0x354400, s9  }
0xb: {  	v0 =	vimm.f32 $0.0e+00;
	s8 =	sadd.s32 $0xCF200, s0;
	s9 =	smax.u32 s10, $0x1;
	s10 =	simm.s32 $0x3880  }
.LBB2_13:
0xc: {  	s17 =	sadd.s32 $0x1, s17  }
0xd: {  	p0 =	sne.s32 s17, s9  }
.Ltmp1:
0xe: {  	_ = 	snop;
	(pc) =	sbr.rel @!p0 .LBB2_14-.Ltmp1, $4  }
0xf: {  	[hbm4b:s8+s2] =	stream.linear.scatter [tilespmem:s2], [sflag:$0x2], $0x2800, $0x38;
	[tilespmem:$0x3A60] =	vst v63  }
0x10: {  	_ =	swait.ge [sflag:s11], $0x2800  }
0x11: {  	[sflag:s11] =	ssyncset.done $0x0  }
0x12: {  	[sflag:s11] =	ssyncadd.s32 $0xFFFFD800  }
.LBB2_1:
0x13: {  	[tilespmem:s10], [sflag:$0x2] =	stream.linear.gather [hbm4b:s7+s2], $0x150, $0x38;
	[tilespmem:$0x3A60] =	vst v63  }
0x14: {  	_ =	swait.ge [sflag:s11], $0x150  }
0x15: {  	[sflag:s11] =	ssyncset.done $0x0  }
0x16: {  	[sflag:s11] =	ssyncadd.s32 $0xFFFFFEB0  }
0x17: {  	v1 =	vld [tilespmem:$0x3880]  }
0x18: {  	s0 =	simm.s32 $0x40;
	s22 =	simm.s32 $0x0;
	v2 =	vld [tilespmem:$0x39C0]  }
.LBB2_2:
0x19: {  	p0 =	sne.s32 s0, $0x9FC0;
	[tilespmem:s22+$0x0] =	vst v0;
	s18 =	smov.u32 s0;
	s0 =	sadd.s32 $0x40, s0  }
.Ltmp2:
0x1a: {  	(pc) =	sbr.rel @p0 .LBB2_2-.Ltmp2, $2  }
0x1b: {  	_ =	sdelay $0x2  }
0x1c: {  	s22 =	sshra.s32 s18, $0x2  }
0x1d: {  	(v2sf) =	vpush v1, $0x0;
	_ =	sdelay $0x6  }
0x1e: {  	(v2sf) =	vpush v2, $0x0;
	_ =	sdelay $0x7  }
0x1f: {  	s18 =	spop (v2sf)  }
0x20: {  	s0 =	sand.u32 $0x7, s18  }
0x21: {  	s19 =	sshra.s32 s18, $0x1F;
	p0 =	slt.s32 s18, $0x1;
	p1 =	sne.s32 s0, $0x0  }
0x22: {  	s29 =	sshrl.u32 s19, $0x1D;
	p0 =	por !p0, !p1  }
0x23: {  	s19 =	simm.s32 $0x1;
	s0 =	sadd.s32 s29, s18;
	p0 =	por !p0, !p0  }
0x24: {  	s0 =	sshra.s32 s0, $0x3;
	s19 =	simm.s32 @!p0 $0x0  }
0x25: {  	s23 =	ssub.s32 s0, s19  }
0x26: {  	s19 =	spop (v2sf);
	s20 =	sshll.u32 s23, $0x3  }
0x27: {  	s30 =	ssub.s32 s19, s20  }
0x28: {  	s0 =	sadd.s32 $0x7F, s30  }
0x29: {  	s21 =	sand.u32 $0x7F, s0  }
0x2a: {  	s31 =	sshra.s32 s0, $0x1F;
	p6 =	slt.s32 s0, $0x1;
	p5 =	sne.s32 s21, $0x0  }
0x2b: {  	s21 =	sshrl.u32 s31, $0x19;
	p0 =	por !p6, !p5  }
0x2c: {  	s0 =	sadd.s32 s21, s0;
	s21 =	simm.s32 $0x1;
	p0 =	por !p0, !p0  }
0x2d: {  	s0 =	sshra.s32 s0, $0x7;
	s21 =	simm.s32 @!p0 $0x0  }
0x2e: {  	s21 =	ssub.s32 s0, s21  }
0x2f: {  	p0 =	slt.s32 s21, $0x1  }
.Ltmp3:
0x30: {  	_ = 	snop;
	(pc) =	sbr.rel @p0 .LBB2_13-.Ltmp3, $2  }
0x31: {  	_ =	sdelay $0x2  }
0x32: {  	[tilespmem:s22+$0x0] =	vst v0  }
.Ltmp4:
0x33: {  	(pc) =	sbr.rel .LBB2_5-.Ltmp4, $3  }
0x34: {  	_ =	sdelay $0x1  }
0x35: {  	s0 =	sshll.u32 s23, $0x3  }
0x36: {  	s23 =	simm.s32 $0x0;
	s24 =	smov.u32 s20;
	s22 =	ssub.s32 $0x0, s0  }
.LBB2_7:
0x37: {  	s29 =	smov.u32 s25  }
.LBB2_11:
0x38: {  	s1 =	sor.u32 s31, s30;
	[tilespmem:s0+$0x0] =	vst.add.f32.msk @p0 $0xffff, v1  }
0x39: {  	v1 =	vld [tilespmem:s1+$0x39D0];
	_ =	sdelay $0x4  }
0x3a: {  	(v2sf) =	vpush v1, $0x0;
	_ =	sdelay $0xb  }
0x3b: {  	s0 =	sadd.s32 @p0 $0x20, s29  }
0x3c: {  	s25 =	smov.u32 @p0 s0  }
0x3d: {  	v1 =	vld [tilespmem:s25+$0xFFFFFFF0]  }
0x3e: {  	s31 =	spop (v2sf)  }
0x3f: {  	s0 =	ssub.s32 s31, s3  }
0x40: {  	s0 =	sshll.u32 s0, $0x7  }
0x41: {  	s0 =	sshra.s32 s0, $0x2  }
0x42: {  	[tilespmem:s0+$0x0] =	vst.add.f32.msk $0xffff, v1  }
0x43: {  	v1 =	vld [tilespmem:s25+$0x0];
	_ =	sdelay $0x3  }
0x44: {  	s0 =	sor.u32 $0x10, s0  }
0x45: {  	[tilespmem:s0+$0x0] =	vst.add.f32.msk $0xffff, v1  }
.LBB2_12:
0x46: {  	s23 =	sadd.s32 $0x1, s23  }
0x47: {  	p0 =	sne.s32 s23, s21  }
.Ltmp5:
0x48: {  	_ = 	snop;
	(pc) =	sbr.rel @!p0 .LBB2_13-.Ltmp5, $2  }
0x49: {  	_ =	sdelay $0x2  }
0x4a: {  	s24 =	sadd.s32 $0x80, s24;
	s22 =	sadd.s32 $0xFFFFFF80, s22  }
.LBB2_5:
0x4b: {  	s0 =	sshll.u32 s23, $0x7  }
0x4c: {  	s0 =	sadd.s32 s20, s0  }
0x4d: {  	s25 =	sshrl.u32 s0, $0x3  }
0x4e: {  	s26 =	sadd.s32 s5, s25  }
0x4f: {  	[tilespmem:s13], [sflag:$0x2] =	stream.linear.gather [hbm4b:s26+s2], $0x80, $0x38;
	[tilespmem:$0x3A60] =	vst v63  }
0x50: {  	_ =	swait.ge [sflag:s11], $0x80  }
0x51: {  	[sflag:s11] =	ssyncset.done $0x0  }
0x52: {  	s25 =	sadd.s32 s6, s25;
	[sflag:s11] =	ssyncadd.s32 $0xFFFFFF80  }
0x53: {  	[tilespmem:s14], [sflag:$0x2] =	stream.linear.gather [hbm4b:s25+s2], $0x80, $0x38;
	[tilespmem:$0x3A60] =	vst v63  }
0x54: {  	s28 =	smov.u32 s18;
	s25 =	sadd.s32 $0x80, s0  }
0x55: {  	p0 =	sgt.s32 s0, s18;
	s26 =	smov.u32 s19;
	p1 =	slt.s32 s25, s19  }
0x56: {  	s28 =	smov.u32 @p0 s0;
	_ =	swait.ge [sflag:s11], $0x80;
	s26 =	smov.u32 @p1 s25  }
0x57: {  	[sflag:s11] =	ssyncset.done $0x0;
	p0 =	sge.s32 s28, s26  }
.Ltmp6:
0x58: {  	[sflag:s11] =	ssyncadd.s32 $0xFFFFFF80;
	(pc) =	sbr.rel @p0 .LBB2_12-.Ltmp6, $4  }
0x59: {  	[tilespmem:s16], [sflag:$0x1] =	stream.indirect.gather [hbm4b:s4+s15], $0x20, s13, s15, $0xb8;
	[tilespmem:$0x3A60] =	vst v63  }
0x5a: {  	_ =	swait.ge [sflag:s12], $0x1000  }
0x5b: {  	[sflag:s12] =	ssyncset.done $0x0  }
0x5c: {  	[sflag:s12] =	ssyncadd.s32 $0xFFFFF000  }
0x5d: {  	s29 =	sadd.s32 $0x1, s28  }
0x5e: {  	p0 =	sgt.s32 s18, s24;
	s0 =	smov.u32 s24;
	p1 =	slt.s32 s29, s26  }
.Ltmp7:
0x5f: {  	s0 =	smov.u32 @p0 s18;
	(pc) =	sbr.rel @!p1 .LBB2_7-.Ltmp7, $4  }
0x60: {  	s0 =	sadd.s32 s22, s0  }
0x61: {  	s0 =	sshll.u32 s0, $0x7  }
0x62: {  	s1 =	sadd.s32 s28, s22;
	s31 =	sand.u32 $0x7, s28;
	s0 =	sshra.s32 s0, $0x2  }
0x63: {  	s30 =	sand.u32 $0xFFFFFFF8, s1;
	p0 =	por $0x0, $0x0;
	s25 =	sadd.s32 $0x2810, s0  }
0x64: {  	s0 =	sor.u32 s31, s30  }
0x65: {  	v1 =	vld [tilespmem:s0+$0x39D0];
	_ =	sdelay $0x4  }
0x66: {  	(v2sf) =	vpush v1, $0x0;
	_ =	sdelay $0xd  }
0x67: {  	v1 =	vld [tilespmem:s25+$0xFFFFFFF0]  }
0x68: {  	s1 =	spop (v2sf)  }
0x69: {  	s0 =	ssub.s32 s1, s3  }
0x6a: {  	s0 =	sshll.u32 s0, $0x7  }
0x6b: {  	s28 =	sadd.s32 $0x1, s29;
	s0 =	sshra.s32 s0, $0x2  }
0x6c: {  	p1 =	slt.s32 s28, s26;
	[tilespmem:s0+$0x0] =	vst.add.f32.msk $0xffff, v1  }
.Ltmp8:
0x6d: {  	v1 =	vld [tilespmem:s25+$0x0];
	(pc) =	sbr.rel @!p1 .LBB2_9-.Ltmp8, $3  }
0x6e: {  	_ =	sdelay $0x1  }
0x6f: {  	s30 =	sadd.s32 s29, s22;
	s31 =	sand.u32 $0x7, s29;
	p0 =	por $0x1, $0x1  }
0x70: {  	s29 =	smov.u32 s25;
	s30 =	sand.u32 $0xFFFFFFF8, s30;
	s0 =	sor.u32 $0x10, s0  }
.LBB2_10:
0x71: {  	s30 =	sor.u32 s31, s30  }
0x72: {  	[tilespmem:s0+$0x0] =	vst.add.f32.msk $0xffff, v1;
	s29 =	sadd.s32 $0x20, s29;
	s0 =	smov.u32 s28;
	s28 =	sadd.s32 $0x1, s28  }
0x73: {  	p1 =	slt.s32 s28, s26;
	v1 =	vld [tilespmem:s30+$0x39D0];
	_ =	sdelay $0x4  }
0x74: {  	(v2sf) =	vpush v1, $0x0;
	_ =	sdelay $0xd  }
0x75: {  	v1 =	vld [tilespmem:s29+$0xFFFFFFF0]  }
0x76: {  	s30 =	spop (v2sf)  }
0x77: {  	s30 =	ssub.s32 s30, s3  }
0x78: {  	s30 =	sshll.u32 s30, $0x7  }
0x79: {  	s1 =	sshra.s32 s30, $0x2  }
0x7a: {  	[tilespmem:s1+$0x0] =	vst.add.f32.msk $0xffff, v1  }
.Ltmp9:
0x7b: {  	v1 =	vld [tilespmem:s29+$0x0];
	(pc) =	sbr.rel @p1 .LBB2_10-.Ltmp9, $3  }
0x7c: {  	_ =	sdelay $0x1  }
0x7d: {  	s30 =	sadd.s32 s0, s22  }
0x7e: {  	s31 =	sand.u32 $0x7, s0;
	s30 =	sand.u32 $0xFFFFFFF8, s30;
	s0 =	sor.u32 $0x10, s1  }
.Ltmp10:
0x7f: {  	_ = 	snop;
	(pc) =	sbr.rel .LBB2_11-.Ltmp10, $1  }
0x80: {  	_ =	sdelay $0x3  }
.LBB2_9:
.Ltmp11:
0x81: {  	(pc) =	sbr.rel .LBB2_11-.Ltmp11, $2  }
0x82: {  	_ =	sdelay $0x2  }
0x83: {  	s29 =	smov.u32 s25  }
.LBB2_14:
0x84: {  	_ =	sfence.sel $0x180000  }
0x85: {  	[bflag:$0x0] =	sbarrier.arrive $0xFFFF  }
0x86: {  	_ =	strace $0x90000068  }
0x87: {  	s0 =	stileid.u32;
	[bflag:$0x2] =	sbarrier.arrive $0xFFFF  }
0x88: {  	p0 =	sne.s32 s0, $0x0;
	s0 =	rddreg [dreg:$0x1]  }
0x89: {  	s0 =	sadd.s32 @!p0 $0x100000, s0  }
0x8a: {  	[sflag:s0] =	ssyncadd.tile.s32 @!p0 $0x1;
	_ =	shalt  }
.Lfunc_end2:
_tile_overlayer_lowered:
.L_overlay_start_2:
0x8b: {  	(tag) =	ssettag $0x2  }
0x8c: {  	s0 =	rddreg [dreg:$0x0];
	s2 =	stileid.u32  }
0x8d: {  	s1 =	rddreg [dreg:$0x1];
	p0 =	sne.s32 s2, $0x0  }
0x8e: {  	s3 =	rddreg [dreg:$0x2];
	[bflag:$0x3] =	sbarrier.arrive $0xFFFF;
	s2 =	simm.s32 @!p0 $0x1C02  }
0x8f: {  	[timem:s3], [sflag:s2] =	dma.local @!p0 [hbm:s0], s1  }
0x90: {  	s0 =	simm.s32 @!p0 $0x2  }
0x91: {  	_ =	swait.ge @!p0 [sflag:s0], s1  }
0x92: {  	s1 =	ssub.s32 @!p0 $0x0, s1;
	[sflag:s0] =	ssyncset.done @!p0 $0x0  }
0x93: {  	[sflag:s0] =	ssyncadd.s32 @!p0 s1  }
0x94: {  	[bflag:$0x3] =	sbarrier.arrive $0xFFFF  }
0x95: {  	_ =	shalt  }

</sc_bundles>
